<compile_context>
chip_gen: v7x
topology: tpu7x:2x2x1
jax: 0.10.2.dev20260603
libtpu: 0.0.44.dev20260713+nightly
codegen_flags: <defaults>
</compile_context>

<pallas_src>
import functools

import jax
import jax.numpy as jnp
from jax import lax
from jax.experimental import pallas as pl
from jax.experimental.pallas import tpu as pltpu
from jax.experimental.pallas import tpu_sc as plsc

B, S, D = 4, 8192, 1024
NC, NS = 2, 16
NW = NC * NS
ROWS_PER_W = S // NW
CH_ROWS = 32
CH = CH_ROWS * D
N_CHUNKS = ROWS_PER_W // CH_ROWS


def _sc_body(x_hbm, e_hbm, o_hbm, xbuf, ebuf):
    wid = lax.axis_index("s") * NC + lax.axis_index("c")
    w_base = wid * (ROWS_PER_W * D)
    for c in range(N_CHUNKS):
        e_off = w_base + c * CH
        pltpu.sync_copy(e_hbm.at[pl.ds(e_off, CH)], ebuf)
        for b in range(B):
            x_off = b * (S * D) + e_off
            pltpu.sync_copy(x_hbm.at[pl.ds(x_off, CH)], xbuf)

            def add4(i, _):
                for k in range(4):
                    sl = pl.ds(i * 64 + k * 16, 16)
                    xbuf[sl] = xbuf[sl] + ebuf[sl]
                return 0

            lax.fori_loop(0, CH // 64, add4, 0)
            pltpu.sync_copy(xbuf, o_hbm.at[pl.ds(x_off, CH)])


def _sc_add(x1, e1):
    mesh = plsc.VectorSubcoreMesh(core_axis_name="c", subcore_axis_name="s")
    k = functools.partial(
        pl.kernel,
        mesh=mesh,
        out_type=jax.ShapeDtypeStruct((B * S * D,), jnp.float32),
        scratch_types=[
            pltpu.VMEM((CH,), jnp.float32),
            pltpu.VMEM((CH,), jnp.float32),
        ],
    )(_sc_body)
    return k(x1, e1)


def kernel(inputs, embeddings):
    x1 = inputs.reshape(-1)
    e1 = embeddings[:S].reshape(-1)
    out = _sc_add(x1, e1)
    return out.reshape(B, S, D)

# --- scband reference (transcript-rebuilt; emitter-appended) ---
"""Pipeline reference for scband-position-embedding-11458972745994 (READ-ONLY COPY).

The authoritative reference and input builder live on the scoring server;
editing this copy changes nothing except your own understanding.
"""

import jax, jax.numpy as jnp
import numpy as np

BATCH = 4
SEQ_LEN = 8192
D_MODEL = 1024
INPUT_DIM = 8192
OUTPUT_DIM = 1024


def setup_inputs(seed: int = 0) -> dict:
    key = jax.random.key(seed)
    k1, k2 = jax.random.split(key)
    inputs = jax.random.normal(k1, (BATCH, SEQ_LEN, D_MODEL), dtype=jnp.float32)
    # learned position embedding table, TruncatedNormal(stddev=0.02)
    embeddings = jax.random.truncated_normal(k2, -2.0, 2.0, (INPUT_DIM, OUTPUT_DIM), dtype=jnp.float32) * 0.02
    return {"inputs": inputs, "embeddings": embeddings}


def reference(inputs, embeddings):
    # merge_mode='add', custom_position_ids=False:
    # pos_embeddings = embeddings[:seq_len], expand batch dim, add to inputs
    seq_len = inputs.shape[1]
    pos_embeddings = embeddings[:seq_len]
    pos_embeddings = jnp.expand_dims(pos_embeddings, 0)
    return inputs + pos_embeddings

if __name__ == "__main__":
    import jax
    _d = setup_inputs()
    print(jax.jit(kernel)(*tuple(_d.values())))

</pallas_src>

<mosaic_0001>
#map = affine_map<(d0, d1) -> (0)>
module attributes {stable_mosaic.version = 14 : i64} {
  func.func @_sc_body(%arg0: i32, %arg1: i32, %arg2: memref<33554432xf32, #tpu.memory_space<hbm>>, %arg3: memref<8388608xf32, #tpu.memory_space<hbm>>, %arg4: memref<33554432xf32, #tpu.memory_space<hbm>>, %arg5: memref<32768xf32, #tpu.memory_space<vmem>>, %arg6: memref<32768xf32, #tpu.memory_space<vmem>>) attributes {dimension_semantics = [#tpu.dimension_semantics<core_parallel>, #tpu.dimension_semantics<subcore_parallel>], iteration_bounds = array<i64: 2, 16>, scalar_prefetch = 0 : i64, scratch_operands = 2 : i64, tpu.core_type = #tpu.core_type<sc_vector_subcore>, window_params = [{transform_indices = #map}, {transform_indices = #map}, {transform_indices = #map}]} {
    %mul3A = arith.constant 2 : i32
    %mul3A_0 = arith.muli %arg1, %mul3A : i32
    %add3A = arith.addi %mul3A_0, %arg0 : i32
    %mul3A_1 = arith.constant 262144 : i32
    %mul3A_2 = arith.muli %add3A, %mul3A_1 : i32
    %add3A_3 = arith.constant 0 : i32
    %add3A_4 = arith.addi %mul3A_2, %add3A_3 : i32
    "tpu.region"() ({
      %run_scoped3A = tpu.sem_alloc : memref<!tpu.dma_semaphore, #tpu.memory_space<semaphore_mem>>
      %dma_start3A = tpu.memref_slice %arg3[%add3A_4] : memref<8388608xf32, #tpu.memory_space<hbm>> -> memref<32768xf32, #tpu.memory_space<hbm>>
      %dma_start3A_306 = tpu.memref_slice %arg3[%add3A_4] : memref<8388608xf32, #tpu.memory_space<hbm>> -> memref<32768xf32, #tpu.memory_space<hbm>>
      tpu.enqueue_dma source(%dma_start3A_306 : memref<32768xf32, #tpu.memory_space<hbm>>) target(%arg6 : memref<32768xf32, #tpu.memory_space<vmem>>) target_semaphore(%run_scoped3A : memref<!tpu.dma_semaphore, #tpu.memory_space<semaphore_mem>>)
      %dma_wait3A = tpu.memref_slice %arg3[%add3A_4] : memref<8388608xf32, #tpu.memory_space<hbm>> -> memref<32768xf32, #tpu.memory_space<hbm>>
      %dma_wait3A_307 = tpu.memref_slice %arg3[%add3A_4] : memref<8388608xf32, #tpu.memory_space<hbm>> -> memref<32768xf32, #tpu.memory_space<hbm>>
      tpu.wait_dma2 semaphore(%run_scoped3A : memref<!tpu.dma_semaphore, #tpu.memory_space<semaphore_mem>>) src(%dma_wait3A_307 : memref<32768xf32, #tpu.memory_space<hbm>>) dst(%arg6 : memref<32768xf32, #tpu.memory_space<vmem>>)
      tpu.yield
    }) : () -> ()
    %add3A_5 = arith.constant 0 : i32
    %add3A_6 = arith.addi %add3A_5, %add3A_4 : i32
    "tpu.region"() ({
      %run_scoped3A = tpu.sem_alloc : memref<!tpu.dma_semaphore, #tpu.memory_space<semaphore_mem>>
      %dma_start3A = tpu.memref_slice %arg2[%add3A_6] : memref<33554432xf32, #tpu.memory_space<hbm>> -> memref<32768xf32, #tpu.memory_space<hbm>>
      %dma_start3A_306 = tpu.memref_slice %arg2[%add3A_6] : memref<33554432xf32, #tpu.memory_space<hbm>> -> memref<32768xf32, #tpu.memory_space<hbm>>
      tpu.enqueue_dma source(%dma_start3A_306 : memref<32768xf32, #tpu.memory_space<hbm>>) target(%arg5 : memref<32768xf32, #tpu.memory_space<vmem>>) target_semaphore(%run_scoped3A : memref<!tpu.dma_semaphore, #tpu.memory_space<semaphore_mem>>)
      %dma_wait3A = tpu.memref_slice %arg2[%add3A_6] : memref<33554432xf32, #tpu.memory_space<hbm>> -> memref<32768xf32, #tpu.memory_space<hbm>>
      %dma_wait3A_307 = tpu.memref_slice %arg2[%add3A_6] : memref<33554432xf32, #tpu.memory_space<hbm>> -> memref<32768xf32, #tpu.memory_space<hbm>>
      tpu.wait_dma2 semaphore(%run_scoped3A : memref<!tpu.dma_semaphore, #tpu.memory_space<semaphore_mem>>) src(%dma_wait3A_307 : memref<32768xf32, #tpu.memory_space<hbm>>) dst(%arg5 : memref<32768xf32, #tpu.memory_space<vmem>>)
      tpu.yield
    }) : () -> ()
    %scan3A = arith.constant 0 : i32
    %scan3A_7 = arith.constant 0 : i32
    %scan3A_8 = arith.constant 512 : i32
    %scan3A_9 = arith.addi %scan3A_7, %scan3A_8 : i32
    %scan3A_10 = arith.constant 1 : i32
    %scan3A_11 = scf.for %scan3A_306 = %scan3A_7 to %scan3A_9 step %scan3A_10 iter_args(%scan3A_307 = %scan3A) -> (i32)  : i32 {
      %mul3A_308 = arith.constant 64 : i32
      %mul3A_309 = arith.muli %scan3A_306, %mul3A_308 : i32
      %add3A_310 = arith.constant 0 : i32
      %add3A_311 = arith.addi %mul3A_309, %add3A_310 : i32
      %get3A = arith.index_cast %add3A_311 : i32 to index
      %get3A_312 = tpu.vector_load %arg5[%get3A] {strides = array<i32>} : memref<32768xf32, #tpu.memory_space<vmem>>, vector<16xf32>,
      %get3A_313 = vector.shape_cast %get3A_312 : vector<16xf32> to vector<16xf32>
      %get3A_314 = arith.index_cast %add3A_311 : i32 to index
      %get3A_315 = tpu.vector_load %arg6[%get3A_314] {strides = array<i32>} : memref<32768xf32, #tpu.memory_space<vmem>>, vector<16xf32>,
      %get3A_316 = vector.shape_cast %get3A_315 : vector<16xf32> to vector<16xf32>
      %add3A_317 = arith.addf %get3A_313, %get3A_316 : vector<16xf32>
      %swap3A = arith.index_cast %add3A_311 : i32 to index
      %swap3A_318 = tpu.vector_load %arg5[%swap3A] {strides = array<i32>} : memref<32768xf32, #tpu.memory_space<vmem>>, vector<16xf32>,
      %swap3A_319 = vector.shape_cast %swap3A_318 : vector<16xf32> to vector<16xf32>
      %swap3A_320 = vector.shape_cast %add3A_317 : vector<16xf32> to vector<16xf32>
      tpu.vector_store %arg5[%swap3A], %swap3A_320 {strides = array<i32>} : memref<32768xf32, #tpu.memory_space<vmem>>, vector<16xf32>,
      %mul3A_321 = arith.constant 64 : i32
      %mul3A_322 = arith.muli %scan3A_306, %mul3A_321 : i32
      %add3A_323 = arith.constant 16 : i32
      %add3A_324 = arith.addi %mul3A_322, %add3A_323 : i32
      %get3A_325 = arith.index_cast %add3A_324 : i32 to index
      %get3A_326 = tpu.vector_load %arg5[%get3A_325] {strides = array<i32>} : memref<32768xf32, #tpu.memory_space<vmem>>, vector<16xf32>,
      %get3A_327 = vector.shape_cast %get3A_326 : vector<16xf32> to vector<16xf32>
      %get3A_328 = arith.index_cast %add3A_324 : i32 to index
      %get3A_329 = tpu.vector_load %arg6[%get3A_328] {strides = array<i32>} : memref<32768xf32, #tpu.memory_space<vmem>>, vector<16xf32>,
      %get3A_330 = vector.shape_cast %get3A_329 : vector<16xf32> to vector<16xf32>
      %add3A_331 = arith.addf %get3A_327, %get3A_330 : vector<16xf32>
      %swap3A_332 = arith.index_cast %add3A_324 : i32 to index
      %swap3A_333 = tpu.vector_load %arg5[%swap3A_332] {strides = array<i32>} : memref<32768xf32, #tpu.memory_space<vmem>>, vector<16xf32>,
      %swap3A_334 = vector.shape_cast %swap3A_333 : vector<16xf32> to vector<16xf32>
      %swap3A_335 = vector.shape_cast %add3A_331 : vector<16xf32> to vector<16xf32>
      tpu.vector_store %arg5[%swap3A_332], %swap3A_335 {strides = array<i32>} : memref<32768xf32, #tpu.memory_space<vmem>>, vector<16xf32>,
      %mul3A_336 = arith.constant 64 : i32
      %mul3A_337 = arith.muli %scan3A_306, %mul3A_336 : i32
      %add3A_338 = arith.constant 32 : i32
      %add3A_339 = arith.addi %mul3A_337, %add3A_338 : i32
      %get3A_340 = arith.index_cast %add3A_339 : i32 to index
      %get3A_341 = tpu.vector_load %arg5[%get3A_340] {strides = array<i32>} : memref<32768xf32, #tpu.memory_space<vmem>>, vector<16xf32>,
      %get3A_342 = vector.shape_cast %get3A_341 : vector<16xf32> to vector<16xf32>
      %get3A_343 = arith.index_cast %add3A_339 : i32 to index
      %get3A_344 = tpu.vector_load %arg6[%get3A_343] {strides = array<i32>} : memref<32768xf32, #tpu.memory_space<vmem>>, vector<16xf32>,
      %get3A_345 = vector.shape_cast %get3A_344 : vector<16xf32> to vector<16xf32>
      %add3A_346 = arith.addf %get3A_342, %get3A_345 : vector<16xf32>
      %swap3A_347 = arith.index_cast %add3A_339 : i32 to index
      %swap3A_348 = tpu.vector_load %arg5[%swap3A_347] {strides = array<i32>} : memref<32768xf32, #tpu.memory_space<vmem>>, vector<16xf32>,
      %swap3A_349 = vector.shape_cast %swap3A_348 : vector<16xf32> to vector<16xf32>
      %swap3A_350 = vector.shape_cast %add3A_346 : vector<16xf32> to vector<16xf32>
      tpu.vector_store %arg5[%swap3A_347], %swap3A_350 {strides = array<i32>} : memref<32768xf32, #tpu.memory_space<vmem>>, vector<16xf32>,
      %mul3A_351 = arith.constant 64 : i32
      %mul3A_352 = arith.muli %scan3A_306, %mul3A_351 : i32
      %add3A_353 = arith.constant 48 : i32
      %add3A_354 = arith.addi %mul3A_352, %add3A_353 : i32
      %get3A_355 = arith.index_cast %add3A_354 : i32 to index
      %get3A_356 = tpu.vector_load %arg5[%get3A_355] {strides = array<i32>} : memref<32768xf32, #tpu.memory_space<vmem>>, vector<16xf32>,
      %get3A_357 = vector.shape_cast %get3A_356 : vector<16xf32> to vector<16xf32>
      %get3A_358 = arith.index_cast %add3A_354 : i32 to index
      %get3A_359 = tpu.vector_load %arg6[%get3A_358] {strides = array<i32>} : memref<32768xf32, #tpu.memory_space<vmem>>, vector<16xf32>,
      %get3A_360 = vector.shape_cast %get3A_359 : vector<16xf32> to vector<16xf32>
      %add3A_361 = arith.addf %get3A_357, %get3A_360 : vector<16xf32>
      %swap3A_362 = arith.index_cast %add3A_354 : i32 to index
      %swap3A_363 = tpu.vector_load %arg5[%swap3A_362] {strides = array<i32>} : memref<32768xf32, #tpu.memory_space<vmem>>, vector<16xf32>,
      %swap3A_364 = vector.shape_cast %swap3A_363 : vector<16xf32> to vector<16xf32>
      %swap3A_365 = vector.shape_cast %add3A_361 : vector<16xf32> to vector<16xf32>
      tpu.vector_store %arg5[%swap3A_362], %swap3A_365 {strides = array<i32>} : memref<32768xf32, #tpu.memory_space<vmem>>, vector<16xf32>,
      %scan3A_366 = arith.constant 0 : i32
      scf.yield %scan3A_366 : i32
    }
    %scan3A_12 = arith.constant 512 : i32
    "tpu.region"() ({
      %run_scoped3A = tpu.sem_alloc : memref<!tpu.dma_semaphore, #tpu.memory_space<semaphore_mem>>
      %dma_start3A = tpu.memref_slice %arg4[%add3A_6] : memref<33554432xf32, #tpu.memory_space<hbm>> -> memref<32768xf32, #tpu.memory_space<hbm>>
      %dma_start3A_306 = tpu.memref_slice %arg4[%add3A_6] : memref<33554432xf32, #tpu.memory_space<hbm>> -> memref<32768xf32, #tpu.memory_space<hbm>>
      tpu.enqueue_dma source(%arg5 : memref<32768xf32, #tpu.memory_space<vmem>>) target(%dma_start3A_306 : memref<32768xf32, #tpu.memory_space<hbm>>) target_semaphore(%run_scoped3A : memref<!tpu.dma_semaphore, #tpu.memory_space<semaphore_mem>>)
      %dma_wait3A = tpu.memref_slice %arg4[%add3A_6] : memref<33554432xf32, #tpu.memory_space<hbm>> -> memref<32768xf32, #tpu.memory_space<hbm>>
      %dma_wait3A_307 = tpu.memref_slice %arg4[%add3A_6] : memref<33554432xf32, #tpu.memory_space<hbm>> -> memref<32768xf32, #tpu.memory_space<hbm>>
      tpu.wait_dma2 semaphore(%run_scoped3A : memref<!tpu.dma_semaphore, #tpu.memory_space<semaphore_mem>>) src(%arg5 : memref<32768xf32, #tpu.memory_space<vmem>>) dst(%dma_wait3A_307 : memref<32768xf32, #tpu.memory_space<hbm>>)
      tpu.yield
    }) : () -> ()
    %add3A_13 = arith.constant 8388608 : i32
    %add3A_14 = arith.addi %add3A_13, %add3A_4 : i32
    "tpu.region"() ({
      %run_scoped3A = tpu.sem_alloc : memref<!tpu.dma_semaphore, #tpu.memory_space<semaphore_mem>>
      %dma_start3A = tpu.memref_slice %arg2[%add3A_14] : memref<33554432xf32, #tpu.memory_space<hbm>> -> memref<32768xf32, #tpu.memory_space<hbm>>
      %dma_start3A_306 = tpu.memref_slice %arg2[%add3A_14] : memref<33554432xf32, #tpu.memory_space<hbm>> -> memref<32768xf32, #tpu.memory_space<hbm>>
      tpu.enqueue_dma source(%dma_start3A_306 : memref<32768xf32, #tpu.memory_space<hbm>>) target(%arg5 : memref<32768xf32, #tpu.memory_space<vmem>>) target_semaphore(%run_scoped3A : memref<!tpu.dma_semaphore, #tpu.memory_space<semaphore_mem>>)
      %dma_wait3A = tpu.memref_slice %arg2[%add3A_14] : memref<33554432xf32, #tpu.memory_space<hbm>> -> memref<32768xf32, #tpu.memory_space<hbm>>
      %dma_wait3A_307 = tpu.memref_slice %arg2[%add3A_14] : memref<33554432xf32, #tpu.memory_space<hbm>> -> memref<32768xf32, #tpu.memory_space<hbm>>
      tpu.wait_dma2 semaphore(%run_scoped3A : memref<!tpu.dma_semaphore, #tpu.memory_space<semaphore_mem>>) src(%dma_wait3A_307 : memref<32768xf32, #tpu.memory_space<hbm>>) dst(%arg5 : memref<32768xf32, #tpu.memory_space<vmem>>)
      tpu.yield
    }) : () -> ()
    %scan3A_15 = arith.constant 0 : i32
    %scan3A_16 = arith.constant 0 : i32
    %scan3A_17 = arith.constant 512 : i32
    %scan3A_18 = arith.addi %scan3A_16, %scan3A_17 : i32
    %scan3A_19 = arith.constant 1 : i32
    %scan3A_20 = scf.for %scan3A_306 = %scan3A_16 to %scan3A_18 step %scan3A_19 iter_args(%scan3A_307 = %scan3A_15) -> (i32)  : i32 {
      %mul3A_308 = arith.constant 64 : i32
      %mul3A_309 = arith.muli %scan3A_306, %mul3A_308 : i32
      %add3A_310 = arith.constant 0 : i32
      %add3A_311 = arith.addi %mul3A_309, %add3A_310 : i32
      %get3A = arith.index_cast %add3A_311 : i32 to index
      %get3A_312 = tpu.vector_load %arg5[%get3A] {strides = array<i32>} : memref<32768xf32, #tpu.memory_space<vmem>>, vector<16xf32>,
      %get3A_313 = vector.shape_cast %get3A_312 : vector<16xf32> to vector<16xf32>
      %get3A_314 = arith.index_cast %add3A_311 : i32 to index
      %get3A_315 = tpu.vector_load %arg6[%get3A_314] {strides = array<i32>} : memref<32768xf32, #tpu.memory_space<vmem>>, vector<16xf32>,
      %get3A_316 = vector.shape_cast %get3A_315 : vector<16xf32> to vector<16xf32>
      %add3A_317 = arith.addf %get3A_313, %get3A_316 : vector<16xf32>
      %swap3A = arith.index_cast %add3A_311 : i32 to index
      %swap3A_318 = tpu.vector_load %arg5[%swap3A] {strides = array<i32>} : memref<32768xf32, #tpu.memory_space<vmem>>, vector<16xf32>,
      %swap3A_319 = vector.shape_cast %swap3A_318 : vector<16xf32> to vector<16xf32>
      %swap3A_320 = vector.shape_cast %add3A_317 : vector<16xf32> to vector<16xf32>
      tpu.vector_store %arg5[%swap3A], %swap3A_320 {strides = array<i32>} : memref<32768xf32, #tpu.memory_space<vmem>>, vector<16xf32>,
      %mul3A_321 = arith.constant 64 : i32
      %mul3A_322 = arith.muli %scan3A_306, %mul3A_321 : i32
      %add3A_323 = arith.constant 16 : i32
      %add3A_324 = arith.addi %mul3A_322, %add3A_323 : i32
      %get3A_325 = arith.index_cast %add3A_324 : i32 to index
      %get3A_326 = tpu.vector_load %arg5[%get3A_325] {strides = array<i32>} : memref<32768xf32, #tpu.memory_space<vmem>>, vector<16xf32>,
      %get3A_327 = vector.shape_cast %get3A_326 : vector<16xf32> to vector<16xf32>
      %get3A_328 = arith.index_cast %add3A_324 : i32 to index
      %get3A_329 = tpu.vector_load %arg6[%get3A_328] {strides = array<i32>} : memref<32768xf32, #tpu.memory_space<vmem>>, vector<16xf32>,
      %get3A_330 = vector.shape_cast %get3A_329 : vector<16xf32> to vector<16xf32>
      %add3A_331 = arith.addf %get3A_327, %get3A_330 : vector<16xf32>
      %swap3A_332 = arith.index_cast %add3A_324 : i32 to index
      %swap3A_333 = tpu.vector_load %arg5[%swap3A_332] {strides = array<i32>} : memref<32768xf32, #tpu.memory_space<vmem>>, vector<16xf32>,
      %swap3A_334 = vector.shape_cast %swap3A_333 : vector<16xf32> to vector<16xf32>
      %swap3A_335 = vector.shape_cast %add3A_331 : vector<16xf32> to vector<16xf32>
      tpu.vector_store %arg5[%swap3A_332], %swap3A_335 {strides = array<i32>} : memref<32768xf32, #tpu.memory_space<vmem>>, vector<16xf32>,
      %mul3A_336 = arith.constant 64 : i32
      %mul3A_337 = arith.muli %scan3A_306, %mul3A_336 : i32
      %add3A_338 = arith.constant 32 : i32
      %add3A_339 = arith.addi %mul3A_337, %add3A_338 : i32
      %get3A_340 = arith.index_cast %add3A_339 : i32 to index
      %get3A_341 = tpu.vector_load %arg5[%get3A_340] {strides = array<i32>} : memref<32768xf32, #tpu.memory_space<vmem>>, vector<16xf32>,
      %get3A_342 = vector.shape_cast %get3A_341 : vector<16xf32> to vector<16xf32>
      %get3A_343 = arith.index_cast %add3A_339 : i32 to index
      %get3A_344 = tpu.vector_load %arg6[%get3A_343] {strides = array<i32>} : memref<32768xf32, #tpu.memory_space<vmem>>, vector<16xf32>,
      %get3A_345 = vector.shape_cast %get3A_344 : vector<16xf32> to vector<16xf32>
      %add3A_346 = arith.addf %get3A_342, %get3A_345 : vector<16xf32>
      %swap3A_347 = arith.index_cast %add3A_339 : i32 to index
      %swap3A_348 = tpu.vector_load %arg5[%swap3A_347] {strides = array<i32>} : memref<32768xf32, #tpu.memory_space<vmem>>, vector<16xf32>,
      %swap3A_349 = vector.shape_cast %swap3A_348 : vector<16xf32> to vector<16xf32>
      %swap3A_350 = vector.shape_cast %add3A_346 : vector<16xf32> to vector<16xf32>
      tpu.vector_store %arg5[%swap3A_347], %swap3A_350 {strides = array<i32>} : memref<32768xf32, #tpu.memory_space<vmem>>, vector<16xf32>,
      %mul3A_351 = arith.constant 64 : i32
      %mul3A_352 = arith.muli %scan3A_306, %mul3A_351 : i32
      %add3A_353 = arith.constant 48 : i32
      %add3A_354 = arith.addi %mul3A_352, %add3A_353 : i32
      %get3A_355 = arith.index_cast %add3A_354 : i32 to index
      %get3A_356 = tpu.vector_load %arg5[%get3A_355] {strides = array<i32>} : memref<32768xf32, #tpu.memory_space<vmem>>, vector<16xf32>,
      %get3A_357 = vector.shape_cast %get3A_356 : vector<16xf32> to vector<16xf32>
      %get3A_358 = arith.index_cast %add3A_354 : i32 to index
      %get3A_359 = tpu.vector_load %arg6[%get3A_358] {strides = array<i32>} : memref<32768xf32, #tpu.memory_space<vmem>>, vector<16xf32>,
      %get3A_360 = vector.shape_cast %get3A_359 : vector<16xf32> to vector<16xf32>
      %add3A_361 = arith.addf %get3A_357, %get3A_360 : vector<16xf32>
      %swap3A_362 = arith.index_cast %add3A_354 : i32 to index
      %swap3A_363 = tpu.vector_load %arg5[%swap3A_362] {strides = array<i32>} : memref<32768xf32, #tpu.memory_space<vmem>>, vector<16xf32>,
      %swap3A_364 = vector.shape_cast %swap3A_363 : vector<16xf32> to vector<16xf32>
      %swap3A_365 = vector.shape_cast %add3A_361 : vector<16xf32> to vector<16xf32>
      tpu.vector_store %arg5[%swap3A_362], %swap3A_365 {strides = array<i32>} : memref<32768xf32, #tpu.memory_space<vmem>>, vector<16xf32>,
      %scan3A_366 = arith.constant 0 : i32
      scf.yield %scan3A_366 : i32
    }
    %scan3A_21 = arith.constant 512 : i32
    "tpu.region"() ({
      %run_scoped3A = tpu.sem_alloc : memref<!tpu.dma_semaphore, #tpu.memory_space<semaphore_mem>>
      %dma_start3A = tpu.memref_slice %arg4[%add3A_14] : memref<33554432xf32, #tpu.memory_space<hbm>> -> memref<32768xf32, #tpu.memory_space<hbm>>
      %dma_start3A_306 = tpu.memref_slice %arg4[%add3A_14] : memref<33554432xf32, #tpu.memory_space<hbm>> -> memref<32768xf32, #tpu.memory_space<hbm>>
      tpu.enqueue_dma source(%arg5 : memref<32768xf32, #tpu.memory_space<vmem>>) target(%dma_start3A_306 : memref<32768xf32, #tpu.memory_space<hbm>>) target_semaphore(%run_scoped3A : memref<!tpu.dma_semaphore, #tpu.memory_space<semaphore_mem>>)
      %dma_wait3A = tpu.memref_slice %arg4[%add3A_14] : memref<33554432xf32, #tpu.memory_space<hbm>> -> memref<32768xf32, #tpu.memory_space<hbm>>
      %dma_wait3A_307 = tpu.memref_slice %arg4[%add3A_14] : memref<33554432xf32, #tpu.memory_space<hbm>> -> memref<32768xf32, #tpu.memory_space<hbm>>
      tpu.wait_dma2 semaphore(%run_scoped3A : memref<!tpu.dma_semaphore, #tpu.memory_space<semaphore_mem>>) src(%arg5 : memref<32768xf32, #tpu.memory_space<vmem>>) dst(%dma_wait3A_307 : memref<32768xf32, #tpu.memory_space<hbm>>)
      tpu.yield
    }) : () -> ()
    %add3A_22 = arith.constant 16777216 : i32
    %add3A_23 = arith.addi %add3A_22, %add3A_4 : i32
    "tpu.region"() ({
      %run_scoped3A = tpu.sem_alloc : memref<!tpu.dma_semaphore, #tpu.memory_space<semaphore_mem>>
      %dma_start3A = tpu.memref_slice %arg2[%add3A_23] : memref<33554432xf32, #tpu.memory_space<hbm>> -> memref<32768xf32, #tpu.memory_space<hbm>>
      %dma_start3A_306 = tpu.memref_slice %arg2[%add3A_23] : memref<33554432xf32, #tpu.memory_space<hbm>> -> memref<32768xf32, #tpu.memory_space<hbm>>
      tpu.enqueue_dma source(%dma_start3A_306 : memref<32768xf32, #tpu.memory_space<hbm>>) target(%arg5 : memref<32768xf32, #tpu.memory_space<vmem>>) target_semaphore(%run_scoped3A : memref<!tpu.dma_semaphore, #tpu.memory_space<semaphore_mem>>)
      %dma_wait3A = tpu.memref_slice %arg2[%add3A_23] : memref<33554432xf32, #tpu.memory_space<hbm>> -> memref<32768xf32, #tpu.memory_space<hbm>>
      %dma_wait3A_307 = tpu.memref_slice %arg2[%add3A_23] : memref<33554432xf32, #tpu.memory_space<hbm>> -> memref<32768xf32, #tpu.memory_space<hbm>>
      tpu.wait_dma2 semaphore(%run_scoped3A : memref<!tpu.dma_semaphore, #tpu.memory_space<semaphore_mem>>) src(%dma_wait3A_307 : memref<32768xf32, #tpu.memory_space<hbm>>) dst(%arg5 : memref<32768xf32, #tpu.memory_space<vmem>>)
      tpu.yield
    }) : () -> ()
    %scan3A_24 = arith.constant 0 : i32
    %scan3A_25 = arith.constant 0 : i32
    %scan3A_26 = arith.constant 512 : i32
    %scan3A_27 = arith.addi %scan3A_25, %scan3A_26 : i32
    %scan3A_28 = arith.constant 1 : i32
    %scan3A_29 = scf.for %scan3A_306 = %scan3A_25 to %scan3A_27 step %scan3A_28 iter_args(%scan3A_307 = %scan3A_24) -> (i32)  : i32 {
      %mul3A_308 = arith.constant 64 : i32
      %mul3A_309 = arith.muli %scan3A_306, %mul3A_308 : i32
      %add3A_310 = arith.constant 0 : i32
      %add3A_311 = arith.addi %mul3A_309, %add3A_310 : i32
      %get3A = arith.index_cast %add3A_311 : i32 to index
      %get3A_312 = tpu.vector_load %arg5[%get3A] {strides = array<i32>} : memref<32768xf32, #tpu.memory_space<vmem>>, vector<16xf32>,
      %get3A_313 = vector.shape_cast %get3A_312 : vector<16xf32> to vector<16xf32>
      %get3A_314 = arith.index_cast %add3A_311 : i32 to index
      %get3A_315 = tpu.vector_load %arg6[%get3A_314] {strides = array<i32>} : memref<32768xf32, #tpu.memory_space<vmem>>, vector<16xf32>,
      %get3A_316 = vector.shape_cast %get3A_315 : vector<16xf32> to vector<16xf32>
      %add3A_317 = arith.addf %get3A_313, %get3A_316 : vector<16xf32>
      %swap3A = arith.index_cast %add3A_311 : i32 to index
      %swap3A_318 = tpu.vector_load %arg5[%swap3A] {strides = array<i32>} : memref<32768xf32, #tpu.memory_space<vmem>>, vector<16xf32>,
      %swap3A_319 = vector.shape_cast %swap3A_318 : vector<16xf32> to vector<16xf32>
      %swap3A_320 = vector.shape_cast %add3A_317 : vector<16xf32> to vector<16xf32>
      tpu.vector_store %arg5[%swap3A], %swap3A_320 {strides = array<i32>} : memref<32768xf32, #tpu.memory_space<vmem>>, vector<16xf32>,
      %mul3A_321 = arith.constant 64 : i32
      %mul3A_322 = arith.muli %scan3A_306, %mul3A_321 : i32
      %add3A_323 = arith.constant 16 : i32
      %add3A_324 = arith.addi %mul3A_322, %add3A_323 : i32
      %get3A_325 = arith.index_cast %add3A_324 : i32 to index
      %get3A_326 = tpu.vector_load %arg5[%get3A_325] {strides = array<i32>} : memref<32768xf32, #tpu.memory_space<vmem>>, vector<16xf32>,
      %get3A_327 = vector.shape_cast %get3A_326 : vector<16xf32> to vector<16xf32>
      %get3A_328 = arith.index_cast %add3A_324 : i32 to index
      %get3A_329 = tpu.vector_load %arg6[%get3A_328] {strides = array<i32>} : memref<32768xf32, #tpu.memory_space<vmem>>, vector<16xf32>,
      %get3A_330 = vector.shape_cast %get3A_329 : vector<16xf32> to vector<16xf32>
      %add3A_331 = arith.addf %get3A_327, %get3A_330 : vector<16xf32>
      %swap3A_332 = arith.index_cast %add3A_324 : i32 to index
      %swap3A_333 = tpu.vector_load %arg5[%swap3A_332] {strides = array<i32>} : memref<32768xf32, #tpu.memory_space<vmem>>, vector<16xf32>,
      %swap3A_334 = vector.shape_cast %swap3A_333 : vector<16xf32> to vector<16xf32>
      %swap3A_335 = vector.shape_cast %add3A_331 : vector<16xf32> to vector<16xf32>
      tpu.vector_store %arg5[%swap3A_332], %swap3A_335 {strides = array<i32>} : memref<32768xf32, #tpu.memory_space<vmem>>, vector<16xf32>,
      %mul3A_336 = arith.constant 64 : i32
      %mul3A_337 = arith.muli %scan3A_306, %mul3A_336 : i32
      %add3A_338 = arith.constant 32 : i32
      %add3A_339 = arith.addi %mul3A_337, %add3A_338 : i32
      %get3A_340 = arith.index_cast %add3A_339 : i32 to index
      %get3A_341 = tpu.vector_load %arg5[%get3A_340] {strides = array<i32>} : memref<32768xf32, #tpu.memory_space<vmem>>, vector<16xf32>,
      %get3A_342 = vector.shape_cast %get3A_341 : vector<16xf32> to vector<16xf32>
      %get3A_343 = arith.index_cast %add3A_339 : i32 to index
      %get3A_344 = tpu.vector_load %arg6[%get3A_343] {strides = array<i32>} : memref<32768xf32, #tpu.memory_space<vmem>>, vector<16xf32>,
      %get3A_345 = vector.shape_cast %get3A_344 : vector<16xf32> to vector<16xf32>
      %add3A_346 = arith.addf %get3A_342, %get3A_345 : vector<16xf32>
      %swap3A_347 = arith.index_cast %add3A_339 : i32 to index
      %swap3A_348 = tpu.vector_load %arg5[%swap3A_347] {strides = array<i32>} : memref<32768xf32, #tpu.memory_space<vmem>>, vector<16xf32>,
      %swap3A_349 = vector.shape_cast %swap3A_348 : vector<16xf32> to vector<16xf32>
      %swap3A_350 = vector.shape_cast %add3A_346 : vector<16xf32> to vector<16xf32>
      tpu.vector_store %arg5[%swap3A_347], %swap3A_350 {strides = array<i32>} : memref<32768xf32, #tpu.memory_space<vmem>>, vector<16xf32>,
      %mul3A_351 = arith.constant 64 : i32
      %mul3A_352 = arith.muli %scan3A_306, %mul3A_351 : i32
      %add3A_353 = arith.constant 48 : i32
      %add3A_354 = arith.addi %mul3A_352, %add3A_353 : i32
      %get3A_355 = arith.index_cast %add3A_354 : i32 to index
      %get3A_356 = tpu.vector_load %arg5[%get3A_355] {strides = array<i32>} : memref<32768xf32, #tpu.memory_space<vmem>>, vector<16xf32>,
      %get3A_357 = vector.shape_cast %get3A_356 : vector<16xf32> to vector<16xf32>
      %get3A_358 = arith.index_cast %add3A_354 : i32 to index
      %get3A_359 = tpu.vector_load %arg6[%get3A_358] {strides = array<i32>} : memref<32768xf32, #tpu.memory_space<vmem>>, vector<16xf32>,
      %get3A_360 = vector.shape_cast %get3A_359 : vector<16xf32> to vector<16xf32>
      %add3A_361 = arith.addf %get3A_357, %get3A_360 : vector<16xf32>
      %swap3A_362 = arith.index_cast %add3A_354 : i32 to index
      %swap3A_363 = tpu.vector_load %arg5[%swap3A_362] {strides = array<i32>} : memref<32768xf32, #tpu.memory_space<vmem>>, vector<16xf32>,
      %swap3A_364 = vector.shape_cast %swap3A_363 : vector<16xf32> to vector<16xf32>
      %swap3A_365 = vector.shape_cast %add3A_361 : vector<16xf32> to vector<16xf32>
      tpu.vector_store %arg5[%swap3A_362], %swap3A_365 {strides = array<i32>} : memref<32768xf32, #tpu.memory_space<vmem>>, vector<16xf32>,
      %scan3A_366 = arith.constant 0 : i32
      scf.yield %scan3A_366 : i32
    }
    %scan3A_30 = arith.constant 512 : i32
    "tpu.region"() ({
      %run_scoped3A = tpu.sem_alloc : memref<!tpu.dma_semaphore, #tpu.memory_space<semaphore_mem>>
      %dma_start3A = tpu.memref_slice %arg4[%add3A_23] : memref<33554432xf32, #tpu.memory_space<hbm>> -> memref<32768xf32, #tpu.memory_space<hbm>>
      %dma_start3A_306 = tpu.memref_slice %arg4[%add3A_23] : memref<33554432xf32, #tpu.memory_space<hbm>> -> memref<32768xf32, #tpu.memory_space<hbm>>
      tpu.enqueue_dma source(%arg5 : memref<32768xf32, #tpu.memory_space<vmem>>) target(%dma_start3A_306 : memref<32768xf32, #tpu.memory_space<hbm>>) target_semaphore(%run_scoped3A : memref<!tpu.dma_semaphore, #tpu.memory_space<semaphore_mem>>)
      %dma_wait3A = tpu.memref_slice %arg4[%add3A_23] : memref<33554432xf32, #tpu.memory_space<hbm>> -> memref<32768xf32, #tpu.memory_space<hbm>>
      %dma_wait3A_307 = tpu.memref_slice %arg4[%add3A_23] : memref<33554432xf32, #tpu.memory_space<hbm>> -> memref<32768xf32, #tpu.memory_space<hbm>>
      tpu.wait_dma2 semaphore(%run_scoped3A : memref<!tpu.dma_semaphore, #tpu.memory_space<semaphore_mem>>) src(%arg5 : memref<32768xf32, #tpu.memory_space<vmem>>) dst(%dma_wait3A_307 : memref<32768xf32, #tpu.memory_space<hbm>>)
      tpu.yield
    }) : () -> ()
    %add3A_31 = arith.constant 25165824 : i32
    %add3A_32 = arith.addi %add3A_31, %add3A_4 : i32
    "tpu.region"() ({
      %run_scoped3A = tpu.sem_alloc : memref<!tpu.dma_semaphore, #tpu.memory_space<semaphore_mem>>
      %dma_start3A = tpu.memref_slice %arg2[%add3A_32] : memref<33554432xf32, #tpu.memory_space<hbm>> -> memref<32768xf32, #tpu.memory_space<hbm>>
      %dma_start3A_306 = tpu.memref_slice %arg2[%add3A_32] : memref<33554432xf32, #tpu.memory_space<hbm>> -> memref<32768xf32, #tpu.memory_space<hbm>>
      tpu.enqueue_dma source(%dma_start3A_306 : memref<32768xf32, #tpu.memory_space<hbm>>) target(%arg5 : memref<32768xf32, #tpu.memory_space<vmem>>) target_semaphore(%run_scoped3A : memref<!tpu.dma_semaphore, #tpu.memory_space<semaphore_mem>>)
      %dma_wait3A = tpu.memref_slice %arg2[%add3A_32] : memref<33554432xf32, #tpu.memory_space<hbm>> -> memref<32768xf32, #tpu.memory_space<hbm>>
      %dma_wait3A_307 = tpu.memref_slice %arg2[%add3A_32] : memref<33554432xf32, #tpu.memory_space<hbm>> -> memref<32768xf32, #tpu.memory_space<hbm>>
      tpu.wait_dma2 semaphore(%run_scoped3A : memref<!tpu.dma_semaphore, #tpu.memory_space<semaphore_mem>>) src(%dma_wait3A_307 : memref<32768xf32, #tpu.memory_space<hbm>>) dst(%arg5 : memref<32768xf32, #tpu.memory_space<vmem>>)
      tpu.yield
    }) : () -> ()
    %scan3A_33 = arith.constant 0 : i32
    %scan3A_34 = arith.constant 0 : i32
    %scan3A_35 = arith.constant 512 : i32
    %scan3A_36 = arith.addi %scan3A_34, %scan3A_35 : i32
    %scan3A_37 = arith.constant 1 : i32
    %scan3A_38 = scf.for %scan3A_306 = %scan3A_34 to %scan3A_36 step %scan3A_37 iter_args(%scan3A_307 = %scan3A_33) -> (i32)  : i32 {
      %mul3A_308 = arith.constant 64 : i32
      %mul3A_309 = arith.muli %scan3A_306, %mul3A_308 : i32
      %add3A_310 = arith.constant 0 : i32
      %add3A_311 = arith.addi %mul3A_309, %add3A_310 : i32
      %get3A = arith.index_cast %add3A_311 : i32 to index
      %get3A_312 = tpu.vector_load %arg5[%get3A] {strides = array<i32>} : memref<32768xf32, #tpu.memory_space<vmem>>, vector<16xf32>,
      %get3A_313 = vector.shape_cast %get3A_312 : vector<16xf32> to vector<16xf32>
      %get3A_314 = arith.index_cast %add3A_311 : i32 to index
      %get3A_315 = tpu.vector_load %arg6[%get3A_314] {strides = array<i32>} : memref<32768xf32, #tpu.memory_space<vmem>>, vector<16xf32>,
      %get3A_316 = vector.shape_cast %get3A_315 : vector<16xf32> to vector<16xf32>
      %add3A_317 = arith.addf %get3A_313, %get3A_316 : vector<16xf32>
      %swap3A = arith.index_cast %add3A_311 : i32 to index
      %swap3A_318 = tpu.vector_load %arg5[%swap3A] {strides = array<i32>} : memref<32768xf32, #tpu.memory_space<vmem>>, vector<16xf32>,
      %swap3A_319 = vector.shape_cast %swap3A_318 : vector<16xf32> to vector<16xf32>
      %swap3A_320 = vector.shape_cast %add3A_317 : vector<16xf32> to vector<16xf32>
      tpu.vector_store %arg5[%swap3A], %swap3A_320 {strides = array<i32>} : memref<32768xf32, #tpu.memory_space<vmem>>, vector<16xf32>,
      %mul3A_321 = arith.constant 64 : i32
      %mul3A_322 = arith.muli %scan3A_306, %mul3A_321 : i32
      %add3A_323 = arith.constant 16 : i32
      %add3A_324 = arith.addi %mul3A_322, %add3A_323 : i32
      %get3A_325 = arith.index_cast %add3A_324 : i32 to index
      %get3A_326 = tpu.vector_load %arg5[%get3A_325] {strides = array<i32>} : memref<32768xf32, #tpu.memory_space<vmem>>, vector<16xf32>,
      %get3A_327 = vector.shape_cast %get3A_326 : vector<16xf32> to vector<16xf32>
      %get3A_328 = arith.index_cast %add3A_324 : i32 to index
      %get3A_329 = tpu.vector_load %arg6[%get3A_328] {strides = array<i32>} : memref<32768xf32, #tpu.memory_space<vmem>>, vector<16xf32>,
      %get3A_330 = vector.shape_cast %get3A_329 : vector<16xf32> to vector<16xf32>
      %add3A_331 = arith.addf %get3A_327, %get3A_330 : vector<16xf32>
      %swap3A_332 = arith.index_cast %add3A_324 : i32 to index
      %swap3A_333 = tpu.vector_load %arg5[%swap3A_332] {strides = array<i32>} : memref<32768xf32, #tpu.memory_space<vmem>>, vector<16xf32>,
      %swap3A_334 = vector.shape_cast %swap3A_333 : vector<16xf32> to vector<16xf32>
      %swap3A_335 = vector.shape_cast %add3A_331 : vector<16xf32> to vector<16xf32>
      tpu.vector_store %arg5[%swap3A_332], %swap3A_335 {strides = array<i32>} : memref<32768xf32, #tpu.memory_space<vmem>>, vector<16xf32>,
      %mul3A_336 = arith.constant 64 : i32
      %mul3A_337 = arith.muli %scan3A_306, %mul3A_336 : i32
      %add3A_338 = arith.constant 32 : i32
      %add3A_339 = arith.addi %mul3A_337, %add3A_338 : i32
      %get3A_340 = arith.index_cast %add3A_339 : i32 to index
      %get3A_341 = tpu.vector_load %arg5[%get3A_340] {strides = array<i32>} : memref<32768xf32, #tpu.memory_space<vmem>>, vector<16xf32>,
      %get3A_342 = vector.shape_cast %get3A_341 : vector<16xf32> to vector<16xf32>
      %get3A_343 = arith.index_cast %add3A_339 : i32 to index
      %get3A_344 = tpu.vector_load %arg6[%get3A_343] {strides = array<i32>} : memref<32768xf32, #tpu.memory_space<vmem>>, vector<16xf32>,
      %get3A_345 = vector.shape_cast %get3A_344 : vector<16xf32> to vector<16xf32>
      %add3A_346 = arith.addf %get3A_342, %get3A_345 : vector<16xf32>
      %swap3A_347 = arith.index_cast %add3A_339 : i32 to index
      %swap3A_348 = tpu.vector_load %arg5[%swap3A_347] {strides = array<i32>} : memref<32768xf32, #tpu.memory_space<vmem>>, vector<16xf32>,
      %swap3A_349 = vector.shape_cast %swap3A_348 : vector<16xf32> to vector<16xf32>
      %swap3A_350 = vector.shape_cast %add3A_346 : vector<16xf32> to vector<16xf32>
      tpu.vector_store %arg5[%swap3A_347], %swap3A_350 {strides = array<i32>} : memref<32768xf32, #tpu.memory_space<vmem>>, vector<16xf32>,
      %mul3A_351 = arith.constant 64 : i32
      %mul3A_352 = arith.muli %scan3A_306, %mul3A_351 : i32
      %add3A_353 = arith.constant 48 : i32
      %add3A_354 = arith.addi %mul3A_352, %add3A_353 : i32
      %get3A_355 = arith.index_cast %add3A_354 : i32 to index
      %get3A_356 = tpu.vector_load %arg5[%get3A_355] {strides = array<i32>} : memref<32768xf32, #tpu.memory_space<vmem>>, vector<16xf32>,
      %get3A_357 = vector.shape_cast %get3A_356 : vector<16xf32> to vector<16xf32>
      %get3A_358 = arith.index_cast %add3A_354 : i32 to index
      %get3A_359 = tpu.vector_load %arg6[%get3A_358] {strides = array<i32>} : memref<32768xf32, #tpu.memory_space<vmem>>, vector<16xf32>,
      %get3A_360 = vector.shape_cast %get3A_359 : vector<16xf32> to vector<16xf32>
      %add3A_361 = arith.addf %get3A_357, %get3A_360 : vector<16xf32>
      %swap3A_362 = arith.index_cast %add3A_354 : i32 to index
      %swap3A_363 = tpu.vector_load %arg5[%swap3A_362] {strides = array<i32>} : memref<32768xf32, #tpu.memory_space<vmem>>, vector<16xf32>,
      %swap3A_364 = vector.shape_cast %swap3A_363 : vector<16xf32> to vector<16xf32>
      %swap3A_365 = vector.shape_cast %add3A_361 : vector<16xf32> to vector<16xf32>
      tpu.vector_store %arg5[%swap3A_362], %swap3A_365 {strides = array<i32>} : memref<32768xf32, #tpu.memory_space<vmem>>, vector<16xf32>,
      %scan3A_366 = arith.constant 0 : i32
      scf.yield %scan3A_366 : i32
    }
    %scan3A_39 = arith.constant 512 : i32
    "tpu.region"() ({
      %run_scoped3A = tpu.sem_alloc : memref<!tpu.dma_semaphore, #tpu.memory_space<semaphore_mem>>
      %dma_start3A = tpu.memref_slice %arg4[%add3A_32] : memref<33554432xf32, #tpu.memory_space<hbm>> -> memref<32768xf32, #tpu.memory_space<hbm>>
      %dma_start3A_306 = tpu.memref_slice %arg4[%add3A_32] : memref<33554432xf32, #tpu.memory_space<hbm>> -> memref<32768xf32, #tpu.memory_space<hbm>>
      tpu.enqueue_dma source(%arg5 : memref<32768xf32, #tpu.memory_space<vmem>>) target(%dma_start3A_306 : memref<32768xf32, #tpu.memory_space<hbm>>) target_semaphore(%run_scoped3A : memref<!tpu.dma_semaphore, #tpu.memory_space<semaphore_mem>>)
      %dma_wait3A = tpu.memref_slice %arg4[%add3A_32] : memref<33554432xf32, #tpu.memory_space<hbm>> -> memref<32768xf32, #tpu.memory_space<hbm>>
      %dma_wait3A_307 = tpu.memref_slice %arg4[%add3A_32] : memref<33554432xf32, #tpu.memory_space<hbm>> -> memref<32768xf32, #tpu.memory_space<hbm>>
      tpu.wait_dma2 semaphore(%run_scoped3A : memref<!tpu.dma_semaphore, #tpu.memory_space<semaphore_mem>>) src(%arg5 : memref<32768xf32, #tpu.memory_space<vmem>>) dst(%dma_wait3A_307 : memref<32768xf32, #tpu.memory_space<hbm>>)
      tpu.yield
    }) : () -> ()
    %add3A_40 = arith.constant 32768 : i32
    %add3A_41 = arith.addi %mul3A_2, %add3A_40 : i32
    "tpu.region"() ({
      %run_scoped3A = tpu.sem_alloc : memref<!tpu.dma_semaphore, #tpu.memory_space<semaphore_mem>>
      %dma_start3A = tpu.memref_slice %arg3[%add3A_41] : memref<8388608xf32, #tpu.memory_space<hbm>> -> memref<32768xf32, #tpu.memory_space<hbm>>
      %dma_start3A_306 = tpu.memref_slice %arg3[%add3A_41] : memref<8388608xf32, #tpu.memory_space<hbm>> -> memref<32768xf32, #tpu.memory_space<hbm>>
      tpu.enqueue_dma source(%dma_start3A_306 : memref<32768xf32, #tpu.memory_space<hbm>>) target(%arg6 : memref<32768xf32, #tpu.memory_space<vmem>>) target_semaphore(%run_scoped3A : memref<!tpu.dma_semaphore, #tpu.memory_space<semaphore_mem>>)
      %dma_wait3A = tpu.memref_slice %arg3[%add3A_41] : memref<8388608xf32, #tpu.memory_space<hbm>> -> memref<32768xf32, #tpu.memory_space<hbm>>
      %dma_wait3A_307 = tpu.memref_slice %arg3[%add3A_41] : memref<8388608xf32, #tpu.memory_space<hbm>> -> memref<32768xf32, #tpu.memory_space<hbm>>
      tpu.wait_dma2 semaphore(%run_scoped3A : memref<!tpu.dma_semaphore, #tpu.memory_space<semaphore_mem>>) src(%dma_wait3A_307 : memref<32768xf32, #tpu.memory_space<hbm>>) dst(%arg6 : memref<32768xf32, #tpu.memory_space<vmem>>)
      tpu.yield
    }) : () -> ()
    %add3A_42 = arith.constant 0 : i32
    %add3A_43 = arith.addi %add3A_42, %add3A_41 : i32
    "tpu.region"() ({
      %run_scoped3A = tpu.sem_alloc : memref<!tpu.dma_semaphore, #tpu.memory_space<semaphore_mem>>
      %dma_start3A = tpu.memref_slice %arg2[%add3A_43] : memref<33554432xf32, #tpu.memory_space<hbm>> -> memref<32768xf32, #tpu.memory_space<hbm>>
      %dma_start3A_306 = tpu.memref_slice %arg2[%add3A_43] : memref<33554432xf32, #tpu.memory_space<hbm>> -> memref<32768xf32, #tpu.memory_space<hbm>>
      tpu.enqueue_dma source(%dma_start3A_306 : memref<32768xf32, #tpu.memory_space<hbm>>) target(%arg5 : memref<32768xf32, #tpu.memory_space<vmem>>) target_semaphore(%run_scoped3A : memref<!tpu.dma_semaphore, #tpu.memory_space<semaphore_mem>>)
      %dma_wait3A = tpu.memref_slice %arg2[%add3A_43] : memref<33554432xf32, #tpu.memory_space<hbm>> -> memref<32768xf32, #tpu.memory_space<hbm>>
      %dma_wait3A_307 = tpu.memref_slice %arg2[%add3A_43] : memref<33554432xf32, #tpu.memory_space<hbm>> -> memref<32768xf32, #tpu.memory_space<hbm>>
      tpu.wait_dma2 semaphore(%run_scoped3A : memref<!tpu.dma_semaphore, #tpu.memory_space<semaphore_mem>>) src(%dma_wait3A_307 : memref<32768xf32, #tpu.memory_space<hbm>>) dst(%arg5 : memref<32768xf32, #tpu.memory_space<vmem>>)
      tpu.yield
    }) : () -> ()
    %scan3A_44 = arith.constant 0 : i32
    %scan3A_45 = arith.constant 0 : i32
    %scan3A_46 = arith.constant 512 : i32
    %scan3A_47 = arith.addi %scan3A_45, %scan3A_46 : i32
    %scan3A_48 = arith.constant 1 : i32
    %scan3A_49 = scf.for %scan3A_306 = %scan3A_45 to %scan3A_47 step %scan3A_48 iter_args(%scan3A_307 = %scan3A_44) -> (i32)  : i32 {
      %mul3A_308 = arith.constant 64 : i32
      %mul3A_309 = arith.muli %scan3A_306, %mul3A_308 : i32
      %add3A_310 = arith.constant 0 : i32
      %add3A_311 = arith.addi %mul3A_309, %add3A_310 : i32
      %get3A = arith.index_cast %add3A_311 : i32 to index
      %get3A_312 = tpu.vector_load %arg5[%get3A] {strides = array<i32>} : memref<32768xf32, #tpu.memory_space<vmem>>, vector<16xf32>,
      %get3A_313 = vector.shape_cast %get3A_312 : vector<16xf32> to vector<16xf32>
      %get3A_314 = arith.index_cast %add3A_311 : i32 to index
      %get3A_315 = tpu.vector_load %arg6[%get3A_314] {strides = array<i32>} : memref<32768xf32, #tpu.memory_space<vmem>>, vector<16xf32>,
      %get3A_316 = vector.shape_cast %get3A_315 : vector<16xf32> to vector<16xf32>
      %add3A_317 = arith.addf %get3A_313, %get3A_316 : vector<16xf32>
      %swap3A = arith.index_cast %add3A_311 : i32 to index
      %swap3A_318 = tpu.vector_load %arg5[%swap3A] {strides = array<i32>} : memref<32768xf32, #tpu.memory_space<vmem>>, vector<16xf32>,
      %swap3A_319 = vector.shape_cast %swap3A_318 : vector<16xf32> to vector<16xf32>
      %swap3A_320 = vector.shape_cast %add3A_317 : vector<16xf32> to vector<16xf32>
      tpu.vector_store %arg5[%swap3A], %swap3A_320 {strides = array<i32>} : memref<32768xf32, #tpu.memory_space<vmem>>, vector<16xf32>,
      %mul3A_321 = arith.constant 64 : i32
      %mul3A_322 = arith.muli %scan3A_306, %mul3A_321 : i32
      %add3A_323 = arith.constant 16 : i32
      %add3A_324 = arith.addi %mul3A_322, %add3A_323 : i32
      %get3A_325 = arith.index_cast %add3A_324 : i32 to index
      %get3A_326 = tpu.vector_load %arg5[%get3A_325] {strides = array<i32>} : memref<32768xf32, #tpu.memory_space<vmem>>, vector<16xf32>,
      %get3A_327 = vector.shape_cast %get3A_326 : vector<16xf32> to vector<16xf32>
      %get3A_328 = arith.index_cast %add3A_324 : i32 to index
      %get3A_329 = tpu.vector_load %arg6[%get3A_328] {strides = array<i32>} : memref<32768xf32, #tpu.memory_space<vmem>>, vector<16xf32>,
      %get3A_330 = vector.shape_cast %get3A_329 : vector<16xf32> to vector<16xf32>
      %add3A_331 = arith.addf %get3A_327, %get3A_330 : vector<16xf32>
      %swap3A_332 = arith.index_cast %add3A_324 : i32 to index
      %swap3A_333 = tpu.vector_load %arg5[%swap3A_332] {strides = array<i32>} : memref<32768xf32, #tpu.memory_space<vmem>>, vector<16xf32>,
      %swap3A_334 = vector.shape_cast %swap3A_333 : vector<16xf32> to vector<16xf32>
      %swap3A_335 = vector.shape_cast %add3A_331 : vector<16xf32> to vector<16xf32>
      tpu.vector_store %arg5[%swap3A_332], %swap3A_335 {strides = array<i32>} : memref<32768xf32, #tpu.memory_space<vmem>>, vector<16xf32>,
      %mul3A_336 = arith.constant 64 : i32
      %mul3A_337 = arith.muli %scan3A_306, %mul3A_336 : i32
      %add3A_338 = arith.constant 32 : i32
      %add3A_339 = arith.addi %mul3A_337, %add3A_338 : i32
      %get3A_340 = arith.index_cast %add3A_339 : i32 to index
      %get3A_341 = tpu.vector_load %arg5[%get3A_340] {strides = array<i32>} : memref<32768xf32, #tpu.memory_space<vmem>>, vector<16xf32>,
      %get3A_342 = vector.shape_cast %get3A_341 : vector<16xf32> to vector<16xf32>
      %get3A_343 = arith.index_cast %add3A_339 : i32 to index
      %get3A_344 = tpu.vector_load %arg6[%get3A_343] {strides = array<i32>} : memref<32768xf32, #tpu.memory_space<vmem>>, vector<16xf32>,
      %get3A_345 = vector.shape_cast %get3A_344 : vector<16xf32> to vector<16xf32>
      %add3A_346 = arith.addf %get3A_342, %get3A_345 : vector<16xf32>
      %swap3A_347 = arith.index_cast %add3A_339 : i32 to index
      %swap3A_348 = tpu.vector_load %arg5[%swap3A_347] {strides = array<i32>} : memref<32768xf32, #tpu.memory_space<vmem>>, vector<16xf32>,
      %swap3A_349 = vector.shape_cast %swap3A_348 : vector<16xf32> to vector<16xf32>
      %swap3A_350 = vector.shape_cast %add3A_346 : vector<16xf32> to vector<16xf32>
      tpu.vector_store %arg5[%swap3A_347], %swap3A_350 {strides = array<i32>} : memref<32768xf32, #tpu.memory_space<vmem>>, vector<16xf32>,
      %mul3A_351 = arith.constant 64 : i32
      %mul3A_352 = arith.muli %scan3A_306, %mul3A_351 : i32
      %add3A_353 = arith.constant 48 : i32
      %add3A_354 = arith.addi %mul3A_352, %add3A_353 : i32
      %get3A_355 = arith.index_cast %add3A_354 : i32 to index
      %get3A_356 = tpu.vector_load %arg5[%get3A_355] {strides = array<i32>} : memref<32768xf32, #tpu.memory_space<vmem>>, vector<16xf32>,
      %get3A_357 = vector.shape_cast %get3A_356 : vector<16xf32> to vector<16xf32>
      %get3A_358 = arith.index_cast %add3A_354 : i32 to index
      %get3A_359 = tpu.vector_load %arg6[%get3A_358] {strides = array<i32>} : memref<32768xf32, #tpu.memory_space<vmem>>, vector<16xf32>,
      %get3A_360 = vector.shape_cast %get3A_359 : vector<16xf32> to vector<16xf32>
      %add3A_361 = arith.addf %get3A_357, %get3A_360 : vector<16xf32>
      %swap3A_362 = arith.index_cast %add3A_354 : i32 to index
      %swap3A_363 = tpu.vector_load %arg5[%swap3A_362] {strides = array<i32>} : memref<32768xf32, #tpu.memory_space<vmem>>, vector<16xf32>,
      %swap3A_364 = vector.shape_cast %swap3A_363 : vector<16xf32> to vector<16xf32>
      %swap3A_365 = vector.shape_cast %add3A_361 : vector<16xf32> to vector<16xf32>
      tpu.vector_store %arg5[%swap3A_362], %swap3A_365 {strides = array<i32>} : memref<32768xf32, #tpu.memory_space<vmem>>, vector<16xf32>,
      %scan3A_366 = arith.constant 0 : i32
      scf.yield %scan3A_366 : i32
    }
    %scan3A_50 = arith.constant 512 : i32
    "tpu.region"() ({
      %run_scoped3A = tpu.sem_alloc : memref<!tpu.dma_semaphore, #tpu.memory_space<semaphore_mem>>
      %dma_start3A = tpu.memref_slice %arg4[%add3A_43] : memref<33554432xf32, #tpu.memory_space<hbm>> -> memref<32768xf32, #tpu.memory_space<hbm>>
      %dma_start3A_306 = tpu.memref_slice %arg4[%add3A_43] : memref<33554432xf32, #tpu.memory_space<hbm>> -> memref<32768xf32, #tpu.memory_space<hbm>>
      tpu.enqueue_dma source(%arg5 : memref<32768xf32, #tpu.memory_space<vmem>>) target(%dma_start3A_306 : memref<32768xf32, #tpu.memory_space<hbm>>) target_semaphore(%run_scoped3A : memref<!tpu.dma_semaphore, #tpu.memory_space<semaphore_mem>>)
      %dma_wait3A = tpu.memref_slice %arg4[%add3A_43] : memref<33554432xf32, #tpu.memory_space<hbm>> -> memref<32768xf32, #tpu.memory_space<hbm>>
      %dma_wait3A_307 = tpu.memref_slice %arg4[%add3A_43] : memref<33554432xf32, #tpu.memory_space<hbm>> -> memref<32768xf32, #tpu.memory_space<hbm>>
      tpu.wait_dma2 semaphore(%run_scoped3A : memref<!tpu.dma_semaphore, #tpu.memory_space<semaphore_mem>>) src(%arg5 : memref<32768xf32, #tpu.memory_space<vmem>>) dst(%dma_wait3A_307 : memref<32768xf32, #tpu.memory_space<hbm>>)
      tpu.yield
    }) : () -> ()
    %add3A_51 = arith.constant 8388608 : i32
    %add3A_52 = arith.addi %add3A_51, %add3A_41 : i32
    "tpu.region"() ({
      %run_scoped3A = tpu.sem_alloc : memref<!tpu.dma_semaphore, #tpu.memory_space<semaphore_mem>>
      %dma_start3A = tpu.memref_slice %arg2[%add3A_52] : memref<33554432xf32, #tpu.memory_space<hbm>> -> memref<32768xf32, #tpu.memory_space<hbm>>
      %dma_start3A_306 = tpu.memref_slice %arg2[%add3A_52] : memref<33554432xf32, #tpu.memory_space<hbm>> -> memref<32768xf32, #tpu.memory_space<hbm>>
      tpu.enqueue_dma source(%dma_start3A_306 : memref<32768xf32, #tpu.memory_space<hbm>>) target(%arg5 : memref<32768xf32, #tpu.memory_space<vmem>>) target_semaphore(%run_scoped3A : memref<!tpu.dma_semaphore, #tpu.memory_space<semaphore_mem>>)
      %dma_wait3A = tpu.memref_slice %arg2[%add3A_52] : memref<33554432xf32, #tpu.memory_space<hbm>> -> memref<32768xf32, #tpu.memory_space<hbm>>
      %dma_wait3A_307 = tpu.memref_slice %arg2[%add3A_52] : memref<33554432xf32, #tpu.memory_space<hbm>> -> memref<32768xf32, #tpu.memory_space<hbm>>
      tpu.wait_dma2 semaphore(%run_scoped3A : memref<!tpu.dma_semaphore, #tpu.memory_space<semaphore_mem>>) src(%dma_wait3A_307 : memref<32768xf32, #tpu.memory_space<hbm>>) dst(%arg5 : memref<32768xf32, #tpu.memory_space<vmem>>)
      tpu.yield
    }) : () -> ()
    %scan3A_53 = arith.constant 0 : i32
    %scan3A_54 = arith.constant 0 : i32
    %scan3A_55 = arith.constant 512 : i32
    %scan3A_56 = arith.addi %scan3A_54, %scan3A_55 : i32
    %scan3A_57 = arith.constant 1 : i32
    %scan3A_58 = scf.for %scan3A_306 = %scan3A_54 to %scan3A_56 step %scan3A_57 iter_args(%scan3A_307 = %scan3A_53) -> (i32)  : i32 {
      %mul3A_308 = arith.constant 64 : i32
      %mul3A_309 = arith.muli %scan3A_306, %mul3A_308 : i32
      %add3A_310 = arith.constant 0 : i32
      %add3A_311 = arith.addi %mul3A_309, %add3A_310 : i32
      %get3A = arith.index_cast %add3A_311 : i32 to index
      %get3A_312 = tpu.vector_load %arg5[%get3A] {strides = array<i32>} : memref<32768xf32, #tpu.memory_space<vmem>>, vector<16xf32>,
      %get3A_313 = vector.shape_cast %get3A_312 : vector<16xf32> to vector<16xf32>
      %get3A_314 = arith.index_cast %add3A_311 : i32 to index
      %get3A_315 = tpu.vector_load %arg6[%get3A_314] {strides = array<i32>} : memref<32768xf32, #tpu.memory_space<vmem>>, vector<16xf32>,
      %get3A_316 = vector.shape_cast %get3A_315 : vector<16xf32> to vector<16xf32>
      %add3A_317 = arith.addf %get3A_313, %get3A_316 : vector<16xf32>
      %swap3A = arith.index_cast %add3A_311 : i32 to index
      %swap3A_318 = tpu.vector_load %arg5[%swap3A] {strides = array<i32>} : memref<32768xf32, #tpu.memory_space<vmem>>, vector<16xf32>,
      %swap3A_319 = vector.shape_cast %swap3A_318 : vector<16xf32> to vector<16xf32>
      %swap3A_320 = vector.shape_cast %add3A_317 : vector<16xf32> to vector<16xf32>
      tpu.vector_store %arg5[%swap3A], %swap3A_320 {strides = array<i32>} : memref<32768xf32, #tpu.memory_space<vmem>>, vector<16xf32>,
      %mul3A_321 = arith.constant 64 : i32
      %mul3A_322 = arith.muli %scan3A_306, %mul3A_321 : i32
      %add3A_323 = arith.constant 16 : i32
      %add3A_324 = arith.addi %mul3A_322, %add3A_323 : i32
      %get3A_325 = arith.index_cast %add3A_324 : i32 to index
      %get3A_326 = tpu.vector_load %arg5[%get3A_325] {strides = array<i32>} : memref<32768xf32, #tpu.memory_space<vmem>>, vector<16xf32>,
      %get3A_327 = vector.shape_cast %get3A_326 : vector<16xf32> to vector<16xf32>
      %get3A_328 = arith.index_cast %add3A_324 : i32 to index
      %get3A_329 = tpu.vector_load %arg6[%get3A_328] {strides = array<i32>} : memref<32768xf32, #tpu.memory_space<vmem>>, vector<16xf32>,
      %get3A_330 = vector.shape_cast %get3A_329 : vector<16xf32> to vector<16xf32>
      %add3A_331 = arith.addf %get3A_327, %get3A_330 : vector<16xf32>
      %swap3A_332 = arith.index_cast %add3A_324 : i32 to index
      %swap3A_333 = tpu.vector_load %arg5[%swap3A_332] {strides = array<i32>} : memref<32768xf32, #tpu.memory_space<vmem>>, vector<16xf32>,
      %swap3A_334 = vector.shape_cast %swap3A_333 : vector<16xf32> to vector<16xf32>
      %swap3A_335 = vector.shape_cast %add3A_331 : vector<16xf32> to vector<16xf32>
      tpu.vector_store %arg5[%swap3A_332], %swap3A_335 {strides = array<i32>} : memref<32768xf32, #tpu.memory_space<vmem>>, vector<16xf32>,
      %mul3A_336 = arith.constant 64 : i32
      %mul3A_337 = arith.muli %scan3A_306, %mul3A_336 : i32
      %add3A_338 = arith.constant 32 : i32
      %add3A_339 = arith.addi %mul3A_337, %add3A_338 : i32
      %get3A_340 = arith.index_cast %add3A_339 : i32 to index
      %get3A_341 = tpu.vector_load %arg5[%get3A_340] {strides = array<i32>} : memref<32768xf32, #tpu.memory_space<vmem>>, vector<16xf32>,
      %get3A_342 = vector.shape_cast %get3A_341 : vector<16xf32> to vector<16xf32>
      %get3A_343 = arith.index_cast %add3A_339 : i32 to index
      %get3A_344 = tpu.vector_load %arg6[%get3A_343] {strides = array<i32>} : memref<32768xf32, #tpu.memory_space<vmem>>, vector<16xf32>,
      %get3A_345 = vector.shape_cast %get3A_344 : vector<16xf32> to vector<16xf32>
      %add3A_346 = arith.addf %get3A_342, %get3A_345 : vector<16xf32>
      %swap3A_347 = arith.index_cast %add3A_339 : i32 to index
      %swap3A_348 = tpu.vector_load %arg5[%swap3A_347] {strides = array<i32>} : memref<32768xf32, #tpu.memory_space<vmem>>, vector<16xf32>,
      %swap3A_349 = vector.shape_cast %swap3A_348 : vector<16xf32> to vector<16xf32>
      %swap3A_350 = vector.shape_cast %add3A_346 : vector<16xf32> to vector<16xf32>
      tpu.vector_store %arg5[%swap3A_347], %swap3A_350 {strides = array<i32>} : memref<32768xf32, #tpu.memory_space<vmem>>, vector<16xf32>,
      %mul3A_351 = arith.constant 64 : i32
      %mul3A_352 = arith.muli %scan3A_306, %mul3A_351 : i32
      %add3A_353 = arith.constant 48 : i32
      %add3A_354 = arith.addi %mul3A_352, %add3A_353 : i32
      %get3A_355 = arith.index_cast %add3A_354 : i32 to index
      %get3A_356 = tpu.vector_load %arg5[%get3A_355] {strides = array<i32>} : memref<32768xf32, #tpu.memory_space<vmem>>, vector<16xf32>,
      %get3A_357 = vector.shape_cast %get3A_356 : vector<16xf32> to vector<16xf32>
      %get3A_358 = arith.index_cast %add3A_354 : i32 to index
      %get3A_359 = tpu.vector_load %arg6[%get3A_358] {strides = array<i32>} : memref<32768xf32, #tpu.memory_space<vmem>>, vector<16xf32>,
      %get3A_360 = vector.shape_cast %get3A_359 : vector<16xf32> to vector<16xf32>
      %add3A_361 = arith.addf %get3A_357, %get3A_360 : vector<16xf32>
      %swap3A_362 = arith.index_cast %add3A_354 : i32 to index
      %swap3A_363 = tpu.vector_load %arg5[%swap3A_362] {strides = array<i32>} : memref<32768xf32, #tpu.memory_space<vmem>>, vector<16xf32>,
      %swap3A_364 = vector.shape_cast %swap3A_363 : vector<16xf32> to vector<16xf32>
      %swap3A_365 = vector.shape_cast %add3A_361 : vector<16xf32> to vector<16xf32>
      tpu.vector_store %arg5[%swap3A_362], %swap3A_365 {strides = array<i32>} : memref<32768xf32, #tpu.memory_space<vmem>>, vector<16xf32>,
      %scan3A_366 = arith.constant 0 : i32
      scf.yield %scan3A_366 : i32
    }
    %scan3A_59 = arith.constant 512 : i32
    "tpu.region"() ({
      %run_scoped3A = tpu.sem_alloc : memref<!tpu.dma_semaphore, #tpu.memory_space<semaphore_mem>>
      %dma_start3A = tpu.memref_slice %arg4[%add3A_52] : memref<33554432xf32, #tpu.memory_space<hbm>> -> memref<32768xf32, #tpu.memory_space<hbm>>
      %dma_start3A_306 = tpu.memref_slice %arg4[%add3A_52] : memref<33554432xf32, #tpu.memory_space<hbm>> -> memref<32768xf32, #tpu.memory_space<hbm>>
      tpu.enqueue_dma source(%arg5 : memref<32768xf32, #tpu.memory_space<vmem>>) target(%dma_start3A_306 : memref<32768xf32, #tpu.memory_space<hbm>>) target_semaphore(%run_scoped3A : memref<!tpu.dma_semaphore, #tpu.memory_space<semaphore_mem>>)
      %dma_wait3A = tpu.memref_slice %arg4[%add3A_52] : memref<33554432xf32, #tpu.memory_space<hbm>> -> memref<32768xf32, #tpu.memory_space<hbm>>
      %dma_wait3A_307 = tpu.memref_slice %arg4[%add3A_52] : memref<33554432xf32, #tpu.memory_space<hbm>> -> memref<32768xf32, #tpu.memory_space<hbm>>
      tpu.wait_dma2 semaphore(%run_scoped3A : memref<!tpu.dma_semaphore, #tpu.memory_space<semaphore_mem>>) src(%arg5 : memref<32768xf32, #tpu.memory_space<vmem>>) dst(%dma_wait3A_307 : memref<32768xf32, #tpu.memory_space<hbm>>)
      tpu.yield
    }) : () -> ()
    %add3A_60 = arith.constant 16777216 : i32
    %add3A_61 = arith.addi %add3A_60, %add3A_41 : i32
    "tpu.region"() ({
      %run_scoped3A = tpu.sem_alloc : memref<!tpu.dma_semaphore, #tpu.memory_space<semaphore_mem>>
      %dma_start3A = tpu.memref_slice %arg2[%add3A_61] : memref<33554432xf32, #tpu.memory_space<hbm>> -> memref<32768xf32, #tpu.memory_space<hbm>>
      %dma_start3A_306 = tpu.memref_slice %arg2[%add3A_61] : memref<33554432xf32, #tpu.memory_space<hbm>> -> memref<32768xf32, #tpu.memory_space<hbm>>
      tpu.enqueue_dma source(%dma_start3A_306 : memref<32768xf32, #tpu.memory_space<hbm>>) target(%arg5 : memref<32768xf32, #tpu.memory_space<vmem>>) target_semaphore(%run_scoped3A : memref<!tpu.dma_semaphore, #tpu.memory_space<semaphore_mem>>)
      %dma_wait3A = tpu.memref_slice %arg2[%add3A_61] : memref<33554432xf32, #tpu.memory_space<hbm>> -> memref<32768xf32, #tpu.memory_space<hbm>>
      %dma_wait3A_307 = tpu.memref_slice %arg2[%add3A_61] : memref<33554432xf32, #tpu.memory_space<hbm>> -> memref<32768xf32, #tpu.memory_space<hbm>>
      tpu.wait_dma2 semaphore(%run_scoped3A : memref<!tpu.dma_semaphore, #tpu.memory_space<semaphore_mem>>) src(%dma_wait3A_307 : memref<32768xf32, #tpu.memory_space<hbm>>) dst(%arg5 : memref<32768xf32, #tpu.memory_space<vmem>>)
      tpu.yield
    }) : () -> ()
    %scan3A_62 = arith.constant 0 : i32
    %scan3A_63 = arith.constant 0 : i32
    %scan3A_64 = arith.constant 512 : i32
    %scan3A_65 = arith.addi %scan3A_63, %scan3A_64 : i32
    %scan3A_66 = arith.constant 1 : i32
    %scan3A_67 = scf.for %scan3A_306 = %scan3A_63 to %scan3A_65 step %scan3A_66 iter_args(%scan3A_307 = %scan3A_62) -> (i32)  : i32 {
      %mul3A_308 = arith.constant 64 : i32
      %mul3A_309 = arith.muli %scan3A_306, %mul3A_308 : i32
      %add3A_310 = arith.constant 0 : i32
      %add3A_311 = arith.addi %mul3A_309, %add3A_310 : i32
      %get3A = arith.index_cast %add3A_311 : i32 to index
      %get3A_312 = tpu.vector_load %arg5[%get3A] {strides = array<i32>} : memref<32768xf32, #tpu.memory_space<vmem>>, vector<16xf32>,
      %get3A_313 = vector.shape_cast %get3A_312 : vector<16xf32> to vector<16xf32>
      %get3A_314 = arith.index_cast %add3A_311 : i32 to index
      %get3A_315 = tpu.vector_load %arg6[%get3A_314] {strides = array<i32>} : memref<32768xf32, #tpu.memory_space<vmem>>, vector<16xf32>,
      %get3A_316 = vector.shape_cast %get3A_315 : vector<16xf32> to vector<16xf32>
      %add3A_317 = arith.addf %get3A_313, %get3A_316 : vector<16xf32>
      %swap3A = arith.index_cast %add3A_311 : i32 to index
      %swap3A_318 = tpu.vector_load %arg5[%swap3A] {strides = array<i32>} : memref<32768xf32, #tpu.memory_space<vmem>>, vector<16xf32>,
      %swap3A_319 = vector.shape_cast %swap3A_318 : vector<16xf32> to vector<16xf32>
      %swap3A_320 = vector.shape_cast %add3A_317 : vector<16xf32> to vector<16xf32>
      tpu.vector_store %arg5[%swap3A], %swap3A_320 {strides = array<i32>} : memref<32768xf32, #tpu.memory_space<vmem>>, vector<16xf32>,
      %mul3A_321 = arith.constant 64 : i32
      %mul3A_322 = arith.muli %scan3A_306, %mul3A_321 : i32
      %add3A_323 = arith.constant 16 : i32
      %add3A_324 = arith.addi %mul3A_322, %add3A_323 : i32
      %get3A_325 = arith.index_cast %add3A_324 : i32 to index
      %get3A_326 = tpu.vector_load %arg5[%get3A_325] {strides = array<i32>} : memref<32768xf32, #tpu.memory_space<vmem>>, vector<16xf32>,
      %get3A_327 = vector.shape_cast %get3A_326 : vector<16xf32> to vector<16xf32>
      %get3A_328 = arith.index_cast %add3A_324 : i32 to index
      %get3A_329 = tpu.vector_load %arg6[%get3A_328] {strides = array<i32>} : memref<32768xf32, #tpu.memory_space<vmem>>, vector<16xf32>,
      %get3A_330 = vector.shape_cast %get3A_329 : vector<16xf32> to vector<16xf32>
      %add3A_331 = arith.addf %get3A_327, %get3A_330 : vector<16xf32>
      %swap3A_332 = arith.index_cast %add3A_324 : i32 to index
      %swap3A_333 = tpu.vector_load %arg5[%swap3A_332] {strides = array<i32>} : memref<32768xf32, #tpu.memory_space<vmem>>, vector<16xf32>,
      %swap3A_334 = vector.shape_cast %swap3A_333 : vector<16xf32> to vector<16xf32>
      %swap3A_335 = vector.shape_cast %add3A_331 : vector<16xf32> to vector<16xf32>
      tpu.vector_store %arg5[%swap3A_332], %swap3A_335 {strides = array<i32>} : memref<32768xf32, #tpu.memory_space<vmem>>, vector<16xf32>,
      %mul3A_336 = arith.constant 64 : i32
      %mul3A_337 = arith.muli %scan3A_306, %mul3A_336 : i32
      %add3A_338 = arith.constant 32 : i32
      %add3A_339 = arith.addi %mul3A_337, %add3A_338 : i32
      %get3A_340 = arith.index_cast %add3A_339 : i32 to index
      %get3A_341 = tpu.vector_load %arg5[%get3A_340] {strides = array<i32>} : memref<32768xf32, #tpu.memory_space<vmem>>, vector<16xf32>,
      %get3A_342 = vector.shape_cast %get3A_341 : vector<16xf32> to vector<16xf32>
      %get3A_343 = arith.index_cast %add3A_339 : i32 to index
      %get3A_344 = tpu.vector_load %arg6[%get3A_343] {strides = array<i32>} : memref<32768xf32, #tpu.memory_space<vmem>>, vector<16xf32>,
      %get3A_345 = vector.shape_cast %get3A_344 : vector<16xf32> to vector<16xf32>
      %add3A_346 = arith.addf %get3A_342, %get3A_345 : vector<16xf32>
      %swap3A_347 = arith.index_cast %add3A_339 : i32 to index
      %swap3A_348 = tpu.vector_load %arg5[%swap3A_347] {strides = array<i32>} : memref<32768xf32, #tpu.memory_space<vmem>>, vector<16xf32>,
      %swap3A_349 = vector.shape_cast %swap3A_348 : vector<16xf32> to vector<16xf32>
      %swap3A_350 = vector.shape_cast %add3A_346 : vector<16xf32> to vector<16xf32>
      tpu.vector_store %arg5[%swap3A_347], %swap3A_350 {strides = array<i32>} : memref<32768xf32, #tpu.memory_space<vmem>>, vector<16xf32>,
      %mul3A_351 = arith.constant 64 : i32
      %mul3A_352 = arith.muli %scan3A_306, %mul3A_351 : i32
      %add3A_353 = arith.constant 48 : i32
      %add3A_354 = arith.addi %mul3A_352, %add3A_353 : i32
      %get3A_355 = arith.index_cast %add3A_354 : i32 to index
      %get3A_356 = tpu.vector_load %arg5[%get3A_355] {strides = array<i32>} : memref<32768xf32, #tpu.memory_space<vmem>>, vector<16xf32>,
      %get3A_357 = vector.shape_cast %get3A_356 : vector<16xf32> to vector<16xf32>
      %get3A_358 = arith.index_cast %add3A_354 : i32 to index
      %get3A_359 = tpu.vector_load %arg6[%get3A_358] {strides = array<i32>} : memref<32768xf32, #tpu.memory_space<vmem>>, vector<16xf32>,
      %get3A_360 = vector.shape_cast %get3A_359 : vector<16xf32> to vector<16xf32>
      %add3A_361 = arith.addf %get3A_357, %get3A_360 : vector<16xf32>
      %swap3A_362 = arith.index_cast %add3A_354 : i32 to index
      %swap3A_363 = tpu.vector_load %arg5[%swap3A_362] {strides = array<i32>} : memref<32768xf32, #tpu.memory_space<vmem>>, vector<16xf32>,
      %swap3A_364 = vector.shape_cast %swap3A_363 : vector<16xf32> to vector<16xf32>
      %swap3A_365 = vector.shape_cast %add3A_361 : vector<16xf32> to vector<16xf32>
      tpu.vector_store %arg5[%swap3A_362], %swap3A_365 {strides = array<i32>} : memref<32768xf32, #tpu.memory_space<vmem>>, vector<16xf32>,
      %scan3A_366 = arith.constant 0 : i32
      scf.yield %scan3A_366 : i32
    }
    %scan3A_68 = arith.constant 512 : i32
    "tpu.region"() ({
      %run_scoped3A = tpu.sem_alloc : memref<!tpu.dma_semaphore, #tpu.memory_space<semaphore_mem>>
      %dma_start3A = tpu.memref_slice %arg4[%add3A_61] : memref<33554432xf32, #tpu.memory_space<hbm>> -> memref<32768xf32, #tpu.memory_space<hbm>>
      %dma_start3A_306 = tpu.memref_slice %arg4[%add3A_61] : memref<33554432xf32, #tpu.memory_space<hbm>> -> memref<32768xf32, #tpu.memory_space<hbm>>
      tpu.enqueue_dma source(%arg5 : memref<32768xf32, #tpu.memory_space<vmem>>) target(%dma_start3A_306 : memref<32768xf32, #tpu.memory_space<hbm>>) target_semaphore(%run_scoped3A : memref<!tpu.dma_semaphore, #tpu.memory_space<semaphore_mem>>)
      %dma_wait3A = tpu.memref_slice %arg4[%add3A_61] : memref<33554432xf32, #tpu.memory_space<hbm>> -> memref<32768xf32, #tpu.memory_space<hbm>>
      %dma_wait3A_307 = tpu.memref_slice %arg4[%add3A_61] : memref<33554432xf32, #tpu.memory_space<hbm>> -> memref<32768xf32, #tpu.memory_space<hbm>>
      tpu.wait_dma2 semaphore(%run_scoped3A : memref<!tpu.dma_semaphore, #tpu.memory_space<semaphore_mem>>) src(%arg5 : memref<32768xf32, #tpu.memory_space<vmem>>) dst(%dma_wait3A_307 : memref<32768xf32, #tpu.memory_space<hbm>>)
      tpu.yield
    }) : () -> ()
    %add3A_69 = arith.constant 25165824 : i32
    %add3A_70 = arith.addi %add3A_69, %add3A_41 : i32
    "tpu.region"() ({
      %run_scoped3A = tpu.sem_alloc : memref<!tpu.dma_semaphore, #tpu.memory_space<semaphore_mem>>
      %dma_start3A = tpu.memref_slice %arg2[%add3A_70] : memref<33554432xf32, #tpu.memory_space<hbm>> -> memref<32768xf32, #tpu.memory_space<hbm>>
      %dma_start3A_306 = tpu.memref_slice %arg2[%add3A_70] : memref<33554432xf32, #tpu.memory_space<hbm>> -> memref<32768xf32, #tpu.memory_space<hbm>>
      tpu.enqueue_dma source(%dma_start3A_306 : memref<32768xf32, #tpu.memory_space<hbm>>) target(%arg5 : memref<32768xf32, #tpu.memory_space<vmem>>) target_semaphore(%run_scoped3A : memref<!tpu.dma_semaphore, #tpu.memory_space<semaphore_mem>>)
      %dma_wait3A = tpu.memref_slice %arg2[%add3A_70] : memref<33554432xf32, #tpu.memory_space<hbm>> -> memref<32768xf32, #tpu.memory_space<hbm>>
      %dma_wait3A_307 = tpu.memref_slice %arg2[%add3A_70] : memref<33554432xf32, #tpu.memory_space<hbm>> -> memref<32768xf32, #tpu.memory_space<hbm>>
      tpu.wait_dma2 semaphore(%run_scoped3A : memref<!tpu.dma_semaphore, #tpu.memory_space<semaphore_mem>>) src(%dma_wait3A_307 : memref<32768xf32, #tpu.memory_space<hbm>>) dst(%arg5 : memref<32768xf32, #tpu.memory_space<vmem>>)
      tpu.yield
    }) : () -> ()
    %scan3A_71 = arith.constant 0 : i32
    %scan3A_72 = arith.constant 0 : i32
    %scan3A_73 = arith.constant 512 : i32
    %scan3A_74 = arith.addi %scan3A_72, %scan3A_73 : i32
    %scan3A_75 = arith.constant 1 : i32
    %scan3A_76 = scf.for %scan3A_306 = %scan3A_72 to %scan3A_74 step %scan3A_75 iter_args(%scan3A_307 = %scan3A_71) -> (i32)  : i32 {
      %mul3A_308 = arith.constant 64 : i32
      %mul3A_309 = arith.muli %scan3A_306, %mul3A_308 : i32
      %add3A_310 = arith.constant 0 : i32
      %add3A_311 = arith.addi %mul3A_309, %add3A_310 : i32
      %get3A = arith.index_cast %add3A_311 : i32 to index
      %get3A_312 = tpu.vector_load %arg5[%get3A] {strides = array<i32>} : memref<32768xf32, #tpu.memory_space<vmem>>, vector<16xf32>,
      %get3A_313 = vector.shape_cast %get3A_312 : vector<16xf32> to vector<16xf32>
      %get3A_314 = arith.index_cast %add3A_311 : i32 to index
      %get3A_315 = tpu.vector_load %arg6[%get3A_314] {strides = array<i32>} : memref<32768xf32, #tpu.memory_space<vmem>>, vector<16xf32>,
      %get3A_316 = vector.shape_cast %get3A_315 : vector<16xf32> to vector<16xf32>
      %add3A_317 = arith.addf %get3A_313, %get3A_316 : vector<16xf32>
      %swap3A = arith.index_cast %add3A_311 : i32 to index
      %swap3A_318 = tpu.vector_load %arg5[%swap3A] {strides = array<i32>} : memref<32768xf32, #tpu.memory_space<vmem>>, vector<16xf32>,
      %swap3A_319 = vector.shape_cast %swap3A_318 : vector<16xf32> to vector<16xf32>
      %swap3A_320 = vector.shape_cast %add3A_317 : vector<16xf32> to vector<16xf32>
      tpu.vector_store %arg5[%swap3A], %swap3A_320 {strides = array<i32>} : memref<32768xf32, #tpu.memory_space<vmem>>, vector<16xf32>,
      %mul3A_321 = arith.constant 64 : i32
      %mul3A_322 = arith.muli %scan3A_306, %mul3A_321 : i32
      %add3A_323 = arith.constant 16 : i32
      %add3A_324 = arith.addi %mul3A_322, %add3A_323 : i32
      %get3A_325 = arith.index_cast %add3A_324 : i32 to index
      %get3A_326 = tpu.vector_load %arg5[%get3A_325] {strides = array<i32>} : memref<32768xf32, #tpu.memory_space<vmem>>, vector<16xf32>,
      %get3A_327 = vector.shape_cast %get3A_326 : vector<16xf32> to vector<16xf32>
      %get3A_328 = arith.index_cast %add3A_324 : i32 to index
      %get3A_329 = tpu.vector_load %arg6[%get3A_328] {strides = array<i32>} : memref<32768xf32, #tpu.memory_space<vmem>>, vector<16xf32>,
      %get3A_330 = vector.shape_cast %get3A_329 : vector<16xf32> to vector<16xf32>
      %add3A_331 = arith.addf %get3A_327, %get3A_330 : vector<16xf32>
      %swap3A_332 = arith.index_cast %add3A_324 : i32 to index
      %swap3A_333 = tpu.vector_load %arg5[%swap3A_332] {strides = array<i32>} : memref<32768xf32, #tpu.memory_space<vmem>>, vector<16xf32>,
      %swap3A_334 = vector.shape_cast %swap3A_333 : vector<16xf32> to vector<16xf32>
      %swap3A_335 = vector.shape_cast %add3A_331 : vector<16xf32> to vector<16xf32>
      tpu.vector_store %arg5[%swap3A_332], %swap3A_335 {strides = array<i32>} : memref<32768xf32, #tpu.memory_space<vmem>>, vector<16xf32>,
      %mul3A_336 = arith.constant 64 : i32
      %mul3A_337 = arith.muli %scan3A_306, %mul3A_336 : i32
      %add3A_338 = arith.constant 32 : i32
      %add3A_339 = arith.addi %mul3A_337, %add3A_338 : i32
      %get3A_340 = arith.index_cast %add3A_339 : i32 to index
      %get3A_341 = tpu.vector_load %arg5[%get3A_340] {strides = array<i32>} : memref<32768xf32, #tpu.memory_space<vmem>>, vector<16xf32>,
      %get3A_342 = vector.shape_cast %get3A_341 : vector<16xf32> to vector<16xf32>
      %get3A_343 = arith.index_cast %add3A_339 : i32 to index
      %get3A_344 = tpu.vector_load %arg6[%get3A_343] {strides = array<i32>} : memref<32768xf32, #tpu.memory_space<vmem>>, vector<16xf32>,
      %get3A_345 = vector.shape_cast %get3A_344 : vector<16xf32> to vector<16xf32>
      %add3A_346 = arith.addf %get3A_342, %get3A_345 : vector<16xf32>
      %swap3A_347 = arith.index_cast %add3A_339 : i32 to index
      %swap3A_348 = tpu.vector_load %arg5[%swap3A_347] {strides = array<i32>} : memref<32768xf32, #tpu.memory_space<vmem>>, vector<16xf32>,
      %swap3A_349 = vector.shape_cast %swap3A_348 : vector<16xf32> to vector<16xf32>
      %swap3A_350 = vector.shape_cast %add3A_346 : vector<16xf32> to vector<16xf32>
      tpu.vector_store %arg5[%swap3A_347], %swap3A_350 {strides = array<i32>} : memref<32768xf32, #tpu.memory_space<vmem>>, vector<16xf32>,
      %mul3A_351 = arith.constant 64 : i32
      %mul3A_352 = arith.muli %scan3A_306, %mul3A_351 : i32
      %add3A_353 = arith.constant 48 : i32
      %add3A_354 = arith.addi %mul3A_352, %add3A_353 : i32
      %get3A_355 = arith.index_cast %add3A_354 : i32 to index
      %get3A_356 = tpu.vector_load %arg5[%get3A_355] {strides = array<i32>} : memref<32768xf32, #tpu.memory_space<vmem>>, vector<16xf32>,
      %get3A_357 = vector.shape_cast %get3A_356 : vector<16xf32> to vector<16xf32>
      %get3A_358 = arith.index_cast %add3A_354 : i32 to index
      %get3A_359 = tpu.vector_load %arg6[%get3A_358] {strides = array<i32>} : memref<32768xf32, #tpu.memory_space<vmem>>, vector<16xf32>,
      %get3A_360 = vector.shape_cast %get3A_359 : vector<16xf32> to vector<16xf32>
      %add3A_361 = arith.addf %get3A_357, %get3A_360 : vector<16xf32>
      %swap3A_362 = arith.index_cast %add3A_354 : i32 to index
      %swap3A_363 = tpu.vector_load %arg5[%swap3A_362] {strides = array<i32>} : memref<32768xf32, #tpu.memory_space<vmem>>, vector<16xf32>,
      %swap3A_364 = vector.shape_cast %swap3A_363 : vector<16xf32> to vector<16xf32>
      %swap3A_365 = vector.shape_cast %add3A_361 : vector<16xf32> to vector<16xf32>
      tpu.vector_store %arg5[%swap3A_362], %swap3A_365 {strides = array<i32>} : memref<32768xf32, #tpu.memory_space<vmem>>, vector<16xf32>,
      %scan3A_366 = arith.constant 0 : i32
      scf.yield %scan3A_366 : i32
    }
    %scan3A_77 = arith.constant 512 : i32
    "tpu.region"() ({
      %run_scoped3A = tpu.sem_alloc : memref<!tpu.dma_semaphore, #tpu.memory_space<semaphore_mem>>
      %dma_start3A = tpu.memref_slice %arg4[%add3A_70] : memref<33554432xf32, #tpu.memory_space<hbm>> -> memref<32768xf32, #tpu.memory_space<hbm>>
      %dma_start3A_306 = tpu.memref_slice %arg4[%add3A_70] : memref<33554432xf32, #tpu.memory_space<hbm>> -> memref<32768xf32, #tpu.memory_space<hbm>>
      tpu.enqueue_dma source(%arg5 : memref<32768xf32, #tpu.memory_space<vmem>>) target(%dma_start3A_306 : memref<32768xf32, #tpu.memory_space<hbm>>) target_semaphore(%run_scoped3A : memref<!tpu.dma_semaphore, #tpu.memory_space<semaphore_mem>>)
      %dma_wait3A = tpu.memref_slice %arg4[%add3A_70] : memref<33554432xf32, #tpu.memory_space<hbm>> -> memref<32768xf32, #tpu.memory_space<hbm>>
      %dma_wait3A_307 = tpu.memref_slice %arg4[%add3A_70] : memref<33554432xf32, #tpu.memory_space<hbm>> -> memref<32768xf32, #tpu.memory_space<hbm>>
      tpu.wait_dma2 semaphore(%run_scoped3A : memref<!tpu.dma_semaphore, #tpu.memory_space<semaphore_mem>>) src(%arg5 : memref<32768xf32, #tpu.memory_space<vmem>>) dst(%dma_wait3A_307 : memref<32768xf32, #tpu.memory_space<hbm>>)
      tpu.yield
    }) : () -> ()
    %add3A_78 = arith.constant 65536 : i32
    %add3A_79 = arith.addi %mul3A_2, %add3A_78 : i32
    "tpu.region"() ({
      %run_scoped3A = tpu.sem_alloc : memref<!tpu.dma_semaphore, #tpu.memory_space<semaphore_mem>>
      %dma_start3A = tpu.memref_slice %arg3[%add3A_79] : memref<8388608xf32, #tpu.memory_space<hbm>> -> memref<32768xf32, #tpu.memory_space<hbm>>
      %dma_start3A_306 = tpu.memref_slice %arg3[%add3A_79] : memref<8388608xf32, #tpu.memory_space<hbm>> -> memref<32768xf32, #tpu.memory_space<hbm>>
      tpu.enqueue_dma source(%dma_start3A_306 : memref<32768xf32, #tpu.memory_space<hbm>>) target(%arg6 : memref<32768xf32, #tpu.memory_space<vmem>>) target_semaphore(%run_scoped3A : memref<!tpu.dma_semaphore, #tpu.memory_space<semaphore_mem>>)
      %dma_wait3A = tpu.memref_slice %arg3[%add3A_79] : memref<8388608xf32, #tpu.memory_space<hbm>> -> memref<32768xf32, #tpu.memory_space<hbm>>
      %dma_wait3A_307 = tpu.memref_slice %arg3[%add3A_79] : memref<8388608xf32, #tpu.memory_space<hbm>> -> memref<32768xf32, #tpu.memory_space<hbm>>
      tpu.wait_dma2 semaphore(%run_scoped3A : memref<!tpu.dma_semaphore, #tpu.memory_space<semaphore_mem>>) src(%dma_wait3A_307 : memref<32768xf32, #tpu.memory_space<hbm>>) dst(%arg6 : memref<32768xf32, #tpu.memory_space<vmem>>)
      tpu.yield
    }) : () -> ()
    %add3A_80 = arith.constant 0 : i32
    %add3A_81 = arith.addi %add3A_80, %add3A_79 : i32
    "tpu.region"() ({
      %run_scoped3A = tpu.sem_alloc : memref<!tpu.dma_semaphore, #tpu.memory_space<semaphore_mem>>
      %dma_start3A = tpu.memref_slice %arg2[%add3A_81] : memref<33554432xf32, #tpu.memory_space<hbm>> -> memref<32768xf32, #tpu.memory_space<hbm>>
      %dma_start3A_306 = tpu.memref_slice %arg2[%add3A_81] : memref<33554432xf32, #tpu.memory_space<hbm>> -> memref<32768xf32, #tpu.memory_space<hbm>>
      tpu.enqueue_dma source(%dma_start3A_306 : memref<32768xf32, #tpu.memory_space<hbm>>) target(%arg5 : memref<32768xf32, #tpu.memory_space<vmem>>) target_semaphore(%run_scoped3A : memref<!tpu.dma_semaphore, #tpu.memory_space<semaphore_mem>>)
      %dma_wait3A = tpu.memref_slice %arg2[%add3A_81] : memref<33554432xf32, #tpu.memory_space<hbm>> -> memref<32768xf32, #tpu.memory_space<hbm>>
      %dma_wait3A_307 = tpu.memref_slice %arg2[%add3A_81] : memref<33554432xf32, #tpu.memory_space<hbm>> -> memref<32768xf32, #tpu.memory_space<hbm>>
      tpu.wait_dma2 semaphore(%run_scoped3A : memref<!tpu.dma_semaphore, #tpu.memory_space<semaphore_mem>>) src(%dma_wait3A_307 : memref<32768xf32, #tpu.memory_space<hbm>>) dst(%arg5 : memref<32768xf32, #tpu.memory_space<vmem>>)
      tpu.yield
    }) : () -> ()
    %scan3A_82 = arith.constant 0 : i32
    %scan3A_83 = arith.constant 0 : i32
    %scan3A_84 = arith.constant 512 : i32
    %scan3A_85 = arith.addi %scan3A_83, %scan3A_84 : i32
    %scan3A_86 = arith.constant 1 : i32
    %scan3A_87 = scf.for %scan3A_306 = %scan3A_83 to %scan3A_85 step %scan3A_86 iter_args(%scan3A_307 = %scan3A_82) -> (i32)  : i32 {
      %mul3A_308 = arith.constant 64 : i32
      %mul3A_309 = arith.muli %scan3A_306, %mul3A_308 : i32
      %add3A_310 = arith.constant 0 : i32
      %add3A_311 = arith.addi %mul3A_309, %add3A_310 : i32
      %get3A = arith.index_cast %add3A_311 : i32 to index
      %get3A_312 = tpu.vector_load %arg5[%get3A] {strides = array<i32>} : memref<32768xf32, #tpu.memory_space<vmem>>, vector<16xf32>,
      %get3A_313 = vector.shape_cast %get3A_312 : vector<16xf32> to vector<16xf32>
      %get3A_314 = arith.index_cast %add3A_311 : i32 to index
      %get3A_315 = tpu.vector_load %arg6[%get3A_314] {strides = array<i32>} : memref<32768xf32, #tpu.memory_space<vmem>>, vector<16xf32>,
      %get3A_316 = vector.shape_cast %get3A_315 : vector<16xf32> to vector<16xf32>
      %add3A_317 = arith.addf %get3A_313, %get3A_316 : vector<16xf32>
      %swap3A = arith.index_cast %add3A_311 : i32 to index
      %swap3A_318 = tpu.vector_load %arg5[%swap3A] {strides = array<i32>} : memref<32768xf32, #tpu.memory_space<vmem>>, vector<16xf32>,
      %swap3A_319 = vector.shape_cast %swap3A_318 : vector<16xf32> to vector<16xf32>
      %swap3A_320 = vector.shape_cast %add3A_317 : vector<16xf32> to vector<16xf32>
      tpu.vector_store %arg5[%swap3A], %swap3A_320 {strides = array<i32>} : memref<32768xf32, #tpu.memory_space<vmem>>, vector<16xf32>,
      %mul3A_321 = arith.constant 64 : i32
      %mul3A_322 = arith.muli %scan3A_306, %mul3A_321 : i32
      %add3A_323 = arith.constant 16 : i32
      %add3A_324 = arith.addi %mul3A_322, %add3A_323 : i32
      %get3A_325 = arith.index_cast %add3A_324 : i32 to index
      %get3A_326 = tpu.vector_load %arg5[%get3A_325] {strides = array<i32>} : memref<32768xf32, #tpu.memory_space<vmem>>, vector<16xf32>,
      %get3A_327 = vector.shape_cast %get3A_326 : vector<16xf32> to vector<16xf32>
      %get3A_328 = arith.index_cast %add3A_324 : i32 to index
      %get3A_329 = tpu.vector_load %arg6[%get3A_328] {strides = array<i32>} : memref<32768xf32, #tpu.memory_space<vmem>>, vector<16xf32>,
      %get3A_330 = vector.shape_cast %get3A_329 : vector<16xf32> to vector<16xf32>
      %add3A_331 = arith.addf %get3A_327, %get3A_330 : vector<16xf32>
      %swap3A_332 = arith.index_cast %add3A_324 : i32 to index
      %swap3A_333 = tpu.vector_load %arg5[%swap3A_332] {strides = array<i32>} : memref<32768xf32, #tpu.memory_space<vmem>>, vector<16xf32>,
      %swap3A_334 = vector.shape_cast %swap3A_333 : vector<16xf32> to vector<16xf32>
      %swap3A_335 = vector.shape_cast %add3A_331 : vector<16xf32> to vector<16xf32>
      tpu.vector_store %arg5[%swap3A_332], %swap3A_335 {strides = array<i32>} : memref<32768xf32, #tpu.memory_space<vmem>>, vector<16xf32>,
      %mul3A_336 = arith.constant 64 : i32
      %mul3A_337 = arith.muli %scan3A_306, %mul3A_336 : i32
      %add3A_338 = arith.constant 32 : i32
      %add3A_339 = arith.addi %mul3A_337, %add3A_338 : i32
      %get3A_340 = arith.index_cast %add3A_339 : i32 to index
      %get3A_341 = tpu.vector_load %arg5[%get3A_340] {strides = array<i32>} : memref<32768xf32, #tpu.memory_space<vmem>>, vector<16xf32>,
      %get3A_342 = vector.shape_cast %get3A_341 : vector<16xf32> to vector<16xf32>
      %get3A_343 = arith.index_cast %add3A_339 : i32 to index
      %get3A_344 = tpu.vector_load %arg6[%get3A_343] {strides = array<i32>} : memref<32768xf32, #tpu.memory_space<vmem>>, vector<16xf32>,
      %get3A_345 = vector.shape_cast %get3A_344 : vector<16xf32> to vector<16xf32>
      %add3A_346 = arith.addf %get3A_342, %get3A_345 : vector<16xf32>
      %swap3A_347 = arith.index_cast %add3A_339 : i32 to index
      %swap3A_348 = tpu.vector_load %arg5[%swap3A_347] {strides = array<i32>} : memref<32768xf32, #tpu.memory_space<vmem>>, vector<16xf32>,
      %swap3A_349 = vector.shape_cast %swap3A_348 : vector<16xf32> to vector<16xf32>
      %swap3A_350 = vector.shape_cast %add3A_346 : vector<16xf32> to vector<16xf32>
      tpu.vector_store %arg5[%swap3A_347], %swap3A_350 {strides = array<i32>} : memref<32768xf32, #tpu.memory_space<vmem>>, vector<16xf32>,
      %mul3A_351 = arith.constant 64 : i32
      %mul3A_352 = arith.muli %scan3A_306, %mul3A_351 : i32
      %add3A_353 = arith.constant 48 : i32
      %add3A_354 = arith.addi %mul3A_352, %add3A_353 : i32
      %get3A_355 = arith.index_cast %add3A_354 : i32 to index
      %get3A_356 = tpu.vector_load %arg5[%get3A_355] {strides = array<i32>} : memref<32768xf32, #tpu.memory_space<vmem>>, vector<16xf32>,
      %get3A_357 = vector.shape_cast %get3A_356 : vector<16xf32> to vector<16xf32>
      %get3A_358 = arith.index_cast %add3A_354 : i32 to index
      %get3A_359 = tpu.vector_load %arg6[%get3A_358] {strides = array<i32>} : memref<32768xf32, #tpu.memory_space<vmem>>, vector<16xf32>,
      %get3A_360 = vector.shape_cast %get3A_359 : vector<16xf32> to vector<16xf32>
      %add3A_361 = arith.addf %get3A_357, %get3A_360 : vector<16xf32>
      %swap3A_362 = arith.index_cast %add3A_354 : i32 to index
      %swap3A_363 = tpu.vector_load %arg5[%swap3A_362] {strides = array<i32>} : memref<32768xf32, #tpu.memory_space<vmem>>, vector<16xf32>,
      %swap3A_364 = vector.shape_cast %swap3A_363 : vector<16xf32> to vector<16xf32>
      %swap3A_365 = vector.shape_cast %add3A_361 : vector<16xf32> to vector<16xf32>
      tpu.vector_store %arg5[%swap3A_362], %swap3A_365 {strides = array<i32>} : memref<32768xf32, #tpu.memory_space<vmem>>, vector<16xf32>,
      %scan3A_366 = arith.constant 0 : i32
      scf.yield %scan3A_366 : i32
    }
    %scan3A_88 = arith.constant 512 : i32
    "tpu.region"() ({
      %run_scoped3A = tpu.sem_alloc : memref<!tpu.dma_semaphore, #tpu.memory_space<semaphore_mem>>
      %dma_start3A = tpu.memref_slice %arg4[%add3A_81] : memref<33554432xf32, #tpu.memory_space<hbm>> -> memref<32768xf32, #tpu.memory_space<hbm>>
      %dma_start3A_306 = tpu.memref_slice %arg4[%add3A_81] : memref<33554432xf32, #tpu.memory_space<hbm>> -> memref<32768xf32, #tpu.memory_space<hbm>>
      tpu.enqueue_dma source(%arg5 : memref<32768xf32, #tpu.memory_space<vmem>>) target(%dma_start3A_306 : memref<32768xf32, #tpu.memory_space<hbm>>) target_semaphore(%run_scoped3A : memref<!tpu.dma_semaphore, #tpu.memory_space<semaphore_mem>>)
      %dma_wait3A = tpu.memref_slice %arg4[%add3A_81] : memref<33554432xf32, #tpu.memory_space<hbm>> -> memref<32768xf32, #tpu.memory_space<hbm>>
      %dma_wait3A_307 = tpu.memref_slice %arg4[%add3A_81] : memref<33554432xf32, #tpu.memory_space<hbm>> -> memref<32768xf32, #tpu.memory_space<hbm>>
      tpu.wait_dma2 semaphore(%run_scoped3A : memref<!tpu.dma_semaphore, #tpu.memory_space<semaphore_mem>>) src(%arg5 : memref<32768xf32, #tpu.memory_space<vmem>>) dst(%dma_wait3A_307 : memref<32768xf32, #tpu.memory_space<hbm>>)
      tpu.yield
    }) : () -> ()
    %add3A_89 = arith.constant 8388608 : i32
    %add3A_90 = arith.addi %add3A_89, %add3A_79 : i32
    "tpu.region"() ({
      %run_scoped3A = tpu.sem_alloc : memref<!tpu.dma_semaphore, #tpu.memory_space<semaphore_mem>>
      %dma_start3A = tpu.memref_slice %arg2[%add3A_90] : memref<33554432xf32, #tpu.memory_space<hbm>> -> memref<32768xf32, #tpu.memory_space<hbm>>
      %dma_start3A_306 = tpu.memref_slice %arg2[%add3A_90] : memref<33554432xf32, #tpu.memory_space<hbm>> -> memref<32768xf32, #tpu.memory_space<hbm>>
      tpu.enqueue_dma source(%dma_start3A_306 : memref<32768xf32, #tpu.memory_space<hbm>>) target(%arg5 : memref<32768xf32, #tpu.memory_space<vmem>>) target_semaphore(%run_scoped3A : memref<!tpu.dma_semaphore, #tpu.memory_space<semaphore_mem>>)
      %dma_wait3A = tpu.memref_slice %arg2[%add3A_90] : memref<33554432xf32, #tpu.memory_space<hbm>> -> memref<32768xf32, #tpu.memory_space<hbm>>
      %dma_wait3A_307 = tpu.memref_slice %arg2[%add3A_90] : memref<33554432xf32, #tpu.memory_space<hbm>> -> memref<32768xf32, #tpu.memory_space<hbm>>
      tpu.wait_dma2 semaphore(%run_scoped3A : memref<!tpu.dma_semaphore, #tpu.memory_space<semaphore_mem>>) src(%dma_wait3A_307 : memref<32768xf32, #tpu.memory_space<hbm>>) dst(%arg5 : memref<32768xf32, #tpu.memory_space<vmem>>)
      tpu.yield
    }) : () -> ()
    %scan3A_91 = arith.constant 0 : i32
    %scan3A_92 = arith.constant 0 : i32
    %scan3A_93 = arith.constant 512 : i32
    %scan3A_94 = arith.addi %scan3A_92, %scan3A_93 : i32
    %scan3A_95 = arith.constant 1 : i32
    %scan3A_96 = scf.for %scan3A_306 = %scan3A_92 to %scan3A_94 step %scan3A_95 iter_args(%scan3A_307 = %scan3A_91) -> (i32)  : i32 {
      %mul3A_308 = arith.constant 64 : i32
      %mul3A_309 = arith.muli %scan3A_306, %mul3A_308 : i32
      %add3A_310 = arith.constant 0 : i32
      %add3A_311 = arith.addi %mul3A_309, %add3A_310 : i32
      %get3A = arith.index_cast %add3A_311 : i32 to index
      %get3A_312 = tpu.vector_load %arg5[%get3A] {strides = array<i32>} : memref<32768xf32, #tpu.memory_space<vmem>>, vector<16xf32>,
      %get3A_313 = vector.shape_cast %get3A_312 : vector<16xf32> to vector<16xf32>
      %get3A_314 = arith.index_cast %add3A_311 : i32 to index
      %get3A_315 = tpu.vector_load %arg6[%get3A_314] {strides = array<i32>} : memref<32768xf32, #tpu.memory_space<vmem>>, vector<16xf32>,
      %get3A_316 = vector.shape_cast %get3A_315 : vector<16xf32> to vector<16xf32>
      %add3A_317 = arith.addf %get3A_313, %get3A_316 : vector<16xf32>
      %swap3A = arith.index_cast %add3A_311 : i32 to index
      %swap3A_318 = tpu.vector_load %arg5[%swap3A] {strides = array<i32>} : memref<32768xf32, #tpu.memory_space<vmem>>, vector<16xf32>,
      %swap3A_319 = vector.shape_cast %swap3A_318 : vector<16xf32> to vector<16xf32>
      %swap3A_320 = vector.shape_cast %add3A_317 : vector<16xf32> to vector<16xf32>
      tpu.vector_store %arg5[%swap3A], %swap3A_320 {strides = array<i32>} : memref<32768xf32, #tpu.memory_space<vmem>>, vector<16xf32>,
      %mul3A_321 = arith.constant 64 : i32
      %mul3A_322 = arith.muli %scan3A_306, %mul3A_321 : i32
      %add3A_323 = arith.constant 16 : i32
      %add3A_324 = arith.addi %mul3A_322, %add3A_323 : i32
      %get3A_325 = arith.index_cast %add3A_324 : i32 to index
      %get3A_326 = tpu.vector_load %arg5[%get3A_325] {strides = array<i32>} : memref<32768xf32, #tpu.memory_space<vmem>>, vector<16xf32>,
      %get3A_327 = vector.shape_cast %get3A_326 : vector<16xf32> to vector<16xf32>
      %get3A_328 = arith.index_cast %add3A_324 : i32 to index
      %get3A_329 = tpu.vector_load %arg6[%get3A_328] {strides = array<i32>} : memref<32768xf32, #tpu.memory_space<vmem>>, vector<16xf32>,
      %get3A_330 = vector.shape_cast %get3A_329 : vector<16xf32> to vector<16xf32>
      %add3A_331 = arith.addf %get3A_327, %get3A_330 : vector<16xf32>
      %swap3A_332 = arith.index_cast %add3A_324 : i32 to index
      %swap3A_333 = tpu.vector_load %arg5[%swap3A_332] {strides = array<i32>} : memref<32768xf32, #tpu.memory_space<vmem>>, vector<16xf32>,
      %swap3A_334 = vector.shape_cast %swap3A_333 : vector<16xf32> to vector<16xf32>
      %swap3A_335 = vector.shape_cast %add3A_331 : vector<16xf32> to vector<16xf32>
      tpu.vector_store %arg5[%swap3A_332], %swap3A_335 {strides = array<i32>} : memref<32768xf32, #tpu.memory_space<vmem>>, vector<16xf32>,
      %mul3A_336 = arith.constant 64 : i32
      %mul3A_337 = arith.muli %scan3A_306, %mul3A_336 : i32
      %add3A_338 = arith.constant 32 : i32
      %add3A_339 = arith.addi %mul3A_337, %add3A_338 : i32
      %get3A_340 = arith.index_cast %add3A_339 : i32 to index
      %get3A_341 = tpu.vector_load %arg5[%get3A_340] {strides = array<i32>} : memref<32768xf32, #tpu.memory_space<vmem>>, vector<16xf32>,
      %get3A_342 = vector.shape_cast %get3A_341 : vector<16xf32> to vector<16xf32>
      %get3A_343 = arith.index_cast %add3A_339 : i32 to index
      %get3A_344 = tpu.vector_load %arg6[%get3A_343] {strides = array<i32>} : memref<32768xf32, #tpu.memory_space<vmem>>, vector<16xf32>,
      %get3A_345 = vector.shape_cast %get3A_344 : vector<16xf32> to vector<16xf32>
      %add3A_346 = arith.addf %get3A_342, %get3A_345 : vector<16xf32>
      %swap3A_347 = arith.index_cast %add3A_339 : i32 to index
      %swap3A_348 = tpu.vector_load %arg5[%swap3A_347] {strides = array<i32>} : memref<32768xf32, #tpu.memory_space<vmem>>, vector<16xf32>,
      %swap3A_349 = vector.shape_cast %swap3A_348 : vector<16xf32> to vector<16xf32>
      %swap3A_350 = vector.shape_cast %add3A_346 : vector<16xf32> to vector<16xf32>
      tpu.vector_store %arg5[%swap3A_347], %swap3A_350 {strides = array<i32>} : memref<32768xf32, #tpu.memory_space<vmem>>, vector<16xf32>,
      %mul3A_351 = arith.constant 64 : i32
      %mul3A_352 = arith.muli %scan3A_306, %mul3A_351 : i32
      %add3A_353 = arith.constant 48 : i32
      %add3A_354 = arith.addi %mul3A_352, %add3A_353 : i32
      %get3A_355 = arith.index_cast %add3A_354 : i32 to index
      %get3A_356 = tpu.vector_load %arg5[%get3A_355] {strides = array<i32>} : memref<32768xf32, #tpu.memory_space<vmem>>, vector<16xf32>,
      %get3A_357 = vector.shape_cast %get3A_356 : vector<16xf32> to vector<16xf32>
      %get3A_358 = arith.index_cast %add3A_354 : i32 to index
      %get3A_359 = tpu.vector_load %arg6[%get3A_358] {strides = array<i32>} : memref<32768xf32, #tpu.memory_space<vmem>>, vector<16xf32>,
      %get3A_360 = vector.shape_cast %get3A_359 : vector<16xf32> to vector<16xf32>
      %add3A_361 = arith.addf %get3A_357, %get3A_360 : vector<16xf32>
      %swap3A_362 = arith.index_cast %add3A_354 : i32 to index
      %swap3A_363 = tpu.vector_load %arg5[%swap3A_362] {strides = array<i32>} : memref<32768xf32, #tpu.memory_space<vmem>>, vector<16xf32>,
      %swap3A_364 = vector.shape_cast %swap3A_363 : vector<16xf32> to vector<16xf32>
      %swap3A_365 = vector.shape_cast %add3A_361 : vector<16xf32> to vector<16xf32>
      tpu.vector_store %arg5[%swap3A_362], %swap3A_365 {strides = array<i32>} : memref<32768xf32, #tpu.memory_space<vmem>>, vector<16xf32>,
      %scan3A_366 = arith.constant 0 : i32
      scf.yield %scan3A_366 : i32
    }
    %scan3A_97 = arith.constant 512 : i32
    "tpu.region"() ({
      %run_scoped3A = tpu.sem_alloc : memref<!tpu.dma_semaphore, #tpu.memory_space<semaphore_mem>>
      %dma_start3A = tpu.memref_slice %arg4[%add3A_90] : memref<33554432xf32, #tpu.memory_space<hbm>> -> memref<32768xf32, #tpu.memory_space<hbm>>
      %dma_start3A_306 = tpu.memref_slice %arg4[%add3A_90] : memref<33554432xf32, #tpu.memory_space<hbm>> -> memref<32768xf32, #tpu.memory_space<hbm>>
      tpu.enqueue_dma source(%arg5 : memref<32768xf32, #tpu.memory_space<vmem>>) target(%dma_start3A_306 : memref<32768xf32, #tpu.memory_space<hbm>>) target_semaphore(%run_scoped3A : memref<!tpu.dma_semaphore, #tpu.memory_space<semaphore_mem>>)
      %dma_wait3A = tpu.memref_slice %arg4[%add3A_90] : memref<33554432xf32, #tpu.memory_space<hbm>> -> memref<32768xf32, #tpu.memory_space<hbm>>
      %dma_wait3A_307 = tpu.memref_slice %arg4[%add3A_90] : memref<33554432xf32, #tpu.memory_space<hbm>> -> memref<32768xf32, #tpu.memory_space<hbm>>
      tpu.wait_dma2 semaphore(%run_scoped3A : memref<!tpu.dma_semaphore, #tpu.memory_space<semaphore_mem>>) src(%arg5 : memref<32768xf32, #tpu.memory_space<vmem>>) dst(%dma_wait3A_307 : memref<32768xf32, #tpu.memory_space<hbm>>)
      tpu.yield
    }) : () -> ()
    %add3A_98 = arith.constant 16777216 : i32
    %add3A_99 = arith.addi %add3A_98, %add3A_79 : i32
    "tpu.region"() ({
      %run_scoped3A = tpu.sem_alloc : memref<!tpu.dma_semaphore, #tpu.memory_space<semaphore_mem>>
      %dma_start3A = tpu.memref_slice %arg2[%add3A_99] : memref<33554432xf32, #tpu.memory_space<hbm>> -> memref<32768xf32, #tpu.memory_space<hbm>>
      %dma_start3A_306 = tpu.memref_slice %arg2[%add3A_99] : memref<33554432xf32, #tpu.memory_space<hbm>> -> memref<32768xf32, #tpu.memory_space<hbm>>
      tpu.enqueue_dma source(%dma_start3A_306 : memref<32768xf32, #tpu.memory_space<hbm>>) target(%arg5 : memref<32768xf32, #tpu.memory_space<vmem>>) target_semaphore(%run_scoped3A : memref<!tpu.dma_semaphore, #tpu.memory_space<semaphore_mem>>)
      %dma_wait3A = tpu.memref_slice %arg2[%add3A_99] : memref<33554432xf32, #tpu.memory_space<hbm>> -> memref<32768xf32, #tpu.memory_space<hbm>>
      %dma_wait3A_307 = tpu.memref_slice %arg2[%add3A_99] : memref<33554432xf32, #tpu.memory_space<hbm>> -> memref<32768xf32, #tpu.memory_space<hbm>>
      tpu.wait_dma2 semaphore(%run_scoped3A : memref<!tpu.dma_semaphore, #tpu.memory_space<semaphore_mem>>) src(%dma_wait3A_307 : memref<32768xf32, #tpu.memory_space<hbm>>) dst(%arg5 : memref<32768xf32, #tpu.memory_space<vmem>>)
      tpu.yield
    }) : () -> ()
    %scan3A_100 = arith.constant 0 : i32
    %scan3A_101 = arith.constant 0 : i32
    %scan3A_102 = arith.constant 512 : i32
    %scan3A_103 = arith.addi %scan3A_101, %scan3A_102 : i32
    %scan3A_104 = arith.constant 1 : i32
    %scan3A_105 = scf.for %scan3A_306 = %scan3A_101 to %scan3A_103 step %scan3A_104 iter_args(%scan3A_307 = %scan3A_100) -> (i32)  : i32 {
      %mul3A_308 = arith.constant 64 : i32
      %mul3A_309 = arith.muli %scan3A_306, %mul3A_308 : i32
      %add3A_310 = arith.constant 0 : i32
      %add3A_311 = arith.addi %mul3A_309, %add3A_310 : i32
      %get3A = arith.index_cast %add3A_311 : i32 to index
      %get3A_312 = tpu.vector_load %arg5[%get3A] {strides = array<i32>} : memref<32768xf32, #tpu.memory_space<vmem>>, vector<16xf32>,
      %get3A_313 = vector.shape_cast %get3A_312 : vector<16xf32> to vector<16xf32>
      %get3A_314 = arith.index_cast %add3A_311 : i32 to index
      %get3A_315 = tpu.vector_load %arg6[%get3A_314] {strides = array<i32>} : memref<32768xf32, #tpu.memory_space<vmem>>, vector<16xf32>,
      %get3A_316 = vector.shape_cast %get3A_315 : vector<16xf32> to vector<16xf32>
      %add3A_317 = arith.addf %get3A_313, %get3A_316 : vector<16xf32>
      %swap3A = arith.index_cast %add3A_311 : i32 to index
      %swap3A_318 = tpu.vector_load %arg5[%swap3A] {strides = array<i32>} : memref<32768xf32, #tpu.memory_space<vmem>>, vector<16xf32>,
      %swap3A_319 = vector.shape_cast %swap3A_318 : vector<16xf32> to vector<16xf32>
      %swap3A_320 = vector.shape_cast %add3A_317 : vector<16xf32> to vector<16xf32>
      tpu.vector_store %arg5[%swap3A], %swap3A_320 {strides = array<i32>} : memref<32768xf32, #tpu.memory_space<vmem>>, vector<16xf32>,
      %mul3A_321 = arith.constant 64 : i32
      %mul3A_322 = arith.muli %scan3A_306, %mul3A_321 : i32
      %add3A_323 = arith.constant 16 : i32
      %add3A_324 = arith.addi %mul3A_322, %add3A_323 : i32
      %get3A_325 = arith.index_cast %add3A_324 : i32 to index
      %get3A_326 = tpu.vector_load %arg5[%get3A_325] {strides = array<i32>} : memref<32768xf32, #tpu.memory_space<vmem>>, vector<16xf32>,
      %get3A_327 = vector.shape_cast %get3A_326 : vector<16xf32> to vector<16xf32>
      %get3A_328 = arith.index_cast %add3A_324 : i32 to index
      %get3A_329 = tpu.vector_load %arg6[%get3A_328] {strides = array<i32>} : memref<32768xf32, #tpu.memory_space<vmem>>, vector<16xf32>,
      %get3A_330 = vector.shape_cast %get3A_329 : vector<16xf32> to vector<16xf32>
      %add3A_331 = arith.addf %get3A_327, %get3A_330 : vector<16xf32>
      %swap3A_332 = arith.index_cast %add3A_324 : i32 to index
      %swap3A_333 = tpu.vector_load %arg5[%swap3A_332] {strides = array<i32>} : memref<32768xf32, #tpu.memory_space<vmem>>, vector<16xf32>,
      %swap3A_334 = vector.shape_cast %swap3A_333 : vector<16xf32> to vector<16xf32>
      %swap3A_335 = vector.shape_cast %add3A_331 : vector<16xf32> to vector<16xf32>
      tpu.vector_store %arg5[%swap3A_332], %swap3A_335 {strides = array<i32>} : memref<32768xf32, #tpu.memory_space<vmem>>, vector<16xf32>,
      %mul3A_336 = arith.constant 64 : i32
      %mul3A_337 = arith.muli %scan3A_306, %mul3A_336 : i32
      %add3A_338 = arith.constant 32 : i32
      %add3A_339 = arith.addi %mul3A_337, %add3A_338 : i32
      %get3A_340 = arith.index_cast %add3A_339 : i32 to index
      %get3A_341 = tpu.vector_load %arg5[%get3A_340] {strides = array<i32>} : memref<32768xf32, #tpu.memory_space<vmem>>, vector<16xf32>,
      %get3A_342 = vector.shape_cast %get3A_341 : vector<16xf32> to vector<16xf32>
      %get3A_343 = arith.index_cast %add3A_339 : i32 to index
      %get3A_344 = tpu.vector_load %arg6[%get3A_343] {strides = array<i32>} : memref<32768xf32, #tpu.memory_space<vmem>>, vector<16xf32>,
      %get3A_345 = vector.shape_cast %get3A_344 : vector<16xf32> to vector<16xf32>
      %add3A_346 = arith.addf %get3A_342, %get3A_345 : vector<16xf32>
      %swap3A_347 = arith.index_cast %add3A_339 : i32 to index
      %swap3A_348 = tpu.vector_load %arg5[%swap3A_347] {strides = array<i32>} : memref<32768xf32, #tpu.memory_space<vmem>>, vector<16xf32>,
      %swap3A_349 = vector.shape_cast %swap3A_348 : vector<16xf32> to vector<16xf32>
      %swap3A_350 = vector.shape_cast %add3A_346 : vector<16xf32> to vector<16xf32>
      tpu.vector_store %arg5[%swap3A_347], %swap3A_350 {strides = array<i32>} : memref<32768xf32, #tpu.memory_space<vmem>>, vector<16xf32>,
      %mul3A_351 = arith.constant 64 : i32
      %mul3A_352 = arith.muli %scan3A_306, %mul3A_351 : i32
      %add3A_353 = arith.constant 48 : i32
      %add3A_354 = arith.addi %mul3A_352, %add3A_353 : i32
      %get3A_355 = arith.index_cast %add3A_354 : i32 to index
      %get3A_356 = tpu.vector_load %arg5[%get3A_355] {strides = array<i32>} : memref<32768xf32, #tpu.memory_space<vmem>>, vector<16xf32>,
      %get3A_357 = vector.shape_cast %get3A_356 : vector<16xf32> to vector<16xf32>
      %get3A_358 = arith.index_cast %add3A_354 : i32 to index
      %get3A_359 = tpu.vector_load %arg6[%get3A_358] {strides = array<i32>} : memref<32768xf32, #tpu.memory_space<vmem>>, vector<16xf32>,
      %get3A_360 = vector.shape_cast %get3A_359 : vector<16xf32> to vector<16xf32>
      %add3A_361 = arith.addf %get3A_357, %get3A_360 : vector<16xf32>
      %swap3A_362 = arith.index_cast %add3A_354 : i32 to index
      %swap3A_363 = tpu.vector_load %arg5[%swap3A_362] {strides = array<i32>} : memref<32768xf32, #tpu.memory_space<vmem>>, vector<16xf32>,
      %swap3A_364 = vector.shape_cast %swap3A_363 : vector<16xf32> to vector<16xf32>
      %swap3A_365 = vector.shape_cast %add3A_361 : vector<16xf32> to vector<16xf32>
      tpu.vector_store %arg5[%swap3A_362], %swap3A_365 {strides = array<i32>} : memref<32768xf32, #tpu.memory_space<vmem>>, vector<16xf32>,
      %scan3A_366 = arith.constant 0 : i32
      scf.yield %scan3A_366 : i32
    }
    %scan3A_106 = arith.constant 512 : i32
    "tpu.region"() ({
      %run_scoped3A = tpu.sem_alloc : memref<!tpu.dma_semaphore, #tpu.memory_space<semaphore_mem>>
      %dma_start3A = tpu.memref_slice %arg4[%add3A_99] : memref<33554432xf32, #tpu.memory_space<hbm>> -> memref<32768xf32, #tpu.memory_space<hbm>>
      %dma_start3A_306 = tpu.memref_slice %arg4[%add3A_99] : memref<33554432xf32, #tpu.memory_space<hbm>> -> memref<32768xf32, #tpu.memory_space<hbm>>
      tpu.enqueue_dma source(%arg5 : memref<32768xf32, #tpu.memory_space<vmem>>) target(%dma_start3A_306 : memref<32768xf32, #tpu.memory_space<hbm>>) target_semaphore(%run_scoped3A : memref<!tpu.dma_semaphore, #tpu.memory_space<semaphore_mem>>)
      %dma_wait3A = tpu.memref_slice %arg4[%add3A_99] : memref<33554432xf32, #tpu.memory_space<hbm>> -> memref<32768xf32, #tpu.memory_space<hbm>>
      %dma_wait3A_307 = tpu.memref_slice %arg4[%add3A_99] : memref<33554432xf32, #tpu.memory_space<hbm>> -> memref<32768xf32, #tpu.memory_space<hbm>>
      tpu.wait_dma2 semaphore(%run_scoped3A : memref<!tpu.dma_semaphore, #tpu.memory_space<semaphore_mem>>) src(%arg5 : memref<32768xf32, #tpu.memory_space<vmem>>) dst(%dma_wait3A_307 : memref<32768xf32, #tpu.memory_space<hbm>>)
      tpu.yield
    }) : () -> ()
    %add3A_107 = arith.constant 25165824 : i32
    %add3A_108 = arith.addi %add3A_107, %add3A_79 : i32
    "tpu.region"() ({
      %run_scoped3A = tpu.sem_alloc : memref<!tpu.dma_semaphore, #tpu.memory_space<semaphore_mem>>
      %dma_start3A = tpu.memref_slice %arg2[%add3A_108] : memref<33554432xf32, #tpu.memory_space<hbm>> -> memref<32768xf32, #tpu.memory_space<hbm>>
      %dma_start3A_306 = tpu.memref_slice %arg2[%add3A_108] : memref<33554432xf32, #tpu.memory_space<hbm>> -> memref<32768xf32, #tpu.memory_space<hbm>>
      tpu.enqueue_dma source(%dma_start3A_306 : memref<32768xf32, #tpu.memory_space<hbm>>) target(%arg5 : memref<32768xf32, #tpu.memory_space<vmem>>) target_semaphore(%run_scoped3A : memref<!tpu.dma_semaphore, #tpu.memory_space<semaphore_mem>>)
      %dma_wait3A = tpu.memref_slice %arg2[%add3A_108] : memref<33554432xf32, #tpu.memory_space<hbm>> -> memref<32768xf32, #tpu.memory_space<hbm>>
      %dma_wait3A_307 = tpu.memref_slice %arg2[%add3A_108] : memref<33554432xf32, #tpu.memory_space<hbm>> -> memref<32768xf32, #tpu.memory_space<hbm>>
      tpu.wait_dma2 semaphore(%run_scoped3A : memref<!tpu.dma_semaphore, #tpu.memory_space<semaphore_mem>>) src(%dma_wait3A_307 : memref<32768xf32, #tpu.memory_space<hbm>>) dst(%arg5 : memref<32768xf32, #tpu.memory_space<vmem>>)
      tpu.yield
    }) : () -> ()
    %scan3A_109 = arith.constant 0 : i32
    %scan3A_110 = arith.constant 0 : i32
    %scan3A_111 = arith.constant 512 : i32
    %scan3A_112 = arith.addi %scan3A_110, %scan3A_111 : i32
    %scan3A_113 = arith.constant 1 : i32
    %scan3A_114 = scf.for %scan3A_306 = %scan3A_110 to %scan3A_112 step %scan3A_113 iter_args(%scan3A_307 = %scan3A_109) -> (i32)  : i32 {
      %mul3A_308 = arith.constant 64 : i32
      %mul3A_309 = arith.muli %scan3A_306, %mul3A_308 : i32
      %add3A_310 = arith.constant 0 : i32
      %add3A_311 = arith.addi %mul3A_309, %add3A_310 : i32
      %get3A = arith.index_cast %add3A_311 : i32 to index
      %get3A_312 = tpu.vector_load %arg5[%get3A] {strides = array<i32>} : memref<32768xf32, #tpu.memory_space<vmem>>, vector<16xf32>,
      %get3A_313 = vector.shape_cast %get3A_312 : vector<16xf32> to vector<16xf32>
      %get3A_314 = arith.index_cast %add3A_311 : i32 to index
      %get3A_315 = tpu.vector_load %arg6[%get3A_314] {strides = array<i32>} : memref<32768xf32, #tpu.memory_space<vmem>>, vector<16xf32>,
      %get3A_316 = vector.shape_cast %get3A_315 : vector<16xf32> to vector<16xf32>
      %add3A_317 = arith.addf %get3A_313, %get3A_316 : vector<16xf32>
      %swap3A = arith.index_cast %add3A_311 : i32 to index
      %swap3A_318 = tpu.vector_load %arg5[%swap3A] {strides = array<i32>} : memref<32768xf32, #tpu.memory_space<vmem>>, vector<16xf32>,
      %swap3A_319 = vector.shape_cast %swap3A_318 : vector<16xf32> to vector<16xf32>
      %swap3A_320 = vector.shape_cast %add3A_317 : vector<16xf32> to vector<16xf32>
      tpu.vector_store %arg5[%swap3A], %swap3A_320 {strides = array<i32>} : memref<32768xf32, #tpu.memory_space<vmem>>, vector<16xf32>,
      %mul3A_321 = arith.constant 64 : i32
      %mul3A_322 = arith.muli %scan3A_306, %mul3A_321 : i32
      %add3A_323 = arith.constant 16 : i32
      %add3A_324 = arith.addi %mul3A_322, %add3A_323 : i32
      %get3A_325 = arith.index_cast %add3A_324 : i32 to index
      %get3A_326 = tpu.vector_load %arg5[%get3A_325] {strides = array<i32>} : memref<32768xf32, #tpu.memory_space<vmem>>, vector<16xf32>,
      %get3A_327 = vector.shape_cast %get3A_326 : vector<16xf32> to vector<16xf32>
      %get3A_328 = arith.index_cast %add3A_324 : i32 to index
      %get3A_329 = tpu.vector_load %arg6[%get3A_328] {strides = array<i32>} : memref<32768xf32, #tpu.memory_space<vmem>>, vector<16xf32>,
      %get3A_330 = vector.shape_cast %get3A_329 : vector<16xf32> to vector<16xf32>
      %add3A_331 = arith.addf %get3A_327, %get3A_330 : vector<16xf32>
      %swap3A_332 = arith.index_cast %add3A_324 : i32 to index
      %swap3A_333 = tpu.vector_load %arg5[%swap3A_332] {strides = array<i32>} : memref<32768xf32, #tpu.memory_space<vmem>>, vector<16xf32>,
      %swap3A_334 = vector.shape_cast %swap3A_333 : vector<16xf32> to vector<16xf32>
      %swap3A_335 = vector.shape_cast %add3A_331 : vector<16xf32> to vector<16xf32>
      tpu.vector_store %arg5[%swap3A_332], %swap3A_335 {strides = array<i32>} : memref<32768xf32, #tpu.memory_space<vmem>>, vector<16xf32>,
      %mul3A_336 = arith.constant 64 : i32
      %mul3A_337 = arith.muli %scan3A_306, %mul3A_336 : i32
      %add3A_338 = arith.constant 32 : i32
      %add3A_339 = arith.addi %mul3A_337, %add3A_338 : i32
      %get3A_340 = arith.index_cast %add3A_339 : i32 to index
      %get3A_341 = tpu.vector_load %arg5[%get3A_340] {strides = array<i32>} : memref<32768xf32, #tpu.memory_space<vmem>>, vector<16xf32>,
      %get3A_342 = vector.shape_cast %get3A_341 : vector<16xf32> to vector<16xf32>
      %get3A_343 = arith.index_cast %add3A_339 : i32 to index
      %get3A_344 = tpu.vector_load %arg6[%get3A_343] {strides = array<i32>} : memref<32768xf32, #tpu.memory_space<vmem>>, vector<16xf32>,
      %get3A_345 = vector.shape_cast %get3A_344 : vector<16xf32> to vector<16xf32>
      %add3A_346 = arith.addf %get3A_342, %get3A_345 : vector<16xf32>
      %swap3A_347 = arith.index_cast %add3A_339 : i32 to index
      %swap3A_348 = tpu.vector_load %arg5[%swap3A_347] {strides = array<i32>} : memref<32768xf32, #tpu.memory_space<vmem>>, vector<16xf32>,
      %swap3A_349 = vector.shape_cast %swap3A_348 : vector<16xf32> to vector<16xf32>
      %swap3A_350 = vector.shape_cast %add3A_346 : vector<16xf32> to vector<16xf32>
      tpu.vector_store %arg5[%swap3A_347], %swap3A_350 {strides = array<i32>} : memref<32768xf32, #tpu.memory_space<vmem>>, vector<16xf32>,
      %mul3A_351 = arith.constant 64 : i32
      %mul3A_352 = arith.muli %scan3A_306, %mul3A_351 : i32
      %add3A_353 = arith.constant 48 : i32
      %add3A_354 = arith.addi %mul3A_352, %add3A_353 : i32
      %get3A_355 = arith.index_cast %add3A_354 : i32 to index
      %get3A_356 = tpu.vector_load %arg5[%get3A_355] {strides = array<i32>} : memref<32768xf32, #tpu.memory_space<vmem>>, vector<16xf32>,
      %get3A_357 = vector.shape_cast %get3A_356 : vector<16xf32> to vector<16xf32>
      %get3A_358 = arith.index_cast %add3A_354 : i32 to index
      %get3A_359 = tpu.vector_load %arg6[%get3A_358] {strides = array<i32>} : memref<32768xf32, #tpu.memory_space<vmem>>, vector<16xf32>,
      %get3A_360 = vector.shape_cast %get3A_359 : vector<16xf32> to vector<16xf32>
      %add3A_361 = arith.addf %get3A_357, %get3A_360 : vector<16xf32>
      %swap3A_362 = arith.index_cast %add3A_354 : i32 to index
      %swap3A_363 = tpu.vector_load %arg5[%swap3A_362] {strides = array<i32>} : memref<32768xf32, #tpu.memory_space<vmem>>, vector<16xf32>,
      %swap3A_364 = vector.shape_cast %swap3A_363 : vector<16xf32> to vector<16xf32>
      %swap3A_365 = vector.shape_cast %add3A_361 : vector<16xf32> to vector<16xf32>
      tpu.vector_store %arg5[%swap3A_362], %swap3A_365 {strides = array<i32>} : memref<32768xf32, #tpu.memory_space<vmem>>, vector<16xf32>,
      %scan3A_366 = arith.constant 0 : i32
      scf.yield %scan3A_366 : i32
    }
    %scan3A_115 = arith.constant 512 : i32
    "tpu.region"() ({
      %run_scoped3A = tpu.sem_alloc : memref<!tpu.dma_semaphore, #tpu.memory_space<semaphore_mem>>
      %dma_start3A = tpu.memref_slice %arg4[%add3A_108] : memref<33554432xf32, #tpu.memory_space<hbm>> -> memref<32768xf32, #tpu.memory_space<hbm>>
      %dma_start3A_306 = tpu.memref_slice %arg4[%add3A_108] : memref<33554432xf32, #tpu.memory_space<hbm>> -> memref<32768xf32, #tpu.memory_space<hbm>>
      tpu.enqueue_dma source(%arg5 : memref<32768xf32, #tpu.memory_space<vmem>>) target(%dma_start3A_306 : memref<32768xf32, #tpu.memory_space<hbm>>) target_semaphore(%run_scoped3A : memref<!tpu.dma_semaphore, #tpu.memory_space<semaphore_mem>>)
      %dma_wait3A = tpu.memref_slice %arg4[%add3A_108] : memref<33554432xf32, #tpu.memory_space<hbm>> -> memref<32768xf32, #tpu.memory_space<hbm>>
      %dma_wait3A_307 = tpu.memref_slice %arg4[%add3A_108] : memref<33554432xf32, #tpu.memory_space<hbm>> -> memref<32768xf32, #tpu.memory_space<hbm>>
      tpu.wait_dma2 semaphore(%run_scoped3A : memref<!tpu.dma_semaphore, #tpu.memory_space<semaphore_mem>>) src(%arg5 : memref<32768xf32, #tpu.memory_space<vmem>>) dst(%dma_wait3A_307 : memref<32768xf32, #tpu.memory_space<hbm>>)
      tpu.yield
    }) : () -> ()
    %add3A_116 = arith.constant 98304 : i32
    %add3A_117 = arith.addi %mul3A_2, %add3A_116 : i32
    "tpu.region"() ({
      %run_scoped3A = tpu.sem_alloc : memref<!tpu.dma_semaphore, #tpu.memory_space<semaphore_mem>>
      %dma_start3A = tpu.memref_slice %arg3[%add3A_117] : memref<8388608xf32, #tpu.memory_space<hbm>> -> memref<32768xf32, #tpu.memory_space<hbm>>
      %dma_start3A_306 = tpu.memref_slice %arg3[%add3A_117] : memref<8388608xf32, #tpu.memory_space<hbm>> -> memref<32768xf32, #tpu.memory_space<hbm>>
      tpu.enqueue_dma source(%dma_start3A_306 : memref<32768xf32, #tpu.memory_space<hbm>>) target(%arg6 : memref<32768xf32, #tpu.memory_space<vmem>>) target_semaphore(%run_scoped3A : memref<!tpu.dma_semaphore, #tpu.memory_space<semaphore_mem>>)
      %dma_wait3A = tpu.memref_slice %arg3[%add3A_117] : memref<8388608xf32, #tpu.memory_space<hbm>> -> memref<32768xf32, #tpu.memory_space<hbm>>
      %dma_wait3A_307 = tpu.memref_slice %arg3[%add3A_117] : memref<8388608xf32, #tpu.memory_space<hbm>> -> memref<32768xf32, #tpu.memory_space<hbm>>
      tpu.wait_dma2 semaphore(%run_scoped3A : memref<!tpu.dma_semaphore, #tpu.memory_space<semaphore_mem>>) src(%dma_wait3A_307 : memref<32768xf32, #tpu.memory_space<hbm>>) dst(%arg6 : memref<32768xf32, #tpu.memory_space<vmem>>)
      tpu.yield
    }) : () -> ()
    %add3A_118 = arith.constant 0 : i32
    %add3A_119 = arith.addi %add3A_118, %add3A_117 : i32
    "tpu.region"() ({
      %run_scoped3A = tpu.sem_alloc : memref<!tpu.dma_semaphore, #tpu.memory_space<semaphore_mem>>
      %dma_start3A = tpu.memref_slice %arg2[%add3A_119] : memref<33554432xf32, #tpu.memory_space<hbm>> -> memref<32768xf32, #tpu.memory_space<hbm>>
      %dma_start3A_306 = tpu.memref_slice %arg2[%add3A_119] : memref<33554432xf32, #tpu.memory_space<hbm>> -> memref<32768xf32, #tpu.memory_space<hbm>>
      tpu.enqueue_dma source(%dma_start3A_306 : memref<32768xf32, #tpu.memory_space<hbm>>) target(%arg5 : memref<32768xf32, #tpu.memory_space<vmem>>) target_semaphore(%run_scoped3A : memref<!tpu.dma_semaphore, #tpu.memory_space<semaphore_mem>>)
      %dma_wait3A = tpu.memref_slice %arg2[%add3A_119] : memref<33554432xf32, #tpu.memory_space<hbm>> -> memref<32768xf32, #tpu.memory_space<hbm>>
      %dma_wait3A_307 = tpu.memref_slice %arg2[%add3A_119] : memref<33554432xf32, #tpu.memory_space<hbm>> -> memref<32768xf32, #tpu.memory_space<hbm>>
      tpu.wait_dma2 semaphore(%run_scoped3A : memref<!tpu.dma_semaphore, #tpu.memory_space<semaphore_mem>>) src(%dma_wait3A_307 : memref<32768xf32, #tpu.memory_space<hbm>>) dst(%arg5 : memref<32768xf32, #tpu.memory_space<vmem>>)
      tpu.yield
    }) : () -> ()
    %scan3A_120 = arith.constant 0 : i32
    %scan3A_121 = arith.constant 0 : i32
    %scan3A_122 = arith.constant 512 : i32
    %scan3A_123 = arith.addi %scan3A_121, %scan3A_122 : i32
    %scan3A_124 = arith.constant 1 : i32
    %scan3A_125 = scf.for %scan3A_306 = %scan3A_121 to %scan3A_123 step %scan3A_124 iter_args(%scan3A_307 = %scan3A_120) -> (i32)  : i32 {
      %mul3A_308 = arith.constant 64 : i32
      %mul3A_309 = arith.muli %scan3A_306, %mul3A_308 : i32
      %add3A_310 = arith.constant 0 : i32
      %add3A_311 = arith.addi %mul3A_309, %add3A_310 : i32
      %get3A = arith.index_cast %add3A_311 : i32 to index
      %get3A_312 = tpu.vector_load %arg5[%get3A] {strides = array<i32>} : memref<32768xf32, #tpu.memory_space<vmem>>, vector<16xf32>,
      %get3A_313 = vector.shape_cast %get3A_312 : vector<16xf32> to vector<16xf32>
      %get3A_314 = arith.index_cast %add3A_311 : i32 to index
      %get3A_315 = tpu.vector_load %arg6[%get3A_314] {strides = array<i32>} : memref<32768xf32, #tpu.memory_space<vmem>>, vector<16xf32>,
      %get3A_316 = vector.shape_cast %get3A_315 : vector<16xf32> to vector<16xf32>
      %add3A_317 = arith.addf %get3A_313, %get3A_316 : vector<16xf32>
      %swap3A = arith.index_cast %add3A_311 : i32 to index
      %swap3A_318 = tpu.vector_load %arg5[%swap3A] {strides = array<i32>} : memref<32768xf32, #tpu.memory_space<vmem>>, vector<16xf32>,
      %swap3A_319 = vector.shape_cast %swap3A_318 : vector<16xf32> to vector<16xf32>
      %swap3A_320 = vector.shape_cast %add3A_317 : vector<16xf32> to vector<16xf32>
      tpu.vector_store %arg5[%swap3A], %swap3A_320 {strides = array<i32>} : memref<32768xf32, #tpu.memory_space<vmem>>, vector<16xf32>,
      %mul3A_321 = arith.constant 64 : i32
      %mul3A_322 = arith.muli %scan3A_306, %mul3A_321 : i32
      %add3A_323 = arith.constant 16 : i32
      %add3A_324 = arith.addi %mul3A_322, %add3A_323 : i32
      %get3A_325 = arith.index_cast %add3A_324 : i32 to index
      %get3A_326 = tpu.vector_load %arg5[%get3A_325] {strides = array<i32>} : memref<32768xf32, #tpu.memory_space<vmem>>, vector<16xf32>,
      %get3A_327 = vector.shape_cast %get3A_326 : vector<16xf32> to vector<16xf32>
      %get3A_328 = arith.index_cast %add3A_324 : i32 to index
      %get3A_329 = tpu.vector_load %arg6[%get3A_328] {strides = array<i32>} : memref<32768xf32, #tpu.memory_space<vmem>>, vector<16xf32>,
      %get3A_330 = vector.shape_cast %get3A_329 : vector<16xf32> to vector<16xf32>
      %add3A_331 = arith.addf %get3A_327, %get3A_330 : vector<16xf32>
      %swap3A_332 = arith.index_cast %add3A_324 : i32 to index
      %swap3A_333 = tpu.vector_load %arg5[%swap3A_332] {strides = array<i32>} : memref<32768xf32, #tpu.memory_space<vmem>>, vector<16xf32>,
      %swap3A_334 = vector.shape_cast %swap3A_333 : vector<16xf32> to vector<16xf32>
      %swap3A_335 = vector.shape_cast %add3A_331 : vector<16xf32> to vector<16xf32>
      tpu.vector_store %arg5[%swap3A_332], %swap3A_335 {strides = array<i32>} : memref<32768xf32, #tpu.memory_space<vmem>>, vector<16xf32>,
      %mul3A_336 = arith.constant 64 : i32
      %mul3A_337 = arith.muli %scan3A_306, %mul3A_336 : i32
      %add3A_338 = arith.constant 32 : i32
      %add3A_339 = arith.addi %mul3A_337, %add3A_338 : i32
      %get3A_340 = arith.index_cast %add3A_339 : i32 to index
      %get3A_341 = tpu.vector_load %arg5[%get3A_340] {strides = array<i32>} : memref<32768xf32, #tpu.memory_space<vmem>>, vector<16xf32>,
      %get3A_342 = vector.shape_cast %get3A_341 : vector<16xf32> to vector<16xf32>
      %get3A_343 = arith.index_cast %add3A_339 : i32 to index
      %get3A_344 = tpu.vector_load %arg6[%get3A_343] {strides = array<i32>} : memref<32768xf32, #tpu.memory_space<vmem>>, vector<16xf32>,
      %get3A_345 = vector.shape_cast %get3A_344 : vector<16xf32> to vector<16xf32>
      %add3A_346 = arith.addf %get3A_342, %get3A_345 : vector<16xf32>
      %swap3A_347 = arith.index_cast %add3A_339 : i32 to index
      %swap3A_348 = tpu.vector_load %arg5[%swap3A_347] {strides = array<i32>} : memref<32768xf32, #tpu.memory_space<vmem>>, vector<16xf32>,
      %swap3A_349 = vector.shape_cast %swap3A_348 : vector<16xf32> to vector<16xf32>
      %swap3A_350 = vector.shape_cast %add3A_346 : vector<16xf32> to vector<16xf32>
      tpu.vector_store %arg5[%swap3A_347], %swap3A_350 {strides = array<i32>} : memref<32768xf32, #tpu.memory_space<vmem>>, vector<16xf32>,
      %mul3A_351 = arith.constant 64 : i32
      %mul3A_352 = arith.muli %scan3A_306, %mul3A_351 : i32
      %add3A_353 = arith.constant 48 : i32
      %add3A_354 = arith.addi %mul3A_352, %add3A_353 : i32
      %get3A_355 = arith.index_cast %add3A_354 : i32 to index
      %get3A_356 = tpu.vector_load %arg5[%get3A_355] {strides = array<i32>} : memref<32768xf32, #tpu.memory_space<vmem>>, vector<16xf32>,
      %get3A_357 = vector.shape_cast %get3A_356 : vector<16xf32> to vector<16xf32>
      %get3A_358 = arith.index_cast %add3A_354 : i32 to index
      %get3A_359 = tpu.vector_load %arg6[%get3A_358] {strides = array<i32>} : memref<32768xf32, #tpu.memory_space<vmem>>, vector<16xf32>,
      %get3A_360 = vector.shape_cast %get3A_359 : vector<16xf32> to vector<16xf32>
      %add3A_361 = arith.addf %get3A_357, %get3A_360 : vector<16xf32>
      %swap3A_362 = arith.index_cast %add3A_354 : i32 to index
      %swap3A_363 = tpu.vector_load %arg5[%swap3A_362] {strides = array<i32>} : memref<32768xf32, #tpu.memory_space<vmem>>, vector<16xf32>,
      %swap3A_364 = vector.shape_cast %swap3A_363 : vector<16xf32> to vector<16xf32>
      %swap3A_365 = vector.shape_cast %add3A_361 : vector<16xf32> to vector<16xf32>
      tpu.vector_store %arg5[%swap3A_362], %swap3A_365 {strides = array<i32>} : memref<32768xf32, #tpu.memory_space<vmem>>, vector<16xf32>,
      %scan3A_366 = arith.constant 0 : i32
      scf.yield %scan3A_366 : i32
    }
    %scan3A_126 = arith.constant 512 : i32
    "tpu.region"() ({
      %run_scoped3A = tpu.sem_alloc : memref<!tpu.dma_semaphore, #tpu.memory_space<semaphore_mem>>
      %dma_start3A = tpu.memref_slice %arg4[%add3A_119] : memref<33554432xf32, #tpu.memory_space<hbm>> -> memref<32768xf32, #tpu.memory_space<hbm>>
      %dma_start3A_306 = tpu.memref_slice %arg4[%add3A_119] : memref<33554432xf32, #tpu.memory_space<hbm>> -> memref<32768xf32, #tpu.memory_space<hbm>>
      tpu.enqueue_dma source(%arg5 : memref<32768xf32, #tpu.memory_space<vmem>>) target(%dma_start3A_306 : memref<32768xf32, #tpu.memory_space<hbm>>) target_semaphore(%run_scoped3A : memref<!tpu.dma_semaphore, #tpu.memory_space<semaphore_mem>>)
      %dma_wait3A = tpu.memref_slice %arg4[%add3A_119] : memref<33554432xf32, #tpu.memory_space<hbm>> -> memref<32768xf32, #tpu.memory_space<hbm>>
      %dma_wait3A_307 = tpu.memref_slice %arg4[%add3A_119] : memref<33554432xf32, #tpu.memory_space<hbm>> -> memref<32768xf32, #tpu.memory_space<hbm>>
      tpu.wait_dma2 semaphore(%run_scoped3A : memref<!tpu.dma_semaphore, #tpu.memory_space<semaphore_mem>>) src(%arg5 : memref<32768xf32, #tpu.memory_space<vmem>>) dst(%dma_wait3A_307 : memref<32768xf32, #tpu.memory_space<hbm>>)
      tpu.yield
    }) : () -> ()
    %add3A_127 = arith.constant 8388608 : i32
    %add3A_128 = arith.addi %add3A_127, %add3A_117 : i32
    "tpu.region"() ({
      %run_scoped3A = tpu.sem_alloc : memref<!tpu.dma_semaphore, #tpu.memory_space<semaphore_mem>>
      %dma_start3A = tpu.memref_slice %arg2[%add3A_128] : memref<33554432xf32, #tpu.memory_space<hbm>> -> memref<32768xf32, #tpu.memory_space<hbm>>
      %dma_start3A_306 = tpu.memref_slice %arg2[%add3A_128] : memref<33554432xf32, #tpu.memory_space<hbm>> -> memref<32768xf32, #tpu.memory_space<hbm>>
      tpu.enqueue_dma source(%dma_start3A_306 : memref<32768xf32, #tpu.memory_space<hbm>>) target(%arg5 : memref<32768xf32, #tpu.memory_space<vmem>>) target_semaphore(%run_scoped3A : memref<!tpu.dma_semaphore, #tpu.memory_space<semaphore_mem>>)
      %dma_wait3A = tpu.memref_slice %arg2[%add3A_128] : memref<33554432xf32, #tpu.memory_space<hbm>> -> memref<32768xf32, #tpu.memory_space<hbm>>
      %dma_wait3A_307 = tpu.memref_slice %arg2[%add3A_128] : memref<33554432xf32, #tpu.memory_space<hbm>> -> memref<32768xf32, #tpu.memory_space<hbm>>
      tpu.wait_dma2 semaphore(%run_scoped3A : memref<!tpu.dma_semaphore, #tpu.memory_space<semaphore_mem>>) src(%dma_wait3A_307 : memref<32768xf32, #tpu.memory_space<hbm>>) dst(%arg5 : memref<32768xf32, #tpu.memory_space<vmem>>)
      tpu.yield
    }) : () -> ()
    %scan3A_129 = arith.constant 0 : i32
    %scan3A_130 = arith.constant 0 : i32
    %scan3A_131 = arith.constant 512 : i32
    %scan3A_132 = arith.addi %scan3A_130, %scan3A_131 : i32
    %scan3A_133 = arith.constant 1 : i32
    %scan3A_134 = scf.for %scan3A_306 = %scan3A_130 to %scan3A_132 step %scan3A_133 iter_args(%scan3A_307 = %scan3A_129) -> (i32)  : i32 {
      %mul3A_308 = arith.constant 64 : i32
      %mul3A_309 = arith.muli %scan3A_306, %mul3A_308 : i32
      %add3A_310 = arith.constant 0 : i32
      %add3A_311 = arith.addi %mul3A_309, %add3A_310 : i32
      %get3A = arith.index_cast %add3A_311 : i32 to index
      %get3A_312 = tpu.vector_load %arg5[%get3A] {strides = array<i32>} : memref<32768xf32, #tpu.memory_space<vmem>>, vector<16xf32>,
      %get3A_313 = vector.shape_cast %get3A_312 : vector<16xf32> to vector<16xf32>
      %get3A_314 = arith.index_cast %add3A_311 : i32 to index
      %get3A_315 = tpu.vector_load %arg6[%get3A_314] {strides = array<i32>} : memref<32768xf32, #tpu.memory_space<vmem>>, vector<16xf32>,
      %get3A_316 = vector.shape_cast %get3A_315 : vector<16xf32> to vector<16xf32>
      %add3A_317 = arith.addf %get3A_313, %get3A_316 : vector<16xf32>
      %swap3A = arith.index_cast %add3A_311 : i32 to index
      %swap3A_318 = tpu.vector_load %arg5[%swap3A] {strides = array<i32>} : memref<32768xf32, #tpu.memory_space<vmem>>, vector<16xf32>,
      %swap3A_319 = vector.shape_cast %swap3A_318 : vector<16xf32> to vector<16xf32>
      %swap3A_320 = vector.shape_cast %add3A_317 : vector<16xf32> to vector<16xf32>
      tpu.vector_store %arg5[%swap3A], %swap3A_320 {strides = array<i32>} : memref<32768xf32, #tpu.memory_space<vmem>>, vector<16xf32>,
      %mul3A_321 = arith.constant 64 : i32
      %mul3A_322 = arith.muli %scan3A_306, %mul3A_321 : i32
      %add3A_323 = arith.constant 16 : i32
      %add3A_324 = arith.addi %mul3A_322, %add3A_323 : i32
      %get3A_325 = arith.index_cast %add3A_324 : i32 to index
      %get3A_326 = tpu.vector_load %arg5[%get3A_325] {strides = array<i32>} : memref<32768xf32, #tpu.memory_space<vmem>>, vector<16xf32>,
      %get3A_327 = vector.shape_cast %get3A_326 : vector<16xf32> to vector<16xf32>
      %get3A_328 = arith.index_cast %add3A_324 : i32 to index
      %get3A_329 = tpu.vector_load %arg6[%get3A_328] {strides = array<i32>} : memref<32768xf32, #tpu.memory_space<vmem>>, vector<16xf32>,
      %get3A_330 = vector.shape_cast %get3A_329 : vector<16xf32> to vector<16xf32>
      %add3A_331 = arith.addf %get3A_327, %get3A_330 : vector<16xf32>
      %swap3A_332 = arith.index_cast %add3A_324 : i32 to index
      %swap3A_333 = tpu.vector_load %arg5[%swap3A_332] {strides = array<i32>} : memref<32768xf32, #tpu.memory_space<vmem>>, vector<16xf32>,
      %swap3A_334 = vector.shape_cast %swap3A_333 : vector<16xf32> to vector<16xf32>
      %swap3A_335 = vector.shape_cast %add3A_331 : vector<16xf32> to vector<16xf32>
      tpu.vector_store %arg5[%swap3A_332], %swap3A_335 {strides = array<i32>} : memref<32768xf32, #tpu.memory_space<vmem>>, vector<16xf32>,
      %mul3A_336 = arith.constant 64 : i32
      %mul3A_337 = arith.muli %scan3A_306, %mul3A_336 : i32
      %add3A_338 = arith.constant 32 : i32
      %add3A_339 = arith.addi %mul3A_337, %add3A_338 : i32
      %get3A_340 = arith.index_cast %add3A_339 : i32 to index
      %get3A_341 = tpu.vector_load %arg5[%get3A_340] {strides = array<i32>} : memref<32768xf32, #tpu.memory_space<vmem>>, vector<16xf32>,
      %get3A_342 = vector.shape_cast %get3A_341 : vector<16xf32> to vector<16xf32>
      %get3A_343 = arith.index_cast %add3A_339 : i32 to index
      %get3A_344 = tpu.vector_load %arg6[%get3A_343] {strides = array<i32>} : memref<32768xf32, #tpu.memory_space<vmem>>, vector<16xf32>,
      %get3A_345 = vector.shape_cast %get3A_344 : vector<16xf32> to vector<16xf32>
      %add3A_346 = arith.addf %get3A_342, %get3A_345 : vector<16xf32>
      %swap3A_347 = arith.index_cast %add3A_339 : i32 to index
      %swap3A_348 = tpu.vector_load %arg5[%swap3A_347] {strides = array<i32>} : memref<32768xf32, #tpu.memory_space<vmem>>, vector<16xf32>,
      %swap3A_349 = vector.shape_cast %swap3A_348 : vector<16xf32> to vector<16xf32>
      %swap3A_350 = vector.shape_cast %add3A_346 : vector<16xf32> to vector<16xf32>
      tpu.vector_store %arg5[%swap3A_347], %swap3A_350 {strides = array<i32>} : memref<32768xf32, #tpu.memory_space<vmem>>, vector<16xf32>,
      %mul3A_351 = arith.constant 64 : i32
      %mul3A_352 = arith.muli %scan3A_306, %mul3A_351 : i32
      %add3A_353 = arith.constant 48 : i32
      %add3A_354 = arith.addi %mul3A_352, %add3A_353 : i32
      %get3A_355 = arith.index_cast %add3A_354 : i32 to index
      %get3A_356 = tpu.vector_load %arg5[%get3A_355] {strides = array<i32>} : memref<32768xf32, #tpu.memory_space<vmem>>, vector<16xf32>,
      %get3A_357 = vector.shape_cast %get3A_356 : vector<16xf32> to vector<16xf32>
      %get3A_358 = arith.index_cast %add3A_354 : i32 to index
      %get3A_359 = tpu.vector_load %arg6[%get3A_358] {strides = array<i32>} : memref<32768xf32, #tpu.memory_space<vmem>>, vector<16xf32>,
      %get3A_360 = vector.shape_cast %get3A_359 : vector<16xf32> to vector<16xf32>
      %add3A_361 = arith.addf %get3A_357, %get3A_360 : vector<16xf32>
      %swap3A_362 = arith.index_cast %add3A_354 : i32 to index
      %swap3A_363 = tpu.vector_load %arg5[%swap3A_362] {strides = array<i32>} : memref<32768xf32, #tpu.memory_space<vmem>>, vector<16xf32>,
      %swap3A_364 = vector.shape_cast %swap3A_363 : vector<16xf32> to vector<16xf32>
      %swap3A_365 = vector.shape_cast %add3A_361 : vector<16xf32> to vector<16xf32>
      tpu.vector_store %arg5[%swap3A_362], %swap3A_365 {strides = array<i32>} : memref<32768xf32, #tpu.memory_space<vmem>>, vector<16xf32>,
      %scan3A_366 = arith.constant 0 : i32
      scf.yield %scan3A_366 : i32
    }
    %scan3A_135 = arith.constant 512 : i32
    "tpu.region"() ({
      %run_scoped3A = tpu.sem_alloc : memref<!tpu.dma_semaphore, #tpu.memory_space<semaphore_mem>>
      %dma_start3A = tpu.memref_slice %arg4[%add3A_128] : memref<33554432xf32, #tpu.memory_space<hbm>> -> memref<32768xf32, #tpu.memory_space<hbm>>
      %dma_start3A_306 = tpu.memref_slice %arg4[%add3A_128] : memref<33554432xf32, #tpu.memory_space<hbm>> -> memref<32768xf32, #tpu.memory_space<hbm>>
      tpu.enqueue_dma source(%arg5 : memref<32768xf32, #tpu.memory_space<vmem>>) target(%dma_start3A_306 : memref<32768xf32, #tpu.memory_space<hbm>>) target_semaphore(%run_scoped3A : memref<!tpu.dma_semaphore, #tpu.memory_space<semaphore_mem>>)
      %dma_wait3A = tpu.memref_slice %arg4[%add3A_128] : memref<33554432xf32, #tpu.memory_space<hbm>> -> memref<32768xf32, #tpu.memory_space<hbm>>
      %dma_wait3A_307 = tpu.memref_slice %arg4[%add3A_128] : memref<33554432xf32, #tpu.memory_space<hbm>> -> memref<32768xf32, #tpu.memory_space<hbm>>
      tpu.wait_dma2 semaphore(%run_scoped3A : memref<!tpu.dma_semaphore, #tpu.memory_space<semaphore_mem>>) src(%arg5 : memref<32768xf32, #tpu.memory_space<vmem>>) dst(%dma_wait3A_307 : memref<32768xf32, #tpu.memory_space<hbm>>)
      tpu.yield
    }) : () -> ()
    %add3A_136 = arith.constant 16777216 : i32
    %add3A_137 = arith.addi %add3A_136, %add3A_117 : i32
    "tpu.region"() ({
      %run_scoped3A = tpu.sem_alloc : memref<!tpu.dma_semaphore, #tpu.memory_space<semaphore_mem>>
      %dma_start3A = tpu.memref_slice %arg2[%add3A_137] : memref<33554432xf32, #tpu.memory_space<hbm>> -> memref<32768xf32, #tpu.memory_space<hbm>>
      %dma_start3A_306 = tpu.memref_slice %arg2[%add3A_137] : memref<33554432xf32, #tpu.memory_space<hbm>> -> memref<32768xf32, #tpu.memory_space<hbm>>
      tpu.enqueue_dma source(%dma_start3A_306 : memref<32768xf32, #tpu.memory_space<hbm>>) target(%arg5 : memref<32768xf32, #tpu.memory_space<vmem>>) target_semaphore(%run_scoped3A : memref<!tpu.dma_semaphore, #tpu.memory_space<semaphore_mem>>)
      %dma_wait3A = tpu.memref_slice %arg2[%add3A_137] : memref<33554432xf32, #tpu.memory_space<hbm>> -> memref<32768xf32, #tpu.memory_space<hbm>>
      %dma_wait3A_307 = tpu.memref_slice %arg2[%add3A_137] : memref<33554432xf32, #tpu.memory_space<hbm>> -> memref<32768xf32, #tpu.memory_space<hbm>>
      tpu.wait_dma2 semaphore(%run_scoped3A : memref<!tpu.dma_semaphore, #tpu.memory_space<semaphore_mem>>) src(%dma_wait3A_307 : memref<32768xf32, #tpu.memory_space<hbm>>) dst(%arg5 : memref<32768xf32, #tpu.memory_space<vmem>>)
      tpu.yield
    }) : () -> ()
    %scan3A_138 = arith.constant 0 : i32
    %scan3A_139 = arith.constant 0 : i32
    %scan3A_140 = arith.constant 512 : i32
    %scan3A_141 = arith.addi %scan3A_139, %scan3A_140 : i32
    %scan3A_142 = arith.constant 1 : i32
    %scan3A_143 = scf.for %scan3A_306 = %scan3A_139 to %scan3A_141 step %scan3A_142 iter_args(%scan3A_307 = %scan3A_138) -> (i32)  : i32 {
      %mul3A_308 = arith.constant 64 : i32
      %mul3A_309 = arith.muli %scan3A_306, %mul3A_308 : i32
      %add3A_310 = arith.constant 0 : i32
      %add3A_311 = arith.addi %mul3A_309, %add3A_310 : i32
      %get3A = arith.index_cast %add3A_311 : i32 to index
      %get3A_312 = tpu.vector_load %arg5[%get3A] {strides = array<i32>} : memref<32768xf32, #tpu.memory_space<vmem>>, vector<16xf32>,
      %get3A_313 = vector.shape_cast %get3A_312 : vector<16xf32> to vector<16xf32>
      %get3A_314 = arith.index_cast %add3A_311 : i32 to index
      %get3A_315 = tpu.vector_load %arg6[%get3A_314] {strides = array<i32>} : memref<32768xf32, #tpu.memory_space<vmem>>, vector<16xf32>,
      %get3A_316 = vector.shape_cast %get3A_315 : vector<16xf32> to vector<16xf32>
      %add3A_317 = arith.addf %get3A_313, %get3A_316 : vector<16xf32>
      %swap3A = arith.index_cast %add3A_311 : i32 to index
      %swap3A_318 = tpu.vector_load %arg5[%swap3A] {strides = array<i32>} : memref<32768xf32, #tpu.memory_space<vmem>>, vector<16xf32>,
      %swap3A_319 = vector.shape_cast %swap3A_318 : vector<16xf32> to vector<16xf32>
      %swap3A_320 = vector.shape_cast %add3A_317 : vector<16xf32> to vector<16xf32>
      tpu.vector_store %arg5[%swap3A], %swap3A_320 {strides = array<i32>} : memref<32768xf32, #tpu.memory_space<vmem>>, vector<16xf32>,
      %mul3A_321 = arith.constant 64 : i32
      %mul3A_322 = arith.muli %scan3A_306, %mul3A_321 : i32
      %add3A_323 = arith.constant 16 : i32
      %add3A_324 = arith.addi %mul3A_322, %add3A_323 : i32
      %get3A_325 = arith.index_cast %add3A_324 : i32 to index
      %get3A_326 = tpu.vector_load %arg5[%get3A_325] {strides = array<i32>} : memref<32768xf32, #tpu.memory_space<vmem>>, vector<16xf32>,
      %get3A_327 = vector.shape_cast %get3A_326 : vector<16xf32> to vector<16xf32>
      %get3A_328 = arith.index_cast %add3A_324 : i32 to index
      %get3A_329 = tpu.vector_load %arg6[%get3A_328] {strides = array<i32>} : memref<32768xf32, #tpu.memory_space<vmem>>, vector<16xf32>,
      %get3A_330 = vector.shape_cast %get3A_329 : vector<16xf32> to vector<16xf32>
      %add3A_331 = arith.addf %get3A_327, %get3A_330 : vector<16xf32>
      %swap3A_332 = arith.index_cast %add3A_324 : i32 to index
      %swap3A_333 = tpu.vector_load %arg5[%swap3A_332] {strides = array<i32>} : memref<32768xf32, #tpu.memory_space<vmem>>, vector<16xf32>,
      %swap3A_334 = vector.shape_cast %swap3A_333 : vector<16xf32> to vector<16xf32>
      %swap3A_335 = vector.shape_cast %add3A_331 : vector<16xf32> to vector<16xf32>
      tpu.vector_store %arg5[%swap3A_332], %swap3A_335 {strides = array<i32>} : memref<32768xf32, #tpu.memory_space<vmem>>, vector<16xf32>,
      %mul3A_336 = arith.constant 64 : i32
      %mul3A_337 = arith.muli %scan3A_306, %mul3A_336 : i32
      %add3A_338 = arith.constant 32 : i32
      %add3A_339 = arith.addi %mul3A_337, %add3A_338 : i32
      %get3A_340 = arith.index_cast %add3A_339 : i32 to index
      %get3A_341 = tpu.vector_load %arg5[%get3A_340] {strides = array<i32>} : memref<32768xf32, #tpu.memory_space<vmem>>, vector<16xf32>,
      %get3A_342 = vector.shape_cast %get3A_341 : vector<16xf32> to vector<16xf32>
      %get3A_343 = arith.index_cast %add3A_339 : i32 to index
      %get3A_344 = tpu.vector_load %arg6[%get3A_343] {strides = array<i32>} : memref<32768xf32, #tpu.memory_space<vmem>>, vector<16xf32>,
      %get3A_345 = vector.shape_cast %get3A_344 : vector<16xf32> to vector<16xf32>
      %add3A_346 = arith.addf %get3A_342, %get3A_345 : vector<16xf32>
      %swap3A_347 = arith.index_cast %add3A_339 : i32 to index
      %swap3A_348 = tpu.vector_load %arg5[%swap3A_347] {strides = array<i32>} : memref<32768xf32, #tpu.memory_space<vmem>>, vector<16xf32>,
      %swap3A_349 = vector.shape_cast %swap3A_348 : vector<16xf32> to vector<16xf32>
      %swap3A_350 = vector.shape_cast %add3A_346 : vector<16xf32> to vector<16xf32>
      tpu.vector_store %arg5[%swap3A_347], %swap3A_350 {strides = array<i32>} : memref<32768xf32, #tpu.memory_space<vmem>>, vector<16xf32>,
      %mul3A_351 = arith.constant 64 : i32
      %mul3A_352 = arith.muli %scan3A_306, %mul3A_351 : i32
      %add3A_353 = arith.constant 48 : i32
      %add3A_354 = arith.addi %mul3A_352, %add3A_353 : i32
      %get3A_355 = arith.index_cast %add3A_354 : i32 to index
      %get3A_356 = tpu.vector_load %arg5[%get3A_355] {strides = array<i32>} : memref<32768xf32, #tpu.memory_space<vmem>>, vector<16xf32>,
      %get3A_357 = vector.shape_cast %get3A_356 : vector<16xf32> to vector<16xf32>
      %get3A_358 = arith.index_cast %add3A_354 : i32 to index
      %get3A_359 = tpu.vector_load %arg6[%get3A_358] {strides = array<i32>} : memref<32768xf32, #tpu.memory_space<vmem>>, vector<16xf32>,
      %get3A_360 = vector.shape_cast %get3A_359 : vector<16xf32> to vector<16xf32>
      %add3A_361 = arith.addf %get3A_357, %get3A_360 : vector<16xf32>
      %swap3A_362 = arith.index_cast %add3A_354 : i32 to index
      %swap3A_363 = tpu.vector_load %arg5[%swap3A_362] {strides = array<i32>} : memref<32768xf32, #tpu.memory_space<vmem>>, vector<16xf32>,
      %swap3A_364 = vector.shape_cast %swap3A_363 : vector<16xf32> to vector<16xf32>
      %swap3A_365 = vector.shape_cast %add3A_361 : vector<16xf32> to vector<16xf32>
      tpu.vector_store %arg5[%swap3A_362], %swap3A_365 {strides = array<i32>} : memref<32768xf32, #tpu.memory_space<vmem>>, vector<16xf32>,
      %scan3A_366 = arith.constant 0 : i32
      scf.yield %scan3A_366 : i32
    }
    %scan3A_144 = arith.constant 512 : i32
    "tpu.region"() ({
      %run_scoped3A = tpu.sem_alloc : memref<!tpu.dma_semaphore, #tpu.memory_space<semaphore_mem>>
      %dma_start3A = tpu.memref_slice %arg4[%add3A_137] : memref<33554432xf32, #tpu.memory_space<hbm>> -> memref<32768xf32, #tpu.memory_space<hbm>>
      %dma_start3A_306 = tpu.memref_slice %arg4[%add3A_137] : memref<33554432xf32, #tpu.memory_space<hbm>> -> memref<32768xf32, #tpu.memory_space<hbm>>
      tpu.enqueue_dma source(%arg5 : memref<32768xf32, #tpu.memory_space<vmem>>) target(%dma_start3A_306 : memref<32768xf32, #tpu.memory_space<hbm>>) target_semaphore(%run_scoped3A : memref<!tpu.dma_semaphore, #tpu.memory_space<semaphore_mem>>)
      %dma_wait3A = tpu.memref_slice %arg4[%add3A_137] : memref<33554432xf32, #tpu.memory_space<hbm>> -> memref<32768xf32, #tpu.memory_space<hbm>>
      %dma_wait3A_307 = tpu.memref_slice %arg4[%add3A_137] : memref<33554432xf32, #tpu.memory_space<hbm>> -> memref<32768xf32, #tpu.memory_space<hbm>>
      tpu.wait_dma2 semaphore(%run_scoped3A : memref<!tpu.dma_semaphore, #tpu.memory_space<semaphore_mem>>) src(%arg5 : memref<32768xf32, #tpu.memory_space<vmem>>) dst(%dma_wait3A_307 : memref<32768xf32, #tpu.memory_space<hbm>>)
      tpu.yield
    }) : () -> ()
    %add3A_145 = arith.constant 25165824 : i32
    %add3A_146 = arith.addi %add3A_145, %add3A_117 : i32
    "tpu.region"() ({
      %run_scoped3A = tpu.sem_alloc : memref<!tpu.dma_semaphore, #tpu.memory_space<semaphore_mem>>
      %dma_start3A = tpu.memref_slice %arg2[%add3A_146] : memref<33554432xf32, #tpu.memory_space<hbm>> -> memref<32768xf32, #tpu.memory_space<hbm>>
      %dma_start3A_306 = tpu.memref_slice %arg2[%add3A_146] : memref<33554432xf32, #tpu.memory_space<hbm>> -> memref<32768xf32, #tpu.memory_space<hbm>>
      tpu.enqueue_dma source(%dma_start3A_306 : memref<32768xf32, #tpu.memory_space<hbm>>) target(%arg5 : memref<32768xf32, #tpu.memory_space<vmem>>) target_semaphore(%run_scoped3A : memref<!tpu.dma_semaphore, #tpu.memory_space<semaphore_mem>>)
      %dma_wait3A = tpu.memref_slice %arg2[%add3A_146] : memref<33554432xf32, #tpu.memory_space<hbm>> -> memref<32768xf32, #tpu.memory_space<hbm>>
      %dma_wait3A_307 = tpu.memref_slice %arg2[%add3A_146] : memref<33554432xf32, #tpu.memory_space<hbm>> -> memref<32768xf32, #tpu.memory_space<hbm>>
      tpu.wait_dma2 semaphore(%run_scoped3A : memref<!tpu.dma_semaphore, #tpu.memory_space<semaphore_mem>>) src(%dma_wait3A_307 : memref<32768xf32, #tpu.memory_space<hbm>>) dst(%arg5 : memref<32768xf32, #tpu.memory_space<vmem>>)
      tpu.yield
    }) : () -> ()
    %scan3A_147 = arith.constant 0 : i32
    %scan3A_148 = arith.constant 0 : i32
    %scan3A_149 = arith.constant 512 : i32
    %scan3A_150 = arith.addi %scan3A_148, %scan3A_149 : i32
    %scan3A_151 = arith.constant 1 : i32
    %scan3A_152 = scf.for %scan3A_306 = %scan3A_148 to %scan3A_150 step %scan3A_151 iter_args(%scan3A_307 = %scan3A_147) -> (i32)  : i32 {
      %mul3A_308 = arith.constant 64 : i32
      %mul3A_309 = arith.muli %scan3A_306, %mul3A_308 : i32
      %add3A_310 = arith.constant 0 : i32
      %add3A_311 = arith.addi %mul3A_309, %add3A_310 : i32
      %get3A = arith.index_cast %add3A_311 : i32 to index
      %get3A_312 = tpu.vector_load %arg5[%get3A] {strides = array<i32>} : memref<32768xf32, #tpu.memory_space<vmem>>, vector<16xf32>,
      %get3A_313 = vector.shape_cast %get3A_312 : vector<16xf32> to vector<16xf32>
      %get3A_314 = arith.index_cast %add3A_311 : i32 to index
      %get3A_315 = tpu.vector_load %arg6[%get3A_314] {strides = array<i32>} : memref<32768xf32, #tpu.memory_space<vmem>>, vector<16xf32>,
      %get3A_316 = vector.shape_cast %get3A_315 : vector<16xf32> to vector<16xf32>
      %add3A_317 = arith.addf %get3A_313, %get3A_316 : vector<16xf32>
      %swap3A = arith.index_cast %add3A_311 : i32 to index
      %swap3A_318 = tpu.vector_load %arg5[%swap3A] {strides = array<i32>} : memref<32768xf32, #tpu.memory_space<vmem>>, vector<16xf32>,
      %swap3A_319 = vector.shape_cast %swap3A_318 : vector<16xf32> to vector<16xf32>
      %swap3A_320 = vector.shape_cast %add3A_317 : vector<16xf32> to vector<16xf32>
      tpu.vector_store %arg5[%swap3A], %swap3A_320 {strides = array<i32>} : memref<32768xf32, #tpu.memory_space<vmem>>, vector<16xf32>,
      %mul3A_321 = arith.constant 64 : i32
      %mul3A_322 = arith.muli %scan3A_306, %mul3A_321 : i32
      %add3A_323 = arith.constant 16 : i32
      %add3A_324 = arith.addi %mul3A_322, %add3A_323 : i32
      %get3A_325 = arith.index_cast %add3A_324 : i32 to index
      %get3A_326 = tpu.vector_load %arg5[%get3A_325] {strides = array<i32>} : memref<32768xf32, #tpu.memory_space<vmem>>, vector<16xf32>,
      %get3A_327 = vector.shape_cast %get3A_326 : vector<16xf32> to vector<16xf32>
      %get3A_328 = arith.index_cast %add3A_324 : i32 to index
      %get3A_329 = tpu.vector_load %arg6[%get3A_328] {strides = array<i32>} : memref<32768xf32, #tpu.memory_space<vmem>>, vector<16xf32>,
      %get3A_330 = vector.shape_cast %get3A_329 : vector<16xf32> to vector<16xf32>
      %add3A_331 = arith.addf %get3A_327, %get3A_330 : vector<16xf32>
      %swap3A_332 = arith.index_cast %add3A_324 : i32 to index
      %swap3A_333 = tpu.vector_load %arg5[%swap3A_332] {strides = array<i32>} : memref<32768xf32, #tpu.memory_space<vmem>>, vector<16xf32>,
      %swap3A_334 = vector.shape_cast %swap3A_333 : vector<16xf32> to vector<16xf32>
      %swap3A_335 = vector.shape_cast %add3A_331 : vector<16xf32> to vector<16xf32>
      tpu.vector_store %arg5[%swap3A_332], %swap3A_335 {strides = array<i32>} : memref<32768xf32, #tpu.memory_space<vmem>>, vector<16xf32>,
      %mul3A_336 = arith.constant 64 : i32
      %mul3A_337 = arith.muli %scan3A_306, %mul3A_336 : i32
      %add3A_338 = arith.constant 32 : i32
      %add3A_339 = arith.addi %mul3A_337, %add3A_338 : i32
      %get3A_340 = arith.index_cast %add3A_339 : i32 to index
      %get3A_341 = tpu.vector_load %arg5[%get3A_340] {strides = array<i32>} : memref<32768xf32, #tpu.memory_space<vmem>>, vector<16xf32>,
      %get3A_342 = vector.shape_cast %get3A_341 : vector<16xf32> to vector<16xf32>
      %get3A_343 = arith.index_cast %add3A_339 : i32 to index
      %get3A_344 = tpu.vector_load %arg6[%get3A_343] {strides = array<i32>} : memref<32768xf32, #tpu.memory_space<vmem>>, vector<16xf32>,
      %get3A_345 = vector.shape_cast %get3A_344 : vector<16xf32> to vector<16xf32>
      %add3A_346 = arith.addf %get3A_342, %get3A_345 : vector<16xf32>
      %swap3A_347 = arith.index_cast %add3A_339 : i32 to index
      %swap3A_348 = tpu.vector_load %arg5[%swap3A_347] {strides = array<i32>} : memref<32768xf32, #tpu.memory_space<vmem>>, vector<16xf32>,
      %swap3A_349 = vector.shape_cast %swap3A_348 : vector<16xf32> to vector<16xf32>
      %swap3A_350 = vector.shape_cast %add3A_346 : vector<16xf32> to vector<16xf32>
      tpu.vector_store %arg5[%swap3A_347], %swap3A_350 {strides = array<i32>} : memref<32768xf32, #tpu.memory_space<vmem>>, vector<16xf32>,
      %mul3A_351 = arith.constant 64 : i32
      %mul3A_352 = arith.muli %scan3A_306, %mul3A_351 : i32
      %add3A_353 = arith.constant 48 : i32
      %add3A_354 = arith.addi %mul3A_352, %add3A_353 : i32
      %get3A_355 = arith.index_cast %add3A_354 : i32 to index
      %get3A_356 = tpu.vector_load %arg5[%get3A_355] {strides = array<i32>} : memref<32768xf32, #tpu.memory_space<vmem>>, vector<16xf32>,
      %get3A_357 = vector.shape_cast %get3A_356 : vector<16xf32> to vector<16xf32>
      %get3A_358 = arith.index_cast %add3A_354 : i32 to index
      %get3A_359 = tpu.vector_load %arg6[%get3A_358] {strides = array<i32>} : memref<32768xf32, #tpu.memory_space<vmem>>, vector<16xf32>,
      %get3A_360 = vector.shape_cast %get3A_359 : vector<16xf32> to vector<16xf32>
      %add3A_361 = arith.addf %get3A_357, %get3A_360 : vector<16xf32>
      %swap3A_362 = arith.index_cast %add3A_354 : i32 to index
      %swap3A_363 = tpu.vector_load %arg5[%swap3A_362] {strides = array<i32>} : memref<32768xf32, #tpu.memory_space<vmem>>, vector<16xf32>,
      %swap3A_364 = vector.shape_cast %swap3A_363 : vector<16xf32> to vector<16xf32>
      %swap3A_365 = vector.shape_cast %add3A_361 : vector<16xf32> to vector<16xf32>
      tpu.vector_store %arg5[%swap3A_362], %swap3A_365 {strides = array<i32>} : memref<32768xf32, #tpu.memory_space<vmem>>, vector<16xf32>,
      %scan3A_366 = arith.constant 0 : i32
      scf.yield %scan3A_366 : i32
    }
    %scan3A_153 = arith.constant 512 : i32
    "tpu.region"() ({
      %run_scoped3A = tpu.sem_alloc : memref<!tpu.dma_semaphore, #tpu.memory_space<semaphore_mem>>
      %dma_start3A = tpu.memref_slice %arg4[%add3A_146] : memref<33554432xf32, #tpu.memory_space<hbm>> -> memref<32768xf32, #tpu.memory_space<hbm>>
      %dma_start3A_306 = tpu.memref_slice %arg4[%add3A_146] : memref<33554432xf32, #tpu.memory_space<hbm>> -> memref<32768xf32, #tpu.memory_space<hbm>>
      tpu.enqueue_dma source(%arg5 : memref<32768xf32, #tpu.memory_space<vmem>>) target(%dma_start3A_306 : memref<32768xf32, #tpu.memory_space<hbm>>) target_semaphore(%run_scoped3A : memref<!tpu.dma_semaphore, #tpu.memory_space<semaphore_mem>>)
      %dma_wait3A = tpu.memref_slice %arg4[%add3A_146] : memref<33554432xf32, #tpu.memory_space<hbm>> -> memref<32768xf32, #tpu.memory_space<hbm>>
      %dma_wait3A_307 = tpu.memref_slice %arg4[%add3A_146] : memref<33554432xf32, #tpu.memory_space<hbm>> -> memref<32768xf32, #tpu.memory_space<hbm>>
      tpu.wait_dma2 semaphore(%run_scoped3A : memref<!tpu.dma_semaphore, #tpu.memory_space<semaphore_mem>>) src(%arg5 : memref<32768xf32, #tpu.memory_space<vmem>>) dst(%dma_wait3A_307 : memref<32768xf32, #tpu.memory_space<hbm>>)
      tpu.yield
    }) : () -> ()
    %add3A_154 = arith.constant 131072 : i32
    %add3A_155 = arith.addi %mul3A_2, %add3A_154 : i32
    "tpu.region"() ({
      %run_scoped3A = tpu.sem_alloc : memref<!tpu.dma_semaphore, #tpu.memory_space<semaphore_mem>>
      %dma_start3A = tpu.memref_slice %arg3[%add3A_155] : memref<8388608xf32, #tpu.memory_space<hbm>> -> memref<32768xf32, #tpu.memory_space<hbm>>
      %dma_start3A_306 = tpu.memref_slice %arg3[%add3A_155] : memref<8388608xf32, #tpu.memory_space<hbm>> -> memref<32768xf32, #tpu.memory_space<hbm>>
      tpu.enqueue_dma source(%dma_start3A_306 : memref<32768xf32, #tpu.memory_space<hbm>>) target(%arg6 : memref<32768xf32, #tpu.memory_space<vmem>>) target_semaphore(%run_scoped3A : memref<!tpu.dma_semaphore, #tpu.memory_space<semaphore_mem>>)
      %dma_wait3A = tpu.memref_slice %arg3[%add3A_155] : memref<8388608xf32, #tpu.memory_space<hbm>> -> memref<32768xf32, #tpu.memory_space<hbm>>
      %dma_wait3A_307 = tpu.memref_slice %arg3[%add3A_155] : memref<8388608xf32, #tpu.memory_space<hbm>> -> memref<32768xf32, #tpu.memory_space<hbm>>
      tpu.wait_dma2 semaphore(%run_scoped3A : memref<!tpu.dma_semaphore, #tpu.memory_space<semaphore_mem>>) src(%dma_wait3A_307 : memref<32768xf32, #tpu.memory_space<hbm>>) dst(%arg6 : memref<32768xf32, #tpu.memory_space<vmem>>)
      tpu.yield
    }) : () -> ()
    %add3A_156 = arith.constant 0 : i32
    %add3A_157 = arith.addi %add3A_156, %add3A_155 : i32
    "tpu.region"() ({
      %run_scoped3A = tpu.sem_alloc : memref<!tpu.dma_semaphore, #tpu.memory_space<semaphore_mem>>
      %dma_start3A = tpu.memref_slice %arg2[%add3A_157] : memref<33554432xf32, #tpu.memory_space<hbm>> -> memref<32768xf32, #tpu.memory_space<hbm>>
      %dma_start3A_306 = tpu.memref_slice %arg2[%add3A_157] : memref<33554432xf32, #tpu.memory_space<hbm>> -> memref<32768xf32, #tpu.memory_space<hbm>>
      tpu.enqueue_dma source(%dma_start3A_306 : memref<32768xf32, #tpu.memory_space<hbm>>) target(%arg5 : memref<32768xf32, #tpu.memory_space<vmem>>) target_semaphore(%run_scoped3A : memref<!tpu.dma_semaphore, #tpu.memory_space<semaphore_mem>>)
      %dma_wait3A = tpu.memref_slice %arg2[%add3A_157] : memref<33554432xf32, #tpu.memory_space<hbm>> -> memref<32768xf32, #tpu.memory_space<hbm>>
      %dma_wait3A_307 = tpu.memref_slice %arg2[%add3A_157] : memref<33554432xf32, #tpu.memory_space<hbm>> -> memref<32768xf32, #tpu.memory_space<hbm>>
      tpu.wait_dma2 semaphore(%run_scoped3A : memref<!tpu.dma_semaphore, #tpu.memory_space<semaphore_mem>>) src(%dma_wait3A_307 : memref<32768xf32, #tpu.memory_space<hbm>>) dst(%arg5 : memref<32768xf32, #tpu.memory_space<vmem>>)
      tpu.yield
    }) : () -> ()
    %scan3A_158 = arith.constant 0 : i32
    %scan3A_159 = arith.constant 0 : i32
    %scan3A_160 = arith.constant 512 : i32
    %scan3A_161 = arith.addi %scan3A_159, %scan3A_160 : i32
    %scan3A_162 = arith.constant 1 : i32
    %scan3A_163 = scf.for %scan3A_306 = %scan3A_159 to %scan3A_161 step %scan3A_162 iter_args(%scan3A_307 = %scan3A_158) -> (i32)  : i32 {
      %mul3A_308 = arith.constant 64 : i32
      %mul3A_309 = arith.muli %scan3A_306, %mul3A_308 : i32
      %add3A_310 = arith.constant 0 : i32
      %add3A_311 = arith.addi %mul3A_309, %add3A_310 : i32
      %get3A = arith.index_cast %add3A_311 : i32 to index
      %get3A_312 = tpu.vector_load %arg5[%get3A] {strides = array<i32>} : memref<32768xf32, #tpu.memory_space<vmem>>, vector<16xf32>,
      %get3A_313 = vector.shape_cast %get3A_312 : vector<16xf32> to vector<16xf32>
      %get3A_314 = arith.index_cast %add3A_311 : i32 to index
      %get3A_315 = tpu.vector_load %arg6[%get3A_314] {strides = array<i32>} : memref<32768xf32, #tpu.memory_space<vmem>>, vector<16xf32>,
      %get3A_316 = vector.shape_cast %get3A_315 : vector<16xf32> to vector<16xf32>
      %add3A_317 = arith.addf %get3A_313, %get3A_316 : vector<16xf32>
      %swap3A = arith.index_cast %add3A_311 : i32 to index
      %swap3A_318 = tpu.vector_load %arg5[%swap3A] {strides = array<i32>} : memref<32768xf32, #tpu.memory_space<vmem>>, vector<16xf32>,
      %swap3A_319 = vector.shape_cast %swap3A_318 : vector<16xf32> to vector<16xf32>
      %swap3A_320 = vector.shape_cast %add3A_317 : vector<16xf32> to vector<16xf32>
      tpu.vector_store %arg5[%swap3A], %swap3A_320 {strides = array<i32>} : memref<32768xf32, #tpu.memory_space<vmem>>, vector<16xf32>,
      %mul3A_321 = arith.constant 64 : i32
      %mul3A_322 = arith.muli %scan3A_306, %mul3A_321 : i32
      %add3A_323 = arith.constant 16 : i32
      %add3A_324 = arith.addi %mul3A_322, %add3A_323 : i32
      %get3A_325 = arith.index_cast %add3A_324 : i32 to index
      %get3A_326 = tpu.vector_load %arg5[%get3A_325] {strides = array<i32>} : memref<32768xf32, #tpu.memory_space<vmem>>, vector<16xf32>,
      %get3A_327 = vector.shape_cast %get3A_326 : vector<16xf32> to vector<16xf32>
      %get3A_328 = arith.index_cast %add3A_324 : i32 to index
      %get3A_329 = tpu.vector_load %arg6[%get3A_328] {strides = array<i32>} : memref<32768xf32, #tpu.memory_space<vmem>>, vector<16xf32>,
      %get3A_330 = vector.shape_cast %get3A_329 : vector<16xf32> to vector<16xf32>
      %add3A_331 = arith.addf %get3A_327, %get3A_330 : vector<16xf32>
      %swap3A_332 = arith.index_cast %add3A_324 : i32 to index
      %swap3A_333 = tpu.vector_load %arg5[%swap3A_332] {strides = array<i32>} : memref<32768xf32, #tpu.memory_space<vmem>>, vector<16xf32>,
      %swap3A_334 = vector.shape_cast %swap3A_333 : vector<16xf32> to vector<16xf32>
      %swap3A_335 = vector.shape_cast %add3A_331 : vector<16xf32> to vector<16xf32>
      tpu.vector_store %arg5[%swap3A_332], %swap3A_335 {strides = array<i32>} : memref<32768xf32, #tpu.memory_space<vmem>>, vector<16xf32>,
      %mul3A_336 = arith.constant 64 : i32
      %mul3A_337 = arith.muli %scan3A_306, %mul3A_336 : i32
      %add3A_338 = arith.constant 32 : i32
      %add3A_339 = arith.addi %mul3A_337, %add3A_338 : i32
      %get3A_340 = arith.index_cast %add3A_339 : i32 to index
      %get3A_341 = tpu.vector_load %arg5[%get3A_340] {strides = array<i32>} : memref<32768xf32, #tpu.memory_space<vmem>>, vector<16xf32>,
      %get3A_342 = vector.shape_cast %get3A_341 : vector<16xf32> to vector<16xf32>
      %get3A_343 = arith.index_cast %add3A_339 : i32 to index
      %get3A_344 = tpu.vector_load %arg6[%get3A_343] {strides = array<i32>} : memref<32768xf32, #tpu.memory_space<vmem>>, vector<16xf32>,
      %get3A_345 = vector.shape_cast %get3A_344 : vector<16xf32> to vector<16xf32>
      %add3A_346 = arith.addf %get3A_342, %get3A_345 : vector<16xf32>
      %swap3A_347 = arith.index_cast %add3A_339 : i32 to index
      %swap3A_348 = tpu.vector_load %arg5[%swap3A_347] {strides = array<i32>} : memref<32768xf32, #tpu.memory_space<vmem>>, vector<16xf32>,
      %swap3A_349 = vector.shape_cast %swap3A_348 : vector<16xf32> to vector<16xf32>
      %swap3A_350 = vector.shape_cast %add3A_346 : vector<16xf32> to vector<16xf32>
      tpu.vector_store %arg5[%swap3A_347], %swap3A_350 {strides = array<i32>} : memref<32768xf32, #tpu.memory_space<vmem>>, vector<16xf32>,
      %mul3A_351 = arith.constant 64 : i32
      %mul3A_352 = arith.muli %scan3A_306, %mul3A_351 : i32
      %add3A_353 = arith.constant 48 : i32
      %add3A_354 = arith.addi %mul3A_352, %add3A_353 : i32
      %get3A_355 = arith.index_cast %add3A_354 : i32 to index
      %get3A_356 = tpu.vector_load %arg5[%get3A_355] {strides = array<i32>} : memref<32768xf32, #tpu.memory_space<vmem>>, vector<16xf32>,
      %get3A_357 = vector.shape_cast %get3A_356 : vector<16xf32> to vector<16xf32>
      %get3A_358 = arith.index_cast %add3A_354 : i32 to index
      %get3A_359 = tpu.vector_load %arg6[%get3A_358] {strides = array<i32>} : memref<32768xf32, #tpu.memory_space<vmem>>, vector<16xf32>,
      %get3A_360 = vector.shape_cast %get3A_359 : vector<16xf32> to vector<16xf32>
      %add3A_361 = arith.addf %get3A_357, %get3A_360 : vector<16xf32>
      %swap3A_362 = arith.index_cast %add3A_354 : i32 to index
      %swap3A_363 = tpu.vector_load %arg5[%swap3A_362] {strides = array<i32>} : memref<32768xf32, #tpu.memory_space<vmem>>, vector<16xf32>,
      %swap3A_364 = vector.shape_cast %swap3A_363 : vector<16xf32> to vector<16xf32>
      %swap3A_365 = vector.shape_cast %add3A_361 : vector<16xf32> to vector<16xf32>
      tpu.vector_store %arg5[%swap3A_362], %swap3A_365 {strides = array<i32>} : memref<32768xf32, #tpu.memory_space<vmem>>, vector<16xf32>,
      %scan3A_366 = arith.constant 0 : i32
      scf.yield %scan3A_366 : i32
    }
    %scan3A_164 = arith.constant 512 : i32
    "tpu.region"() ({
      %run_scoped3A = tpu.sem_alloc : memref<!tpu.dma_semaphore, #tpu.memory_space<semaphore_mem>>
      %dma_start3A = tpu.memref_slice %arg4[%add3A_157] : memref<33554432xf32, #tpu.memory_space<hbm>> -> memref<32768xf32, #tpu.memory_space<hbm>>
      %dma_start3A_306 = tpu.memref_slice %arg4[%add3A_157] : memref<33554432xf32, #tpu.memory_space<hbm>> -> memref<32768xf32, #tpu.memory_space<hbm>>
      tpu.enqueue_dma source(%arg5 : memref<32768xf32, #tpu.memory_space<vmem>>) target(%dma_start3A_306 : memref<32768xf32, #tpu.memory_space<hbm>>) target_semaphore(%run_scoped3A : memref<!tpu.dma_semaphore, #tpu.memory_space<semaphore_mem>>)
      %dma_wait3A = tpu.memref_slice %arg4[%add3A_157] : memref<33554432xf32, #tpu.memory_space<hbm>> -> memref<32768xf32, #tpu.memory_space<hbm>>
      %dma_wait3A_307 = tpu.memref_slice %arg4[%add3A_157] : memref<33554432xf32, #tpu.memory_space<hbm>> -> memref<32768xf32, #tpu.memory_space<hbm>>
      tpu.wait_dma2 semaphore(%run_scoped3A : memref<!tpu.dma_semaphore, #tpu.memory_space<semaphore_mem>>) src(%arg5 : memref<32768xf32, #tpu.memory_space<vmem>>) dst(%dma_wait3A_307 : memref<32768xf32, #tpu.memory_space<hbm>>)
      tpu.yield
    }) : () -> ()
    %add3A_165 = arith.constant 8388608 : i32
    %add3A_166 = arith.addi %add3A_165, %add3A_155 : i32
    "tpu.region"() ({
      %run_scoped3A = tpu.sem_alloc : memref<!tpu.dma_semaphore, #tpu.memory_space<semaphore_mem>>
      %dma_start3A = tpu.memref_slice %arg2[%add3A_166] : memref<33554432xf32, #tpu.memory_space<hbm>> -> memref<32768xf32, #tpu.memory_space<hbm>>
      %dma_start3A_306 = tpu.memref_slice %arg2[%add3A_166] : memref<33554432xf32, #tpu.memory_space<hbm>> -> memref<32768xf32, #tpu.memory_space<hbm>>
      tpu.enqueue_dma source(%dma_start3A_306 : memref<32768xf32, #tpu.memory_space<hbm>>) target(%arg5 : memref<32768xf32, #tpu.memory_space<vmem>>) target_semaphore(%run_scoped3A : memref<!tpu.dma_semaphore, #tpu.memory_space<semaphore_mem>>)
      %dma_wait3A = tpu.memref_slice %arg2[%add3A_166] : memref<33554432xf32, #tpu.memory_space<hbm>> -> memref<32768xf32, #tpu.memory_space<hbm>>
      %dma_wait3A_307 = tpu.memref_slice %arg2[%add3A_166] : memref<33554432xf32, #tpu.memory_space<hbm>> -> memref<32768xf32, #tpu.memory_space<hbm>>
      tpu.wait_dma2 semaphore(%run_scoped3A : memref<!tpu.dma_semaphore, #tpu.memory_space<semaphore_mem>>) src(%dma_wait3A_307 : memref<32768xf32, #tpu.memory_space<hbm>>) dst(%arg5 : memref<32768xf32, #tpu.memory_space<vmem>>)
      tpu.yield
    }) : () -> ()
    %scan3A_167 = arith.constant 0 : i32
    %scan3A_168 = arith.constant 0 : i32
    %scan3A_169 = arith.constant 512 : i32
    %scan3A_170 = arith.addi %scan3A_168, %scan3A_169 : i32
    %scan3A_171 = arith.constant 1 : i32
    %scan3A_172 = scf.for %scan3A_306 = %scan3A_168 to %scan3A_170 step %scan3A_171 iter_args(%scan3A_307 = %scan3A_167) -> (i32)  : i32 {
      %mul3A_308 = arith.constant 64 : i32
      %mul3A_309 = arith.muli %scan3A_306, %mul3A_308 : i32
      %add3A_310 = arith.constant 0 : i32
      %add3A_311 = arith.addi %mul3A_309, %add3A_310 : i32
      %get3A = arith.index_cast %add3A_311 : i32 to index
      %get3A_312 = tpu.vector_load %arg5[%get3A] {strides = array<i32>} : memref<32768xf32, #tpu.memory_space<vmem>>, vector<16xf32>,
      %get3A_313 = vector.shape_cast %get3A_312 : vector<16xf32> to vector<16xf32>
      %get3A_314 = arith.index_cast %add3A_311 : i32 to index
      %get3A_315 = tpu.vector_load %arg6[%get3A_314] {strides = array<i32>} : memref<32768xf32, #tpu.memory_space<vmem>>, vector<16xf32>,
      %get3A_316 = vector.shape_cast %get3A_315 : vector<16xf32> to vector<16xf32>
      %add3A_317 = arith.addf %get3A_313, %get3A_316 : vector<16xf32>
      %swap3A = arith.index_cast %add3A_311 : i32 to index
      %swap3A_318 = tpu.vector_load %arg5[%swap3A] {strides = array<i32>} : memref<32768xf32, #tpu.memory_space<vmem>>, vector<16xf32>,
      %swap3A_319 = vector.shape_cast %swap3A_318 : vector<16xf32> to vector<16xf32>
      %swap3A_320 = vector.shape_cast %add3A_317 : vector<16xf32> to vector<16xf32>
      tpu.vector_store %arg5[%swap3A], %swap3A_320 {strides = array<i32>} : memref<32768xf32, #tpu.memory_space<vmem>>, vector<16xf32>,
      %mul3A_321 = arith.constant 64 : i32
      %mul3A_322 = arith.muli %scan3A_306, %mul3A_321 : i32
      %add3A_323 = arith.constant 16 : i32
      %add3A_324 = arith.addi %mul3A_322, %add3A_323 : i32
      %get3A_325 = arith.index_cast %add3A_324 : i32 to index
      %get3A_326 = tpu.vector_load %arg5[%get3A_325] {strides = array<i32>} : memref<32768xf32, #tpu.memory_space<vmem>>, vector<16xf32>,
      %get3A_327 = vector.shape_cast %get3A_326 : vector<16xf32> to vector<16xf32>
      %get3A_328 = arith.index_cast %add3A_324 : i32 to index
      %get3A_329 = tpu.vector_load %arg6[%get3A_328] {strides = array<i32>} : memref<32768xf32, #tpu.memory_space<vmem>>, vector<16xf32>,
      %get3A_330 = vector.shape_cast %get3A_329 : vector<16xf32> to vector<16xf32>
      %add3A_331 = arith.addf %get3A_327, %get3A_330 : vector<16xf32>
      %swap3A_332 = arith.index_cast %add3A_324 : i32 to index
      %swap3A_333 = tpu.vector_load %arg5[%swap3A_332] {strides = array<i32>} : memref<32768xf32, #tpu.memory_space<vmem>>, vector<16xf32>,
      %swap3A_334 = vector.shape_cast %swap3A_333 : vector<16xf32> to vector<16xf32>
      %swap3A_335 = vector.shape_cast %add3A_331 : vector<16xf32> to vector<16xf32>
      tpu.vector_store %arg5[%swap3A_332], %swap3A_335 {strides = array<i32>} : memref<32768xf32, #tpu.memory_space<vmem>>, vector<16xf32>,
      %mul3A_336 = arith.constant 64 : i32
      %mul3A_337 = arith.muli %scan3A_306, %mul3A_336 : i32
      %add3A_338 = arith.constant 32 : i32
      %add3A_339 = arith.addi %mul3A_337, %add3A_338 : i32
      %get3A_340 = arith.index_cast %add3A_339 : i32 to index
      %get3A_341 = tpu.vector_load %arg5[%get3A_340] {strides = array<i32>} : memref<32768xf32, #tpu.memory_space<vmem>>, vector<16xf32>,
      %get3A_342 = vector.shape_cast %get3A_341 : vector<16xf32> to vector<16xf32>
      %get3A_343 = arith.index_cast %add3A_339 : i32 to index
      %get3A_344 = tpu.vector_load %arg6[%get3A_343] {strides = array<i32>} : memref<32768xf32, #tpu.memory_space<vmem>>, vector<16xf32>,
      %get3A_345 = vector.shape_cast %get3A_344 : vector<16xf32> to vector<16xf32>
      %add3A_346 = arith.addf %get3A_342, %get3A_345 : vector<16xf32>
      %swap3A_347 = arith.index_cast %add3A_339 : i32 to index
      %swap3A_348 = tpu.vector_load %arg5[%swap3A_347] {strides = array<i32>} : memref<32768xf32, #tpu.memory_space<vmem>>, vector<16xf32>,
      %swap3A_349 = vector.shape_cast %swap3A_348 : vector<16xf32> to vector<16xf32>
      %swap3A_350 = vector.shape_cast %add3A_346 : vector<16xf32> to vector<16xf32>
      tpu.vector_store %arg5[%swap3A_347], %swap3A_350 {strides = array<i32>} : memref<32768xf32, #tpu.memory_space<vmem>>, vector<16xf32>,
      %mul3A_351 = arith.constant 64 : i32
      %mul3A_352 = arith.muli %scan3A_306, %mul3A_351 : i32
      %add3A_353 = arith.constant 48 : i32
      %add3A_354 = arith.addi %mul3A_352, %add3A_353 : i32
      %get3A_355 = arith.index_cast %add3A_354 : i32 to index
      %get3A_356 = tpu.vector_load %arg5[%get3A_355] {strides = array<i32>} : memref<32768xf32, #tpu.memory_space<vmem>>, vector<16xf32>,
      %get3A_357 = vector.shape_cast %get3A_356 : vector<16xf32> to vector<16xf32>
      %get3A_358 = arith.index_cast %add3A_354 : i32 to index
      %get3A_359 = tpu.vector_load %arg6[%get3A_358] {strides = array<i32>} : memref<32768xf32, #tpu.memory_space<vmem>>, vector<16xf32>,
      %get3A_360 = vector.shape_cast %get3A_359 : vector<16xf32> to vector<16xf32>
      %add3A_361 = arith.addf %get3A_357, %get3A_360 : vector<16xf32>
      %swap3A_362 = arith.index_cast %add3A_354 : i32 to index
      %swap3A_363 = tpu.vector_load %arg5[%swap3A_362] {strides = array<i32>} : memref<32768xf32, #tpu.memory_space<vmem>>, vector<16xf32>,
      %swap3A_364 = vector.shape_cast %swap3A_363 : vector<16xf32> to vector<16xf32>
      %swap3A_365 = vector.shape_cast %add3A_361 : vector<16xf32> to vector<16xf32>
      tpu.vector_store %arg5[%swap3A_362], %swap3A_365 {strides = array<i32>} : memref<32768xf32, #tpu.memory_space<vmem>>, vector<16xf32>,
      %scan3A_366 = arith.constant 0 : i32
      scf.yield %scan3A_366 : i32
    }
    %scan3A_173 = arith.constant 512 : i32
    "tpu.region"() ({
      %run_scoped3A = tpu.sem_alloc : memref<!tpu.dma_semaphore, #tpu.memory_space<semaphore_mem>>
      %dma_start3A = tpu.memref_slice %arg4[%add3A_166] : memref<33554432xf32, #tpu.memory_space<hbm>> -> memref<32768xf32, #tpu.memory_space<hbm>>
      %dma_start3A_306 = tpu.memref_slice %arg4[%add3A_166] : memref<33554432xf32, #tpu.memory_space<hbm>> -> memref<32768xf32, #tpu.memory_space<hbm>>
      tpu.enqueue_dma source(%arg5 : memref<32768xf32, #tpu.memory_space<vmem>>) target(%dma_start3A_306 : memref<32768xf32, #tpu.memory_space<hbm>>) target_semaphore(%run_scoped3A : memref<!tpu.dma_semaphore, #tpu.memory_space<semaphore_mem>>)
      %dma_wait3A = tpu.memref_slice %arg4[%add3A_166] : memref<33554432xf32, #tpu.memory_space<hbm>> -> memref<32768xf32, #tpu.memory_space<hbm>>
      %dma_wait3A_307 = tpu.memref_slice %arg4[%add3A_166] : memref<33554432xf32, #tpu.memory_space<hbm>> -> memref<32768xf32, #tpu.memory_space<hbm>>
      tpu.wait_dma2 semaphore(%run_scoped3A : memref<!tpu.dma_semaphore, #tpu.memory_space<semaphore_mem>>) src(%arg5 : memref<32768xf32, #tpu.memory_space<vmem>>) dst(%dma_wait3A_307 : memref<32768xf32, #tpu.memory_space<hbm>>)
      tpu.yield
    }) : () -> ()
    %add3A_174 = arith.constant 16777216 : i32
    %add3A_175 = arith.addi %add3A_174, %add3A_155 : i32
    "tpu.region"() ({
      %run_scoped3A = tpu.sem_alloc : memref<!tpu.dma_semaphore, #tpu.memory_space<semaphore_mem>>
      %dma_start3A = tpu.memref_slice %arg2[%add3A_175] : memref<33554432xf32, #tpu.memory_space<hbm>> -> memref<32768xf32, #tpu.memory_space<hbm>>
      %dma_start3A_306 = tpu.memref_slice %arg2[%add3A_175] : memref<33554432xf32, #tpu.memory_space<hbm>> -> memref<32768xf32, #tpu.memory_space<hbm>>
      tpu.enqueue_dma source(%dma_start3A_306 : memref<32768xf32, #tpu.memory_space<hbm>>) target(%arg5 : memref<32768xf32, #tpu.memory_space<vmem>>) target_semaphore(%run_scoped3A : memref<!tpu.dma_semaphore, #tpu.memory_space<semaphore_mem>>)
      %dma_wait3A = tpu.memref_slice %arg2[%add3A_175] : memref<33554432xf32, #tpu.memory_space<hbm>> -> memref<32768xf32, #tpu.memory_space<hbm>>
      %dma_wait3A_307 = tpu.memref_slice %arg2[%add3A_175] : memref<33554432xf32, #tpu.memory_space<hbm>> -> memref<32768xf32, #tpu.memory_space<hbm>>
      tpu.wait_dma2 semaphore(%run_scoped3A : memref<!tpu.dma_semaphore, #tpu.memory_space<semaphore_mem>>) src(%dma_wait3A_307 : memref<32768xf32, #tpu.memory_space<hbm>>) dst(%arg5 : memref<32768xf32, #tpu.memory_space<vmem>>)
      tpu.yield
    }) : () -> ()
    %scan3A_176 = arith.constant 0 : i32
    %scan3A_177 = arith.constant 0 : i32
    %scan3A_178 = arith.constant 512 : i32
    %scan3A_179 = arith.addi %scan3A_177, %scan3A_178 : i32
    %scan3A_180 = arith.constant 1 : i32
    %scan3A_181 = scf.for %scan3A_306 = %scan3A_177 to %scan3A_179 step %scan3A_180 iter_args(%scan3A_307 = %scan3A_176) -> (i32)  : i32 {
      %mul3A_308 = arith.constant 64 : i32
      %mul3A_309 = arith.muli %scan3A_306, %mul3A_308 : i32
      %add3A_310 = arith.constant 0 : i32
      %add3A_311 = arith.addi %mul3A_309, %add3A_310 : i32
      %get3A = arith.index_cast %add3A_311 : i32 to index
      %get3A_312 = tpu.vector_load %arg5[%get3A] {strides = array<i32>} : memref<32768xf32, #tpu.memory_space<vmem>>, vector<16xf32>,
      %get3A_313 = vector.shape_cast %get3A_312 : vector<16xf32> to vector<16xf32>
      %get3A_314 = arith.index_cast %add3A_311 : i32 to index
      %get3A_315 = tpu.vector_load %arg6[%get3A_314] {strides = array<i32>} : memref<32768xf32, #tpu.memory_space<vmem>>, vector<16xf32>,
      %get3A_316 = vector.shape_cast %get3A_315 : vector<16xf32> to vector<16xf32>
      %add3A_317 = arith.addf %get3A_313, %get3A_316 : vector<16xf32>
      %swap3A = arith.index_cast %add3A_311 : i32 to index
      %swap3A_318 = tpu.vector_load %arg5[%swap3A] {strides = array<i32>} : memref<32768xf32, #tpu.memory_space<vmem>>, vector<16xf32>,
      %swap3A_319 = vector.shape_cast %swap3A_318 : vector<16xf32> to vector<16xf32>
      %swap3A_320 = vector.shape_cast %add3A_317 : vector<16xf32> to vector<16xf32>
      tpu.vector_store %arg5[%swap3A], %swap3A_320 {strides = array<i32>} : memref<32768xf32, #tpu.memory_space<vmem>>, vector<16xf32>,
      %mul3A_321 = arith.constant 64 : i32
      %mul3A_322 = arith.muli %scan3A_306, %mul3A_321 : i32
      %add3A_323 = arith.constant 16 : i32
      %add3A_324 = arith.addi %mul3A_322, %add3A_323 : i32
      %get3A_325 = arith.index_cast %add3A_324 : i32 to index
      %get3A_326 = tpu.vector_load %arg5[%get3A_325] {strides = array<i32>} : memref<32768xf32, #tpu.memory_space<vmem>>, vector<16xf32>,
      %get3A_327 = vector.shape_cast %get3A_326 : vector<16xf32> to vector<16xf32>
      %get3A_328 = arith.index_cast %add3A_324 : i32 to index
      %get3A_329 = tpu.vector_load %arg6[%get3A_328] {strides = array<i32>} : memref<32768xf32, #tpu.memory_space<vmem>>, vector<16xf32>,
      %get3A_330 = vector.shape_cast %get3A_329 : vector<16xf32> to vector<16xf32>
      %add3A_331 = arith.addf %get3A_327, %get3A_330 : vector<16xf32>
      %swap3A_332 = arith.index_cast %add3A_324 : i32 to index
      %swap3A_333 = tpu.vector_load %arg5[%swap3A_332] {strides = array<i32>} : memref<32768xf32, #tpu.memory_space<vmem>>, vector<16xf32>,
      %swap3A_334 = vector.shape_cast %swap3A_333 : vector<16xf32> to vector<16xf32>
      %swap3A_335 = vector.shape_cast %add3A_331 : vector<16xf32> to vector<16xf32>
      tpu.vector_store %arg5[%swap3A_332], %swap3A_335 {strides = array<i32>} : memref<32768xf32, #tpu.memory_space<vmem>>, vector<16xf32>,
      %mul3A_336 = arith.constant 64 : i32
      %mul3A_337 = arith.muli %scan3A_306, %mul3A_336 : i32
      %add3A_338 = arith.constant 32 : i32
      %add3A_339 = arith.addi %mul3A_337, %add3A_338 : i32
      %get3A_340 = arith.index_cast %add3A_339 : i32 to index
      %get3A_341 = tpu.vector_load %arg5[%get3A_340] {strides = array<i32>} : memref<32768xf32, #tpu.memory_space<vmem>>, vector<16xf32>,
      %get3A_342 = vector.shape_cast %get3A_341 : vector<16xf32> to vector<16xf32>
      %get3A_343 = arith.index_cast %add3A_339 : i32 to index
      %get3A_344 = tpu.vector_load %arg6[%get3A_343] {strides = array<i32>} : memref<32768xf32, #tpu.memory_space<vmem>>, vector<16xf32>,
      %get3A_345 = vector.shape_cast %get3A_344 : vector<16xf32> to vector<16xf32>
      %add3A_346 = arith.addf %get3A_342, %get3A_345 : vector<16xf32>
      %swap3A_347 = arith.index_cast %add3A_339 : i32 to index
      %swap3A_348 = tpu.vector_load %arg5[%swap3A_347] {strides = array<i32>} : memref<32768xf32, #tpu.memory_space<vmem>>, vector<16xf32>,
      %swap3A_349 = vector.shape_cast %swap3A_348 : vector<16xf32> to vector<16xf32>
      %swap3A_350 = vector.shape_cast %add3A_346 : vector<16xf32> to vector<16xf32>
      tpu.vector_store %arg5[%swap3A_347], %swap3A_350 {strides = array<i32>} : memref<32768xf32, #tpu.memory_space<vmem>>, vector<16xf32>,
      %mul3A_351 = arith.constant 64 : i32
      %mul3A_352 = arith.muli %scan3A_306, %mul3A_351 : i32
      %add3A_353 = arith.constant 48 : i32
      %add3A_354 = arith.addi %mul3A_352, %add3A_353 : i32
      %get3A_355 = arith.index_cast %add3A_354 : i32 to index
      %get3A_356 = tpu.vector_load %arg5[%get3A_355] {strides = array<i32>} : memref<32768xf32, #tpu.memory_space<vmem>>, vector<16xf32>,
      %get3A_357 = vector.shape_cast %get3A_356 : vector<16xf32> to vector<16xf32>
      %get3A_358 = arith.index_cast %add3A_354 : i32 to index
      %get3A_359 = tpu.vector_load %arg6[%get3A_358] {strides = array<i32>} : memref<32768xf32, #tpu.memory_space<vmem>>, vector<16xf32>,
      %get3A_360 = vector.shape_cast %get3A_359 : vector<16xf32> to vector<16xf32>
      %add3A_361 = arith.addf %get3A_357, %get3A_360 : vector<16xf32>
      %swap3A_362 = arith.index_cast %add3A_354 : i32 to index
      %swap3A_363 = tpu.vector_load %arg5[%swap3A_362] {strides = array<i32>} : memref<32768xf32, #tpu.memory_space<vmem>>, vector<16xf32>,
      %swap3A_364 = vector.shape_cast %swap3A_363 : vector<16xf32> to vector<16xf32>
      %swap3A_365 = vector.shape_cast %add3A_361 : vector<16xf32> to vector<16xf32>
      tpu.vector_store %arg5[%swap3A_362], %swap3A_365 {strides = array<i32>} : memref<32768xf32, #tpu.memory_space<vmem>>, vector<16xf32>,
      %scan3A_366 = arith.constant 0 : i32
      scf.yield %scan3A_366 : i32
    }
    %scan3A_182 = arith.constant 512 : i32
    "tpu.region"() ({
      %run_scoped3A = tpu.sem_alloc : memref<!tpu.dma_semaphore, #tpu.memory_space<semaphore_mem>>
      %dma_start3A = tpu.memref_slice %arg4[%add3A_175] : memref<33554432xf32, #tpu.memory_space<hbm>> -> memref<32768xf32, #tpu.memory_space<hbm>>
      %dma_start3A_306 = tpu.memref_slice %arg4[%add3A_175] : memref<33554432xf32, #tpu.memory_space<hbm>> -> memref<32768xf32, #tpu.memory_space<hbm>>
      tpu.enqueue_dma source(%arg5 : memref<32768xf32, #tpu.memory_space<vmem>>) target(%dma_start3A_306 : memref<32768xf32, #tpu.memory_space<hbm>>) target_semaphore(%run_scoped3A : memref<!tpu.dma_semaphore, #tpu.memory_space<semaphore_mem>>)
      %dma_wait3A = tpu.memref_slice %arg4[%add3A_175] : memref<33554432xf32, #tpu.memory_space<hbm>> -> memref<32768xf32, #tpu.memory_space<hbm>>
      %dma_wait3A_307 = tpu.memref_slice %arg4[%add3A_175] : memref<33554432xf32, #tpu.memory_space<hbm>> -> memref<32768xf32, #tpu.memory_space<hbm>>
      tpu.wait_dma2 semaphore(%run_scoped3A : memref<!tpu.dma_semaphore, #tpu.memory_space<semaphore_mem>>) src(%arg5 : memref<32768xf32, #tpu.memory_space<vmem>>) dst(%dma_wait3A_307 : memref<32768xf32, #tpu.memory_space<hbm>>)
      tpu.yield
    }) : () -> ()
    %add3A_183 = arith.constant 25165824 : i32
    %add3A_184 = arith.addi %add3A_183, %add3A_155 : i32
    "tpu.region"() ({
      %run_scoped3A = tpu.sem_alloc : memref<!tpu.dma_semaphore, #tpu.memory_space<semaphore_mem>>
      %dma_start3A = tpu.memref_slice %arg2[%add3A_184] : memref<33554432xf32, #tpu.memory_space<hbm>> -> memref<32768xf32, #tpu.memory_space<hbm>>
      %dma_start3A_306 = tpu.memref_slice %arg2[%add3A_184] : memref<33554432xf32, #tpu.memory_space<hbm>> -> memref<32768xf32, #tpu.memory_space<hbm>>
      tpu.enqueue_dma source(%dma_start3A_306 : memref<32768xf32, #tpu.memory_space<hbm>>) target(%arg5 : memref<32768xf32, #tpu.memory_space<vmem>>) target_semaphore(%run_scoped3A : memref<!tpu.dma_semaphore, #tpu.memory_space<semaphore_mem>>)
      %dma_wait3A = tpu.memref_slice %arg2[%add3A_184] : memref<33554432xf32, #tpu.memory_space<hbm>> -> memref<32768xf32, #tpu.memory_space<hbm>>
      %dma_wait3A_307 = tpu.memref_slice %arg2[%add3A_184] : memref<33554432xf32, #tpu.memory_space<hbm>> -> memref<32768xf32, #tpu.memory_space<hbm>>
      tpu.wait_dma2 semaphore(%run_scoped3A : memref<!tpu.dma_semaphore, #tpu.memory_space<semaphore_mem>>) src(%dma_wait3A_307 : memref<32768xf32, #tpu.memory_space<hbm>>) dst(%arg5 : memref<32768xf32, #tpu.memory_space<vmem>>)
      tpu.yield
    }) : () -> ()
    %scan3A_185 = arith.constant 0 : i32
    %scan3A_186 = arith.constant 0 : i32
    %scan3A_187 = arith.constant 512 : i32
    %scan3A_188 = arith.addi %scan3A_186, %scan3A_187 : i32
    %scan3A_189 = arith.constant 1 : i32
    %scan3A_190 = scf.for %scan3A_306 = %scan3A_186 to %scan3A_188 step %scan3A_189 iter_args(%scan3A_307 = %scan3A_185) -> (i32)  : i32 {
      %mul3A_308 = arith.constant 64 : i32
      %mul3A_309 = arith.muli %scan3A_306, %mul3A_308 : i32
      %add3A_310 = arith.constant 0 : i32
      %add3A_311 = arith.addi %mul3A_309, %add3A_310 : i32
      %get3A = arith.index_cast %add3A_311 : i32 to index
      %get3A_312 = tpu.vector_load %arg5[%get3A] {strides = array<i32>} : memref<32768xf32, #tpu.memory_space<vmem>>, vector<16xf32>,
      %get3A_313 = vector.shape_cast %get3A_312 : vector<16xf32> to vector<16xf32>
      %get3A_314 = arith.index_cast %add3A_311 : i32 to index
      %get3A_315 = tpu.vector_load %arg6[%get3A_314] {strides = array<i32>} : memref<32768xf32, #tpu.memory_space<vmem>>, vector<16xf32>,
      %get3A_316 = vector.shape_cast %get3A_315 : vector<16xf32> to vector<16xf32>
      %add3A_317 = arith.addf %get3A_313, %get3A_316 : vector<16xf32>
      %swap3A = arith.index_cast %add3A_311 : i32 to index
      %swap3A_318 = tpu.vector_load %arg5[%swap3A] {strides = array<i32>} : memref<32768xf32, #tpu.memory_space<vmem>>, vector<16xf32>,
      %swap3A_319 = vector.shape_cast %swap3A_318 : vector<16xf32> to vector<16xf32>
      %swap3A_320 = vector.shape_cast %add3A_317 : vector<16xf32> to vector<16xf32>
      tpu.vector_store %arg5[%swap3A], %swap3A_320 {strides = array<i32>} : memref<32768xf32, #tpu.memory_space<vmem>>, vector<16xf32>,
      %mul3A_321 = arith.constant 64 : i32
      %mul3A_322 = arith.muli %scan3A_306, %mul3A_321 : i32
      %add3A_323 = arith.constant 16 : i32
      %add3A_324 = arith.addi %mul3A_322, %add3A_323 : i32
      %get3A_325 = arith.index_cast %add3A_324 : i32 to index
      %get3A_326 = tpu.vector_load %arg5[%get3A_325] {strides = array<i32>} : memref<32768xf32, #tpu.memory_space<vmem>>, vector<16xf32>,
      %get3A_327 = vector.shape_cast %get3A_326 : vector<16xf32> to vector<16xf32>
      %get3A_328 = arith.index_cast %add3A_324 : i32 to index
      %get3A_329 = tpu.vector_load %arg6[%get3A_328] {strides = array<i32>} : memref<32768xf32, #tpu.memory_space<vmem>>, vector<16xf32>,
      %get3A_330 = vector.shape_cast %get3A_329 : vector<16xf32> to vector<16xf32>
      %add3A_331 = arith.addf %get3A_327, %get3A_330 : vector<16xf32>
      %swap3A_332 = arith.index_cast %add3A_324 : i32 to index
      %swap3A_333 = tpu.vector_load %arg5[%swap3A_332] {strides = array<i32>} : memref<32768xf32, #tpu.memory_space<vmem>>, vector<16xf32>,
      %swap3A_334 = vector.shape_cast %swap3A_333 : vector<16xf32> to vector<16xf32>
      %swap3A_335 = vector.shape_cast %add3A_331 : vector<16xf32> to vector<16xf32>
      tpu.vector_store %arg5[%swap3A_332], %swap3A_335 {strides = array<i32>} : memref<32768xf32, #tpu.memory_space<vmem>>, vector<16xf32>,
      %mul3A_336 = arith.constant 64 : i32
      %mul3A_337 = arith.muli %scan3A_306, %mul3A_336 : i32
      %add3A_338 = arith.constant 32 : i32
      %add3A_339 = arith.addi %mul3A_337, %add3A_338 : i32
      %get3A_340 = arith.index_cast %add3A_339 : i32 to index
      %get3A_341 = tpu.vector_load %arg5[%get3A_340] {strides = array<i32>} : memref<32768xf32, #tpu.memory_space<vmem>>, vector<16xf32>,
      %get3A_342 = vector.shape_cast %get3A_341 : vector<16xf32> to vector<16xf32>
      %get3A_343 = arith.index_cast %add3A_339 : i32 to index
      %get3A_344 = tpu.vector_load %arg6[%get3A_343] {strides = array<i32>} : memref<32768xf32, #tpu.memory_space<vmem>>, vector<16xf32>,
      %get3A_345 = vector.shape_cast %get3A_344 : vector<16xf32> to vector<16xf32>
      %add3A_346 = arith.addf %get3A_342, %get3A_345 : vector<16xf32>
      %swap3A_347 = arith.index_cast %add3A_339 : i32 to index
      %swap3A_348 = tpu.vector_load %arg5[%swap3A_347] {strides = array<i32>} : memref<32768xf32, #tpu.memory_space<vmem>>, vector<16xf32>,
      %swap3A_349 = vector.shape_cast %swap3A_348 : vector<16xf32> to vector<16xf32>
      %swap3A_350 = vector.shape_cast %add3A_346 : vector<16xf32> to vector<16xf32>
      tpu.vector_store %arg5[%swap3A_347], %swap3A_350 {strides = array<i32>} : memref<32768xf32, #tpu.memory_space<vmem>>, vector<16xf32>,
      %mul3A_351 = arith.constant 64 : i32
      %mul3A_352 = arith.muli %scan3A_306, %mul3A_351 : i32
      %add3A_353 = arith.constant 48 : i32
      %add3A_354 = arith.addi %mul3A_352, %add3A_353 : i32
      %get3A_355 = arith.index_cast %add3A_354 : i32 to index
      %get3A_356 = tpu.vector_load %arg5[%get3A_355] {strides = array<i32>} : memref<32768xf32, #tpu.memory_space<vmem>>, vector<16xf32>,
      %get3A_357 = vector.shape_cast %get3A_356 : vector<16xf32> to vector<16xf32>
      %get3A_358 = arith.index_cast %add3A_354 : i32 to index
      %get3A_359 = tpu.vector_load %arg6[%get3A_358] {strides = array<i32>} : memref<32768xf32, #tpu.memory_space<vmem>>, vector<16xf32>,
      %get3A_360 = vector.shape_cast %get3A_359 : vector<16xf32> to vector<16xf32>
      %add3A_361 = arith.addf %get3A_357, %get3A_360 : vector<16xf32>
      %swap3A_362 = arith.index_cast %add3A_354 : i32 to index
      %swap3A_363 = tpu.vector_load %arg5[%swap3A_362] {strides = array<i32>} : memref<32768xf32, #tpu.memory_space<vmem>>, vector<16xf32>,
      %swap3A_364 = vector.shape_cast %swap3A_363 : vector<16xf32> to vector<16xf32>
      %swap3A_365 = vector.shape_cast %add3A_361 : vector<16xf32> to vector<16xf32>
      tpu.vector_store %arg5[%swap3A_362], %swap3A_365 {strides = array<i32>} : memref<32768xf32, #tpu.memory_space<vmem>>, vector<16xf32>,
      %scan3A_366 = arith.constant 0 : i32
      scf.yield %scan3A_366 : i32
    }
    %scan3A_191 = arith.constant 512 : i32
    "tpu.region"() ({
      %run_scoped3A = tpu.sem_alloc : memref<!tpu.dma_semaphore, #tpu.memory_space<semaphore_mem>>
      %dma_start3A = tpu.memref_slice %arg4[%add3A_184] : memref<33554432xf32, #tpu.memory_space<hbm>> -> memref<32768xf32, #tpu.memory_space<hbm>>
      %dma_start3A_306 = tpu.memref_slice %arg4[%add3A_184] : memref<33554432xf32, #tpu.memory_space<hbm>> -> memref<32768xf32, #tpu.memory_space<hbm>>
      tpu.enqueue_dma source(%arg5 : memref<32768xf32, #tpu.memory_space<vmem>>) target(%dma_start3A_306 : memref<32768xf32, #tpu.memory_space<hbm>>) target_semaphore(%run_scoped3A : memref<!tpu.dma_semaphore, #tpu.memory_space<semaphore_mem>>)
      %dma_wait3A = tpu.memref_slice %arg4[%add3A_184] : memref<33554432xf32, #tpu.memory_space<hbm>> -> memref<32768xf32, #tpu.memory_space<hbm>>
      %dma_wait3A_307 = tpu.memref_slice %arg4[%add3A_184] : memref<33554432xf32, #tpu.memory_space<hbm>> -> memref<32768xf32, #tpu.memory_space<hbm>>
      tpu.wait_dma2 semaphore(%run_scoped3A : memref<!tpu.dma_semaphore, #tpu.memory_space<semaphore_mem>>) src(%arg5 : memref<32768xf32, #tpu.memory_space<vmem>>) dst(%dma_wait3A_307 : memref<32768xf32, #tpu.memory_space<hbm>>)
      tpu.yield
    }) : () -> ()
    %add3A_192 = arith.constant 163840 : i32
    %add3A_193 = arith.addi %mul3A_2, %add3A_192 : i32
    "tpu.region"() ({
      %run_scoped3A = tpu.sem_alloc : memref<!tpu.dma_semaphore, #tpu.memory_space<semaphore_mem>>
      %dma_start3A = tpu.memref_slice %arg3[%add3A_193] : memref<8388608xf32, #tpu.memory_space<hbm>> -> memref<32768xf32, #tpu.memory_space<hbm>>
      %dma_start3A_306 = tpu.memref_slice %arg3[%add3A_193] : memref<8388608xf32, #tpu.memory_space<hbm>> -> memref<32768xf32, #tpu.memory_space<hbm>>
      tpu.enqueue_dma source(%dma_start3A_306 : memref<32768xf32, #tpu.memory_space<hbm>>) target(%arg6 : memref<32768xf32, #tpu.memory_space<vmem>>) target_semaphore(%run_scoped3A : memref<!tpu.dma_semaphore, #tpu.memory_space<semaphore_mem>>)
      %dma_wait3A = tpu.memref_slice %arg3[%add3A_193] : memref<8388608xf32, #tpu.memory_space<hbm>> -> memref<32768xf32, #tpu.memory_space<hbm>>
      %dma_wait3A_307 = tpu.memref_slice %arg3[%add3A_193] : memref<8388608xf32, #tpu.memory_space<hbm>> -> memref<32768xf32, #tpu.memory_space<hbm>>
      tpu.wait_dma2 semaphore(%run_scoped3A : memref<!tpu.dma_semaphore, #tpu.memory_space<semaphore_mem>>) src(%dma_wait3A_307 : memref<32768xf32, #tpu.memory_space<hbm>>) dst(%arg6 : memref<32768xf32, #tpu.memory_space<vmem>>)
      tpu.yield
    }) : () -> ()
    %add3A_194 = arith.constant 0 : i32
    %add3A_195 = arith.addi %add3A_194, %add3A_193 : i32
    "tpu.region"() ({
      %run_scoped3A = tpu.sem_alloc : memref<!tpu.dma_semaphore, #tpu.memory_space<semaphore_mem>>
      %dma_start3A = tpu.memref_slice %arg2[%add3A_195] : memref<33554432xf32, #tpu.memory_space<hbm>> -> memref<32768xf32, #tpu.memory_space<hbm>>
      %dma_start3A_306 = tpu.memref_slice %arg2[%add3A_195] : memref<33554432xf32, #tpu.memory_space<hbm>> -> memref<32768xf32, #tpu.memory_space<hbm>>
      tpu.enqueue_dma source(%dma_start3A_306 : memref<32768xf32, #tpu.memory_space<hbm>>) target(%arg5 : memref<32768xf32, #tpu.memory_space<vmem>>) target_semaphore(%run_scoped3A : memref<!tpu.dma_semaphore, #tpu.memory_space<semaphore_mem>>)
      %dma_wait3A = tpu.memref_slice %arg2[%add3A_195] : memref<33554432xf32, #tpu.memory_space<hbm>> -> memref<32768xf32, #tpu.memory_space<hbm>>
      %dma_wait3A_307 = tpu.memref_slice %arg2[%add3A_195] : memref<33554432xf32, #tpu.memory_space<hbm>> -> memref<32768xf32, #tpu.memory_space<hbm>>
      tpu.wait_dma2 semaphore(%run_scoped3A : memref<!tpu.dma_semaphore, #tpu.memory_space<semaphore_mem>>) src(%dma_wait3A_307 : memref<32768xf32, #tpu.memory_space<hbm>>) dst(%arg5 : memref<32768xf32, #tpu.memory_space<vmem>>)
      tpu.yield
    }) : () -> ()
    %scan3A_196 = arith.constant 0 : i32
    %scan3A_197 = arith.constant 0 : i32
    %scan3A_198 = arith.constant 512 : i32
    %scan3A_199 = arith.addi %scan3A_197, %scan3A_198 : i32
    %scan3A_200 = arith.constant 1 : i32
    %scan3A_201 = scf.for %scan3A_306 = %scan3A_197 to %scan3A_199 step %scan3A_200 iter_args(%scan3A_307 = %scan3A_196) -> (i32)  : i32 {
      %mul3A_308 = arith.constant 64 : i32
      %mul3A_309 = arith.muli %scan3A_306, %mul3A_308 : i32
      %add3A_310 = arith.constant 0 : i32
      %add3A_311 = arith.addi %mul3A_309, %add3A_310 : i32
      %get3A = arith.index_cast %add3A_311 : i32 to index
      %get3A_312 = tpu.vector_load %arg5[%get3A] {strides = array<i32>} : memref<32768xf32, #tpu.memory_space<vmem>>, vector<16xf32>,
      %get3A_313 = vector.shape_cast %get3A_312 : vector<16xf32> to vector<16xf32>
      %get3A_314 = arith.index_cast %add3A_311 : i32 to index
      %get3A_315 = tpu.vector_load %arg6[%get3A_314] {strides = array<i32>} : memref<32768xf32, #tpu.memory_space<vmem>>, vector<16xf32>,
      %get3A_316 = vector.shape_cast %get3A_315 : vector<16xf32> to vector<16xf32>
      %add3A_317 = arith.addf %get3A_313, %get3A_316 : vector<16xf32>
      %swap3A = arith.index_cast %add3A_311 : i32 to index
      %swap3A_318 = tpu.vector_load %arg5[%swap3A] {strides = array<i32>} : memref<32768xf32, #tpu.memory_space<vmem>>, vector<16xf32>,
      %swap3A_319 = vector.shape_cast %swap3A_318 : vector<16xf32> to vector<16xf32>
      %swap3A_320 = vector.shape_cast %add3A_317 : vector<16xf32> to vector<16xf32>
      tpu.vector_store %arg5[%swap3A], %swap3A_320 {strides = array<i32>} : memref<32768xf32, #tpu.memory_space<vmem>>, vector<16xf32>,
      %mul3A_321 = arith.constant 64 : i32
      %mul3A_322 = arith.muli %scan3A_306, %mul3A_321 : i32
      %add3A_323 = arith.constant 16 : i32
      %add3A_324 = arith.addi %mul3A_322, %add3A_323 : i32
      %get3A_325 = arith.index_cast %add3A_324 : i32 to index
      %get3A_326 = tpu.vector_load %arg5[%get3A_325] {strides = array<i32>} : memref<32768xf32, #tpu.memory_space<vmem>>, vector<16xf32>,
      %get3A_327 = vector.shape_cast %get3A_326 : vector<16xf32> to vector<16xf32>
      %get3A_328 = arith.index_cast %add3A_324 : i32 to index
      %get3A_329 = tpu.vector_load %arg6[%get3A_328] {strides = array<i32>} : memref<32768xf32, #tpu.memory_space<vmem>>, vector<16xf32>,
      %get3A_330 = vector.shape_cast %get3A_329 : vector<16xf32> to vector<16xf32>
      %add3A_331 = arith.addf %get3A_327, %get3A_330 : vector<16xf32>
      %swap3A_332 = arith.index_cast %add3A_324 : i32 to index
      %swap3A_333 = tpu.vector_load %arg5[%swap3A_332] {strides = array<i32>} : memref<32768xf32, #tpu.memory_space<vmem>>, vector<16xf32>,
      %swap3A_334 = vector.shape_cast %swap3A_333 : vector<16xf32> to vector<16xf32>
      %swap3A_335 = vector.shape_cast %add3A_331 : vector<16xf32> to vector<16xf32>
      tpu.vector_store %arg5[%swap3A_332], %swap3A_335 {strides = array<i32>} : memref<32768xf32, #tpu.memory_space<vmem>>, vector<16xf32>,
      %mul3A_336 = arith.constant 64 : i32
      %mul3A_337 = arith.muli %scan3A_306, %mul3A_336 : i32
      %add3A_338 = arith.constant 32 : i32
      %add3A_339 = arith.addi %mul3A_337, %add3A_338 : i32
      %get3A_340 = arith.index_cast %add3A_339 : i32 to index
      %get3A_341 = tpu.vector_load %arg5[%get3A_340] {strides = array<i32>} : memref<32768xf32, #tpu.memory_space<vmem>>, vector<16xf32>,
      %get3A_342 = vector.shape_cast %get3A_341 : vector<16xf32> to vector<16xf32>
      %get3A_343 = arith.index_cast %add3A_339 : i32 to index
      %get3A_344 = tpu.vector_load %arg6[%get3A_343] {strides = array<i32>} : memref<32768xf32, #tpu.memory_space<vmem>>, vector<16xf32>,
      %get3A_345 = vector.shape_cast %get3A_344 : vector<16xf32> to vector<16xf32>
      %add3A_346 = arith.addf %get3A_342, %get3A_345 : vector<16xf32>
      %swap3A_347 = arith.index_cast %add3A_339 : i32 to index
      %swap3A_348 = tpu.vector_load %arg5[%swap3A_347] {strides = array<i32>} : memref<32768xf32, #tpu.memory_space<vmem>>, vector<16xf32>,
      %swap3A_349 = vector.shape_cast %swap3A_348 : vector<16xf32> to vector<16xf32>
      %swap3A_350 = vector.shape_cast %add3A_346 : vector<16xf32> to vector<16xf32>
      tpu.vector_store %arg5[%swap3A_347], %swap3A_350 {strides = array<i32>} : memref<32768xf32, #tpu.memory_space<vmem>>, vector<16xf32>,
      %mul3A_351 = arith.constant 64 : i32
      %mul3A_352 = arith.muli %scan3A_306, %mul3A_351 : i32
      %add3A_353 = arith.constant 48 : i32
      %add3A_354 = arith.addi %mul3A_352, %add3A_353 : i32
      %get3A_355 = arith.index_cast %add3A_354 : i32 to index
      %get3A_356 = tpu.vector_load %arg5[%get3A_355] {strides = array<i32>} : memref<32768xf32, #tpu.memory_space<vmem>>, vector<16xf32>,
      %get3A_357 = vector.shape_cast %get3A_356 : vector<16xf32> to vector<16xf32>
      %get3A_358 = arith.index_cast %add3A_354 : i32 to index
      %get3A_359 = tpu.vector_load %arg6[%get3A_358] {strides = array<i32>} : memref<32768xf32, #tpu.memory_space<vmem>>, vector<16xf32>,
      %get3A_360 = vector.shape_cast %get3A_359 : vector<16xf32> to vector<16xf32>
      %add3A_361 = arith.addf %get3A_357, %get3A_360 : vector<16xf32>
      %swap3A_362 = arith.index_cast %add3A_354 : i32 to index
      %swap3A_363 = tpu.vector_load %arg5[%swap3A_362] {strides = array<i32>} : memref<32768xf32, #tpu.memory_space<vmem>>, vector<16xf32>,
      %swap3A_364 = vector.shape_cast %swap3A_363 : vector<16xf32> to vector<16xf32>
      %swap3A_365 = vector.shape_cast %add3A_361 : vector<16xf32> to vector<16xf32>
      tpu.vector_store %arg5[%swap3A_362], %swap3A_365 {strides = array<i32>} : memref<32768xf32, #tpu.memory_space<vmem>>, vector<16xf32>,
      %scan3A_366 = arith.constant 0 : i32
      scf.yield %scan3A_366 : i32
    }
    %scan3A_202 = arith.constant 512 : i32
    "tpu.region"() ({
      %run_scoped3A = tpu.sem_alloc : memref<!tpu.dma_semaphore, #tpu.memory_space<semaphore_mem>>
      %dma_start3A = tpu.memref_slice %arg4[%add3A_195] : memref<33554432xf32, #tpu.memory_space<hbm>> -> memref<32768xf32, #tpu.memory_space<hbm>>
      %dma_start3A_306 = tpu.memref_slice %arg4[%add3A_195] : memref<33554432xf32, #tpu.memory_space<hbm>> -> memref<32768xf32, #tpu.memory_space<hbm>>
      tpu.enqueue_dma source(%arg5 : memref<32768xf32, #tpu.memory_space<vmem>>) target(%dma_start3A_306 : memref<32768xf32, #tpu.memory_space<hbm>>) target_semaphore(%run_scoped3A : memref<!tpu.dma_semaphore, #tpu.memory_space<semaphore_mem>>)
      %dma_wait3A = tpu.memref_slice %arg4[%add3A_195] : memref<33554432xf32, #tpu.memory_space<hbm>> -> memref<32768xf32, #tpu.memory_space<hbm>>
      %dma_wait3A_307 = tpu.memref_slice %arg4[%add3A_195] : memref<33554432xf32, #tpu.memory_space<hbm>> -> memref<32768xf32, #tpu.memory_space<hbm>>
      tpu.wait_dma2 semaphore(%run_scoped3A : memref<!tpu.dma_semaphore, #tpu.memory_space<semaphore_mem>>) src(%arg5 : memref<32768xf32, #tpu.memory_space<vmem>>) dst(%dma_wait3A_307 : memref<32768xf32, #tpu.memory_space<hbm>>)
      tpu.yield
    }) : () -> ()
    %add3A_203 = arith.constant 8388608 : i32
    %add3A_204 = arith.addi %add3A_203, %add3A_193 : i32
    "tpu.region"() ({
      %run_scoped3A = tpu.sem_alloc : memref<!tpu.dma_semaphore, #tpu.memory_space<semaphore_mem>>
      %dma_start3A = tpu.memref_slice %arg2[%add3A_204] : memref<33554432xf32, #tpu.memory_space<hbm>> -> memref<32768xf32, #tpu.memory_space<hbm>>
      %dma_start3A_306 = tpu.memref_slice %arg2[%add3A_204] : memref<33554432xf32, #tpu.memory_space<hbm>> -> memref<32768xf32, #tpu.memory_space<hbm>>
      tpu.enqueue_dma source(%dma_start3A_306 : memref<32768xf32, #tpu.memory_space<hbm>>) target(%arg5 : memref<32768xf32, #tpu.memory_space<vmem>>) target_semaphore(%run_scoped3A : memref<!tpu.dma_semaphore, #tpu.memory_space<semaphore_mem>>)
      %dma_wait3A = tpu.memref_slice %arg2[%add3A_204] : memref<33554432xf32, #tpu.memory_space<hbm>> -> memref<32768xf32, #tpu.memory_space<hbm>>
      %dma_wait3A_307 = tpu.memref_slice %arg2[%add3A_204] : memref<33554432xf32, #tpu.memory_space<hbm>> -> memref<32768xf32, #tpu.memory_space<hbm>>
      tpu.wait_dma2 semaphore(%run_scoped3A : memref<!tpu.dma_semaphore, #tpu.memory_space<semaphore_mem>>) src(%dma_wait3A_307 : memref<32768xf32, #tpu.memory_space<hbm>>) dst(%arg5 : memref<32768xf32, #tpu.memory_space<vmem>>)
      tpu.yield
    }) : () -> ()
    %scan3A_205 = arith.constant 0 : i32
    %scan3A_206 = arith.constant 0 : i32
    %scan3A_207 = arith.constant 512 : i32
    %scan3A_208 = arith.addi %scan3A_206, %scan3A_207 : i32
    %scan3A_209 = arith.constant 1 : i32
    %scan3A_210 = scf.for %scan3A_306 = %scan3A_206 to %scan3A_208 step %scan3A_209 iter_args(%scan3A_307 = %scan3A_205) -> (i32)  : i32 {
      %mul3A_308 = arith.constant 64 : i32
      %mul3A_309 = arith.muli %scan3A_306, %mul3A_308 : i32
      %add3A_310 = arith.constant 0 : i32
      %add3A_311 = arith.addi %mul3A_309, %add3A_310 : i32
      %get3A = arith.index_cast %add3A_311 : i32 to index
      %get3A_312 = tpu.vector_load %arg5[%get3A] {strides = array<i32>} : memref<32768xf32, #tpu.memory_space<vmem>>, vector<16xf32>,
      %get3A_313 = vector.shape_cast %get3A_312 : vector<16xf32> to vector<16xf32>
      %get3A_314 = arith.index_cast %add3A_311 : i32 to index
      %get3A_315 = tpu.vector_load %arg6[%get3A_314] {strides = array<i32>} : memref<32768xf32, #tpu.memory_space<vmem>>, vector<16xf32>,
      %get3A_316 = vector.shape_cast %get3A_315 : vector<16xf32> to vector<16xf32>
      %add3A_317 = arith.addf %get3A_313, %get3A_316 : vector<16xf32>
      %swap3A = arith.index_cast %add3A_311 : i32 to index
      %swap3A_318 = tpu.vector_load %arg5[%swap3A] {strides = array<i32>} : memref<32768xf32, #tpu.memory_space<vmem>>, vector<16xf32>,
      %swap3A_319 = vector.shape_cast %swap3A_318 : vector<16xf32> to vector<16xf32>
      %swap3A_320 = vector.shape_cast %add3A_317 : vector<16xf32> to vector<16xf32>
      tpu.vector_store %arg5[%swap3A], %swap3A_320 {strides = array<i32>} : memref<32768xf32, #tpu.memory_space<vmem>>, vector<16xf32>,
      %mul3A_321 = arith.constant 64 : i32
      %mul3A_322 = arith.muli %scan3A_306, %mul3A_321 : i32
      %add3A_323 = arith.constant 16 : i32
      %add3A_324 = arith.addi %mul3A_322, %add3A_323 : i32
      %get3A_325 = arith.index_cast %add3A_324 : i32 to index
      %get3A_326 = tpu.vector_load %arg5[%get3A_325] {strides = array<i32>} : memref<32768xf32, #tpu.memory_space<vmem>>, vector<16xf32>,
      %get3A_327 = vector.shape_cast %get3A_326 : vector<16xf32> to vector<16xf32>
      %get3A_328 = arith.index_cast %add3A_324 : i32 to index
      %get3A_329 = tpu.vector_load %arg6[%get3A_328] {strides = array<i32>} : memref<32768xf32, #tpu.memory_space<vmem>>, vector<16xf32>,
      %get3A_330 = vector.shape_cast %get3A_329 : vector<16xf32> to vector<16xf32>
      %add3A_331 = arith.addf %get3A_327, %get3A_330 : vector<16xf32>
      %swap3A_332 = arith.index_cast %add3A_324 : i32 to index
      %swap3A_333 = tpu.vector_load %arg5[%swap3A_332] {strides = array<i32>} : memref<32768xf32, #tpu.memory_space<vmem>>, vector<16xf32>,
      %swap3A_334 = vector.shape_cast %swap3A_333 : vector<16xf32> to vector<16xf32>
      %swap3A_335 = vector.shape_cast %add3A_331 : vector<16xf32> to vector<16xf32>
      tpu.vector_store %arg5[%swap3A_332], %swap3A_335 {strides = array<i32>} : memref<32768xf32, #tpu.memory_space<vmem>>, vector<16xf32>,
      %mul3A_336 = arith.constant 64 : i32
      %mul3A_337 = arith.muli %scan3A_306, %mul3A_336 : i32
      %add3A_338 = arith.constant 32 : i32
      %add3A_339 = arith.addi %mul3A_337, %add3A_338 : i32
      %get3A_340 = arith.index_cast %add3A_339 : i32 to index
      %get3A_341 = tpu.vector_load %arg5[%get3A_340] {strides = array<i32>} : memref<32768xf32, #tpu.memory_space<vmem>>, vector<16xf32>,
      %get3A_342 = vector.shape_cast %get3A_341 : vector<16xf32> to vector<16xf32>
      %get3A_343 = arith.index_cast %add3A_339 : i32 to index
      %get3A_344 = tpu.vector_load %arg6[%get3A_343] {strides = array<i32>} : memref<32768xf32, #tpu.memory_space<vmem>>, vector<16xf32>,
      %get3A_345 = vector.shape_cast %get3A_344 : vector<16xf32> to vector<16xf32>
      %add3A_346 = arith.addf %get3A_342, %get3A_345 : vector<16xf32>
      %swap3A_347 = arith.index_cast %add3A_339 : i32 to index
      %swap3A_348 = tpu.vector_load %arg5[%swap3A_347] {strides = array<i32>} : memref<32768xf32, #tpu.memory_space<vmem>>, vector<16xf32>,
      %swap3A_349 = vector.shape_cast %swap3A_348 : vector<16xf32> to vector<16xf32>
      %swap3A_350 = vector.shape_cast %add3A_346 : vector<16xf32> to vector<16xf32>
      tpu.vector_store %arg5[%swap3A_347], %swap3A_350 {strides = array<i32>} : memref<32768xf32, #tpu.memory_space<vmem>>, vector<16xf32>,
      %mul3A_351 = arith.constant 64 : i32
      %mul3A_352 = arith.muli %scan3A_306, %mul3A_351 : i32
      %add3A_353 = arith.constant 48 : i32
      %add3A_354 = arith.addi %mul3A_352, %add3A_353 : i32
      %get3A_355 = arith.index_cast %add3A_354 : i32 to index
      %get3A_356 = tpu.vector_load %arg5[%get3A_355] {strides = array<i32>} : memref<32768xf32, #tpu.memory_space<vmem>>, vector<16xf32>,
      %get3A_357 = vector.shape_cast %get3A_356 : vector<16xf32> to vector<16xf32>
      %get3A_358 = arith.index_cast %add3A_354 : i32 to index
      %get3A_359 = tpu.vector_load %arg6[%get3A_358] {strides = array<i32>} : memref<32768xf32, #tpu.memory_space<vmem>>, vector<16xf32>,
      %get3A_360 = vector.shape_cast %get3A_359 : vector<16xf32> to vector<16xf32>
      %add3A_361 = arith.addf %get3A_357, %get3A_360 : vector<16xf32>
      %swap3A_362 = arith.index_cast %add3A_354 : i32 to index
      %swap3A_363 = tpu.vector_load %arg5[%swap3A_362] {strides = array<i32>} : memref<32768xf32, #tpu.memory_space<vmem>>, vector<16xf32>,
      %swap3A_364 = vector.shape_cast %swap3A_363 : vector<16xf32> to vector<16xf32>
      %swap3A_365 = vector.shape_cast %add3A_361 : vector<16xf32> to vector<16xf32>
      tpu.vector_store %arg5[%swap3A_362], %swap3A_365 {strides = array<i32>} : memref<32768xf32, #tpu.memory_space<vmem>>, vector<16xf32>,
      %scan3A_366 = arith.constant 0 : i32
      scf.yield %scan3A_366 : i32
    }
    %scan3A_211 = arith.constant 512 : i32
    "tpu.region"() ({
      %run_scoped3A = tpu.sem_alloc : memref<!tpu.dma_semaphore, #tpu.memory_space<semaphore_mem>>
      %dma_start3A = tpu.memref_slice %arg4[%add3A_204] : memref<33554432xf32, #tpu.memory_space<hbm>> -> memref<32768xf32, #tpu.memory_space<hbm>>
      %dma_start3A_306 = tpu.memref_slice %arg4[%add3A_204] : memref<33554432xf32, #tpu.memory_space<hbm>> -> memref<32768xf32, #tpu.memory_space<hbm>>
      tpu.enqueue_dma source(%arg5 : memref<32768xf32, #tpu.memory_space<vmem>>) target(%dma_start3A_306 : memref<32768xf32, #tpu.memory_space<hbm>>) target_semaphore(%run_scoped3A : memref<!tpu.dma_semaphore, #tpu.memory_space<semaphore_mem>>)
      %dma_wait3A = tpu.memref_slice %arg4[%add3A_204] : memref<33554432xf32, #tpu.memory_space<hbm>> -> memref<32768xf32, #tpu.memory_space<hbm>>
      %dma_wait3A_307 = tpu.memref_slice %arg4[%add3A_204] : memref<33554432xf32, #tpu.memory_space<hbm>> -> memref<32768xf32, #tpu.memory_space<hbm>>
      tpu.wait_dma2 semaphore(%run_scoped3A : memref<!tpu.dma_semaphore, #tpu.memory_space<semaphore_mem>>) src(%arg5 : memref<32768xf32, #tpu.memory_space<vmem>>) dst(%dma_wait3A_307 : memref<32768xf32, #tpu.memory_space<hbm>>)
      tpu.yield
    }) : () -> ()
    %add3A_212 = arith.constant 16777216 : i32
    %add3A_213 = arith.addi %add3A_212, %add3A_193 : i32
    "tpu.region"() ({
      %run_scoped3A = tpu.sem_alloc : memref<!tpu.dma_semaphore, #tpu.memory_space<semaphore_mem>>
      %dma_start3A = tpu.memref_slice %arg2[%add3A_213] : memref<33554432xf32, #tpu.memory_space<hbm>> -> memref<32768xf32, #tpu.memory_space<hbm>>
      %dma_start3A_306 = tpu.memref_slice %arg2[%add3A_213] : memref<33554432xf32, #tpu.memory_space<hbm>> -> memref<32768xf32, #tpu.memory_space<hbm>>
      tpu.enqueue_dma source(%dma_start3A_306 : memref<32768xf32, #tpu.memory_space<hbm>>) target(%arg5 : memref<32768xf32, #tpu.memory_space<vmem>>) target_semaphore(%run_scoped3A : memref<!tpu.dma_semaphore, #tpu.memory_space<semaphore_mem>>)
      %dma_wait3A = tpu.memref_slice %arg2[%add3A_213] : memref<33554432xf32, #tpu.memory_space<hbm>> -> memref<32768xf32, #tpu.memory_space<hbm>>
      %dma_wait3A_307 = tpu.memref_slice %arg2[%add3A_213] : memref<33554432xf32, #tpu.memory_space<hbm>> -> memref<32768xf32, #tpu.memory_space<hbm>>
      tpu.wait_dma2 semaphore(%run_scoped3A : memref<!tpu.dma_semaphore, #tpu.memory_space<semaphore_mem>>) src(%dma_wait3A_307 : memref<32768xf32, #tpu.memory_space<hbm>>) dst(%arg5 : memref<32768xf32, #tpu.memory_space<vmem>>)
      tpu.yield
    }) : () -> ()
    %scan3A_214 = arith.constant 0 : i32
    %scan3A_215 = arith.constant 0 : i32
    %scan3A_216 = arith.constant 512 : i32
    %scan3A_217 = arith.addi %scan3A_215, %scan3A_216 : i32
    %scan3A_218 = arith.constant 1 : i32
    %scan3A_219 = scf.for %scan3A_306 = %scan3A_215 to %scan3A_217 step %scan3A_218 iter_args(%scan3A_307 = %scan3A_214) -> (i32)  : i32 {
      %mul3A_308 = arith.constant 64 : i32
      %mul3A_309 = arith.muli %scan3A_306, %mul3A_308 : i32
      %add3A_310 = arith.constant 0 : i32
      %add3A_311 = arith.addi %mul3A_309, %add3A_310 : i32
      %get3A = arith.index_cast %add3A_311 : i32 to index
      %get3A_312 = tpu.vector_load %arg5[%get3A] {strides = array<i32>} : memref<32768xf32, #tpu.memory_space<vmem>>, vector<16xf32>,
      %get3A_313 = vector.shape_cast %get3A_312 : vector<16xf32> to vector<16xf32>
      %get3A_314 = arith.index_cast %add3A_311 : i32 to index
      %get3A_315 = tpu.vector_load %arg6[%get3A_314] {strides = array<i32>} : memref<32768xf32, #tpu.memory_space<vmem>>, vector<16xf32>,
      %get3A_316 = vector.shape_cast %get3A_315 : vector<16xf32> to vector<16xf32>
      %add3A_317 = arith.addf %get3A_313, %get3A_316 : vector<16xf32>
      %swap3A = arith.index_cast %add3A_311 : i32 to index
      %swap3A_318 = tpu.vector_load %arg5[%swap3A] {strides = array<i32>} : memref<32768xf32, #tpu.memory_space<vmem>>, vector<16xf32>,
      %swap3A_319 = vector.shape_cast %swap3A_318 : vector<16xf32> to vector<16xf32>
      %swap3A_320 = vector.shape_cast %add3A_317 : vector<16xf32> to vector<16xf32>
      tpu.vector_store %arg5[%swap3A], %swap3A_320 {strides = array<i32>} : memref<32768xf32, #tpu.memory_space<vmem>>, vector<16xf32>,
      %mul3A_321 = arith.constant 64 : i32
      %mul3A_322 = arith.muli %scan3A_306, %mul3A_321 : i32
      %add3A_323 = arith.constant 16 : i32
      %add3A_324 = arith.addi %mul3A_322, %add3A_323 : i32
      %get3A_325 = arith.index_cast %add3A_324 : i32 to index
      %get3A_326 = tpu.vector_load %arg5[%get3A_325] {strides = array<i32>} : memref<32768xf32, #tpu.memory_space<vmem>>, vector<16xf32>,
      %get3A_327 = vector.shape_cast %get3A_326 : vector<16xf32> to vector<16xf32>
      %get3A_328 = arith.index_cast %add3A_324 : i32 to index
      %get3A_329 = tpu.vector_load %arg6[%get3A_328] {strides = array<i32>} : memref<32768xf32, #tpu.memory_space<vmem>>, vector<16xf32>,
      %get3A_330 = vector.shape_cast %get3A_329 : vector<16xf32> to vector<16xf32>
      %add3A_331 = arith.addf %get3A_327, %get3A_330 : vector<16xf32>
      %swap3A_332 = arith.index_cast %add3A_324 : i32 to index
      %swap3A_333 = tpu.vector_load %arg5[%swap3A_332] {strides = array<i32>} : memref<32768xf32, #tpu.memory_space<vmem>>, vector<16xf32>,
      %swap3A_334 = vector.shape_cast %swap3A_333 : vector<16xf32> to vector<16xf32>
      %swap3A_335 = vector.shape_cast %add3A_331 : vector<16xf32> to vector<16xf32>
      tpu.vector_store %arg5[%swap3A_332], %swap3A_335 {strides = array<i32>} : memref<32768xf32, #tpu.memory_space<vmem>>, vector<16xf32>,
      %mul3A_336 = arith.constant 64 : i32
      %mul3A_337 = arith.muli %scan3A_306, %mul3A_336 : i32
      %add3A_338 = arith.constant 32 : i32
      %add3A_339 = arith.addi %mul3A_337, %add3A_338 : i32
      %get3A_340 = arith.index_cast %add3A_339 : i32 to index
      %get3A_341 = tpu.vector_load %arg5[%get3A_340] {strides = array<i32>} : memref<32768xf32, #tpu.memory_space<vmem>>, vector<16xf32>,
      %get3A_342 = vector.shape_cast %get3A_341 : vector<16xf32> to vector<16xf32>
      %get3A_343 = arith.index_cast %add3A_339 : i32 to index
      %get3A_344 = tpu.vector_load %arg6[%get3A_343] {strides = array<i32>} : memref<32768xf32, #tpu.memory_space<vmem>>, vector<16xf32>,
      %get3A_345 = vector.shape_cast %get3A_344 : vector<16xf32> to vector<16xf32>
      %add3A_346 = arith.addf %get3A_342, %get3A_345 : vector<16xf32>
      %swap3A_347 = arith.index_cast %add3A_339 : i32 to index
      %swap3A_348 = tpu.vector_load %arg5[%swap3A_347] {strides = array<i32>} : memref<32768xf32, #tpu.memory_space<vmem>>, vector<16xf32>,
      %swap3A_349 = vector.shape_cast %swap3A_348 : vector<16xf32> to vector<16xf32>
      %swap3A_350 = vector.shape_cast %add3A_346 : vector<16xf32> to vector<16xf32>
      tpu.vector_store %arg5[%swap3A_347], %swap3A_350 {strides = array<i32>} : memref<32768xf32, #tpu.memory_space<vmem>>, vector<16xf32>,
      %mul3A_351 = arith.constant 64 : i32
      %mul3A_352 = arith.muli %scan3A_306, %mul3A_351 : i32
      %add3A_353 = arith.constant 48 : i32
      %add3A_354 = arith.addi %mul3A_352, %add3A_353 : i32
      %get3A_355 = arith.index_cast %add3A_354 : i32 to index
      %get3A_356 = tpu.vector_load %arg5[%get3A_355] {strides = array<i32>} : memref<32768xf32, #tpu.memory_space<vmem>>, vector<16xf32>,
      %get3A_357 = vector.shape_cast %get3A_356 : vector<16xf32> to vector<16xf32>
      %get3A_358 = arith.index_cast %add3A_354 : i32 to index
      %get3A_359 = tpu.vector_load %arg6[%get3A_358] {strides = array<i32>} : memref<32768xf32, #tpu.memory_space<vmem>>, vector<16xf32>,
      %get3A_360 = vector.shape_cast %get3A_359 : vector<16xf32> to vector<16xf32>
      %add3A_361 = arith.addf %get3A_357, %get3A_360 : vector<16xf32>
      %swap3A_362 = arith.index_cast %add3A_354 : i32 to index
      %swap3A_363 = tpu.vector_load %arg5[%swap3A_362] {strides = array<i32>} : memref<32768xf32, #tpu.memory_space<vmem>>, vector<16xf32>,
      %swap3A_364 = vector.shape_cast %swap3A_363 : vector<16xf32> to vector<16xf32>
      %swap3A_365 = vector.shape_cast %add3A_361 : vector<16xf32> to vector<16xf32>
      tpu.vector_store %arg5[%swap3A_362], %swap3A_365 {strides = array<i32>} : memref<32768xf32, #tpu.memory_space<vmem>>, vector<16xf32>,
      %scan3A_366 = arith.constant 0 : i32
      scf.yield %scan3A_366 : i32
    }
    %scan3A_220 = arith.constant 512 : i32
    "tpu.region"() ({
      %run_scoped3A = tpu.sem_alloc : memref<!tpu.dma_semaphore, #tpu.memory_space<semaphore_mem>>
      %dma_start3A = tpu.memref_slice %arg4[%add3A_213] : memref<33554432xf32, #tpu.memory_space<hbm>> -> memref<32768xf32, #tpu.memory_space<hbm>>
      %dma_start3A_306 = tpu.memref_slice %arg4[%add3A_213] : memref<33554432xf32, #tpu.memory_space<hbm>> -> memref<32768xf32, #tpu.memory_space<hbm>>
      tpu.enqueue_dma source(%arg5 : memref<32768xf32, #tpu.memory_space<vmem>>) target(%dma_start3A_306 : memref<32768xf32, #tpu.memory_space<hbm>>) target_semaphore(%run_scoped3A : memref<!tpu.dma_semaphore, #tpu.memory_space<semaphore_mem>>)
      %dma_wait3A = tpu.memref_slice %arg4[%add3A_213] : memref<33554432xf32, #tpu.memory_space<hbm>> -> memref<32768xf32, #tpu.memory_space<hbm>>
      %dma_wait3A_307 = tpu.memref_slice %arg4[%add3A_213] : memref<33554432xf32, #tpu.memory_space<hbm>> -> memref<32768xf32, #tpu.memory_space<hbm>>
      tpu.wait_dma2 semaphore(%run_scoped3A : memref<!tpu.dma_semaphore, #tpu.memory_space<semaphore_mem>>) src(%arg5 : memref<32768xf32, #tpu.memory_space<vmem>>) dst(%dma_wait3A_307 : memref<32768xf32, #tpu.memory_space<hbm>>)
      tpu.yield
    }) : () -> ()
    %add3A_221 = arith.constant 25165824 : i32
    %add3A_222 = arith.addi %add3A_221, %add3A_193 : i32
    "tpu.region"() ({
      %run_scoped3A = tpu.sem_alloc : memref<!tpu.dma_semaphore, #tpu.memory_space<semaphore_mem>>
      %dma_start3A = tpu.memref_slice %arg2[%add3A_222] : memref<33554432xf32, #tpu.memory_space<hbm>> -> memref<32768xf32, #tpu.memory_space<hbm>>
      %dma_start3A_306 = tpu.memref_slice %arg2[%add3A_222] : memref<33554432xf32, #tpu.memory_space<hbm>> -> memref<32768xf32, #tpu.memory_space<hbm>>
      tpu.enqueue_dma source(%dma_start3A_306 : memref<32768xf32, #tpu.memory_space<hbm>>) target(%arg5 : memref<32768xf32, #tpu.memory_space<vmem>>) target_semaphore(%run_scoped3A : memref<!tpu.dma_semaphore, #tpu.memory_space<semaphore_mem>>)
      %dma_wait3A = tpu.memref_slice %arg2[%add3A_222] : memref<33554432xf32, #tpu.memory_space<hbm>> -> memref<32768xf32, #tpu.memory_space<hbm>>
      %dma_wait3A_307 = tpu.memref_slice %arg2[%add3A_222] : memref<33554432xf32, #tpu.memory_space<hbm>> -> memref<32768xf32, #tpu.memory_space<hbm>>
      tpu.wait_dma2 semaphore(%run_scoped3A : memref<!tpu.dma_semaphore, #tpu.memory_space<semaphore_mem>>) src(%dma_wait3A_307 : memref<32768xf32, #tpu.memory_space<hbm>>) dst(%arg5 : memref<32768xf32, #tpu.memory_space<vmem>>)
      tpu.yield
    }) : () -> ()
    %scan3A_223 = arith.constant 0 : i32
    %scan3A_224 = arith.constant 0 : i32
    %scan3A_225 = arith.constant 512 : i32
    %scan3A_226 = arith.addi %scan3A_224, %scan3A_225 : i32
    %scan3A_227 = arith.constant 1 : i32
    %scan3A_228 = scf.for %scan3A_306 = %scan3A_224 to %scan3A_226 step %scan3A_227 iter_args(%scan3A_307 = %scan3A_223) -> (i32)  : i32 {
      %mul3A_308 = arith.constant 64 : i32
      %mul3A_309 = arith.muli %scan3A_306, %mul3A_308 : i32
      %add3A_310 = arith.constant 0 : i32
      %add3A_311 = arith.addi %mul3A_309, %add3A_310 : i32
      %get3A = arith.index_cast %add3A_311 : i32 to index
      %get3A_312 = tpu.vector_load %arg5[%get3A] {strides = array<i32>} : memref<32768xf32, #tpu.memory_space<vmem>>, vector<16xf32>,
      %get3A_313 = vector.shape_cast %get3A_312 : vector<16xf32> to vector<16xf32>
      %get3A_314 = arith.index_cast %add3A_311 : i32 to index
      %get3A_315 = tpu.vector_load %arg6[%get3A_314] {strides = array<i32>} : memref<32768xf32, #tpu.memory_space<vmem>>, vector<16xf32>,
      %get3A_316 = vector.shape_cast %get3A_315 : vector<16xf32> to vector<16xf32>
      %add3A_317 = arith.addf %get3A_313, %get3A_316 : vector<16xf32>
      %swap3A = arith.index_cast %add3A_311 : i32 to index
      %swap3A_318 = tpu.vector_load %arg5[%swap3A] {strides = array<i32>} : memref<32768xf32, #tpu.memory_space<vmem>>, vector<16xf32>,
      %swap3A_319 = vector.shape_cast %swap3A_318 : vector<16xf32> to vector<16xf32>
      %swap3A_320 = vector.shape_cast %add3A_317 : vector<16xf32> to vector<16xf32>
      tpu.vector_store %arg5[%swap3A], %swap3A_320 {strides = array<i32>} : memref<32768xf32, #tpu.memory_space<vmem>>, vector<16xf32>,
      %mul3A_321 = arith.constant 64 : i32
      %mul3A_322 = arith.muli %scan3A_306, %mul3A_321 : i32
      %add3A_323 = arith.constant 16 : i32
      %add3A_324 = arith.addi %mul3A_322, %add3A_323 : i32
      %get3A_325 = arith.index_cast %add3A_324 : i32 to index
      %get3A_326 = tpu.vector_load %arg5[%get3A_325] {strides = array<i32>} : memref<32768xf32, #tpu.memory_space<vmem>>, vector<16xf32>,
      %get3A_327 = vector.shape_cast %get3A_326 : vector<16xf32> to vector<16xf32>
      %get3A_328 = arith.index_cast %add3A_324 : i32 to index
      %get3A_329 = tpu.vector_load %arg6[%get3A_328] {strides = array<i32>} : memref<32768xf32, #tpu.memory_space<vmem>>, vector<16xf32>,
      %get3A_330 = vector.shape_cast %get3A_329 : vector<16xf32> to vector<16xf32>
      %add3A_331 = arith.addf %get3A_327, %get3A_330 : vector<16xf32>
      %swap3A_332 = arith.index_cast %add3A_324 : i32 to index
      %swap3A_333 = tpu.vector_load %arg5[%swap3A_332] {strides = array<i32>} : memref<32768xf32, #tpu.memory_space<vmem>>, vector<16xf32>,
      %swap3A_334 = vector.shape_cast %swap3A_333 : vector<16xf32> to vector<16xf32>
      %swap3A_335 = vector.shape_cast %add3A_331 : vector<16xf32> to vector<16xf32>
      tpu.vector_store %arg5[%swap3A_332], %swap3A_335 {strides = array<i32>} : memref<32768xf32, #tpu.memory_space<vmem>>, vector<16xf32>,
      %mul3A_336 = arith.constant 64 : i32
      %mul3A_337 = arith.muli %scan3A_306, %mul3A_336 : i32
      %add3A_338 = arith.constant 32 : i32
      %add3A_339 = arith.addi %mul3A_337, %add3A_338 : i32
      %get3A_340 = arith.index_cast %add3A_339 : i32 to index
      %get3A_341 = tpu.vector_load %arg5[%get3A_340] {strides = array<i32>} : memref<32768xf32, #tpu.memory_space<vmem>>, vector<16xf32>,
      %get3A_342 = vector.shape_cast %get3A_341 : vector<16xf32> to vector<16xf32>
      %get3A_343 = arith.index_cast %add3A_339 : i32 to index
      %get3A_344 = tpu.vector_load %arg6[%get3A_343] {strides = array<i32>} : memref<32768xf32, #tpu.memory_space<vmem>>, vector<16xf32>,
      %get3A_345 = vector.shape_cast %get3A_344 : vector<16xf32> to vector<16xf32>
      %add3A_346 = arith.addf %get3A_342, %get3A_345 : vector<16xf32>
      %swap3A_347 = arith.index_cast %add3A_339 : i32 to index
      %swap3A_348 = tpu.vector_load %arg5[%swap3A_347] {strides = array<i32>} : memref<32768xf32, #tpu.memory_space<vmem>>, vector<16xf32>,
      %swap3A_349 = vector.shape_cast %swap3A_348 : vector<16xf32> to vector<16xf32>
      %swap3A_350 = vector.shape_cast %add3A_346 : vector<16xf32> to vector<16xf32>
      tpu.vector_store %arg5[%swap3A_347], %swap3A_350 {strides = array<i32>} : memref<32768xf32, #tpu.memory_space<vmem>>, vector<16xf32>,
      %mul3A_351 = arith.constant 64 : i32
      %mul3A_352 = arith.muli %scan3A_306, %mul3A_351 : i32
      %add3A_353 = arith.constant 48 : i32
      %add3A_354 = arith.addi %mul3A_352, %add3A_353 : i32
      %get3A_355 = arith.index_cast %add3A_354 : i32 to index
      %get3A_356 = tpu.vector_load %arg5[%get3A_355] {strides = array<i32>} : memref<32768xf32, #tpu.memory_space<vmem>>, vector<16xf32>,
      %get3A_357 = vector.shape_cast %get3A_356 : vector<16xf32> to vector<16xf32>
      %get3A_358 = arith.index_cast %add3A_354 : i32 to index
      %get3A_359 = tpu.vector_load %arg6[%get3A_358] {strides = array<i32>} : memref<32768xf32, #tpu.memory_space<vmem>>, vector<16xf32>,
      %get3A_360 = vector.shape_cast %get3A_359 : vector<16xf32> to vector<16xf32>
      %add3A_361 = arith.addf %get3A_357, %get3A_360 : vector<16xf32>
      %swap3A_362 = arith.index_cast %add3A_354 : i32 to index
      %swap3A_363 = tpu.vector_load %arg5[%swap3A_362] {strides = array<i32>} : memref<32768xf32, #tpu.memory_space<vmem>>, vector<16xf32>,
      %swap3A_364 = vector.shape_cast %swap3A_363 : vector<16xf32> to vector<16xf32>
      %swap3A_365 = vector.shape_cast %add3A_361 : vector<16xf32> to vector<16xf32>
      tpu.vector_store %arg5[%swap3A_362], %swap3A_365 {strides = array<i32>} : memref<32768xf32, #tpu.memory_space<vmem>>, vector<16xf32>,
      %scan3A_366 = arith.constant 0 : i32
      scf.yield %scan3A_366 : i32
    }
    %scan3A_229 = arith.constant 512 : i32
    "tpu.region"() ({
      %run_scoped3A = tpu.sem_alloc : memref<!tpu.dma_semaphore, #tpu.memory_space<semaphore_mem>>
      %dma_start3A = tpu.memref_slice %arg4[%add3A_222] : memref<33554432xf32, #tpu.memory_space<hbm>> -> memref<32768xf32, #tpu.memory_space<hbm>>
      %dma_start3A_306 = tpu.memref_slice %arg4[%add3A_222] : memref<33554432xf32, #tpu.memory_space<hbm>> -> memref<32768xf32, #tpu.memory_space<hbm>>
      tpu.enqueue_dma source(%arg5 : memref<32768xf32, #tpu.memory_space<vmem>>) target(%dma_start3A_306 : memref<32768xf32, #tpu.memory_space<hbm>>) target_semaphore(%run_scoped3A : memref<!tpu.dma_semaphore, #tpu.memory_space<semaphore_mem>>)
      %dma_wait3A = tpu.memref_slice %arg4[%add3A_222] : memref<33554432xf32, #tpu.memory_space<hbm>> -> memref<32768xf32, #tpu.memory_space<hbm>>
      %dma_wait3A_307 = tpu.memref_slice %arg4[%add3A_222] : memref<33554432xf32, #tpu.memory_space<hbm>> -> memref<32768xf32, #tpu.memory_space<hbm>>
      tpu.wait_dma2 semaphore(%run_scoped3A : memref<!tpu.dma_semaphore, #tpu.memory_space<semaphore_mem>>) src(%arg5 : memref<32768xf32, #tpu.memory_space<vmem>>) dst(%dma_wait3A_307 : memref<32768xf32, #tpu.memory_space<hbm>>)
      tpu.yield
    }) : () -> ()
    %add3A_230 = arith.constant 196608 : i32
    %add3A_231 = arith.addi %mul3A_2, %add3A_230 : i32
    "tpu.region"() ({
      %run_scoped3A = tpu.sem_alloc : memref<!tpu.dma_semaphore, #tpu.memory_space<semaphore_mem>>
      %dma_start3A = tpu.memref_slice %arg3[%add3A_231] : memref<8388608xf32, #tpu.memory_space<hbm>> -> memref<32768xf32, #tpu.memory_space<hbm>>
      %dma_start3A_306 = tpu.memref_slice %arg3[%add3A_231] : memref<8388608xf32, #tpu.memory_space<hbm>> -> memref<32768xf32, #tpu.memory_space<hbm>>
      tpu.enqueue_dma source(%dma_start3A_306 : memref<32768xf32, #tpu.memory_space<hbm>>) target(%arg6 : memref<32768xf32, #tpu.memory_space<vmem>>) target_semaphore(%run_scoped3A : memref<!tpu.dma_semaphore, #tpu.memory_space<semaphore_mem>>)
      %dma_wait3A = tpu.memref_slice %arg3[%add3A_231] : memref<8388608xf32, #tpu.memory_space<hbm>> -> memref<32768xf32, #tpu.memory_space<hbm>>
      %dma_wait3A_307 = tpu.memref_slice %arg3[%add3A_231] : memref<8388608xf32, #tpu.memory_space<hbm>> -> memref<32768xf32, #tpu.memory_space<hbm>>
      tpu.wait_dma2 semaphore(%run_scoped3A : memref<!tpu.dma_semaphore, #tpu.memory_space<semaphore_mem>>) src(%dma_wait3A_307 : memref<32768xf32, #tpu.memory_space<hbm>>) dst(%arg6 : memref<32768xf32, #tpu.memory_space<vmem>>)
      tpu.yield
    }) : () -> ()
    %add3A_232 = arith.constant 0 : i32
    %add3A_233 = arith.addi %add3A_232, %add3A_231 : i32
    "tpu.region"() ({
      %run_scoped3A = tpu.sem_alloc : memref<!tpu.dma_semaphore, #tpu.memory_space<semaphore_mem>>
      %dma_start3A = tpu.memref_slice %arg2[%add3A_233] : memref<33554432xf32, #tpu.memory_space<hbm>> -> memref<32768xf32, #tpu.memory_space<hbm>>
      %dma_start3A_306 = tpu.memref_slice %arg2[%add3A_233] : memref<33554432xf32, #tpu.memory_space<hbm>> -> memref<32768xf32, #tpu.memory_space<hbm>>
      tpu.enqueue_dma source(%dma_start3A_306 : memref<32768xf32, #tpu.memory_space<hbm>>) target(%arg5 : memref<32768xf32, #tpu.memory_space<vmem>>) target_semaphore(%run_scoped3A : memref<!tpu.dma_semaphore, #tpu.memory_space<semaphore_mem>>)
      %dma_wait3A = tpu.memref_slice %arg2[%add3A_233] : memref<33554432xf32, #tpu.memory_space<hbm>> -> memref<32768xf32, #tpu.memory_space<hbm>>
      %dma_wait3A_307 = tpu.memref_slice %arg2[%add3A_233] : memref<33554432xf32, #tpu.memory_space<hbm>> -> memref<32768xf32, #tpu.memory_space<hbm>>
      tpu.wait_dma2 semaphore(%run_scoped3A : memref<!tpu.dma_semaphore, #tpu.memory_space<semaphore_mem>>) src(%dma_wait3A_307 : memref<32768xf32, #tpu.memory_space<hbm>>) dst(%arg5 : memref<32768xf32, #tpu.memory_space<vmem>>)
      tpu.yield
    }) : () -> ()
    %scan3A_234 = arith.constant 0 : i32
    %scan3A_235 = arith.constant 0 : i32
    %scan3A_236 = arith.constant 512 : i32
    %scan3A_237 = arith.addi %scan3A_235, %scan3A_236 : i32
    %scan3A_238 = arith.constant 1 : i32
    %scan3A_239 = scf.for %scan3A_306 = %scan3A_235 to %scan3A_237 step %scan3A_238 iter_args(%scan3A_307 = %scan3A_234) -> (i32)  : i32 {
      %mul3A_308 = arith.constant 64 : i32
      %mul3A_309 = arith.muli %scan3A_306, %mul3A_308 : i32
      %add3A_310 = arith.constant 0 : i32
      %add3A_311 = arith.addi %mul3A_309, %add3A_310 : i32
      %get3A = arith.index_cast %add3A_311 : i32 to index
      %get3A_312 = tpu.vector_load %arg5[%get3A] {strides = array<i32>} : memref<32768xf32, #tpu.memory_space<vmem>>, vector<16xf32>,
      %get3A_313 = vector.shape_cast %get3A_312 : vector<16xf32> to vector<16xf32>
      %get3A_314 = arith.index_cast %add3A_311 : i32 to index
      %get3A_315 = tpu.vector_load %arg6[%get3A_314] {strides = array<i32>} : memref<32768xf32, #tpu.memory_space<vmem>>, vector<16xf32>,
      %get3A_316 = vector.shape_cast %get3A_315 : vector<16xf32> to vector<16xf32>
      %add3A_317 = arith.addf %get3A_313, %get3A_316 : vector<16xf32>
      %swap3A = arith.index_cast %add3A_311 : i32 to index
      %swap3A_318 = tpu.vector_load %arg5[%swap3A] {strides = array<i32>} : memref<32768xf32, #tpu.memory_space<vmem>>, vector<16xf32>,
      %swap3A_319 = vector.shape_cast %swap3A_318 : vector<16xf32> to vector<16xf32>
      %swap3A_320 = vector.shape_cast %add3A_317 : vector<16xf32> to vector<16xf32>
      tpu.vector_store %arg5[%swap3A], %swap3A_320 {strides = array<i32>} : memref<32768xf32, #tpu.memory_space<vmem>>, vector<16xf32>,
      %mul3A_321 = arith.constant 64 : i32
      %mul3A_322 = arith.muli %scan3A_306, %mul3A_321 : i32
      %add3A_323 = arith.constant 16 : i32
      %add3A_324 = arith.addi %mul3A_322, %add3A_323 : i32
      %get3A_325 = arith.index_cast %add3A_324 : i32 to index
      %get3A_326 = tpu.vector_load %arg5[%get3A_325] {strides = array<i32>} : memref<32768xf32, #tpu.memory_space<vmem>>, vector<16xf32>,
      %get3A_327 = vector.shape_cast %get3A_326 : vector<16xf32> to vector<16xf32>
      %get3A_328 = arith.index_cast %add3A_324 : i32 to index
      %get3A_329 = tpu.vector_load %arg6[%get3A_328] {strides = array<i32>} : memref<32768xf32, #tpu.memory_space<vmem>>, vector<16xf32>,
      %get3A_330 = vector.shape_cast %get3A_329 : vector<16xf32> to vector<16xf32>
      %add3A_331 = arith.addf %get3A_327, %get3A_330 : vector<16xf32>
      %swap3A_332 = arith.index_cast %add3A_324 : i32 to index
      %swap3A_333 = tpu.vector_load %arg5[%swap3A_332] {strides = array<i32>} : memref<32768xf32, #tpu.memory_space<vmem>>, vector<16xf32>,
      %swap3A_334 = vector.shape_cast %swap3A_333 : vector<16xf32> to vector<16xf32>
      %swap3A_335 = vector.shape_cast %add3A_331 : vector<16xf32> to vector<16xf32>
      tpu.vector_store %arg5[%swap3A_332], %swap3A_335 {strides = array<i32>} : memref<32768xf32, #tpu.memory_space<vmem>>, vector<16xf32>,
      %mul3A_336 = arith.constant 64 : i32
      %mul3A_337 = arith.muli %scan3A_306, %mul3A_336 : i32
      %add3A_338 = arith.constant 32 : i32
      %add3A_339 = arith.addi %mul3A_337, %add3A_338 : i32
      %get3A_340 = arith.index_cast %add3A_339 : i32 to index
      %get3A_341 = tpu.vector_load %arg5[%get3A_340] {strides = array<i32>} : memref<32768xf32, #tpu.memory_space<vmem>>, vector<16xf32>,
      %get3A_342 = vector.shape_cast %get3A_341 : vector<16xf32> to vector<16xf32>
      %get3A_343 = arith.index_cast %add3A_339 : i32 to index
      %get3A_344 = tpu.vector_load %arg6[%get3A_343] {strides = array<i32>} : memref<32768xf32, #tpu.memory_space<vmem>>, vector<16xf32>,
      %get3A_345 = vector.shape_cast %get3A_344 : vector<16xf32> to vector<16xf32>
      %add3A_346 = arith.addf %get3A_342, %get3A_345 : vector<16xf32>
      %swap3A_347 = arith.index_cast %add3A_339 : i32 to index
      %swap3A_348 = tpu.vector_load %arg5[%swap3A_347] {strides = array<i32>} : memref<32768xf32, #tpu.memory_space<vmem>>, vector<16xf32>,
      %swap3A_349 = vector.shape_cast %swap3A_348 : vector<16xf32> to vector<16xf32>
      %swap3A_350 = vector.shape_cast %add3A_346 : vector<16xf32> to vector<16xf32>
      tpu.vector_store %arg5[%swap3A_347], %swap3A_350 {strides = array<i32>} : memref<32768xf32, #tpu.memory_space<vmem>>, vector<16xf32>,
      %mul3A_351 = arith.constant 64 : i32
      %mul3A_352 = arith.muli %scan3A_306, %mul3A_351 : i32
      %add3A_353 = arith.constant 48 : i32
      %add3A_354 = arith.addi %mul3A_352, %add3A_353 : i32
      %get3A_355 = arith.index_cast %add3A_354 : i32 to index
      %get3A_356 = tpu.vector_load %arg5[%get3A_355] {strides = array<i32>} : memref<32768xf32, #tpu.memory_space<vmem>>, vector<16xf32>,
      %get3A_357 = vector.shape_cast %get3A_356 : vector<16xf32> to vector<16xf32>
      %get3A_358 = arith.index_cast %add3A_354 : i32 to index
      %get3A_359 = tpu.vector_load %arg6[%get3A_358] {strides = array<i32>} : memref<32768xf32, #tpu.memory_space<vmem>>, vector<16xf32>,
      %get3A_360 = vector.shape_cast %get3A_359 : vector<16xf32> to vector<16xf32>
      %add3A_361 = arith.addf %get3A_357, %get3A_360 : vector<16xf32>
      %swap3A_362 = arith.index_cast %add3A_354 : i32 to index
      %swap3A_363 = tpu.vector_load %arg5[%swap3A_362] {strides = array<i32>} : memref<32768xf32, #tpu.memory_space<vmem>>, vector<16xf32>,
      %swap3A_364 = vector.shape_cast %swap3A_363 : vector<16xf32> to vector<16xf32>
      %swap3A_365 = vector.shape_cast %add3A_361 : vector<16xf32> to vector<16xf32>
      tpu.vector_store %arg5[%swap3A_362], %swap3A_365 {strides = array<i32>} : memref<32768xf32, #tpu.memory_space<vmem>>, vector<16xf32>,
      %scan3A_366 = arith.constant 0 : i32
      scf.yield %scan3A_366 : i32
    }
    %scan3A_240 = arith.constant 512 : i32
    "tpu.region"() ({
      %run_scoped3A = tpu.sem_alloc : memref<!tpu.dma_semaphore, #tpu.memory_space<semaphore_mem>>
      %dma_start3A = tpu.memref_slice %arg4[%add3A_233] : memref<33554432xf32, #tpu.memory_space<hbm>> -> memref<32768xf32, #tpu.memory_space<hbm>>
      %dma_start3A_306 = tpu.memref_slice %arg4[%add3A_233] : memref<33554432xf32, #tpu.memory_space<hbm>> -> memref<32768xf32, #tpu.memory_space<hbm>>
      tpu.enqueue_dma source(%arg5 : memref<32768xf32, #tpu.memory_space<vmem>>) target(%dma_start3A_306 : memref<32768xf32, #tpu.memory_space<hbm>>) target_semaphore(%run_scoped3A : memref<!tpu.dma_semaphore, #tpu.memory_space<semaphore_mem>>)
      %dma_wait3A = tpu.memref_slice %arg4[%add3A_233] : memref<33554432xf32, #tpu.memory_space<hbm>> -> memref<32768xf32, #tpu.memory_space<hbm>>
      %dma_wait3A_307 = tpu.memref_slice %arg4[%add3A_233] : memref<33554432xf32, #tpu.memory_space<hbm>> -> memref<32768xf32, #tpu.memory_space<hbm>>
      tpu.wait_dma2 semaphore(%run_scoped3A : memref<!tpu.dma_semaphore, #tpu.memory_space<semaphore_mem>>) src(%arg5 : memref<32768xf32, #tpu.memory_space<vmem>>) dst(%dma_wait3A_307 : memref<32768xf32, #tpu.memory_space<hbm>>)
      tpu.yield
    }) : () -> ()
    %add3A_241 = arith.constant 8388608 : i32
    %add3A_242 = arith.addi %add3A_241, %add3A_231 : i32
    "tpu.region"() ({
      %run_scoped3A = tpu.sem_alloc : memref<!tpu.dma_semaphore, #tpu.memory_space<semaphore_mem>>
      %dma_start3A = tpu.memref_slice %arg2[%add3A_242] : memref<33554432xf32, #tpu.memory_space<hbm>> -> memref<32768xf32, #tpu.memory_space<hbm>>
      %dma_start3A_306 = tpu.memref_slice %arg2[%add3A_242] : memref<33554432xf32, #tpu.memory_space<hbm>> -> memref<32768xf32, #tpu.memory_space<hbm>>
      tpu.enqueue_dma source(%dma_start3A_306 : memref<32768xf32, #tpu.memory_space<hbm>>) target(%arg5 : memref<32768xf32, #tpu.memory_space<vmem>>) target_semaphore(%run_scoped3A : memref<!tpu.dma_semaphore, #tpu.memory_space<semaphore_mem>>)
      %dma_wait3A = tpu.memref_slice %arg2[%add3A_242] : memref<33554432xf32, #tpu.memory_space<hbm>> -> memref<32768xf32, #tpu.memory_space<hbm>>
      %dma_wait3A_307 = tpu.memref_slice %arg2[%add3A_242] : memref<33554432xf32, #tpu.memory_space<hbm>> -> memref<32768xf32, #tpu.memory_space<hbm>>
      tpu.wait_dma2 semaphore(%run_scoped3A : memref<!tpu.dma_semaphore, #tpu.memory_space<semaphore_mem>>) src(%dma_wait3A_307 : memref<32768xf32, #tpu.memory_space<hbm>>) dst(%arg5 : memref<32768xf32, #tpu.memory_space<vmem>>)
      tpu.yield
    }) : () -> ()
    %scan3A_243 = arith.constant 0 : i32
    %scan3A_244 = arith.constant 0 : i32
    %scan3A_245 = arith.constant 512 : i32
    %scan3A_246 = arith.addi %scan3A_244, %scan3A_245 : i32
    %scan3A_247 = arith.constant 1 : i32
    %scan3A_248 = scf.for %scan3A_306 = %scan3A_244 to %scan3A_246 step %scan3A_247 iter_args(%scan3A_307 = %scan3A_243) -> (i32)  : i32 {
      %mul3A_308 = arith.constant 64 : i32
      %mul3A_309 = arith.muli %scan3A_306, %mul3A_308 : i32
      %add3A_310 = arith.constant 0 : i32
      %add3A_311 = arith.addi %mul3A_309, %add3A_310 : i32
      %get3A = arith.index_cast %add3A_311 : i32 to index
      %get3A_312 = tpu.vector_load %arg5[%get3A] {strides = array<i32>} : memref<32768xf32, #tpu.memory_space<vmem>>, vector<16xf32>,
      %get3A_313 = vector.shape_cast %get3A_312 : vector<16xf32> to vector<16xf32>
      %get3A_314 = arith.index_cast %add3A_311 : i32 to index
      %get3A_315 = tpu.vector_load %arg6[%get3A_314] {strides = array<i32>} : memref<32768xf32, #tpu.memory_space<vmem>>, vector<16xf32>,
      %get3A_316 = vector.shape_cast %get3A_315 : vector<16xf32> to vector<16xf32>
      %add3A_317 = arith.addf %get3A_313, %get3A_316 : vector<16xf32>
      %swap3A = arith.index_cast %add3A_311 : i32 to index
      %swap3A_318 = tpu.vector_load %arg5[%swap3A] {strides = array<i32>} : memref<32768xf32, #tpu.memory_space<vmem>>, vector<16xf32>,
      %swap3A_319 = vector.shape_cast %swap3A_318 : vector<16xf32> to vector<16xf32>
      %swap3A_320 = vector.shape_cast %add3A_317 : vector<16xf32> to vector<16xf32>
      tpu.vector_store %arg5[%swap3A], %swap3A_320 {strides = array<i32>} : memref<32768xf32, #tpu.memory_space<vmem>>, vector<16xf32>,
      %mul3A_321 = arith.constant 64 : i32
      %mul3A_322 = arith.muli %scan3A_306, %mul3A_321 : i32
      %add3A_323 = arith.constant 16 : i32
      %add3A_324 = arith.addi %mul3A_322, %add3A_323 : i32
      %get3A_325 = arith.index_cast %add3A_324 : i32 to index
      %get3A_326 = tpu.vector_load %arg5[%get3A_325] {strides = array<i32>} : memref<32768xf32, #tpu.memory_space<vmem>>, vector<16xf32>,
      %get3A_327 = vector.shape_cast %get3A_326 : vector<16xf32> to vector<16xf32>
      %get3A_328 = arith.index_cast %add3A_324 : i32 to index
      %get3A_329 = tpu.vector_load %arg6[%get3A_328] {strides = array<i32>} : memref<32768xf32, #tpu.memory_space<vmem>>, vector<16xf32>,
      %get3A_330 = vector.shape_cast %get3A_329 : vector<16xf32> to vector<16xf32>
      %add3A_331 = arith.addf %get3A_327, %get3A_330 : vector<16xf32>
      %swap3A_332 = arith.index_cast %add3A_324 : i32 to index
      %swap3A_333 = tpu.vector_load %arg5[%swap3A_332] {strides = array<i32>} : memref<32768xf32, #tpu.memory_space<vmem>>, vector<16xf32>,
      %swap3A_334 = vector.shape_cast %swap3A_333 : vector<16xf32> to vector<16xf32>
      %swap3A_335 = vector.shape_cast %add3A_331 : vector<16xf32> to vector<16xf32>
      tpu.vector_store %arg5[%swap3A_332], %swap3A_335 {strides = array<i32>} : memref<32768xf32, #tpu.memory_space<vmem>>, vector<16xf32>,
      %mul3A_336 = arith.constant 64 : i32
      %mul3A_337 = arith.muli %scan3A_306, %mul3A_336 : i32
      %add3A_338 = arith.constant 32 : i32
      %add3A_339 = arith.addi %mul3A_337, %add3A_338 : i32
      %get3A_340 = arith.index_cast %add3A_339 : i32 to index
      %get3A_341 = tpu.vector_load %arg5[%get3A_340] {strides = array<i32>} : memref<32768xf32, #tpu.memory_space<vmem>>, vector<16xf32>,
      %get3A_342 = vector.shape_cast %get3A_341 : vector<16xf32> to vector<16xf32>
      %get3A_343 = arith.index_cast %add3A_339 : i32 to index
      %get3A_344 = tpu.vector_load %arg6[%get3A_343] {strides = array<i32>} : memref<32768xf32, #tpu.memory_space<vmem>>, vector<16xf32>,
      %get3A_345 = vector.shape_cast %get3A_344 : vector<16xf32> to vector<16xf32>
      %add3A_346 = arith.addf %get3A_342, %get3A_345 : vector<16xf32>
      %swap3A_347 = arith.index_cast %add3A_339 : i32 to index
      %swap3A_348 = tpu.vector_load %arg5[%swap3A_347] {strides = array<i32>} : memref<32768xf32, #tpu.memory_space<vmem>>, vector<16xf32>,
      %swap3A_349 = vector.shape_cast %swap3A_348 : vector<16xf32> to vector<16xf32>
      %swap3A_350 = vector.shape_cast %add3A_346 : vector<16xf32> to vector<16xf32>
      tpu.vector_store %arg5[%swap3A_347], %swap3A_350 {strides = array<i32>} : memref<32768xf32, #tpu.memory_space<vmem>>, vector<16xf32>,
      %mul3A_351 = arith.constant 64 : i32
      %mul3A_352 = arith.muli %scan3A_306, %mul3A_351 : i32
      %add3A_353 = arith.constant 48 : i32
      %add3A_354 = arith.addi %mul3A_352, %add3A_353 : i32
      %get3A_355 = arith.index_cast %add3A_354 : i32 to index
      %get3A_356 = tpu.vector_load %arg5[%get3A_355] {strides = array<i32>} : memref<32768xf32, #tpu.memory_space<vmem>>, vector<16xf32>,
      %get3A_357 = vector.shape_cast %get3A_356 : vector<16xf32> to vector<16xf32>
      %get3A_358 = arith.index_cast %add3A_354 : i32 to index
      %get3A_359 = tpu.vector_load %arg6[%get3A_358] {strides = array<i32>} : memref<32768xf32, #tpu.memory_space<vmem>>, vector<16xf32>,
      %get3A_360 = vector.shape_cast %get3A_359 : vector<16xf32> to vector<16xf32>
      %add3A_361 = arith.addf %get3A_357, %get3A_360 : vector<16xf32>
      %swap3A_362 = arith.index_cast %add3A_354 : i32 to index
      %swap3A_363 = tpu.vector_load %arg5[%swap3A_362] {strides = array<i32>} : memref<32768xf32, #tpu.memory_space<vmem>>, vector<16xf32>,
      %swap3A_364 = vector.shape_cast %swap3A_363 : vector<16xf32> to vector<16xf32>
      %swap3A_365 = vector.shape_cast %add3A_361 : vector<16xf32> to vector<16xf32>
      tpu.vector_store %arg5[%swap3A_362], %swap3A_365 {strides = array<i32>} : memref<32768xf32, #tpu.memory_space<vmem>>, vector<16xf32>,
      %scan3A_366 = arith.constant 0 : i32
      scf.yield %scan3A_366 : i32
    }
    %scan3A_249 = arith.constant 512 : i32
    "tpu.region"() ({
      %run_scoped3A = tpu.sem_alloc : memref<!tpu.dma_semaphore, #tpu.memory_space<semaphore_mem>>
      %dma_start3A = tpu.memref_slice %arg4[%add3A_242] : memref<33554432xf32, #tpu.memory_space<hbm>> -> memref<32768xf32, #tpu.memory_space<hbm>>
      %dma_start3A_306 = tpu.memref_slice %arg4[%add3A_242] : memref<33554432xf32, #tpu.memory_space<hbm>> -> memref<32768xf32, #tpu.memory_space<hbm>>
      tpu.enqueue_dma source(%arg5 : memref<32768xf32, #tpu.memory_space<vmem>>) target(%dma_start3A_306 : memref<32768xf32, #tpu.memory_space<hbm>>) target_semaphore(%run_scoped3A : memref<!tpu.dma_semaphore, #tpu.memory_space<semaphore_mem>>)
      %dma_wait3A = tpu.memref_slice %arg4[%add3A_242] : memref<33554432xf32, #tpu.memory_space<hbm>> -> memref<32768xf32, #tpu.memory_space<hbm>>
      %dma_wait3A_307 = tpu.memref_slice %arg4[%add3A_242] : memref<33554432xf32, #tpu.memory_space<hbm>> -> memref<32768xf32, #tpu.memory_space<hbm>>
      tpu.wait_dma2 semaphore(%run_scoped3A : memref<!tpu.dma_semaphore, #tpu.memory_space<semaphore_mem>>) src(%arg5 : memref<32768xf32, #tpu.memory_space<vmem>>) dst(%dma_wait3A_307 : memref<32768xf32, #tpu.memory_space<hbm>>)
      tpu.yield
    }) : () -> ()
    %add3A_250 = arith.constant 16777216 : i32
    %add3A_251 = arith.addi %add3A_250, %add3A_231 : i32
    "tpu.region"() ({
      %run_scoped3A = tpu.sem_alloc : memref<!tpu.dma_semaphore, #tpu.memory_space<semaphore_mem>>
      %dma_start3A = tpu.memref_slice %arg2[%add3A_251] : memref<33554432xf32, #tpu.memory_space<hbm>> -> memref<32768xf32, #tpu.memory_space<hbm>>
      %dma_start3A_306 = tpu.memref_slice %arg2[%add3A_251] : memref<33554432xf32, #tpu.memory_space<hbm>> -> memref<32768xf32, #tpu.memory_space<hbm>>
      tpu.enqueue_dma source(%dma_start3A_306 : memref<32768xf32, #tpu.memory_space<hbm>>) target(%arg5 : memref<32768xf32, #tpu.memory_space<vmem>>) target_semaphore(%run_scoped3A : memref<!tpu.dma_semaphore, #tpu.memory_space<semaphore_mem>>)
      %dma_wait3A = tpu.memref_slice %arg2[%add3A_251] : memref<33554432xf32, #tpu.memory_space<hbm>> -> memref<32768xf32, #tpu.memory_space<hbm>>
      %dma_wait3A_307 = tpu.memref_slice %arg2[%add3A_251] : memref<33554432xf32, #tpu.memory_space<hbm>> -> memref<32768xf32, #tpu.memory_space<hbm>>
      tpu.wait_dma2 semaphore(%run_scoped3A : memref<!tpu.dma_semaphore, #tpu.memory_space<semaphore_mem>>) src(%dma_wait3A_307 : memref<32768xf32, #tpu.memory_space<hbm>>) dst(%arg5 : memref<32768xf32, #tpu.memory_space<vmem>>)
      tpu.yield
    }) : () -> ()
    %scan3A_252 = arith.constant 0 : i32
    %scan3A_253 = arith.constant 0 : i32
    %scan3A_254 = arith.constant 512 : i32
    %scan3A_255 = arith.addi %scan3A_253, %scan3A_254 : i32
    %scan3A_256 = arith.constant 1 : i32
    %scan3A_257 = scf.for %scan3A_306 = %scan3A_253 to %scan3A_255 step %scan3A_256 iter_args(%scan3A_307 = %scan3A_252) -> (i32)  : i32 {
      %mul3A_308 = arith.constant 64 : i32
      %mul3A_309 = arith.muli %scan3A_306, %mul3A_308 : i32
      %add3A_310 = arith.constant 0 : i32
      %add3A_311 = arith.addi %mul3A_309, %add3A_310 : i32
      %get3A = arith.index_cast %add3A_311 : i32 to index
      %get3A_312 = tpu.vector_load %arg5[%get3A] {strides = array<i32>} : memref<32768xf32, #tpu.memory_space<vmem>>, vector<16xf32>,
      %get3A_313 = vector.shape_cast %get3A_312 : vector<16xf32> to vector<16xf32>
      %get3A_314 = arith.index_cast %add3A_311 : i32 to index
      %get3A_315 = tpu.vector_load %arg6[%get3A_314] {strides = array<i32>} : memref<32768xf32, #tpu.memory_space<vmem>>, vector<16xf32>,
      %get3A_316 = vector.shape_cast %get3A_315 : vector<16xf32> to vector<16xf32>
      %add3A_317 = arith.addf %get3A_313, %get3A_316 : vector<16xf32>
      %swap3A = arith.index_cast %add3A_311 : i32 to index
      %swap3A_318 = tpu.vector_load %arg5[%swap3A] {strides = array<i32>} : memref<32768xf32, #tpu.memory_space<vmem>>, vector<16xf32>,
      %swap3A_319 = vector.shape_cast %swap3A_318 : vector<16xf32> to vector<16xf32>
      %swap3A_320 = vector.shape_cast %add3A_317 : vector<16xf32> to vector<16xf32>
      tpu.vector_store %arg5[%swap3A], %swap3A_320 {strides = array<i32>} : memref<32768xf32, #tpu.memory_space<vmem>>, vector<16xf32>,
      %mul3A_321 = arith.constant 64 : i32
      %mul3A_322 = arith.muli %scan3A_306, %mul3A_321 : i32
      %add3A_323 = arith.constant 16 : i32
      %add3A_324 = arith.addi %mul3A_322, %add3A_323 : i32
      %get3A_325 = arith.index_cast %add3A_324 : i32 to index
      %get3A_326 = tpu.vector_load %arg5[%get3A_325] {strides = array<i32>} : memref<32768xf32, #tpu.memory_space<vmem>>, vector<16xf32>,
      %get3A_327 = vector.shape_cast %get3A_326 : vector<16xf32> to vector<16xf32>
      %get3A_328 = arith.index_cast %add3A_324 : i32 to index
      %get3A_329 = tpu.vector_load %arg6[%get3A_328] {strides = array<i32>} : memref<32768xf32, #tpu.memory_space<vmem>>, vector<16xf32>,
      %get3A_330 = vector.shape_cast %get3A_329 : vector<16xf32> to vector<16xf32>
      %add3A_331 = arith.addf %get3A_327, %get3A_330 : vector<16xf32>
      %swap3A_332 = arith.index_cast %add3A_324 : i32 to index
      %swap3A_333 = tpu.vector_load %arg5[%swap3A_332] {strides = array<i32>} : memref<32768xf32, #tpu.memory_space<vmem>>, vector<16xf32>,
      %swap3A_334 = vector.shape_cast %swap3A_333 : vector<16xf32> to vector<16xf32>
      %swap3A_335 = vector.shape_cast %add3A_331 : vector<16xf32> to vector<16xf32>
      tpu.vector_store %arg5[%swap3A_332], %swap3A_335 {strides = array<i32>} : memref<32768xf32, #tpu.memory_space<vmem>>, vector<16xf32>,
      %mul3A_336 = arith.constant 64 : i32
      %mul3A_337 = arith.muli %scan3A_306, %mul3A_336 : i32
      %add3A_338 = arith.constant 32 : i32
      %add3A_339 = arith.addi %mul3A_337, %add3A_338 : i32
      %get3A_340 = arith.index_cast %add3A_339 : i32 to index
      %get3A_341 = tpu.vector_load %arg5[%get3A_340] {strides = array<i32>} : memref<32768xf32, #tpu.memory_space<vmem>>, vector<16xf32>,
      %get3A_342 = vector.shape_cast %get3A_341 : vector<16xf32> to vector<16xf32>
      %get3A_343 = arith.index_cast %add3A_339 : i32 to index
      %get3A_344 = tpu.vector_load %arg6[%get3A_343] {strides = array<i32>} : memref<32768xf32, #tpu.memory_space<vmem>>, vector<16xf32>,
      %get3A_345 = vector.shape_cast %get3A_344 : vector<16xf32> to vector<16xf32>
      %add3A_346 = arith.addf %get3A_342, %get3A_345 : vector<16xf32>
      %swap3A_347 = arith.index_cast %add3A_339 : i32 to index
      %swap3A_348 = tpu.vector_load %arg5[%swap3A_347] {strides = array<i32>} : memref<32768xf32, #tpu.memory_space<vmem>>, vector<16xf32>,
      %swap3A_349 = vector.shape_cast %swap3A_348 : vector<16xf32> to vector<16xf32>
      %swap3A_350 = vector.shape_cast %add3A_346 : vector<16xf32> to vector<16xf32>
      tpu.vector_store %arg5[%swap3A_347], %swap3A_350 {strides = array<i32>} : memref<32768xf32, #tpu.memory_space<vmem>>, vector<16xf32>,
      %mul3A_351 = arith.constant 64 : i32
      %mul3A_352 = arith.muli %scan3A_306, %mul3A_351 : i32
      %add3A_353 = arith.constant 48 : i32
      %add3A_354 = arith.addi %mul3A_352, %add3A_353 : i32
      %get3A_355 = arith.index_cast %add3A_354 : i32 to index
      %get3A_356 = tpu.vector_load %arg5[%get3A_355] {strides = array<i32>} : memref<32768xf32, #tpu.memory_space<vmem>>, vector<16xf32>,
      %get3A_357 = vector.shape_cast %get3A_356 : vector<16xf32> to vector<16xf32>
      %get3A_358 = arith.index_cast %add3A_354 : i32 to index
      %get3A_359 = tpu.vector_load %arg6[%get3A_358] {strides = array<i32>} : memref<32768xf32, #tpu.memory_space<vmem>>, vector<16xf32>,
      %get3A_360 = vector.shape_cast %get3A_359 : vector<16xf32> to vector<16xf32>
      %add3A_361 = arith.addf %get3A_357, %get3A_360 : vector<16xf32>
      %swap3A_362 = arith.index_cast %add3A_354 : i32 to index
      %swap3A_363 = tpu.vector_load %arg5[%swap3A_362] {strides = array<i32>} : memref<32768xf32, #tpu.memory_space<vmem>>, vector<16xf32>,
      %swap3A_364 = vector.shape_cast %swap3A_363 : vector<16xf32> to vector<16xf32>
      %swap3A_365 = vector.shape_cast %add3A_361 : vector<16xf32> to vector<16xf32>
      tpu.vector_store %arg5[%swap3A_362], %swap3A_365 {strides = array<i32>} : memref<32768xf32, #tpu.memory_space<vmem>>, vector<16xf32>,
      %scan3A_366 = arith.constant 0 : i32
      scf.yield %scan3A_366 : i32
    }
    %scan3A_258 = arith.constant 512 : i32
    "tpu.region"() ({
      %run_scoped3A = tpu.sem_alloc : memref<!tpu.dma_semaphore, #tpu.memory_space<semaphore_mem>>
      %dma_start3A = tpu.memref_slice %arg4[%add3A_251] : memref<33554432xf32, #tpu.memory_space<hbm>> -> memref<32768xf32, #tpu.memory_space<hbm>>
      %dma_start3A_306 = tpu.memref_slice %arg4[%add3A_251] : memref<33554432xf32, #tpu.memory_space<hbm>> -> memref<32768xf32, #tpu.memory_space<hbm>>
      tpu.enqueue_dma source(%arg5 : memref<32768xf32, #tpu.memory_space<vmem>>) target(%dma_start3A_306 : memref<32768xf32, #tpu.memory_space<hbm>>) target_semaphore(%run_scoped3A : memref<!tpu.dma_semaphore, #tpu.memory_space<semaphore_mem>>)
      %dma_wait3A = tpu.memref_slice %arg4[%add3A_251] : memref<33554432xf32, #tpu.memory_space<hbm>> -> memref<32768xf32, #tpu.memory_space<hbm>>
      %dma_wait3A_307 = tpu.memref_slice %arg4[%add3A_251] : memref<33554432xf32, #tpu.memory_space<hbm>> -> memref<32768xf32, #tpu.memory_space<hbm>>
      tpu.wait_dma2 semaphore(%run_scoped3A : memref<!tpu.dma_semaphore, #tpu.memory_space<semaphore_mem>>) src(%arg5 : memref<32768xf32, #tpu.memory_space<vmem>>) dst(%dma_wait3A_307 : memref<32768xf32, #tpu.memory_space<hbm>>)
      tpu.yield
    }) : () -> ()
    %add3A_259 = arith.constant 25165824 : i32
    %add3A_260 = arith.addi %add3A_259, %add3A_231 : i32
    "tpu.region"() ({
      %run_scoped3A = tpu.sem_alloc : memref<!tpu.dma_semaphore, #tpu.memory_space<semaphore_mem>>
      %dma_start3A = tpu.memref_slice %arg2[%add3A_260] : memref<33554432xf32, #tpu.memory_space<hbm>> -> memref<32768xf32, #tpu.memory_space<hbm>>
      %dma_start3A_306 = tpu.memref_slice %arg2[%add3A_260] : memref<33554432xf32, #tpu.memory_space<hbm>> -> memref<32768xf32, #tpu.memory_space<hbm>>
      tpu.enqueue_dma source(%dma_start3A_306 : memref<32768xf32, #tpu.memory_space<hbm>>) target(%arg5 : memref<32768xf32, #tpu.memory_space<vmem>>) target_semaphore(%run_scoped3A : memref<!tpu.dma_semaphore, #tpu.memory_space<semaphore_mem>>)
      %dma_wait3A = tpu.memref_slice %arg2[%add3A_260] : memref<33554432xf32, #tpu.memory_space<hbm>> -> memref<32768xf32, #tpu.memory_space<hbm>>
      %dma_wait3A_307 = tpu.memref_slice %arg2[%add3A_260] : memref<33554432xf32, #tpu.memory_space<hbm>> -> memref<32768xf32, #tpu.memory_space<hbm>>
      tpu.wait_dma2 semaphore(%run_scoped3A : memref<!tpu.dma_semaphore, #tpu.memory_space<semaphore_mem>>) src(%dma_wait3A_307 : memref<32768xf32, #tpu.memory_space<hbm>>) dst(%arg5 : memref<32768xf32, #tpu.memory_space<vmem>>)
      tpu.yield
    }) : () -> ()
    %scan3A_261 = arith.constant 0 : i32
    %scan3A_262 = arith.constant 0 : i32
    %scan3A_263 = arith.constant 512 : i32
    %scan3A_264 = arith.addi %scan3A_262, %scan3A_263 : i32
    %scan3A_265 = arith.constant 1 : i32
    %scan3A_266 = scf.for %scan3A_306 = %scan3A_262 to %scan3A_264 step %scan3A_265 iter_args(%scan3A_307 = %scan3A_261) -> (i32)  : i32 {
      %mul3A_308 = arith.constant 64 : i32
      %mul3A_309 = arith.muli %scan3A_306, %mul3A_308 : i32
      %add3A_310 = arith.constant 0 : i32
      %add3A_311 = arith.addi %mul3A_309, %add3A_310 : i32
      %get3A = arith.index_cast %add3A_311 : i32 to index
      %get3A_312 = tpu.vector_load %arg5[%get3A] {strides = array<i32>} : memref<32768xf32, #tpu.memory_space<vmem>>, vector<16xf32>,
      %get3A_313 = vector.shape_cast %get3A_312 : vector<16xf32> to vector<16xf32>
      %get3A_314 = arith.index_cast %add3A_311 : i32 to index
      %get3A_315 = tpu.vector_load %arg6[%get3A_314] {strides = array<i32>} : memref<32768xf32, #tpu.memory_space<vmem>>, vector<16xf32>,
      %get3A_316 = vector.shape_cast %get3A_315 : vector<16xf32> to vector<16xf32>
      %add3A_317 = arith.addf %get3A_313, %get3A_316 : vector<16xf32>
      %swap3A = arith.index_cast %add3A_311 : i32 to index
      %swap3A_318 = tpu.vector_load %arg5[%swap3A] {strides = array<i32>} : memref<32768xf32, #tpu.memory_space<vmem>>, vector<16xf32>,
      %swap3A_319 = vector.shape_cast %swap3A_318 : vector<16xf32> to vector<16xf32>
      %swap3A_320 = vector.shape_cast %add3A_317 : vector<16xf32> to vector<16xf32>
      tpu.vector_store %arg5[%swap3A], %swap3A_320 {strides = array<i32>} : memref<32768xf32, #tpu.memory_space<vmem>>, vector<16xf32>,
      %mul3A_321 = arith.constant 64 : i32
      %mul3A_322 = arith.muli %scan3A_306, %mul3A_321 : i32
      %add3A_323 = arith.constant 16 : i32
      %add3A_324 = arith.addi %mul3A_322, %add3A_323 : i32
      %get3A_325 = arith.index_cast %add3A_324 : i32 to index
      %get3A_326 = tpu.vector_load %arg5[%get3A_325] {strides = array<i32>} : memref<32768xf32, #tpu.memory_space<vmem>>, vector<16xf32>,
      %get3A_327 = vector.shape_cast %get3A_326 : vector<16xf32> to vector<16xf32>
      %get3A_328 = arith.index_cast %add3A_324 : i32 to index
      %get3A_329 = tpu.vector_load %arg6[%get3A_328] {strides = array<i32>} : memref<32768xf32, #tpu.memory_space<vmem>>, vector<16xf32>,
      %get3A_330 = vector.shape_cast %get3A_329 : vector<16xf32> to vector<16xf32>
      %add3A_331 = arith.addf %get3A_327, %get3A_330 : vector<16xf32>
      %swap3A_332 = arith.index_cast %add3A_324 : i32 to index
      %swap3A_333 = tpu.vector_load %arg5[%swap3A_332] {strides = array<i32>} : memref<32768xf32, #tpu.memory_space<vmem>>, vector<16xf32>,
      %swap3A_334 = vector.shape_cast %swap3A_333 : vector<16xf32> to vector<16xf32>
      %swap3A_335 = vector.shape_cast %add3A_331 : vector<16xf32> to vector<16xf32>
      tpu.vector_store %arg5[%swap3A_332], %swap3A_335 {strides = array<i32>} : memref<32768xf32, #tpu.memory_space<vmem>>, vector<16xf32>,
      %mul3A_336 = arith.constant 64 : i32
      %mul3A_337 = arith.muli %scan3A_306, %mul3A_336 : i32
      %add3A_338 = arith.constant 32 : i32
      %add3A_339 = arith.addi %mul3A_337, %add3A_338 : i32
      %get3A_340 = arith.index_cast %add3A_339 : i32 to index
      %get3A_341 = tpu.vector_load %arg5[%get3A_340] {strides = array<i32>} : memref<32768xf32, #tpu.memory_space<vmem>>, vector<16xf32>,
      %get3A_342 = vector.shape_cast %get3A_341 : vector<16xf32> to vector<16xf32>
      %get3A_343 = arith.index_cast %add3A_339 : i32 to index
      %get3A_344 = tpu.vector_load %arg6[%get3A_343] {strides = array<i32>} : memref<32768xf32, #tpu.memory_space<vmem>>, vector<16xf32>,
      %get3A_345 = vector.shape_cast %get3A_344 : vector<16xf32> to vector<16xf32>
      %add3A_346 = arith.addf %get3A_342, %get3A_345 : vector<16xf32>
      %swap3A_347 = arith.index_cast %add3A_339 : i32 to index
      %swap3A_348 = tpu.vector_load %arg5[%swap3A_347] {strides = array<i32>} : memref<32768xf32, #tpu.memory_space<vmem>>, vector<16xf32>,
      %swap3A_349 = vector.shape_cast %swap3A_348 : vector<16xf32> to vector<16xf32>
      %swap3A_350 = vector.shape_cast %add3A_346 : vector<16xf32> to vector<16xf32>
      tpu.vector_store %arg5[%swap3A_347], %swap3A_350 {strides = array<i32>} : memref<32768xf32, #tpu.memory_space<vmem>>, vector<16xf32>,
      %mul3A_351 = arith.constant 64 : i32
      %mul3A_352 = arith.muli %scan3A_306, %mul3A_351 : i32
      %add3A_353 = arith.constant 48 : i32
      %add3A_354 = arith.addi %mul3A_352, %add3A_353 : i32
      %get3A_355 = arith.index_cast %add3A_354 : i32 to index
      %get3A_356 = tpu.vector_load %arg5[%get3A_355] {strides = array<i32>} : memref<32768xf32, #tpu.memory_space<vmem>>, vector<16xf32>,
      %get3A_357 = vector.shape_cast %get3A_356 : vector<16xf32> to vector<16xf32>
      %get3A_358 = arith.index_cast %add3A_354 : i32 to index
      %get3A_359 = tpu.vector_load %arg6[%get3A_358] {strides = array<i32>} : memref<32768xf32, #tpu.memory_space<vmem>>, vector<16xf32>,
      %get3A_360 = vector.shape_cast %get3A_359 : vector<16xf32> to vector<16xf32>
      %add3A_361 = arith.addf %get3A_357, %get3A_360 : vector<16xf32>
      %swap3A_362 = arith.index_cast %add3A_354 : i32 to index
      %swap3A_363 = tpu.vector_load %arg5[%swap3A_362] {strides = array<i32>} : memref<32768xf32, #tpu.memory_space<vmem>>, vector<16xf32>,
      %swap3A_364 = vector.shape_cast %swap3A_363 : vector<16xf32> to vector<16xf32>
      %swap3A_365 = vector.shape_cast %add3A_361 : vector<16xf32> to vector<16xf32>
      tpu.vector_store %arg5[%swap3A_362], %swap3A_365 {strides = array<i32>} : memref<32768xf32, #tpu.memory_space<vmem>>, vector<16xf32>,
      %scan3A_366 = arith.constant 0 : i32
      scf.yield %scan3A_366 : i32
    }
    %scan3A_267 = arith.constant 512 : i32
    "tpu.region"() ({
      %run_scoped3A = tpu.sem_alloc : memref<!tpu.dma_semaphore, #tpu.memory_space<semaphore_mem>>
      %dma_start3A = tpu.memref_slice %arg4[%add3A_260] : memref<33554432xf32, #tpu.memory_space<hbm>> -> memref<32768xf32, #tpu.memory_space<hbm>>
      %dma_start3A_306 = tpu.memref_slice %arg4[%add3A_260] : memref<33554432xf32, #tpu.memory_space<hbm>> -> memref<32768xf32, #tpu.memory_space<hbm>>
      tpu.enqueue_dma source(%arg5 : memref<32768xf32, #tpu.memory_space<vmem>>) target(%dma_start3A_306 : memref<32768xf32, #tpu.memory_space<hbm>>) target_semaphore(%run_scoped3A : memref<!tpu.dma_semaphore, #tpu.memory_space<semaphore_mem>>)
      %dma_wait3A = tpu.memref_slice %arg4[%add3A_260] : memref<33554432xf32, #tpu.memory_space<hbm>> -> memref<32768xf32, #tpu.memory_space<hbm>>
      %dma_wait3A_307 = tpu.memref_slice %arg4[%add3A_260] : memref<33554432xf32, #tpu.memory_space<hbm>> -> memref<32768xf32, #tpu.memory_space<hbm>>
      tpu.wait_dma2 semaphore(%run_scoped3A : memref<!tpu.dma_semaphore, #tpu.memory_space<semaphore_mem>>) src(%arg5 : memref<32768xf32, #tpu.memory_space<vmem>>) dst(%dma_wait3A_307 : memref<32768xf32, #tpu.memory_space<hbm>>)
      tpu.yield
    }) : () -> ()
    %add3A_268 = arith.constant 229376 : i32
    %add3A_269 = arith.addi %mul3A_2, %add3A_268 : i32
    "tpu.region"() ({
      %run_scoped3A = tpu.sem_alloc : memref<!tpu.dma_semaphore, #tpu.memory_space<semaphore_mem>>
      %dma_start3A = tpu.memref_slice %arg3[%add3A_269] : memref<8388608xf32, #tpu.memory_space<hbm>> -> memref<32768xf32, #tpu.memory_space<hbm>>
      %dma_start3A_306 = tpu.memref_slice %arg3[%add3A_269] : memref<8388608xf32, #tpu.memory_space<hbm>> -> memref<32768xf32, #tpu.memory_space<hbm>>
      tpu.enqueue_dma source(%dma_start3A_306 : memref<32768xf32, #tpu.memory_space<hbm>>) target(%arg6 : memref<32768xf32, #tpu.memory_space<vmem>>) target_semaphore(%run_scoped3A : memref<!tpu.dma_semaphore, #tpu.memory_space<semaphore_mem>>)
      %dma_wait3A = tpu.memref_slice %arg3[%add3A_269] : memref<8388608xf32, #tpu.memory_space<hbm>> -> memref<32768xf32, #tpu.memory_space<hbm>>
      %dma_wait3A_307 = tpu.memref_slice %arg3[%add3A_269] : memref<8388608xf32, #tpu.memory_space<hbm>> -> memref<32768xf32, #tpu.memory_space<hbm>>
      tpu.wait_dma2 semaphore(%run_scoped3A : memref<!tpu.dma_semaphore, #tpu.memory_space<semaphore_mem>>) src(%dma_wait3A_307 : memref<32768xf32, #tpu.memory_space<hbm>>) dst(%arg6 : memref<32768xf32, #tpu.memory_space<vmem>>)
      tpu.yield
    }) : () -> ()
    %add3A_270 = arith.constant 0 : i32
    %add3A_271 = arith.addi %add3A_270, %add3A_269 : i32
    "tpu.region"() ({
      %run_scoped3A = tpu.sem_alloc : memref<!tpu.dma_semaphore, #tpu.memory_space<semaphore_mem>>
      %dma_start3A = tpu.memref_slice %arg2[%add3A_271] : memref<33554432xf32, #tpu.memory_space<hbm>> -> memref<32768xf32, #tpu.memory_space<hbm>>
      %dma_start3A_306 = tpu.memref_slice %arg2[%add3A_271] : memref<33554432xf32, #tpu.memory_space<hbm>> -> memref<32768xf32, #tpu.memory_space<hbm>>
      tpu.enqueue_dma source(%dma_start3A_306 : memref<32768xf32, #tpu.memory_space<hbm>>) target(%arg5 : memref<32768xf32, #tpu.memory_space<vmem>>) target_semaphore(%run_scoped3A : memref<!tpu.dma_semaphore, #tpu.memory_space<semaphore_mem>>)
      %dma_wait3A = tpu.memref_slice %arg2[%add3A_271] : memref<33554432xf32, #tpu.memory_space<hbm>> -> memref<32768xf32, #tpu.memory_space<hbm>>
      %dma_wait3A_307 = tpu.memref_slice %arg2[%add3A_271] : memref<33554432xf32, #tpu.memory_space<hbm>> -> memref<32768xf32, #tpu.memory_space<hbm>>
      tpu.wait_dma2 semaphore(%run_scoped3A : memref<!tpu.dma_semaphore, #tpu.memory_space<semaphore_mem>>) src(%dma_wait3A_307 : memref<32768xf32, #tpu.memory_space<hbm>>) dst(%arg5 : memref<32768xf32, #tpu.memory_space<vmem>>)
      tpu.yield
    }) : () -> ()
    %scan3A_272 = arith.constant 0 : i32
    %scan3A_273 = arith.constant 0 : i32
    %scan3A_274 = arith.constant 512 : i32
    %scan3A_275 = arith.addi %scan3A_273, %scan3A_274 : i32
    %scan3A_276 = arith.constant 1 : i32
    %scan3A_277 = scf.for %scan3A_306 = %scan3A_273 to %scan3A_275 step %scan3A_276 iter_args(%scan3A_307 = %scan3A_272) -> (i32)  : i32 {
      %mul3A_308 = arith.constant 64 : i32
      %mul3A_309 = arith.muli %scan3A_306, %mul3A_308 : i32
      %add3A_310 = arith.constant 0 : i32
      %add3A_311 = arith.addi %mul3A_309, %add3A_310 : i32
      %get3A = arith.index_cast %add3A_311 : i32 to index
      %get3A_312 = tpu.vector_load %arg5[%get3A] {strides = array<i32>} : memref<32768xf32, #tpu.memory_space<vmem>>, vector<16xf32>,
      %get3A_313 = vector.shape_cast %get3A_312 : vector<16xf32> to vector<16xf32>
      %get3A_314 = arith.index_cast %add3A_311 : i32 to index
      %get3A_315 = tpu.vector_load %arg6[%get3A_314] {strides = array<i32>} : memref<32768xf32, #tpu.memory_space<vmem>>, vector<16xf32>,
      %get3A_316 = vector.shape_cast %get3A_315 : vector<16xf32> to vector<16xf32>
      %add3A_317 = arith.addf %get3A_313, %get3A_316 : vector<16xf32>
      %swap3A = arith.index_cast %add3A_311 : i32 to index
      %swap3A_318 = tpu.vector_load %arg5[%swap3A] {strides = array<i32>} : memref<32768xf32, #tpu.memory_space<vmem>>, vector<16xf32>,
      %swap3A_319 = vector.shape_cast %swap3A_318 : vector<16xf32> to vector<16xf32>
      %swap3A_320 = vector.shape_cast %add3A_317 : vector<16xf32> to vector<16xf32>
      tpu.vector_store %arg5[%swap3A], %swap3A_320 {strides = array<i32>} : memref<32768xf32, #tpu.memory_space<vmem>>, vector<16xf32>,
      %mul3A_321 = arith.constant 64 : i32
      %mul3A_322 = arith.muli %scan3A_306, %mul3A_321 : i32
      %add3A_323 = arith.constant 16 : i32
      %add3A_324 = arith.addi %mul3A_322, %add3A_323 : i32
      %get3A_325 = arith.index_cast %add3A_324 : i32 to index
      %get3A_326 = tpu.vector_load %arg5[%get3A_325] {strides = array<i32>} : memref<32768xf32, #tpu.memory_space<vmem>>, vector<16xf32>,
      %get3A_327 = vector.shape_cast %get3A_326 : vector<16xf32> to vector<16xf32>
      %get3A_328 = arith.index_cast %add3A_324 : i32 to index
      %get3A_329 = tpu.vector_load %arg6[%get3A_328] {strides = array<i32>} : memref<32768xf32, #tpu.memory_space<vmem>>, vector<16xf32>,
      %get3A_330 = vector.shape_cast %get3A_329 : vector<16xf32> to vector<16xf32>
      %add3A_331 = arith.addf %get3A_327, %get3A_330 : vector<16xf32>
      %swap3A_332 = arith.index_cast %add3A_324 : i32 to index
      %swap3A_333 = tpu.vector_load %arg5[%swap3A_332] {strides = array<i32>} : memref<32768xf32, #tpu.memory_space<vmem>>, vector<16xf32>,
      %swap3A_334 = vector.shape_cast %swap3A_333 : vector<16xf32> to vector<16xf32>
      %swap3A_335 = vector.shape_cast %add3A_331 : vector<16xf32> to vector<16xf32>
      tpu.vector_store %arg5[%swap3A_332], %swap3A_335 {strides = array<i32>} : memref<32768xf32, #tpu.memory_space<vmem>>, vector<16xf32>,
      %mul3A_336 = arith.constant 64 : i32
      %mul3A_337 = arith.muli %scan3A_306, %mul3A_336 : i32
      %add3A_338 = arith.constant 32 : i32
      %add3A_339 = arith.addi %mul3A_337, %add3A_338 : i32
      %get3A_340 = arith.index_cast %add3A_339 : i32 to index
      %get3A_341 = tpu.vector_load %arg5[%get3A_340] {strides = array<i32>} : memref<32768xf32, #tpu.memory_space<vmem>>, vector<16xf32>,
      %get3A_342 = vector.shape_cast %get3A_341 : vector<16xf32> to vector<16xf32>
      %get3A_343 = arith.index_cast %add3A_339 : i32 to index
      %get3A_344 = tpu.vector_load %arg6[%get3A_343] {strides = array<i32>} : memref<32768xf32, #tpu.memory_space<vmem>>, vector<16xf32>,
      %get3A_345 = vector.shape_cast %get3A_344 : vector<16xf32> to vector<16xf32>
      %add3A_346 = arith.addf %get3A_342, %get3A_345 : vector<16xf32>
      %swap3A_347 = arith.index_cast %add3A_339 : i32 to index
      %swap3A_348 = tpu.vector_load %arg5[%swap3A_347] {strides = array<i32>} : memref<32768xf32, #tpu.memory_space<vmem>>, vector<16xf32>,
      %swap3A_349 = vector.shape_cast %swap3A_348 : vector<16xf32> to vector<16xf32>
      %swap3A_350 = vector.shape_cast %add3A_346 : vector<16xf32> to vector<16xf32>
      tpu.vector_store %arg5[%swap3A_347], %swap3A_350 {strides = array<i32>} : memref<32768xf32, #tpu.memory_space<vmem>>, vector<16xf32>,
      %mul3A_351 = arith.constant 64 : i32
      %mul3A_352 = arith.muli %scan3A_306, %mul3A_351 : i32
      %add3A_353 = arith.constant 48 : i32
      %add3A_354 = arith.addi %mul3A_352, %add3A_353 : i32
      %get3A_355 = arith.index_cast %add3A_354 : i32 to index
      %get3A_356 = tpu.vector_load %arg5[%get3A_355] {strides = array<i32>} : memref<32768xf32, #tpu.memory_space<vmem>>, vector<16xf32>,
      %get3A_357 = vector.shape_cast %get3A_356 : vector<16xf32> to vector<16xf32>
      %get3A_358 = arith.index_cast %add3A_354 : i32 to index
      %get3A_359 = tpu.vector_load %arg6[%get3A_358] {strides = array<i32>} : memref<32768xf32, #tpu.memory_space<vmem>>, vector<16xf32>,
      %get3A_360 = vector.shape_cast %get3A_359 : vector<16xf32> to vector<16xf32>
      %add3A_361 = arith.addf %get3A_357, %get3A_360 : vector<16xf32>
      %swap3A_362 = arith.index_cast %add3A_354 : i32 to index
      %swap3A_363 = tpu.vector_load %arg5[%swap3A_362] {strides = array<i32>} : memref<32768xf32, #tpu.memory_space<vmem>>, vector<16xf32>,
      %swap3A_364 = vector.shape_cast %swap3A_363 : vector<16xf32> to vector<16xf32>
      %swap3A_365 = vector.shape_cast %add3A_361 : vector<16xf32> to vector<16xf32>
      tpu.vector_store %arg5[%swap3A_362], %swap3A_365 {strides = array<i32>} : memref<32768xf32, #tpu.memory_space<vmem>>, vector<16xf32>,
      %scan3A_366 = arith.constant 0 : i32
      scf.yield %scan3A_366 : i32
    }
    %scan3A_278 = arith.constant 512 : i32
    "tpu.region"() ({
      %run_scoped3A = tpu.sem_alloc : memref<!tpu.dma_semaphore, #tpu.memory_space<semaphore_mem>>
      %dma_start3A = tpu.memref_slice %arg4[%add3A_271] : memref<33554432xf32, #tpu.memory_space<hbm>> -> memref<32768xf32, #tpu.memory_space<hbm>>
      %dma_start3A_306 = tpu.memref_slice %arg4[%add3A_271] : memref<33554432xf32, #tpu.memory_space<hbm>> -> memref<32768xf32, #tpu.memory_space<hbm>>
      tpu.enqueue_dma source(%arg5 : memref<32768xf32, #tpu.memory_space<vmem>>) target(%dma_start3A_306 : memref<32768xf32, #tpu.memory_space<hbm>>) target_semaphore(%run_scoped3A : memref<!tpu.dma_semaphore, #tpu.memory_space<semaphore_mem>>)
      %dma_wait3A = tpu.memref_slice %arg4[%add3A_271] : memref<33554432xf32, #tpu.memory_space<hbm>> -> memref<32768xf32, #tpu.memory_space<hbm>>
      %dma_wait3A_307 = tpu.memref_slice %arg4[%add3A_271] : memref<33554432xf32, #tpu.memory_space<hbm>> -> memref<32768xf32, #tpu.memory_space<hbm>>
      tpu.wait_dma2 semaphore(%run_scoped3A : memref<!tpu.dma_semaphore, #tpu.memory_space<semaphore_mem>>) src(%arg5 : memref<32768xf32, #tpu.memory_space<vmem>>) dst(%dma_wait3A_307 : memref<32768xf32, #tpu.memory_space<hbm>>)
      tpu.yield
    }) : () -> ()
    %add3A_279 = arith.constant 8388608 : i32
    %add3A_280 = arith.addi %add3A_279, %add3A_269 : i32
    "tpu.region"() ({
      %run_scoped3A = tpu.sem_alloc : memref<!tpu.dma_semaphore, #tpu.memory_space<semaphore_mem>>
      %dma_start3A = tpu.memref_slice %arg2[%add3A_280] : memref<33554432xf32, #tpu.memory_space<hbm>> -> memref<32768xf32, #tpu.memory_space<hbm>>
      %dma_start3A_306 = tpu.memref_slice %arg2[%add3A_280] : memref<33554432xf32, #tpu.memory_space<hbm>> -> memref<32768xf32, #tpu.memory_space<hbm>>
      tpu.enqueue_dma source(%dma_start3A_306 : memref<32768xf32, #tpu.memory_space<hbm>>) target(%arg5 : memref<32768xf32, #tpu.memory_space<vmem>>) target_semaphore(%run_scoped3A : memref<!tpu.dma_semaphore, #tpu.memory_space<semaphore_mem>>)
      %dma_wait3A = tpu.memref_slice %arg2[%add3A_280] : memref<33554432xf32, #tpu.memory_space<hbm>> -> memref<32768xf32, #tpu.memory_space<hbm>>
      %dma_wait3A_307 = tpu.memref_slice %arg2[%add3A_280] : memref<33554432xf32, #tpu.memory_space<hbm>> -> memref<32768xf32, #tpu.memory_space<hbm>>
      tpu.wait_dma2 semaphore(%run_scoped3A : memref<!tpu.dma_semaphore, #tpu.memory_space<semaphore_mem>>) src(%dma_wait3A_307 : memref<32768xf32, #tpu.memory_space<hbm>>) dst(%arg5 : memref<32768xf32, #tpu.memory_space<vmem>>)
      tpu.yield
    }) : () -> ()
    %scan3A_281 = arith.constant 0 : i32
    %scan3A_282 = arith.constant 0 : i32
    %scan3A_283 = arith.constant 512 : i32
    %scan3A_284 = arith.addi %scan3A_282, %scan3A_283 : i32
    %scan3A_285 = arith.constant 1 : i32
    %scan3A_286 = scf.for %scan3A_306 = %scan3A_282 to %scan3A_284 step %scan3A_285 iter_args(%scan3A_307 = %scan3A_281) -> (i32)  : i32 {
      %mul3A_308 = arith.constant 64 : i32
      %mul3A_309 = arith.muli %scan3A_306, %mul3A_308 : i32
      %add3A_310 = arith.constant 0 : i32
      %add3A_311 = arith.addi %mul3A_309, %add3A_310 : i32
      %get3A = arith.index_cast %add3A_311 : i32 to index
      %get3A_312 = tpu.vector_load %arg5[%get3A] {strides = array<i32>} : memref<32768xf32, #tpu.memory_space<vmem>>, vector<16xf32>,
      %get3A_313 = vector.shape_cast %get3A_312 : vector<16xf32> to vector<16xf32>
      %get3A_314 = arith.index_cast %add3A_311 : i32 to index
      %get3A_315 = tpu.vector_load %arg6[%get3A_314] {strides = array<i32>} : memref<32768xf32, #tpu.memory_space<vmem>>, vector<16xf32>,
      %get3A_316 = vector.shape_cast %get3A_315 : vector<16xf32> to vector<16xf32>
      %add3A_317 = arith.addf %get3A_313, %get3A_316 : vector<16xf32>
      %swap3A = arith.index_cast %add3A_311 : i32 to index
      %swap3A_318 = tpu.vector_load %arg5[%swap3A] {strides = array<i32>} : memref<32768xf32, #tpu.memory_space<vmem>>, vector<16xf32>,
      %swap3A_319 = vector.shape_cast %swap3A_318 : vector<16xf32> to vector<16xf32>
      %swap3A_320 = vector.shape_cast %add3A_317 : vector<16xf32> to vector<16xf32>
      tpu.vector_store %arg5[%swap3A], %swap3A_320 {strides = array<i32>} : memref<32768xf32, #tpu.memory_space<vmem>>, vector<16xf32>,
      %mul3A_321 = arith.constant 64 : i32
      %mul3A_322 = arith.muli %scan3A_306, %mul3A_321 : i32
      %add3A_323 = arith.constant 16 : i32
      %add3A_324 = arith.addi %mul3A_322, %add3A_323 : i32
      %get3A_325 = arith.index_cast %add3A_324 : i32 to index
      %get3A_326 = tpu.vector_load %arg5[%get3A_325] {strides = array<i32>} : memref<32768xf32, #tpu.memory_space<vmem>>, vector<16xf32>,
      %get3A_327 = vector.shape_cast %get3A_326 : vector<16xf32> to vector<16xf32>
      %get3A_328 = arith.index_cast %add3A_324 : i32 to index
      %get3A_329 = tpu.vector_load %arg6[%get3A_328] {strides = array<i32>} : memref<32768xf32, #tpu.memory_space<vmem>>, vector<16xf32>,
      %get3A_330 = vector.shape_cast %get3A_329 : vector<16xf32> to vector<16xf32>
      %add3A_331 = arith.addf %get3A_327, %get3A_330 : vector<16xf32>
      %swap3A_332 = arith.index_cast %add3A_324 : i32 to index
      %swap3A_333 = tpu.vector_load %arg5[%swap3A_332] {strides = array<i32>} : memref<32768xf32, #tpu.memory_space<vmem>>, vector<16xf32>,
      %swap3A_334 = vector.shape_cast %swap3A_333 : vector<16xf32> to vector<16xf32>
      %swap3A_335 = vector.shape_cast %add3A_331 : vector<16xf32> to vector<16xf32>
      tpu.vector_store %arg5[%swap3A_332], %swap3A_335 {strides = array<i32>} : memref<32768xf32, #tpu.memory_space<vmem>>, vector<16xf32>,
      %mul3A_336 = arith.constant 64 : i32
      %mul3A_337 = arith.muli %scan3A_306, %mul3A_336 : i32
      %add3A_338 = arith.constant 32 : i32
      %add3A_339 = arith.addi %mul3A_337, %add3A_338 : i32
      %get3A_340 = arith.index_cast %add3A_339 : i32 to index
      %get3A_341 = tpu.vector_load %arg5[%get3A_340] {strides = array<i32>} : memref<32768xf32, #tpu.memory_space<vmem>>, vector<16xf32>,
      %get3A_342 = vector.shape_cast %get3A_341 : vector<16xf32> to vector<16xf32>
      %get3A_343 = arith.index_cast %add3A_339 : i32 to index
      %get3A_344 = tpu.vector_load %arg6[%get3A_343] {strides = array<i32>} : memref<32768xf32, #tpu.memory_space<vmem>>, vector<16xf32>,
      %get3A_345 = vector.shape_cast %get3A_344 : vector<16xf32> to vector<16xf32>
      %add3A_346 = arith.addf %get3A_342, %get3A_345 : vector<16xf32>
      %swap3A_347 = arith.index_cast %add3A_339 : i32 to index
      %swap3A_348 = tpu.vector_load %arg5[%swap3A_347] {strides = array<i32>} : memref<32768xf32, #tpu.memory_space<vmem>>, vector<16xf32>,
      %swap3A_349 = vector.shape_cast %swap3A_348 : vector<16xf32> to vector<16xf32>
      %swap3A_350 = vector.shape_cast %add3A_346 : vector<16xf32> to vector<16xf32>
      tpu.vector_store %arg5[%swap3A_347], %swap3A_350 {strides = array<i32>} : memref<32768xf32, #tpu.memory_space<vmem>>, vector<16xf32>,
      %mul3A_351 = arith.constant 64 : i32
      %mul3A_352 = arith.muli %scan3A_306, %mul3A_351 : i32
      %add3A_353 = arith.constant 48 : i32
      %add3A_354 = arith.addi %mul3A_352, %add3A_353 : i32
      %get3A_355 = arith.index_cast %add3A_354 : i32 to index
      %get3A_356 = tpu.vector_load %arg5[%get3A_355] {strides = array<i32>} : memref<32768xf32, #tpu.memory_space<vmem>>, vector<16xf32>,
      %get3A_357 = vector.shape_cast %get3A_356 : vector<16xf32> to vector<16xf32>
      %get3A_358 = arith.index_cast %add3A_354 : i32 to index
      %get3A_359 = tpu.vector_load %arg6[%get3A_358] {strides = array<i32>} : memref<32768xf32, #tpu.memory_space<vmem>>, vector<16xf32>,
      %get3A_360 = vector.shape_cast %get3A_359 : vector<16xf32> to vector<16xf32>
      %add3A_361 = arith.addf %get3A_357, %get3A_360 : vector<16xf32>
      %swap3A_362 = arith.index_cast %add3A_354 : i32 to index
      %swap3A_363 = tpu.vector_load %arg5[%swap3A_362] {strides = array<i32>} : memref<32768xf32, #tpu.memory_space<vmem>>, vector<16xf32>,
      %swap3A_364 = vector.shape_cast %swap3A_363 : vector<16xf32> to vector<16xf32>
      %swap3A_365 = vector.shape_cast %add3A_361 : vector<16xf32> to vector<16xf32>
      tpu.vector_store %arg5[%swap3A_362], %swap3A_365 {strides = array<i32>} : memref<32768xf32, #tpu.memory_space<vmem>>, vector<16xf32>,
      %scan3A_366 = arith.constant 0 : i32
      scf.yield %scan3A_366 : i32
    }
    %scan3A_287 = arith.constant 512 : i32
    "tpu.region"() ({
      %run_scoped3A = tpu.sem_alloc : memref<!tpu.dma_semaphore, #tpu.memory_space<semaphore_mem>>
      %dma_start3A = tpu.memref_slice %arg4[%add3A_280] : memref<33554432xf32, #tpu.memory_space<hbm>> -> memref<32768xf32, #tpu.memory_space<hbm>>
      %dma_start3A_306 = tpu.memref_slice %arg4[%add3A_280] : memref<33554432xf32, #tpu.memory_space<hbm>> -> memref<32768xf32, #tpu.memory_space<hbm>>
      tpu.enqueue_dma source(%arg5 : memref<32768xf32, #tpu.memory_space<vmem>>) target(%dma_start3A_306 : memref<32768xf32, #tpu.memory_space<hbm>>) target_semaphore(%run_scoped3A : memref<!tpu.dma_semaphore, #tpu.memory_space<semaphore_mem>>)
      %dma_wait3A = tpu.memref_slice %arg4[%add3A_280] : memref<33554432xf32, #tpu.memory_space<hbm>> -> memref<32768xf32, #tpu.memory_space<hbm>>
      %dma_wait3A_307 = tpu.memref_slice %arg4[%add3A_280] : memref<33554432xf32, #tpu.memory_space<hbm>> -> memref<32768xf32, #tpu.memory_space<hbm>>
      tpu.wait_dma2 semaphore(%run_scoped3A : memref<!tpu.dma_semaphore, #tpu.memory_space<semaphore_mem>>) src(%arg5 : memref<32768xf32, #tpu.memory_space<vmem>>) dst(%dma_wait3A_307 : memref<32768xf32, #tpu.memory_space<hbm>>)
      tpu.yield
    }) : () -> ()
    %add3A_288 = arith.constant 16777216 : i32
    %add3A_289 = arith.addi %add3A_288, %add3A_269 : i32
    "tpu.region"() ({
      %run_scoped3A = tpu.sem_alloc : memref<!tpu.dma_semaphore, #tpu.memory_space<semaphore_mem>>
      %dma_start3A = tpu.memref_slice %arg2[%add3A_289] : memref<33554432xf32, #tpu.memory_space<hbm>> -> memref<32768xf32, #tpu.memory_space<hbm>>
      %dma_start3A_306 = tpu.memref_slice %arg2[%add3A_289] : memref<33554432xf32, #tpu.memory_space<hbm>> -> memref<32768xf32, #tpu.memory_space<hbm>>
      tpu.enqueue_dma source(%dma_start3A_306 : memref<32768xf32, #tpu.memory_space<hbm>>) target(%arg5 : memref<32768xf32, #tpu.memory_space<vmem>>) target_semaphore(%run_scoped3A : memref<!tpu.dma_semaphore, #tpu.memory_space<semaphore_mem>>)
      %dma_wait3A = tpu.memref_slice %arg2[%add3A_289] : memref<33554432xf32, #tpu.memory_space<hbm>> -> memref<32768xf32, #tpu.memory_space<hbm>>
      %dma_wait3A_307 = tpu.memref_slice %arg2[%add3A_289] : memref<33554432xf32, #tpu.memory_space<hbm>> -> memref<32768xf32, #tpu.memory_space<hbm>>
      tpu.wait_dma2 semaphore(%run_scoped3A : memref<!tpu.dma_semaphore, #tpu.memory_space<semaphore_mem>>) src(%dma_wait3A_307 : memref<32768xf32, #tpu.memory_space<hbm>>) dst(%arg5 : memref<32768xf32, #tpu.memory_space<vmem>>)
      tpu.yield
    }) : () -> ()
    %scan3A_290 = arith.constant 0 : i32
    %scan3A_291 = arith.constant 0 : i32
    %scan3A_292 = arith.constant 512 : i32
    %scan3A_293 = arith.addi %scan3A_291, %scan3A_292 : i32
    %scan3A_294 = arith.constant 1 : i32
    %scan3A_295 = scf.for %scan3A_306 = %scan3A_291 to %scan3A_293 step %scan3A_294 iter_args(%scan3A_307 = %scan3A_290) -> (i32)  : i32 {
      %mul3A_308 = arith.constant 64 : i32
      %mul3A_309 = arith.muli %scan3A_306, %mul3A_308 : i32
      %add3A_310 = arith.constant 0 : i32
      %add3A_311 = arith.addi %mul3A_309, %add3A_310 : i32
      %get3A = arith.index_cast %add3A_311 : i32 to index
      %get3A_312 = tpu.vector_load %arg5[%get3A] {strides = array<i32>} : memref<32768xf32, #tpu.memory_space<vmem>>, vector<16xf32>,
      %get3A_313 = vector.shape_cast %get3A_312 : vector<16xf32> to vector<16xf32>
      %get3A_314 = arith.index_cast %add3A_311 : i32 to index
      %get3A_315 = tpu.vector_load %arg6[%get3A_314] {strides = array<i32>} : memref<32768xf32, #tpu.memory_space<vmem>>, vector<16xf32>,
      %get3A_316 = vector.shape_cast %get3A_315 : vector<16xf32> to vector<16xf32>
      %add3A_317 = arith.addf %get3A_313, %get3A_316 : vector<16xf32>
      %swap3A = arith.index_cast %add3A_311 : i32 to index
      %swap3A_318 = tpu.vector_load %arg5[%swap3A] {strides = array<i32>} : memref<32768xf32, #tpu.memory_space<vmem>>, vector<16xf32>,
      %swap3A_319 = vector.shape_cast %swap3A_318 : vector<16xf32> to vector<16xf32>
      %swap3A_320 = vector.shape_cast %add3A_317 : vector<16xf32> to vector<16xf32>
      tpu.vector_store %arg5[%swap3A], %swap3A_320 {strides = array<i32>} : memref<32768xf32, #tpu.memory_space<vmem>>, vector<16xf32>,
      %mul3A_321 = arith.constant 64 : i32
      %mul3A_322 = arith.muli %scan3A_306, %mul3A_321 : i32
      %add3A_323 = arith.constant 16 : i32
      %add3A_324 = arith.addi %mul3A_322, %add3A_323 : i32
      %get3A_325 = arith.index_cast %add3A_324 : i32 to index
      %get3A_326 = tpu.vector_load %arg5[%get3A_325] {strides = array<i32>} : memref<32768xf32, #tpu.memory_space<vmem>>, vector<16xf32>,
      %get3A_327 = vector.shape_cast %get3A_326 : vector<16xf32> to vector<16xf32>
      %get3A_328 = arith.index_cast %add3A_324 : i32 to index
      %get3A_329 = tpu.vector_load %arg6[%get3A_328] {strides = array<i32>} : memref<32768xf32, #tpu.memory_space<vmem>>, vector<16xf32>,
      %get3A_330 = vector.shape_cast %get3A_329 : vector<16xf32> to vector<16xf32>
      %add3A_331 = arith.addf %get3A_327, %get3A_330 : vector<16xf32>
      %swap3A_332 = arith.index_cast %add3A_324 : i32 to index
      %swap3A_333 = tpu.vector_load %arg5[%swap3A_332] {strides = array<i32>} : memref<32768xf32, #tpu.memory_space<vmem>>, vector<16xf32>,
      %swap3A_334 = vector.shape_cast %swap3A_333 : vector<16xf32> to vector<16xf32>
      %swap3A_335 = vector.shape_cast %add3A_331 : vector<16xf32> to vector<16xf32>
      tpu.vector_store %arg5[%swap3A_332], %swap3A_335 {strides = array<i32>} : memref<32768xf32, #tpu.memory_space<vmem>>, vector<16xf32>,
      %mul3A_336 = arith.constant 64 : i32
      %mul3A_337 = arith.muli %scan3A_306, %mul3A_336 : i32
      %add3A_338 = arith.constant 32 : i32
      %add3A_339 = arith.addi %mul3A_337, %add3A_338 : i32
      %get3A_340 = arith.index_cast %add3A_339 : i32 to index
      %get3A_341 = tpu.vector_load %arg5[%get3A_340] {strides = array<i32>} : memref<32768xf32, #tpu.memory_space<vmem>>, vector<16xf32>,
      %get3A_342 = vector.shape_cast %get3A_341 : vector<16xf32> to vector<16xf32>
      %get3A_343 = arith.index_cast %add3A_339 : i32 to index
      %get3A_344 = tpu.vector_load %arg6[%get3A_343] {strides = array<i32>} : memref<32768xf32, #tpu.memory_space<vmem>>, vector<16xf32>,
      %get3A_345 = vector.shape_cast %get3A_344 : vector<16xf32> to vector<16xf32>
      %add3A_346 = arith.addf %get3A_342, %get3A_345 : vector<16xf32>
      %swap3A_347 = arith.index_cast %add3A_339 : i32 to index
      %swap3A_348 = tpu.vector_load %arg5[%swap3A_347] {strides = array<i32>} : memref<32768xf32, #tpu.memory_space<vmem>>, vector<16xf32>,
      %swap3A_349 = vector.shape_cast %swap3A_348 : vector<16xf32> to vector<16xf32>
      %swap3A_350 = vector.shape_cast %add3A_346 : vector<16xf32> to vector<16xf32>
      tpu.vector_store %arg5[%swap3A_347], %swap3A_350 {strides = array<i32>} : memref<32768xf32, #tpu.memory_space<vmem>>, vector<16xf32>,
      %mul3A_351 = arith.constant 64 : i32
      %mul3A_352 = arith.muli %scan3A_306, %mul3A_351 : i32
      %add3A_353 = arith.constant 48 : i32
      %add3A_354 = arith.addi %mul3A_352, %add3A_353 : i32
      %get3A_355 = arith.index_cast %add3A_354 : i32 to index
      %get3A_356 = tpu.vector_load %arg5[%get3A_355] {strides = array<i32>} : memref<32768xf32, #tpu.memory_space<vmem>>, vector<16xf32>,
      %get3A_357 = vector.shape_cast %get3A_356 : vector<16xf32> to vector<16xf32>
      %get3A_358 = arith.index_cast %add3A_354 : i32 to index
      %get3A_359 = tpu.vector_load %arg6[%get3A_358] {strides = array<i32>} : memref<32768xf32, #tpu.memory_space<vmem>>, vector<16xf32>,
      %get3A_360 = vector.shape_cast %get3A_359 : vector<16xf32> to vector<16xf32>
      %add3A_361 = arith.addf %get3A_357, %get3A_360 : vector<16xf32>
      %swap3A_362 = arith.index_cast %add3A_354 : i32 to index
      %swap3A_363 = tpu.vector_load %arg5[%swap3A_362] {strides = array<i32>} : memref<32768xf32, #tpu.memory_space<vmem>>, vector<16xf32>,
      %swap3A_364 = vector.shape_cast %swap3A_363 : vector<16xf32> to vector<16xf32>
      %swap3A_365 = vector.shape_cast %add3A_361 : vector<16xf32> to vector<16xf32>
      tpu.vector_store %arg5[%swap3A_362], %swap3A_365 {strides = array<i32>} : memref<32768xf32, #tpu.memory_space<vmem>>, vector<16xf32>,
      %scan3A_366 = arith.constant 0 : i32
      scf.yield %scan3A_366 : i32
    }
    %scan3A_296 = arith.constant 512 : i32
    "tpu.region"() ({
      %run_scoped3A = tpu.sem_alloc : memref<!tpu.dma_semaphore, #tpu.memory_space<semaphore_mem>>
      %dma_start3A = tpu.memref_slice %arg4[%add3A_289] : memref<33554432xf32, #tpu.memory_space<hbm>> -> memref<32768xf32, #tpu.memory_space<hbm>>
      %dma_start3A_306 = tpu.memref_slice %arg4[%add3A_289] : memref<33554432xf32, #tpu.memory_space<hbm>> -> memref<32768xf32, #tpu.memory_space<hbm>>
      tpu.enqueue_dma source(%arg5 : memref<32768xf32, #tpu.memory_space<vmem>>) target(%dma_start3A_306 : memref<32768xf32, #tpu.memory_space<hbm>>) target_semaphore(%run_scoped3A : memref<!tpu.dma_semaphore, #tpu.memory_space<semaphore_mem>>)
      %dma_wait3A = tpu.memref_slice %arg4[%add3A_289] : memref<33554432xf32, #tpu.memory_space<hbm>> -> memref<32768xf32, #tpu.memory_space<hbm>>
      %dma_wait3A_307 = tpu.memref_slice %arg4[%add3A_289] : memref<33554432xf32, #tpu.memory_space<hbm>> -> memref<32768xf32, #tpu.memory_space<hbm>>
      tpu.wait_dma2 semaphore(%run_scoped3A : memref<!tpu.dma_semaphore, #tpu.memory_space<semaphore_mem>>) src(%arg5 : memref<32768xf32, #tpu.memory_space<vmem>>) dst(%dma_wait3A_307 : memref<32768xf32, #tpu.memory_space<hbm>>)
      tpu.yield
    }) : () -> ()
    %add3A_297 = arith.constant 25165824 : i32
    %add3A_298 = arith.addi %add3A_297, %add3A_269 : i32
    "tpu.region"() ({
      %run_scoped3A = tpu.sem_alloc : memref<!tpu.dma_semaphore, #tpu.memory_space<semaphore_mem>>
      %dma_start3A = tpu.memref_slice %arg2[%add3A_298] : memref<33554432xf32, #tpu.memory_space<hbm>> -> memref<32768xf32, #tpu.memory_space<hbm>>
      %dma_start3A_306 = tpu.memref_slice %arg2[%add3A_298] : memref<33554432xf32, #tpu.memory_space<hbm>> -> memref<32768xf32, #tpu.memory_space<hbm>>
      tpu.enqueue_dma source(%dma_start3A_306 : memref<32768xf32, #tpu.memory_space<hbm>>) target(%arg5 : memref<32768xf32, #tpu.memory_space<vmem>>) target_semaphore(%run_scoped3A : memref<!tpu.dma_semaphore, #tpu.memory_space<semaphore_mem>>)
      %dma_wait3A = tpu.memref_slice %arg2[%add3A_298] : memref<33554432xf32, #tpu.memory_space<hbm>> -> memref<32768xf32, #tpu.memory_space<hbm>>
      %dma_wait3A_307 = tpu.memref_slice %arg2[%add3A_298] : memref<33554432xf32, #tpu.memory_space<hbm>> -> memref<32768xf32, #tpu.memory_space<hbm>>
      tpu.wait_dma2 semaphore(%run_scoped3A : memref<!tpu.dma_semaphore, #tpu.memory_space<semaphore_mem>>) src(%dma_wait3A_307 : memref<32768xf32, #tpu.memory_space<hbm>>) dst(%arg5 : memref<32768xf32, #tpu.memory_space<vmem>>)
      tpu.yield
    }) : () -> ()
    %scan3A_299 = arith.constant 0 : i32
    %scan3A_300 = arith.constant 0 : i32
    %scan3A_301 = arith.constant 512 : i32
    %scan3A_302 = arith.addi %scan3A_300, %scan3A_301 : i32
    %scan3A_303 = arith.constant 1 : i32
    %scan3A_304 = scf.for %scan3A_306 = %scan3A_300 to %scan3A_302 step %scan3A_303 iter_args(%scan3A_307 = %scan3A_299) -> (i32)  : i32 {
      %mul3A_308 = arith.constant 64 : i32
      %mul3A_309 = arith.muli %scan3A_306, %mul3A_308 : i32
      %add3A_310 = arith.constant 0 : i32
      %add3A_311 = arith.addi %mul3A_309, %add3A_310 : i32
      %get3A = arith.index_cast %add3A_311 : i32 to index
      %get3A_312 = tpu.vector_load %arg5[%get3A] {strides = array<i32>} : memref<32768xf32, #tpu.memory_space<vmem>>, vector<16xf32>,
      %get3A_313 = vector.shape_cast %get3A_312 : vector<16xf32> to vector<16xf32>
      %get3A_314 = arith.index_cast %add3A_311 : i32 to index
      %get3A_315 = tpu.vector_load %arg6[%get3A_314] {strides = array<i32>} : memref<32768xf32, #tpu.memory_space<vmem>>, vector<16xf32>,
      %get3A_316 = vector.shape_cast %get3A_315 : vector<16xf32> to vector<16xf32>
      %add3A_317 = arith.addf %get3A_313, %get3A_316 : vector<16xf32>
      %swap3A = arith.index_cast %add3A_311 : i32 to index
      %swap3A_318 = tpu.vector_load %arg5[%swap3A] {strides = array<i32>} : memref<32768xf32, #tpu.memory_space<vmem>>, vector<16xf32>,
      %swap3A_319 = vector.shape_cast %swap3A_318 : vector<16xf32> to vector<16xf32>
      %swap3A_320 = vector.shape_cast %add3A_317 : vector<16xf32> to vector<16xf32>
      tpu.vector_store %arg5[%swap3A], %swap3A_320 {strides = array<i32>} : memref<32768xf32, #tpu.memory_space<vmem>>, vector<16xf32>,
      %mul3A_321 = arith.constant 64 : i32
      %mul3A_322 = arith.muli %scan3A_306, %mul3A_321 : i32
      %add3A_323 = arith.constant 16 : i32
      %add3A_324 = arith.addi %mul3A_322, %add3A_323 : i32
      %get3A_325 = arith.index_cast %add3A_324 : i32 to index
      %get3A_326 = tpu.vector_load %arg5[%get3A_325] {strides = array<i32>} : memref<32768xf32, #tpu.memory_space<vmem>>, vector<16xf32>,
      %get3A_327 = vector.shape_cast %get3A_326 : vector<16xf32> to vector<16xf32>
      %get3A_328 = arith.index_cast %add3A_324 : i32 to index
      %get3A_329 = tpu.vector_load %arg6[%get3A_328] {strides = array<i32>} : memref<32768xf32, #tpu.memory_space<vmem>>, vector<16xf32>,
      %get3A_330 = vector.shape_cast %get3A_329 : vector<16xf32> to vector<16xf32>
      %add3A_331 = arith.addf %get3A_327, %get3A_330 : vector<16xf32>
      %swap3A_332 = arith.index_cast %add3A_324 : i32 to index
      %swap3A_333 = tpu.vector_load %arg5[%swap3A_332] {strides = array<i32>} : memref<32768xf32, #tpu.memory_space<vmem>>, vector<16xf32>,
      %swap3A_334 = vector.shape_cast %swap3A_333 : vector<16xf32> to vector<16xf32>
      %swap3A_335 = vector.shape_cast %add3A_331 : vector<16xf32> to vector<16xf32>
      tpu.vector_store %arg5[%swap3A_332], %swap3A_335 {strides = array<i32>} : memref<32768xf32, #tpu.memory_space<vmem>>, vector<16xf32>,
      %mul3A_336 = arith.constant 64 : i32
      %mul3A_337 = arith.muli %scan3A_306, %mul3A_336 : i32
      %add3A_338 = arith.constant 32 : i32
      %add3A_339 = arith.addi %mul3A_337, %add3A_338 : i32
      %get3A_340 = arith.index_cast %add3A_339 : i32 to index
      %get3A_341 = tpu.vector_load %arg5[%get3A_340] {strides = array<i32>} : memref<32768xf32, #tpu.memory_space<vmem>>, vector<16xf32>,
      %get3A_342 = vector.shape_cast %get3A_341 : vector<16xf32> to vector<16xf32>
      %get3A_343 = arith.index_cast %add3A_339 : i32 to index
      %get3A_344 = tpu.vector_load %arg6[%get3A_343] {strides = array<i32>} : memref<32768xf32, #tpu.memory_space<vmem>>, vector<16xf32>,
      %get3A_345 = vector.shape_cast %get3A_344 : vector<16xf32> to vector<16xf32>
      %add3A_346 = arith.addf %get3A_342, %get3A_345 : vector<16xf32>
      %swap3A_347 = arith.index_cast %add3A_339 : i32 to index
      %swap3A_348 = tpu.vector_load %arg5[%swap3A_347] {strides = array<i32>} : memref<32768xf32, #tpu.memory_space<vmem>>, vector<16xf32>,
      %swap3A_349 = vector.shape_cast %swap3A_348 : vector<16xf32> to vector<16xf32>
      %swap3A_350 = vector.shape_cast %add3A_346 : vector<16xf32> to vector<16xf32>
      tpu.vector_store %arg5[%swap3A_347], %swap3A_350 {strides = array<i32>} : memref<32768xf32, #tpu.memory_space<vmem>>, vector<16xf32>,
      %mul3A_351 = arith.constant 64 : i32
      %mul3A_352 = arith.muli %scan3A_306, %mul3A_351 : i32
      %add3A_353 = arith.constant 48 : i32
      %add3A_354 = arith.addi %mul3A_352, %add3A_353 : i32
      %get3A_355 = arith.index_cast %add3A_354 : i32 to index
      %get3A_356 = tpu.vector_load %arg5[%get3A_355] {strides = array<i32>} : memref<32768xf32, #tpu.memory_space<vmem>>, vector<16xf32>,
      %get3A_357 = vector.shape_cast %get3A_356 : vector<16xf32> to vector<16xf32>
      %get3A_358 = arith.index_cast %add3A_354 : i32 to index
      %get3A_359 = tpu.vector_load %arg6[%get3A_358] {strides = array<i32>} : memref<32768xf32, #tpu.memory_space<vmem>>, vector<16xf32>,
      %get3A_360 = vector.shape_cast %get3A_359 : vector<16xf32> to vector<16xf32>
      %add3A_361 = arith.addf %get3A_357, %get3A_360 : vector<16xf32>
      %swap3A_362 = arith.index_cast %add3A_354 : i32 to index
      %swap3A_363 = tpu.vector_load %arg5[%swap3A_362] {strides = array<i32>} : memref<32768xf32, #tpu.memory_space<vmem>>, vector<16xf32>,
      %swap3A_364 = vector.shape_cast %swap3A_363 : vector<16xf32> to vector<16xf32>
      %swap3A_365 = vector.shape_cast %add3A_361 : vector<16xf32> to vector<16xf32>
      tpu.vector_store %arg5[%swap3A_362], %swap3A_365 {strides = array<i32>} : memref<32768xf32, #tpu.memory_space<vmem>>, vector<16xf32>,
      %scan3A_366 = arith.constant 0 : i32
      scf.yield %scan3A_366 : i32
    }
    %scan3A_305 = arith.constant 512 : i32
    "tpu.region"() ({
      %run_scoped3A = tpu.sem_alloc : memref<!tpu.dma_semaphore, #tpu.memory_space<semaphore_mem>>
      %dma_start3A = tpu.memref_slice %arg4[%add3A_298] : memref<33554432xf32, #tpu.memory_space<hbm>> -> memref<32768xf32, #tpu.memory_space<hbm>>
      %dma_start3A_306 = tpu.memref_slice %arg4[%add3A_298] : memref<33554432xf32, #tpu.memory_space<hbm>> -> memref<32768xf32, #tpu.memory_space<hbm>>
      tpu.enqueue_dma source(%arg5 : memref<32768xf32, #tpu.memory_space<vmem>>) target(%dma_start3A_306 : memref<32768xf32, #tpu.memory_space<hbm>>) target_semaphore(%run_scoped3A : memref<!tpu.dma_semaphore, #tpu.memory_space<semaphore_mem>>)
      %dma_wait3A = tpu.memref_slice %arg4[%add3A_298] : memref<33554432xf32, #tpu.memory_space<hbm>> -> memref<32768xf32, #tpu.memory_space<hbm>>
      %dma_wait3A_307 = tpu.memref_slice %arg4[%add3A_298] : memref<33554432xf32, #tpu.memory_space<hbm>> -> memref<32768xf32, #tpu.memory_space<hbm>>
      tpu.wait_dma2 semaphore(%run_scoped3A : memref<!tpu.dma_semaphore, #tpu.memory_space<semaphore_mem>>) src(%arg5 : memref<32768xf32, #tpu.memory_space<vmem>>) dst(%dma_wait3A_307 : memref<32768xf32, #tpu.memory_space<hbm>>)
      tpu.yield
    }) : () -> ()
    return
  }
}

</mosaic_0001>

<sc_bundles>
// kernel: kernel.3.cloned.1.call-start
scs
__scs_entry_jumppad:
0x0: {  	(pc) =	sbr.rel $0x88, $3  }
0x1: {  	(tag) =	ssettag $0x0;
	lr =	simm.s32 $0x1  }
0x2: {  	[smem:$0x3F9F] =	sst lr;
	_ =	strace $0xD0000000  }
0x3: {  	_ = 	snop  }
0x4: {  	_ = 	snop  }
0x5: {  	_ = 	snop  }
0x6: {  	_ = 	snop  }
0x7: {  	_ = 	snop  }
__scs_overlays_trampoline_lowered:
0x8: {  	[smem:$0x3FAE] =	sst s0  }
0x9: {  	[smem:$0x3FAF] =	sst s1  }
0xa: {  	[smem:$0x3FB0] =	sst s2  }
0xb: {  	[smem:$0x3FB1] =	sst s3  }
0xc: {  	[smem:$0x3FB2] =	sst s4  }
0xd: {  	[smem:$0x3FB3] =	sst s5  }
0xe: {  	[smem:$0x3FB4] =	sst s6  }
0xf: {  	[smem:$0x3FB5] =	sst s7  }
0x10: {  	[smem:$0x3FB6] =	sst s8  }
0x11: {  	[smem:$0x3FB7] =	sst s9;
	s0 =	simm.s32 @!p0 $0x0  }
0x12: {  	s1 =	sld [smem:$0x3F9D];
	s0 =	simm.s32 @p0 $0x1  }
0x13: {  	[smem:$0x3FB8] =	sst s0;
	s0 =	simm.s32 @!p1 $0x0  }
0x14: {  	s2 =	sld [smem:$0x3F9C];
	s0 =	simm.s32 @p1 $0x1  }
0x15: {  	[smem:$0x3FB9] =	sst s0;
	s0 =	simm.s32 @!p2 $0x0  }
0x16: {  	s3 =	sld [smem:$0x3FDB];
	s0 =	simm.s32 @p2 $0x1  }
0x17: {  	s4 =	simm.s32 $0x1BF5;
	[smem:$0x3FBB] =	sst s0  }
0x18: {  	s0 =	sld [smem:$0x3F9E];
	_ =	swait.ge [sflag:s4], $0x0  }
0x19: {  	s7 =	sld [smem:$0x3F9F]  }
0x1a: {  	s8 =	sadd.s32 $0xFFFFE003, lr  }
0x1b: {  	s9 =	sadd.s32 $0xFFFFFEF7, lr;
	s5 =	simm.s32 $0xFFFFFFFF;
	p2 =	slt.u32 s8, $0xFFFFF086  }
0x1c: {  	p1 =	slt.u32 s9, $0xF7A;
	s5 =	simm.s32 @!p2 $0x0  }
0x1d: {  	s5 =	simm.s32 @p1 $0x1;
	p0 =	seq.s32 s7, s2  }
0x1e: {  	s7 =	smul.u32 @!p0 $0xF7A, s2;
	p2 =	seq.s32 @!p0 s5, $0x0  }
0x1f: {  	s9 =	smul.u32 $0xF7A, s1;
	s8 =	simm.s32 @!p0 $0x1BF5;
	p2 =	por !p2, p0  }
0x20: {  	[sflag:s8] =	ssyncset.s32 @!p0 $0xFFFFF086;
	s6 =	sadd.s32 @!p0 s3, s7;
	s7 =	simm.s32 @!p0 $0x108  }
0x21: {  	s3 =	sadd.s32 s3, s9;
	s6 =	sadd.s32 @!p0 $0x88, s6;
	s7 =	simm.s32 @p2 $0x1082  }
0x22: {  	[simem:s7], [sflag:s8] =	dma.local @!p0 [hbm:s6], $0xF7A  }
0x23: {  	s9 =	sor.u32 $0xD0000000, s2;
	s6 =	simm.s32 $0x108;
	_ =	swait.ge @!p0 [sflag:s8], $0x0  }
0x24: {  	s3 =	sadd.s32 $0x88, s3;
	s6 =	simm.s32 @!p1 $0x1082;
	[sflag:s4] =	ssyncset.s32 $0xFFFFF086  }
0x25: {  	[simem:s6], [sflag:s4] =	dma.local [hbm:s3], $0xF7A  }
0x26: {  	[smem:$0x3F9F] =	sst s1;
	(tag) =	ssettag s2;
	_ =	strace s9  }
0x27: {  	s1 =	sld [smem:$0x3FAF]  }
0x28: {  	s2 =	sld [smem:$0x3FB0]  }
0x29: {  	s4 =	sld [smem:$0x3FB2]  }
0x2a: {  	p0 =	seq.s32 s5, $0x0;
	s5 =	sld [smem:$0x3FB3]  }
0x2b: {  	s6 =	sld [smem:$0x3FB4]  }
0x2c: {  	s7 =	sld [smem:$0x3FB5]  }
0x2d: {  	s3 =	simm.s32 $0x108;
	s8 =	sld [smem:$0x3FB6]  }
0x2e: {  	s3 =	simm.s32 @!p0 $0x1082;
	s9 =	sld [smem:$0x3FB7]  }
0x2f: {  	lr =	sadd.s32 s0, s3;
	s0 =	sld [smem:$0x3FAE]  }
0x30: {  	s3 =	sld [smem:$0x3FB1]  }
0x31: {  	[smem:$0x3FBA] =	sst s10  }
0x32: {  	s10 =	sld [smem:$0x3FB8];
	_ =	sdelay $0x3  }
0x33: {  	p0 =	seq.s32 s10, $0x1;
	s10 =	sld [smem:$0x3FBA];
	_ =	sdelay $0x3  }
0x34: {  	[smem:$0x3FBA] =	sst s10  }
0x35: {  	s10 =	sld [smem:$0x3FB9];
	_ =	sdelay $0x3  }
0x36: {  	p1 =	seq.s32 s10, $0x1;
	s10 =	sld [smem:$0x3FBA];
	_ =	sdelay $0x3  }
0x37: {  	[smem:$0x3FBA] =	sst s10  }
0x38: {  	s10 =	sld [smem:$0x3FBB]  }
0x39: {  	_ = 	snop;
	(pc) =	sbr.ind lr, $3  }
0x3a: {  	_ = 	snop  }
0x3b: {  	_ = 	snop  }
0x3c: {  	p2 =	seq.s32 s10, $0x1;
	s10 =	sld [smem:$0x3FBA]  }
0x3d: {  	_ =	shalt  }
0x3e: {  	_ =	shalt  }
0x3f: {  	_ =	shalt  }
0x40: {  	_ =	shalt  }
0x41: {  	_ =	shalt  }
0x42: {  	_ =	shalt  }
0x43: {  	_ =	shalt  }
0x44: {  	_ =	shalt  }
0x45: {  	_ =	shalt  }
0x46: {  	_ =	shalt  }
0x47: {  	_ =	shalt  }
0x48: {  	_ =	shalt  }
0x49: {  	_ =	shalt  }
0x4a: {  	_ =	shalt  }
0x4b: {  	_ =	shalt  }
0x4c: {  	_ =	shalt  }
0x4d: {  	_ =	shalt  }
0x4e: {  	_ =	shalt  }
0x4f: {  	_ =	shalt  }
0x50: {  	_ =	shalt  }
0x51: {  	_ =	shalt  }
0x52: {  	_ =	shalt  }
0x53: {  	_ =	shalt  }
0x54: {  	_ =	shalt  }
0x55: {  	_ =	shalt  }
0x56: {  	_ =	shalt  }
0x57: {  	_ =	shalt  }
0x58: {  	_ =	shalt  }
0x59: {  	_ =	shalt  }
0x5a: {  	_ =	shalt  }
0x5b: {  	_ =	shalt  }
0x5c: {  	_ =	shalt  }
0x5d: {  	_ =	shalt  }
0x5e: {  	_ =	shalt  }
0x5f: {  	_ =	shalt  }
0x60: {  	_ =	shalt  }
0x61: {  	_ =	shalt  }
0x62: {  	_ =	shalt  }
0x63: {  	_ =	shalt  }
0x64: {  	_ =	shalt  }
0x65: {  	_ =	shalt  }
0x66: {  	_ =	shalt  }
0x67: {  	_ =	shalt  }
0x68: {  	_ =	shalt  }
0x69: {  	_ =	shalt  }
0x6a: {  	_ =	shalt  }
0x6b: {  	_ =	shalt  }
0x6c: {  	_ =	shalt  }
0x6d: {  	_ =	shalt  }
0x6e: {  	_ =	shalt  }
0x6f: {  	_ =	shalt  }
0x70: {  	_ =	shalt  }
0x71: {  	_ =	shalt  }
0x72: {  	_ =	shalt  }
0x73: {  	_ =	shalt  }
0x74: {  	_ =	shalt  }
0x75: {  	_ =	shalt  }
0x76: {  	_ =	shalt  }
0x77: {  	_ =	shalt  }
0x78: {  	_ =	shalt  }
0x79: {  	_ =	shalt  }
0x7a: {  	_ =	shalt  }
0x7b: {  	_ =	shalt  }
0x7c: {  	_ =	shalt  }
0x7d: {  	_ =	shalt  }
0x7e: {  	_ =	shalt  }
0x7f: {  	_ =	shalt  }
0x80: {  	_ =	shalt  }
0x81: {  	_ =	shalt  }
0x82: {  	_ =	shalt  }
0x83: {  	_ =	shalt  }
0x84: {  	_ =	shalt  }
0x85: {  	_ =	shalt  }
0x86: {  	_ =	shalt  }
0x87: {  	_ =	shalt  }
.Lfunc_end0:
.L_simem_size_0:
called_computation.2_lowered:
.L_overlay_start_0:
0x88: {  	s2 =	sld [smem:$0x3FD9]  }
0x89: {  	s3 =	sld [smem:$0x3FFE];
	_ =	sdelay $0x1  }
0x8a: {  	s1 =	srdreg.scid  }
0x8b: {  	s0 =	sand.u32 $0x1, s1  }
0x8c: {  	s17 =	sshll.u32 s0, $0xA;
	s2 =	sadd.s32 s3, s2  }
0x8d: {  	s2 =	sadd.s32 s2, s17  }
0x8e: {  	[smem:$0x3FC6] =	sst s2  }
0x8f: {  	_ = 	snop  }
0x90: {  	s2 =	sld [smem:$0x3FD0];
	(tm) =	ssettm $0x1  }
0x91: {  	s18 =	sld [smem:$0x3FFB];
	_ =	sdelay $0x3  }
0x92: {  	_ =	strace s18  }
0x93: {  	s3 =	sld [smem:$0x3FFC];
	_ =	sdelay $0x3  }
0x94: {  	_ =	strace s3  }
0x95: {  	s3 =	sld [smem:$0x3FFD];
	_ =	sdelay $0x3  }
0x96: {  	_ =	strace s3  }
0x97: {  	_ =	strace $0x8FFFFFFF  }
0x98: {  	s19 =	sld [smem:$0x3FDB];
	_ =	sdelay $0x1  }
0x99: {  	s4 =	simm.s32 $_scs_section_size  }
0x9a: {  	s5 =	simm.s32 $_size__tile_overlayer_lowered;
	s6 =	simm.s32 $_tile_overlayer_lowered  }
0x9b: {  	s22 =	simm.s32 $0x1BFF;
	s21 =	sshll.u32 s6, $0x1;
	s3 =	sadd.s32 s4, s19  }
0x9c: {  	s7 =	simm.s32 $0x0;
	s20 =	sshll.u32 s5, $0x1;
	s5 =	sadd.s32 s21, s3  }
0x9d: {  	[timem:s7], [sflag:s22] =	dma.local [hbm:s5], s20  }
0x9e: {  	_ =	swait.ge [sflag:s22], s20  }
0x9f: {  	s4 =	ssub.s32 $0x0, s20;
	[sflag:s22] =	ssyncset.done $0x0  }
0xa0: {  	[sflag:s22] =	ssyncadd.s32 s4;
	_ =	sdelay $0x1  }
0xa1: {  	s23 =	simm.s32 $0x1B8B  }
0xa2: {  	_ =	swait.ge [sflag:s23], $0x1  }
0xa3: {  	[sflag:s23] =	ssyncset.done $0x0  }
0xa4: {  	s25 =	simm.s32 $0x1B8E;
	s24 =	sld [smem:$0x3FFE];
	[sflag:s23] =	ssyncadd.s32 $0xFFFFFFFF  }
0xa5: {  	s26 =	simm.s32 $execute0_lowered;
	[smem:$0x3FD2] =	sst s25  }
0xa6: {  	s5 =	sshll.u32 s26, $0x1;
	_ =	strace $0x8000004C;
	[dreg:$0x1] =	wrdreg $0xFFFFFFFF  }
0xa7: {  	s28 =	simm.s32 $_size_execute0_lowered;
	s3 =	sadd.s32 s3, s5;
	[dreg:$0x0] =	wrdreg $0x0  }
0xa8: {  	s5 =	sshll.u32 s28, $0x1;
	[dreg:$0x2] =	wrdreg s3  }
0xa9: {  	[dreg:$0x3] =	wrdreg s5  }
0xaa: {  	[dreg:$0x4] =	wrdreg $0xC0  }
0xab: {  	_ =	task [dreg:s7], $0x5FFFF  }
0xac: {  	[dreg:$0x1] =	wrdreg $0xFFFFFFFF  }
0xad: {  	[dreg:$0x0] =	wrdreg $0x60  }
0xae: {  	[dreg:$0x2] =	wrdreg s2  }
0xaf: {  	[dreg:$0x3] =	wrdreg s24  }
0xb0: {  	[dreg:$0x4] =	wrdreg $0x9  }
0xb1: {  	_ =	task.clear_ibuf [dreg:s7], $0x5FFFF;
	_ =	strace $0x9000004C  }
0xb2: {  	s29 =	simm.s32 $0x9;
	_ =	strace $0x8000004E  }
0xb3: {  	_ =	swait.ge [sflag:s29], $0x1  }
0xb4: {  	[sflag:s29] =	ssyncadd.s32 $0xFFFFFFFF  }
0xb5: {  	_ =	strace $0x9000004E  }
0xb6: {  	_ =	sfence  }
0xb7: {  	s30 =	sld [smem:$0x0];
	_ =	sdelay $0x2  }
0xb8: {  	s31 =	sshll.u32 s1, $0xD;
	s1 =	sshrl.u32 s1, $0x2  }
0xb9: {  	s3 =	sand.u32 $0x4000, s31;
	s1 =	sadd.s32 s1, s30  }
0xba: {  	s0 =	sor.u32 s3, s0;
	s1 =	sshll.u32 s1, $0x11  }
0xbb: {  	s0 =	sor.u32 s1, s0  }
0xbc: {  	s0 =	sadd.s32 $0x8F2B, s0  }
0xbd: {  	[sflag:s0] =	ssyncadd.remote.s32 $0x1  }
0xbe: {  	_ =	sfence.sel $0xFFFF  }
0xbf: {  	[dreg:$0x0] =	wrdreg $0xFFFFFFFF;
	(pc) =	sbr.abs _section_cstart, $3  }
0xc0: {  	[dreg:$0x1] =	wrdreg $0xFFFFFFFF  }
0xc1: {  	_ =	task.clear_ibuf [dreg:s7], $0x2FFFF;
	_ =	strace $0x9FFFFFFF  }
0xc2: {  	(tm) =	ssettm $0x7FFFFFFF  }
0xc3: {  	_ =	shalt  }
tec
execute0_lowered:
.L_overlay_start_1:
0x0: {  	(tag) =	ssettag $0x1  }
0x1: {  	s2 =	srdreg.scid  }
0x2: {  	s12 =	rddreg [dreg:$0x0];
	s3 =	stileid.u32;
	s2 =	sand.u32 $0x1, s2  }
0x3: {  	s5 =	sshll.u32 s3, $0x10;
	s4 =	ssub.s32 $0x2, s2;
	s2 =	sshll.u32 s2, $0xF  }
0x4: {  	s0 =	rddreg [dreg:$0x1];
	s1 =	simm.s32 $0x0;
	s10 =	sor.u32 s2, s5  }
0x5: {  	[smem:$0x7FF] =	sst s1;
	s3 =	sadd.s32 $0xC00, s0;
	s20 =	sor.u32 $0x100000, s10  }
0x6: {  	s13 =	sadd.s32 $0x100C00, s0;
	s6 =	sshrl.u32 s4, $0x1;
	s21 =	sadd.s32 s12, s20  }
0x7: {  	s22 =	sor.u32 $0x200000, s10;
	s0 =	sadd.s32 s13, s20;
	[dreg:$0x3] =	wrdreg s21  }
0x8: {  	s24 =	sor.u32 $0x300000, s10;
	s23 =	sadd.s32 s12, s22;
	[dreg:$0x4] =	wrdreg s0  }
0x9: {  	s26 =	sor.u32 $0x1000, s10;
	s25 =	sadd.s32 s12, s24;
	[dreg:$0x5] =	wrdreg s23  }
0xa: {  	s14 =	ssub.s32 s4, s6;
	s4 =	sadd.s32 s3, s26;
	[dreg:$0x7] =	wrdreg s25  }
0xb: {  	s6 =	sor.u32 $0x101000, s10;
	s5 =	sadd.s32 s12, s26;
	[dreg:$0x9] =	wrdreg s4  }
0xc: {  	s7 =	sadd.s32 s12, s6;
	[dreg:$0xa] =	wrdreg s5  }
0xd: {  	s8 =	sor.u32 $0x201000, s10;
	s2 =	sadd.s32 s13, s6;
	[dreg:$0xc] =	wrdreg s7  }
0xe: {  	s11 =	sor.u32 $0x301000, s10;
	s9 =	sadd.s32 s12, s8;
	[dreg:$0xd] =	wrdreg s2  }
0xf: {  	s16 =	sor.u32 $0x2000, s10;
	s15 =	sadd.s32 s12, s11;
	[dreg:$0xe] =	wrdreg s9  }
0x10: {  	s17 =	sadd.s32 s3, s16;
	[dreg:$0x10] =	wrdreg s15  }
0x11: {  	s18 =	sadd.s32 s12, s16;
	[dreg:$0x12] =	wrdreg s17  }
0x12: {  	s0 =	sadd.s32 s13, s22;
	[dreg:$0x13] =	wrdreg s18  }
0x13: {  	s19 =	sor.u32 $0x102000, s10;
	s2 =	sadd.s32 s13, s11;
	[dreg:$0x6] =	wrdreg s0  }
0x14: {  	s20 =	sor.u32 $0x202000, s10;
	s21 =	sadd.s32 s12, s19;
	[dreg:$0x11] =	wrdreg s2  }
0x15: {  	s22 =	sadd.s32 s12, s20;
	[dreg:$0x15] =	wrdreg s21  }
0x16: {  	s23 =	sadd.s32 s13, s20;
	[dreg:$0x17] =	wrdreg s22  }
0x17: {  	s25 =	sor.u32 $0x3000, s10;
	s0 =	sadd.s32 s13, s24;
	[dreg:$0x18] =	wrdreg s23  }
0x18: {  	s5 =	sadd.s32 s3, s25;
	[dreg:$0x8] =	wrdreg s0  }
0x19: {  	s6 =	sadd.s32 s12, s25;
	[dreg:$0x1b] =	wrdreg s5  }
0x1a: {  	s11 =	sor.u32 $0x203000, s10;
	s7 =	sadd.s32 s13, s25;
	[dreg:$0x1c] =	wrdreg s6  }
0x1b: {  	s18 =	sor.u32 $0x4000, s10;
	s15 =	sadd.s32 s12, s11;
	[dreg:$0x1d] =	wrdreg s7  }
0x1c: {  	s20 =	sadd.s32 s12, s18;
	[smem:$0x7EA] =	sst s15  }
0x1d: {  	s24 =	sor.u32 $0x302000, s10;
	s0 =	sadd.s32 s13, s26;
	[smem:$0x7EF] =	sst s20  }
0x1e: {  	s21 =	sor.u32 $0x104000, s10;
	s26 =	sadd.s32 s12, s24;
	[dreg:$0xb] =	wrdreg s0  }
0x1f: {  	s14 =	smax.u32 s14, $0x1;
	s22 =	sadd.s32 s12, s21;
	[dreg:$0x19] =	wrdreg s26  }
0x20: {  	s4 =	sor.u32 $0x5000, s10;
	s2 =	sadd.s32 s13, s21;
	[smem:$0x7F1] =	sst s22  }
0x21: {  	s23 =	sor.u32 $0x204000, s10;
	s5 =	sadd.s32 s3, s4;
	[smem:$0x7F2] =	sst s2  }
0x22: {  	s25 =	sor.u32 $0x304000, s10;
	s6 =	sadd.s32 s12, s4;
	[smem:$0x7F7] =	sst s5  }
0x23: {  	s7 =	sor.u32 $0x105000, s10;
	s0 =	sadd.s32 s13, s8;
	[smem:$0x7F8] =	sst s6  }
0x24: {  	s20 =	sor.u32 $0x306000, s10;
	s26 =	sadd.s32 s12, s25;
	[dreg:$0xf] =	wrdreg s0  }
0x25: {  	s8 =	sor.u32 $0x103000, s10;
	s2 =	sadd.s32 s13, s25;
	[smem:$0x7F5] =	sst s26  }
0x26: {  	s31 =	sadd.s32 s12, s20;
	s0 =	sadd.s32 s13, s16;
	[smem:$0x7F6] =	sst s2  }
0x27: {  	s5 =	sor.u32 $0x7000, s10;
	s9 =	sadd.s32 s12, s8;
	[dreg:$0x14] =	wrdreg s0  }
0x28: {  	s16 =	sor.u32 $0x303000, s10;
	s0 =	sadd.s32 s13, s19;
	[dreg:$0x1e] =	wrdreg s9  }
0x29: {  	s2 =	sadd.s32 s3, s10;
	s17 =	sadd.s32 s12, s16;
	[dreg:$0x16] =	wrdreg s0  }
0x2a: {  	s19 =	sadd.s32 s3, s18;
	s9 =	sadd.s32 s12, s7;
	[smem:$0x7EC] =	sst s17  }
0x2b: {  	s0 =	sadd.s32 s13, s24;
	[smem:$0x7EE] =	sst s19;
	s24 =	sadd.s32 s12, s23  }
0x2c: {  	[smem:$0x7FA] =	sst s9;
	s17 =	sor.u32 $0x6000, s10;
	s19 =	sor.u32 $0x206000, s10  }
0x2d: {  	s9 =	sadd.s32 s13, s10;
	[dreg:$0x1a] =	wrdreg s0;
	s0 =	sadd.s32 s13, s8  }
0x2e: {  	[smem:$0x7F3] =	sst s24;
	s8 =	sor.u32 $0x205000, s10;
	s24 =	sadd.s32 s12, s17  }
0x2f: {  	s25 =	sadd.s32 s13, s17;
	[dreg:$0x1f] =	wrdreg s0;
	s0 =	sadd.s32 s13, s11  }
0x30: {  	s29 =	sadd.s32 s12, s19;
	s11 =	sadd.s32 s12, s8;
	[smem:$0x7EB] =	sst s0  }
0x31: {  	s30 =	sadd.s32 s13, s19;
	s15 =	sadd.s32 s13, s8;
	[smem:$0x7FC] =	sst s11  }
0x32: {  	s8 =	sadd.s32 s12, s10;
	s0 =	sadd.s32 s13, s16;
	[smem:$0x7FD] =	sst s15  }
0x33: {  	s16 =	sor.u32 $0x305000, s10;
	s11 =	sor.u32 $0x207000, s10;
	s15 =	sor.u32 $0x307000, s10  }
0x34: {  	[smem:$0x7ED] =	sst s0;
	s0 =	sadd.s32 s13, s18;
	s21 =	sadd.s32 s12, s16  }
0x35: {  	s22 =	sadd.s32 s13, s16;
	s18 =	sor.u32 $0x106000, s10;
	s16 =	simm.s32 $0x1  }
0x36: {  	[smem:$0x7F0] =	sst s0;
	s0 =	sadd.s32 s13, s23;
	s23 =	sadd.s32 s3, s17  }
0x37: {  	s26 =	sadd.s32 s12, s18;
	s28 =	sadd.s32 s13, s18;
	s3 =	sadd.s32 s3, s5  }
0x38: {  	s17 =	simm.s32 $0x0;
	[smem:$0x7F4] =	sst s0;
	s0 =	sadd.s32 s13, s4  }
0x39: {  	s4 =	sadd.s32 s12, s5;
	s5 =	sadd.s32 s13, s5;
	[smem:$0x7F9] =	sst s0  }
0x3a: {  	s0 =	sadd.s32 s13, s7;
	s7 =	sor.u32 $0x107000, s10;
	s10 =	sadd.s32 s12, s11  }
0x3b: {  	s11 =	sadd.s32 s13, s11;
	[smem:$0x7FB] =	sst s0;
	s0 =	sadd.s32 s13, s20  }
0x3c: {  	s6 =	sadd.s32 s12, s7;
	s7 =	sadd.s32 s13, s7;
	s12 =	sadd.s32 s12, s15  }
0x3d: {  	s13 =	sadd.s32 s13, s15;
	s15 =	simm.s32 $0x8000;
	_ =	strace $0x8000004D  }
.LBB2_1:
0x3e: {  	[tilespmem:s15], [sflag:$0x1] =	stream.linear.gather [hbm4b:s2+s1], $0x8000, $0x38;
	[tilespmem:$0x10000] =	vst v63  }
0x3f: {  	_ =	swait.ge [sflag:s16], $0x8000  }
0x40: {  	[sflag:s16] =	ssyncset.done $0x0  }
0x41: {  	[sflag:s16] =	ssyncadd.s32 $0xFFFF8000  }
0x42: {  	[tilespmem:s1], [sflag:$0x1] =	stream.linear.gather [hbm4b:s8+s1], $0x8000, $0x38;
	[tilespmem:$0x10000] =	vst v63  }
0x43: {  	_ =	swait.ge [sflag:s16], $0x8000  }
0x44: {  	[sflag:s16] =	ssyncset.done $0x0  }
0x45: {  	s18 =	simm.s32 $0x0;
	[sflag:s16] =	ssyncadd.s32 $0xFFFF8000  }
0x46: {  	v5 =	vld [tilespmem:s18+$0x8000]  }
0x47: {  	v6 =	vld [tilespmem:s18+$0x8010]  }
0x48: {  	v1 =	vld [tilespmem:s18+$0x8020]  }
0x49: {  	v0 =	vld [tilespmem:s18+$0x8030]  }
0x4a: {  	v2 =	vld [tilespmem:s18+$0x0]  }
0x4b: {  	v4 =	vld [tilespmem:s18+$0x10]  }
0x4c: {  	s19 =	simm.s32 $0x100;
	v3 =	vld [tilespmem:s18+$0x20]  }
.LBB2_2:
0x4d: {  	s20 =	sshra.s32 s19, $0x2;
	p0 =	sne.s32 s19, $0x1FF00;
	v7 =	vld [tilespmem:s18+$0x30];
	v8 =	vmov v1  }
0x4e: {  	v9 =	vld [tilespmem:s20+$0x8000];
	v10 =	vmov v0  }
0x4f: {  	v11 =	vld [tilespmem:s20+$0x8010];
	v2 =	vadd.f32 v5, v2  }
.Ltmp0:
0x50: {  	v1 =	vld [tilespmem:s20+$0x8020];
	v4 =	vadd.f32 v6, v4;
	(pc) =	sbr.rel @p0 .LBB2_2-.Ltmp0, $4  }
0x51: {  	v0 =	vld [tilespmem:s20+$0x8030];
	[tilespmem:s18+$0x0] =	vst v2;
	v3 =	vadd.f32 v8, v3  }
0x52: {  	v2 =	vld [tilespmem:s20+$0x0];
	[tilespmem:s18+$0x10] =	vst v4;
	v7 =	vadd.f32 v10, v7  }
0x53: {  	v4 =	vld [tilespmem:s20+$0x10];
	[tilespmem:s18+$0x20] =	vst v3;
	v5 =	vmov v9  }
0x54: {  	s19 =	sadd.s32 $0x100, s19;
	v3 =	vld [tilespmem:s20+$0x20];
	[tilespmem:s18+$0x30] =	vst v7;
	v6 =	vmov v11;
	s18 =	smov.u32 s20  }
0x55: {  	v7 =	vld [tilespmem:s18+$0x30];
	_ =	sdelay $0x1  }
0x56: {  	v2 =	vadd.f32 v5, v2  }
0x57: {  	v4 =	vadd.f32 v6, v4  }
0x58: {  	[tilespmem:s18+$0x0] =	vst v2;
	v1 =	vadd.f32 v1, v3  }
0x59: {  	[tilespmem:s18+$0x10] =	vst v4;
	v0 =	vadd.f32 v0, v7  }
0x5a: {  	[tilespmem:s18+$0x20] =	vst v1  }
0x5b: {  	s20 =	simm.s32 $0x0;
	[tilespmem:s18+$0x30] =	vst v0  }
0x5c: {  	[hbm4b:s9+s20] =	stream.linear.scatter [tilespmem:s20], [sflag:$0x1], $0x8000, $0x38;
	[tilespmem:$0x10000] =	vst v63  }
0x5d: {  	_ =	swait.ge [sflag:s16], $0x8000  }
0x5e: {  	[sflag:s16] =	ssyncset.done $0x0  }
0x5f: {  	s19 =	rddreg [dreg:$0x3];
	[sflag:s16] =	ssyncadd.s32 $0xFFFF8000  }
0x60: {  	[tilespmem:s20], [sflag:$0x1] =	stream.linear.gather [hbm4b:s19+s20], $0x8000, $0x38;
	[tilespmem:$0x10000] =	vst v63  }
0x61: {  	_ =	swait.ge [sflag:s16], $0x8000  }
0x62: {  	[sflag:s16] =	ssyncset.done $0x0  }
0x63: {  	s18 =	simm.s32 $0x0;
	[sflag:s16] =	ssyncadd.s32 $0xFFFF8000  }
0x64: {  	v5 =	vld [tilespmem:s18+$0x8000]  }
0x65: {  	v6 =	vld [tilespmem:s18+$0x8010]  }
0x66: {  	v1 =	vld [tilespmem:s18+$0x8020]  }
0x67: {  	v0 =	vld [tilespmem:s18+$0x8030]  }
0x68: {  	v2 =	vld [tilespmem:s18+$0x0]  }
0x69: {  	v4 =	vld [tilespmem:s18+$0x10]  }
0x6a: {  	s19 =	simm.s32 $0x100;
	v3 =	vld [tilespmem:s18+$0x20]  }
.LBB2_4:
0x6b: {  	s20 =	sshra.s32 s19, $0x2;
	p0 =	sne.s32 s19, $0x1FF00;
	v7 =	vld [tilespmem:s18+$0x30];
	v8 =	vmov v1  }
0x6c: {  	v9 =	vld [tilespmem:s20+$0x8000];
	v10 =	vmov v0  }
0x6d: {  	v11 =	vld [tilespmem:s20+$0x8010];
	v2 =	vadd.f32 v5, v2  }
.Ltmp1:
0x6e: {  	v1 =	vld [tilespmem:s20+$0x8020];
	v4 =	vadd.f32 v6, v4;
	(pc) =	sbr.rel @p0 .LBB2_4-.Ltmp1, $4  }
0x6f: {  	v0 =	vld [tilespmem:s20+$0x8030];
	[tilespmem:s18+$0x0] =	vst v2;
	v3 =	vadd.f32 v8, v3  }
0x70: {  	v2 =	vld [tilespmem:s20+$0x0];
	[tilespmem:s18+$0x10] =	vst v4;
	v7 =	vadd.f32 v10, v7  }
0x71: {  	v4 =	vld [tilespmem:s20+$0x10];
	[tilespmem:s18+$0x20] =	vst v3;
	v5 =	vmov v9  }
0x72: {  	s19 =	sadd.s32 $0x100, s19;
	v3 =	vld [tilespmem:s20+$0x20];
	[tilespmem:s18+$0x30] =	vst v7;
	v6 =	vmov v11;
	s18 =	smov.u32 s20  }
0x73: {  	v7 =	vld [tilespmem:s18+$0x30];
	_ =	sdelay $0x1  }
0x74: {  	v2 =	vadd.f32 v5, v2  }
0x75: {  	v4 =	vadd.f32 v6, v4  }
0x76: {  	[tilespmem:s18+$0x0] =	vst v2;
	v1 =	vadd.f32 v1, v3  }
0x77: {  	[tilespmem:s18+$0x10] =	vst v4;
	v0 =	vadd.f32 v0, v7  }
0x78: {  	[tilespmem:s18+$0x20] =	vst v1  }
0x79: {  	s19 =	rddreg [dreg:$0x4];
	[tilespmem:s18+$0x30] =	vst v0;
	s18 =	simm.s32 $0x0  }
0x7a: {  	[hbm4b:s19+s18] =	stream.linear.scatter [tilespmem:s18], [sflag:$0x1], $0x8000, $0x38;
	[tilespmem:$0x10000] =	vst v63  }
0x7b: {  	_ =	swait.ge [sflag:s16], $0x8000  }
0x7c: {  	[sflag:s16] =	ssyncset.done $0x0  }
0x7d: {  	s20 =	rddreg [dreg:$0x5];
	[sflag:s16] =	ssyncadd.s32 $0xFFFF8000  }
0x7e: {  	[tilespmem:s18], [sflag:$0x1] =	stream.linear.gather [hbm4b:s20+s18], $0x8000, $0x38;
	[tilespmem:$0x10000] =	vst v63  }
0x7f: {  	_ =	swait.ge [sflag:s16], $0x8000  }
0x80: {  	[sflag:s16] =	ssyncset.done $0x0  }
0x81: {  	s18 =	simm.s32 $0x0;
	[sflag:s16] =	ssyncadd.s32 $0xFFFF8000  }
0x82: {  	v5 =	vld [tilespmem:s18+$0x8000]  }
0x83: {  	v6 =	vld [tilespmem:s18+$0x8010]  }
0x84: {  	v1 =	vld [tilespmem:s18+$0x8020]  }
0x85: {  	v0 =	vld [tilespmem:s18+$0x8030]  }
0x86: {  	v2 =	vld [tilespmem:s18+$0x0]  }
0x87: {  	v4 =	vld [tilespmem:s18+$0x10]  }
0x88: {  	s19 =	simm.s32 $0x100;
	v3 =	vld [tilespmem:s18+$0x20]  }
.LBB2_6:
0x89: {  	s20 =	sshra.s32 s19, $0x2;
	p0 =	sne.s32 s19, $0x1FF00;
	v7 =	vld [tilespmem:s18+$0x30];
	v8 =	vmov v1  }
0x8a: {  	v9 =	vld [tilespmem:s20+$0x8000];
	v10 =	vmov v0  }
0x8b: {  	v11 =	vld [tilespmem:s20+$0x8010];
	v2 =	vadd.f32 v5, v2  }
.Ltmp2:
0x8c: {  	v1 =	vld [tilespmem:s20+$0x8020];
	v4 =	vadd.f32 v6, v4;
	(pc) =	sbr.rel @p0 .LBB2_6-.Ltmp2, $4  }
0x8d: {  	v0 =	vld [tilespmem:s20+$0x8030];
	[tilespmem:s18+$0x0] =	vst v2;
	v3 =	vadd.f32 v8, v3  }
0x8e: {  	v2 =	vld [tilespmem:s20+$0x0];
	[tilespmem:s18+$0x10] =	vst v4;
	v7 =	vadd.f32 v10, v7  }
0x8f: {  	v4 =	vld [tilespmem:s20+$0x10];
	[tilespmem:s18+$0x20] =	vst v3;
	v5 =	vmov v9  }
0x90: {  	s19 =	sadd.s32 $0x100, s19;
	v3 =	vld [tilespmem:s20+$0x20];
	[tilespmem:s18+$0x30] =	vst v7;
	v6 =	vmov v11;
	s18 =	smov.u32 s20  }
0x91: {  	v7 =	vld [tilespmem:s18+$0x30];
	_ =	sdelay $0x1  }
0x92: {  	v2 =	vadd.f32 v5, v2  }
0x93: {  	v4 =	vadd.f32 v6, v4  }
0x94: {  	[tilespmem:s18+$0x0] =	vst v2;
	v1 =	vadd.f32 v1, v3  }
0x95: {  	[tilespmem:s18+$0x10] =	vst v4;
	v0 =	vadd.f32 v0, v7  }
0x96: {  	[tilespmem:s18+$0x20] =	vst v1  }
0x97: {  	s19 =	rddreg [dreg:$0x6];
	[tilespmem:s18+$0x30] =	vst v0;
	s18 =	simm.s32 $0x0  }
0x98: {  	[hbm4b:s19+s18] =	stream.linear.scatter [tilespmem:s18], [sflag:$0x1], $0x8000, $0x38;
	[tilespmem:$0x10000] =	vst v63  }
0x99: {  	_ =	swait.ge [sflag:s16], $0x8000  }
0x9a: {  	[sflag:s16] =	ssyncset.done $0x0  }
0x9b: {  	s20 =	rddreg [dreg:$0x7];
	[sflag:s16] =	ssyncadd.s32 $0xFFFF8000  }
0x9c: {  	[tilespmem:s18], [sflag:$0x1] =	stream.linear.gather [hbm4b:s20+s18], $0x8000, $0x38;
	[tilespmem:$0x10000] =	vst v63  }
0x9d: {  	_ =	swait.ge [sflag:s16], $0x8000  }
0x9e: {  	[sflag:s16] =	ssyncset.done $0x0  }
0x9f: {  	s18 =	simm.s32 $0x0;
	[sflag:s16] =	ssyncadd.s32 $0xFFFF8000  }
0xa0: {  	v5 =	vld [tilespmem:s18+$0x8000]  }
0xa1: {  	v6 =	vld [tilespmem:s18+$0x8010]  }
0xa2: {  	v1 =	vld [tilespmem:s18+$0x8020]  }
0xa3: {  	v0 =	vld [tilespmem:s18+$0x8030]  }
0xa4: {  	v2 =	vld [tilespmem:s18+$0x0]  }
0xa5: {  	v4 =	vld [tilespmem:s18+$0x10]  }
0xa6: {  	s19 =	simm.s32 $0x100;
	v3 =	vld [tilespmem:s18+$0x20]  }
.LBB2_8:
0xa7: {  	s20 =	sshra.s32 s19, $0x2;
	p0 =	sne.s32 s19, $0x1FF00;
	v7 =	vld [tilespmem:s18+$0x30];
	v8 =	vmov v1  }
0xa8: {  	v9 =	vld [tilespmem:s20+$0x8000];
	v10 =	vmov v0  }
0xa9: {  	v11 =	vld [tilespmem:s20+$0x8010];
	v2 =	vadd.f32 v5, v2  }
.Ltmp3:
0xaa: {  	v1 =	vld [tilespmem:s20+$0x8020];
	v4 =	vadd.f32 v6, v4;
	(pc) =	sbr.rel @p0 .LBB2_8-.Ltmp3, $4  }
0xab: {  	v0 =	vld [tilespmem:s20+$0x8030];
	[tilespmem:s18+$0x0] =	vst v2;
	v3 =	vadd.f32 v8, v3  }
0xac: {  	v2 =	vld [tilespmem:s20+$0x0];
	[tilespmem:s18+$0x10] =	vst v4;
	v7 =	vadd.f32 v10, v7  }
0xad: {  	v4 =	vld [tilespmem:s20+$0x10];
	[tilespmem:s18+$0x20] =	vst v3;
	v5 =	vmov v9  }
0xae: {  	s19 =	sadd.s32 $0x100, s19;
	v3 =	vld [tilespmem:s20+$0x20];
	[tilespmem:s18+$0x30] =	vst v7;
	v6 =	vmov v11;
	s18 =	smov.u32 s20  }
0xaf: {  	v7 =	vld [tilespmem:s18+$0x30];
	_ =	sdelay $0x1  }
0xb0: {  	v2 =	vadd.f32 v5, v2  }
0xb1: {  	v4 =	vadd.f32 v6, v4  }
0xb2: {  	[tilespmem:s18+$0x0] =	vst v2;
	v1 =	vadd.f32 v1, v3  }
0xb3: {  	[tilespmem:s18+$0x10] =	vst v4;
	v0 =	vadd.f32 v0, v7  }
0xb4: {  	[tilespmem:s18+$0x20] =	vst v1  }
0xb5: {  	s19 =	rddreg [dreg:$0x8];
	[tilespmem:s18+$0x30] =	vst v0;
	s18 =	simm.s32 $0x0  }
0xb6: {  	[hbm4b:s19+s18] =	stream.linear.scatter [tilespmem:s18], [sflag:$0x1], $0x8000, $0x38;
	[tilespmem:$0x10000] =	vst v63  }
0xb7: {  	_ =	swait.ge [sflag:s16], $0x8000  }
0xb8: {  	[sflag:s16] =	ssyncset.done $0x0  }
0xb9: {  	s20 =	rddreg [dreg:$0x9];
	[sflag:s16] =	ssyncadd.s32 $0xFFFF8000  }
0xba: {  	[tilespmem:s15], [sflag:$0x1] =	stream.linear.gather [hbm4b:s20+s18], $0x8000, $0x38;
	[tilespmem:$0x10000] =	vst v63  }
0xbb: {  	_ =	swait.ge [sflag:s16], $0x8000  }
0xbc: {  	[sflag:s16] =	ssyncset.done $0x0  }
0xbd: {  	s20 =	rddreg [dreg:$0xa];
	[sflag:s16] =	ssyncadd.s32 $0xFFFF8000  }
0xbe: {  	[tilespmem:s18], [sflag:$0x1] =	stream.linear.gather [hbm4b:s20+s18], $0x8000, $0x38;
	[tilespmem:$0x10000] =	vst v63  }
0xbf: {  	_ =	swait.ge [sflag:s16], $0x8000  }
0xc0: {  	[sflag:s16] =	ssyncset.done $0x0  }
0xc1: {  	s18 =	simm.s32 $0x0;
	[sflag:s16] =	ssyncadd.s32 $0xFFFF8000  }
0xc2: {  	v5 =	vld [tilespmem:s18+$0x8000]  }
0xc3: {  	v6 =	vld [tilespmem:s18+$0x8010]  }
0xc4: {  	v1 =	vld [tilespmem:s18+$0x8020]  }
0xc5: {  	v0 =	vld [tilespmem:s18+$0x8030]  }
0xc6: {  	v2 =	vld [tilespmem:s18+$0x0]  }
0xc7: {  	v4 =	vld [tilespmem:s18+$0x10]  }
0xc8: {  	s19 =	simm.s32 $0x100;
	v3 =	vld [tilespmem:s18+$0x20]  }
.LBB2_10:
0xc9: {  	s20 =	sshra.s32 s19, $0x2;
	p0 =	sne.s32 s19, $0x1FF00;
	v7 =	vld [tilespmem:s18+$0x30];
	v8 =	vmov v1  }
0xca: {  	v9 =	vld [tilespmem:s20+$0x8000];
	v10 =	vmov v0  }
0xcb: {  	v11 =	vld [tilespmem:s20+$0x8010];
	v2 =	vadd.f32 v5, v2  }
.Ltmp4:
0xcc: {  	v1 =	vld [tilespmem:s20+$0x8020];
	v4 =	vadd.f32 v6, v4;
	(pc) =	sbr.rel @p0 .LBB2_10-.Ltmp4, $4  }
0xcd: {  	v0 =	vld [tilespmem:s20+$0x8030];
	[tilespmem:s18+$0x0] =	vst v2;
	v3 =	vadd.f32 v8, v3  }
0xce: {  	v2 =	vld [tilespmem:s20+$0x0];
	[tilespmem:s18+$0x10] =	vst v4;
	v7 =	vadd.f32 v10, v7  }
0xcf: {  	v4 =	vld [tilespmem:s20+$0x10];
	[tilespmem:s18+$0x20] =	vst v3;
	v5 =	vmov v9  }
0xd0: {  	s19 =	sadd.s32 $0x100, s19;
	v3 =	vld [tilespmem:s20+$0x20];
	[tilespmem:s18+$0x30] =	vst v7;
	v6 =	vmov v11;
	s18 =	smov.u32 s20  }
0xd1: {  	v7 =	vld [tilespmem:s18+$0x30];
	_ =	sdelay $0x1  }
0xd2: {  	v2 =	vadd.f32 v5, v2  }
0xd3: {  	v4 =	vadd.f32 v6, v4  }
0xd4: {  	[tilespmem:s18+$0x0] =	vst v2;
	v1 =	vadd.f32 v1, v3  }
0xd5: {  	[tilespmem:s18+$0x10] =	vst v4;
	v0 =	vadd.f32 v0, v7  }
0xd6: {  	[tilespmem:s18+$0x20] =	vst v1  }
0xd7: {  	s19 =	rddreg [dreg:$0xb];
	[tilespmem:s18+$0x30] =	vst v0;
	s18 =	simm.s32 $0x0  }
0xd8: {  	[hbm4b:s19+s18] =	stream.linear.scatter [tilespmem:s18], [sflag:$0x1], $0x8000, $0x38;
	[tilespmem:$0x10000] =	vst v63  }
0xd9: {  	_ =	swait.ge [sflag:s16], $0x8000  }
0xda: {  	[sflag:s16] =	ssyncset.done $0x0  }
0xdb: {  	s20 =	rddreg [dreg:$0xc];
	[sflag:s16] =	ssyncadd.s32 $0xFFFF8000  }
0xdc: {  	[tilespmem:s18], [sflag:$0x1] =	stream.linear.gather [hbm4b:s20+s18], $0x8000, $0x38;
	[tilespmem:$0x10000] =	vst v63  }
0xdd: {  	_ =	swait.ge [sflag:s16], $0x8000  }
0xde: {  	[sflag:s16] =	ssyncset.done $0x0  }
0xdf: {  	s18 =	simm.s32 $0x0;
	[sflag:s16] =	ssyncadd.s32 $0xFFFF8000  }
0xe0: {  	v5 =	vld [tilespmem:s18+$0x8000]  }
0xe1: {  	v6 =	vld [tilespmem:s18+$0x8010]  }
0xe2: {  	v1 =	vld [tilespmem:s18+$0x8020]  }
0xe3: {  	v0 =	vld [tilespmem:s18+$0x8030]  }
0xe4: {  	v2 =	vld [tilespmem:s18+$0x0]  }
0xe5: {  	v4 =	vld [tilespmem:s18+$0x10]  }
0xe6: {  	s19 =	simm.s32 $0x100;
	v3 =	vld [tilespmem:s18+$0x20]  }
.LBB2_12:
0xe7: {  	s20 =	sshra.s32 s19, $0x2;
	p0 =	sne.s32 s19, $0x1FF00;
	v7 =	vld [tilespmem:s18+$0x30];
	v8 =	vmov v1  }
0xe8: {  	v9 =	vld [tilespmem:s20+$0x8000];
	v10 =	vmov v0  }
0xe9: {  	v11 =	vld [tilespmem:s20+$0x8010];
	v2 =	vadd.f32 v5, v2  }
.Ltmp5:
0xea: {  	v1 =	vld [tilespmem:s20+$0x8020];
	v4 =	vadd.f32 v6, v4;
	(pc) =	sbr.rel @p0 .LBB2_12-.Ltmp5, $4  }
0xeb: {  	v0 =	vld [tilespmem:s20+$0x8030];
	[tilespmem:s18+$0x0] =	vst v2;
	v3 =	vadd.f32 v8, v3  }
0xec: {  	v2 =	vld [tilespmem:s20+$0x0];
	[tilespmem:s18+$0x10] =	vst v4;
	v7 =	vadd.f32 v10, v7  }
0xed: {  	v4 =	vld [tilespmem:s20+$0x10];
	[tilespmem:s18+$0x20] =	vst v3;
	v5 =	vmov v9  }
0xee: {  	s19 =	sadd.s32 $0x100, s19;
	v3 =	vld [tilespmem:s20+$0x20];
	[tilespmem:s18+$0x30] =	vst v7;
	v6 =	vmov v11;
	s18 =	smov.u32 s20  }
0xef: {  	v7 =	vld [tilespmem:s18+$0x30];
	_ =	sdelay $0x1  }
0xf0: {  	v2 =	vadd.f32 v5, v2  }
0xf1: {  	v4 =	vadd.f32 v6, v4  }
0xf2: {  	[tilespmem:s18+$0x0] =	vst v2;
	v1 =	vadd.f32 v1, v3  }
0xf3: {  	[tilespmem:s18+$0x10] =	vst v4;
	v0 =	vadd.f32 v0, v7  }
0xf4: {  	[tilespmem:s18+$0x20] =	vst v1  }
0xf5: {  	s19 =	rddreg [dreg:$0xd];
	[tilespmem:s18+$0x30] =	vst v0;
	s18 =	simm.s32 $0x0  }
0xf6: {  	[hbm4b:s19+s18] =	stream.linear.scatter [tilespmem:s18], [sflag:$0x1], $0x8000, $0x38;
	[tilespmem:$0x10000] =	vst v63  }
0xf7: {  	_ =	swait.ge [sflag:s16], $0x8000  }
0xf8: {  	[sflag:s16] =	ssyncset.done $0x0  }
0xf9: {  	s20 =	rddreg [dreg:$0xe];
	[sflag:s16] =	ssyncadd.s32 $0xFFFF8000  }
0xfa: {  	[tilespmem:s18], [sflag:$0x1] =	stream.linear.gather [hbm4b:s20+s18], $0x8000, $0x38;
	[tilespmem:$0x10000] =	vst v63  }
0xfb: {  	_ =	swait.ge [sflag:s16], $0x8000  }
0xfc: {  	[sflag:s16] =	ssyncset.done $0x0  }
0xfd: {  	s18 =	simm.s32 $0x0;
	[sflag:s16] =	ssyncadd.s32 $0xFFFF8000  }
0xfe: {  	v5 =	vld [tilespmem:s18+$0x8000]  }
0xff: {  	v6 =	vld [tilespmem:s18+$0x8010]  }
0x100: {  	v1 =	vld [tilespmem:s18+$0x8020]  }
0x101: {  	v0 =	vld [tilespmem:s18+$0x8030]  }
0x102: {  	v2 =	vld [tilespmem:s18+$0x0]  }
0x103: {  	v4 =	vld [tilespmem:s18+$0x10]  }
0x104: {  	s19 =	simm.s32 $0x100;
	v3 =	vld [tilespmem:s18+$0x20]  }
.LBB2_14:
0x105: {  	s20 =	sshra.s32 s19, $0x2;
	p0 =	sne.s32 s19, $0x1FF00;
	v7 =	vld [tilespmem:s18+$0x30];
	v8 =	vmov v1  }
0x106: {  	v9 =	vld [tilespmem:s20+$0x8000];
	v10 =	vmov v0  }
0x107: {  	v11 =	vld [tilespmem:s20+$0x8010];
	v2 =	vadd.f32 v5, v2  }
.Ltmp6:
0x108: {  	v1 =	vld [tilespmem:s20+$0x8020];
	v4 =	vadd.f32 v6, v4;
	(pc) =	sbr.rel @p0 .LBB2_14-.Ltmp6, $4  }
0x109: {  	v0 =	vld [tilespmem:s20+$0x8030];
	[tilespmem:s18+$0x0] =	vst v2;
	v3 =	vadd.f32 v8, v3  }
0x10a: {  	v2 =	vld [tilespmem:s20+$0x0];
	[tilespmem:s18+$0x10] =	vst v4;
	v7 =	vadd.f32 v10, v7  }
0x10b: {  	v4 =	vld [tilespmem:s20+$0x10];
	[tilespmem:s18+$0x20] =	vst v3;
	v5 =	vmov v9  }
0x10c: {  	s19 =	sadd.s32 $0x100, s19;
	v3 =	vld [tilespmem:s20+$0x20];
	[tilespmem:s18+$0x30] =	vst v7;
	v6 =	vmov v11;
	s18 =	smov.u32 s20  }
0x10d: {  	v7 =	vld [tilespmem:s18+$0x30];
	_ =	sdelay $0x1  }
0x10e: {  	v2 =	vadd.f32 v5, v2  }
0x10f: {  	v4 =	vadd.f32 v6, v4  }
0x110: {  	[tilespmem:s18+$0x0] =	vst v2;
	v1 =	vadd.f32 v1, v3  }
0x111: {  	[tilespmem:s18+$0x10] =	vst v4;
	v0 =	vadd.f32 v0, v7  }
0x112: {  	[tilespmem:s18+$0x20] =	vst v1  }
0x113: {  	s19 =	rddreg [dreg:$0xf];
	[tilespmem:s18+$0x30] =	vst v0;
	s18 =	simm.s32 $0x0  }
0x114: {  	[hbm4b:s19+s18] =	stream.linear.scatter [tilespmem:s18], [sflag:$0x1], $0x8000, $0x38;
	[tilespmem:$0x10000] =	vst v63  }
0x115: {  	_ =	swait.ge [sflag:s16], $0x8000  }
0x116: {  	[sflag:s16] =	ssyncset.done $0x0  }
0x117: {  	s20 =	rddreg [dreg:$0x10];
	[sflag:s16] =	ssyncadd.s32 $0xFFFF8000  }
0x118: {  	[tilespmem:s18], [sflag:$0x1] =	stream.linear.gather [hbm4b:s20+s18], $0x8000, $0x38;
	[tilespmem:$0x10000] =	vst v63  }
0x119: {  	_ =	swait.ge [sflag:s16], $0x8000  }
0x11a: {  	[sflag:s16] =	ssyncset.done $0x0  }
0x11b: {  	s18 =	simm.s32 $0x0;
	[sflag:s16] =	ssyncadd.s32 $0xFFFF8000  }
0x11c: {  	v5 =	vld [tilespmem:s18+$0x8000]  }
0x11d: {  	v6 =	vld [tilespmem:s18+$0x8010]  }
0x11e: {  	v1 =	vld [tilespmem:s18+$0x8020]  }
0x11f: {  	v0 =	vld [tilespmem:s18+$0x8030]  }
0x120: {  	v2 =	vld [tilespmem:s18+$0x0]  }
0x121: {  	v4 =	vld [tilespmem:s18+$0x10]  }
0x122: {  	s19 =	simm.s32 $0x100;
	v3 =	vld [tilespmem:s18+$0x20]  }
.LBB2_16:
0x123: {  	s20 =	sshra.s32 s19, $0x2;
	p0 =	sne.s32 s19, $0x1FF00;
	v7 =	vld [tilespmem:s18+$0x30];
	v8 =	vmov v1  }
0x124: {  	v9 =	vld [tilespmem:s20+$0x8000];
	v10 =	vmov v0  }
0x125: {  	v11 =	vld [tilespmem:s20+$0x8010];
	v2 =	vadd.f32 v5, v2  }
.Ltmp7:
0x126: {  	v1 =	vld [tilespmem:s20+$0x8020];
	v4 =	vadd.f32 v6, v4;
	(pc) =	sbr.rel @p0 .LBB2_16-.Ltmp7, $4  }
0x127: {  	v0 =	vld [tilespmem:s20+$0x8030];
	[tilespmem:s18+$0x0] =	vst v2;
	v3 =	vadd.f32 v8, v3  }
0x128: {  	v2 =	vld [tilespmem:s20+$0x0];
	[tilespmem:s18+$0x10] =	vst v4;
	v7 =	vadd.f32 v10, v7  }
0x129: {  	v4 =	vld [tilespmem:s20+$0x10];
	[tilespmem:s18+$0x20] =	vst v3;
	v5 =	vmov v9  }
0x12a: {  	s19 =	sadd.s32 $0x100, s19;
	v3 =	vld [tilespmem:s20+$0x20];
	[tilespmem:s18+$0x30] =	vst v7;
	v6 =	vmov v11;
	s18 =	smov.u32 s20  }
0x12b: {  	v7 =	vld [tilespmem:s18+$0x30];
	_ =	sdelay $0x1  }
0x12c: {  	v2 =	vadd.f32 v5, v2  }
0x12d: {  	v4 =	vadd.f32 v6, v4  }
0x12e: {  	[tilespmem:s18+$0x0] =	vst v2;
	v1 =	vadd.f32 v1, v3  }
0x12f: {  	[tilespmem:s18+$0x10] =	vst v4;
	v0 =	vadd.f32 v0, v7  }
0x130: {  	[tilespmem:s18+$0x20] =	vst v1  }
0x131: {  	s19 =	rddreg [dreg:$0x11];
	[tilespmem:s18+$0x30] =	vst v0;
	s18 =	simm.s32 $0x0  }
0x132: {  	[hbm4b:s19+s18] =	stream.linear.scatter [tilespmem:s18], [sflag:$0x1], $0x8000, $0x38;
	[tilespmem:$0x10000] =	vst v63  }
0x133: {  	_ =	swait.ge [sflag:s16], $0x8000  }
0x134: {  	[sflag:s16] =	ssyncset.done $0x0  }
0x135: {  	s20 =	rddreg [dreg:$0x12];
	[sflag:s16] =	ssyncadd.s32 $0xFFFF8000  }
0x136: {  	[tilespmem:s15], [sflag:$0x1] =	stream.linear.gather [hbm4b:s20+s18], $0x8000, $0x38;
	[tilespmem:$0x10000] =	vst v63  }
0x137: {  	_ =	swait.ge [sflag:s16], $0x8000  }
0x138: {  	[sflag:s16] =	ssyncset.done $0x0  }
0x139: {  	s20 =	rddreg [dreg:$0x13];
	[sflag:s16] =	ssyncadd.s32 $0xFFFF8000  }
0x13a: {  	[tilespmem:s18], [sflag:$0x1] =	stream.linear.gather [hbm4b:s20+s18], $0x8000, $0x38;
	[tilespmem:$0x10000] =	vst v63  }
0x13b: {  	_ =	swait.ge [sflag:s16], $0x8000  }
0x13c: {  	[sflag:s16] =	ssyncset.done $0x0  }
0x13d: {  	s18 =	simm.s32 $0x0;
	[sflag:s16] =	ssyncadd.s32 $0xFFFF8000  }
0x13e: {  	v5 =	vld [tilespmem:s18+$0x8000]  }
0x13f: {  	v6 =	vld [tilespmem:s18+$0x8010]  }
0x140: {  	v1 =	vld [tilespmem:s18+$0x8020]  }
0x141: {  	v0 =	vld [tilespmem:s18+$0x8030]  }
0x142: {  	v2 =	vld [tilespmem:s18+$0x0]  }
0x143: {  	v4 =	vld [tilespmem:s18+$0x10]  }
0x144: {  	s19 =	simm.s32 $0x100;
	v3 =	vld [tilespmem:s18+$0x20]  }
.LBB2_18:
0x145: {  	s20 =	sshra.s32 s19, $0x2;
	p0 =	sne.s32 s19, $0x1FF00;
	v7 =	vld [tilespmem:s18+$0x30];
	v8 =	vmov v1  }
0x146: {  	v9 =	vld [tilespmem:s20+$0x8000];
	v10 =	vmov v0  }
0x147: {  	v11 =	vld [tilespmem:s20+$0x8010];
	v2 =	vadd.f32 v5, v2  }
.Ltmp8:
0x148: {  	v1 =	vld [tilespmem:s20+$0x8020];
	v4 =	vadd.f32 v6, v4;
	(pc) =	sbr.rel @p0 .LBB2_18-.Ltmp8, $4  }
0x149: {  	v0 =	vld [tilespmem:s20+$0x8030];
	[tilespmem:s18+$0x0] =	vst v2;
	v3 =	vadd.f32 v8, v3  }
0x14a: {  	v2 =	vld [tilespmem:s20+$0x0];
	[tilespmem:s18+$0x10] =	vst v4;
	v7 =	vadd.f32 v10, v7  }
0x14b: {  	v4 =	vld [tilespmem:s20+$0x10];
	[tilespmem:s18+$0x20] =	vst v3;
	v5 =	vmov v9  }
0x14c: {  	s19 =	sadd.s32 $0x100, s19;
	v3 =	vld [tilespmem:s20+$0x20];
	[tilespmem:s18+$0x30] =	vst v7;
	v6 =	vmov v11;
	s18 =	smov.u32 s20  }
0x14d: {  	v7 =	vld [tilespmem:s18+$0x30];
	_ =	sdelay $0x1  }
0x14e: {  	v2 =	vadd.f32 v5, v2  }
0x14f: {  	v4 =	vadd.f32 v6, v4  }
0x150: {  	[tilespmem:s18+$0x0] =	vst v2;
	v1 =	vadd.f32 v1, v3  }
0x151: {  	[tilespmem:s18+$0x10] =	vst v4;
	v0 =	vadd.f32 v0, v7  }
0x152: {  	[tilespmem:s18+$0x20] =	vst v1  }
0x153: {  	s19 =	rddreg [dreg:$0x14];
	[tilespmem:s18+$0x30] =	vst v0;
	s18 =	simm.s32 $0x0  }
0x154: {  	[hbm4b:s19+s18] =	stream.linear.scatter [tilespmem:s18], [sflag:$0x1], $0x8000, $0x38;
	[tilespmem:$0x10000] =	vst v63  }
0x155: {  	_ =	swait.ge [sflag:s16], $0x8000  }
0x156: {  	[sflag:s16] =	ssyncset.done $0x0  }
0x157: {  	s20 =	rddreg [dreg:$0x15];
	[sflag:s16] =	ssyncadd.s32 $0xFFFF8000  }
0x158: {  	[tilespmem:s18], [sflag:$0x1] =	stream.linear.gather [hbm4b:s20+s18], $0x8000, $0x38;
	[tilespmem:$0x10000] =	vst v63  }
0x159: {  	_ =	swait.ge [sflag:s16], $0x8000  }
0x15a: {  	[sflag:s16] =	ssyncset.done $0x0  }
0x15b: {  	s18 =	simm.s32 $0x0;
	[sflag:s16] =	ssyncadd.s32 $0xFFFF8000  }
0x15c: {  	v5 =	vld [tilespmem:s18+$0x8000]  }
0x15d: {  	v6 =	vld [tilespmem:s18+$0x8010]  }
0x15e: {  	v1 =	vld [tilespmem:s18+$0x8020]  }
0x15f: {  	v0 =	vld [tilespmem:s18+$0x8030]  }
0x160: {  	v2 =	vld [tilespmem:s18+$0x0]  }
0x161: {  	v4 =	vld [tilespmem:s18+$0x10]  }
0x162: {  	s19 =	simm.s32 $0x100;
	v3 =	vld [tilespmem:s18+$0x20]  }
.LBB2_20:
0x163: {  	s20 =	sshra.s32 s19, $0x2;
	p0 =	sne.s32 s19, $0x1FF00;
	v7 =	vld [tilespmem:s18+$0x30];
	v8 =	vmov v1  }
0x164: {  	v9 =	vld [tilespmem:s20+$0x8000];
	v10 =	vmov v0  }
0x165: {  	v11 =	vld [tilespmem:s20+$0x8010];
	v2 =	vadd.f32 v5, v2  }
.Ltmp9:
0x166: {  	v1 =	vld [tilespmem:s20+$0x8020];
	v4 =	vadd.f32 v6, v4;
	(pc) =	sbr.rel @p0 .LBB2_20-.Ltmp9, $4  }
0x167: {  	v0 =	vld [tilespmem:s20+$0x8030];
	[tilespmem:s18+$0x0] =	vst v2;
	v3 =	vadd.f32 v8, v3  }
0x168: {  	v2 =	vld [tilespmem:s20+$0x0];
	[tilespmem:s18+$0x10] =	vst v4;
	v7 =	vadd.f32 v10, v7  }
0x169: {  	v4 =	vld [tilespmem:s20+$0x10];
	[tilespmem:s18+$0x20] =	vst v3;
	v5 =	vmov v9  }
0x16a: {  	s19 =	sadd.s32 $0x100, s19;
	v3 =	vld [tilespmem:s20+$0x20];
	[tilespmem:s18+$0x30] =	vst v7;
	v6 =	vmov v11;
	s18 =	smov.u32 s20  }
0x16b: {  	v7 =	vld [tilespmem:s18+$0x30];
	_ =	sdelay $0x1  }
0x16c: {  	v2 =	vadd.f32 v5, v2  }
0x16d: {  	v4 =	vadd.f32 v6, v4  }
0x16e: {  	[tilespmem:s18+$0x0] =	vst v2;
	v1 =	vadd.f32 v1, v3  }
0x16f: {  	[tilespmem:s18+$0x10] =	vst v4;
	v0 =	vadd.f32 v0, v7  }
0x170: {  	[tilespmem:s18+$0x20] =	vst v1  }
0x171: {  	s19 =	rddreg [dreg:$0x16];
	[tilespmem:s18+$0x30] =	vst v0;
	s18 =	simm.s32 $0x0  }
0x172: {  	[hbm4b:s19+s18] =	stream.linear.scatter [tilespmem:s18], [sflag:$0x1], $0x8000, $0x38;
	[tilespmem:$0x10000] =	vst v63  }
0x173: {  	_ =	swait.ge [sflag:s16], $0x8000  }
0x174: {  	[sflag:s16] =	ssyncset.done $0x0  }
0x175: {  	s20 =	rddreg [dreg:$0x17];
	[sflag:s16] =	ssyncadd.s32 $0xFFFF8000  }
0x176: {  	[tilespmem:s18], [sflag:$0x1] =	stream.linear.gather [hbm4b:s20+s18], $0x8000, $0x38;
	[tilespmem:$0x10000] =	vst v63  }
0x177: {  	_ =	swait.ge [sflag:s16], $0x8000  }
0x178: {  	[sflag:s16] =	ssyncset.done $0x0  }
0x179: {  	s18 =	simm.s32 $0x0;
	[sflag:s16] =	ssyncadd.s32 $0xFFFF8000  }
0x17a: {  	v5 =	vld [tilespmem:s18+$0x8000]  }
0x17b: {  	v6 =	vld [tilespmem:s18+$0x8010]  }
0x17c: {  	v1 =	vld [tilespmem:s18+$0x8020]  }
0x17d: {  	v0 =	vld [tilespmem:s18+$0x8030]  }
0x17e: {  	v2 =	vld [tilespmem:s18+$0x0]  }
0x17f: {  	v4 =	vld [tilespmem:s18+$0x10]  }
0x180: {  	s19 =	simm.s32 $0x100;
	v3 =	vld [tilespmem:s18+$0x20]  }
.LBB2_22:
0x181: {  	s20 =	sshra.s32 s19, $0x2;
	p0 =	sne.s32 s19, $0x1FF00;
	v7 =	vld [tilespmem:s18+$0x30];
	v8 =	vmov v1  }
0x182: {  	v9 =	vld [tilespmem:s20+$0x8000];
	v10 =	vmov v0  }
0x183: {  	v11 =	vld [tilespmem:s20+$0x8010];
	v2 =	vadd.f32 v5, v2  }
.Ltmp10:
0x184: {  	v1 =	vld [tilespmem:s20+$0x8020];
	v4 =	vadd.f32 v6, v4;
	(pc) =	sbr.rel @p0 .LBB2_22-.Ltmp10, $4  }
0x185: {  	v0 =	vld [tilespmem:s20+$0x8030];
	[tilespmem:s18+$0x0] =	vst v2;
	v3 =	vadd.f32 v8, v3  }
0x186: {  	v2 =	vld [tilespmem:s20+$0x0];
	[tilespmem:s18+$0x10] =	vst v4;
	v7 =	vadd.f32 v10, v7  }
0x187: {  	v4 =	vld [tilespmem:s20+$0x10];
	[tilespmem:s18+$0x20] =	vst v3;
	v5 =	vmov v9  }
0x188: {  	s19 =	sadd.s32 $0x100, s19;
	v3 =	vld [tilespmem:s20+$0x20];
	[tilespmem:s18+$0x30] =	vst v7;
	v6 =	vmov v11;
	s18 =	smov.u32 s20  }
0x189: {  	v7 =	vld [tilespmem:s18+$0x30];
	_ =	sdelay $0x1  }
0x18a: {  	v2 =	vadd.f32 v5, v2  }
0x18b: {  	v4 =	vadd.f32 v6, v4  }
0x18c: {  	[tilespmem:s18+$0x0] =	vst v2;
	v1 =	vadd.f32 v1, v3  }
0x18d: {  	[tilespmem:s18+$0x10] =	vst v4;
	v0 =	vadd.f32 v0, v7  }
0x18e: {  	[tilespmem:s18+$0x20] =	vst v1  }
0x18f: {  	s19 =	rddreg [dreg:$0x18];
	[tilespmem:s18+$0x30] =	vst v0;
	s18 =	simm.s32 $0x0  }
0x190: {  	[hbm4b:s19+s18] =	stream.linear.scatter [tilespmem:s18], [sflag:$0x1], $0x8000, $0x38;
	[tilespmem:$0x10000] =	vst v63  }
0x191: {  	_ =	swait.ge [sflag:s16], $0x8000  }
0x192: {  	[sflag:s16] =	ssyncset.done $0x0  }
0x193: {  	s20 =	rddreg [dreg:$0x19];
	[sflag:s16] =	ssyncadd.s32 $0xFFFF8000  }
0x194: {  	[tilespmem:s18], [sflag:$0x1] =	stream.linear.gather [hbm4b:s20+s18], $0x8000, $0x38;
	[tilespmem:$0x10000] =	vst v63  }
0x195: {  	_ =	swait.ge [sflag:s16], $0x8000  }
0x196: {  	[sflag:s16] =	ssyncset.done $0x0  }
0x197: {  	s18 =	simm.s32 $0x0;
	[sflag:s16] =	ssyncadd.s32 $0xFFFF8000  }
0x198: {  	v5 =	vld [tilespmem:s18+$0x8000]  }
0x199: {  	v6 =	vld [tilespmem:s18+$0x8010]  }
0x19a: {  	v1 =	vld [tilespmem:s18+$0x8020]  }
0x19b: {  	v0 =	vld [tilespmem:s18+$0x8030]  }
0x19c: {  	v2 =	vld [tilespmem:s18+$0x0]  }
0x19d: {  	v4 =	vld [tilespmem:s18+$0x10]  }
0x19e: {  	s19 =	simm.s32 $0x100;
	v3 =	vld [tilespmem:s18+$0x20]  }
.LBB2_24:
0x19f: {  	s20 =	sshra.s32 s19, $0x2;
	p0 =	sne.s32 s19, $0x1FF00;
	v7 =	vld [tilespmem:s18+$0x30];
	v8 =	vmov v1  }
0x1a0: {  	v9 =	vld [tilespmem:s20+$0x8000];
	v10 =	vmov v0  }
0x1a1: {  	v11 =	vld [tilespmem:s20+$0x8010];
	v2 =	vadd.f32 v5, v2  }
.Ltmp11:
0x1a2: {  	v1 =	vld [tilespmem:s20+$0x8020];
	v4 =	vadd.f32 v6, v4;
	(pc) =	sbr.rel @p0 .LBB2_24-.Ltmp11, $4  }
0x1a3: {  	v0 =	vld [tilespmem:s20+$0x8030];
	[tilespmem:s18+$0x0] =	vst v2;
	v3 =	vadd.f32 v8, v3  }
0x1a4: {  	v2 =	vld [tilespmem:s20+$0x0];
	[tilespmem:s18+$0x10] =	vst v4;
	v7 =	vadd.f32 v10, v7  }
0x1a5: {  	v4 =	vld [tilespmem:s20+$0x10];
	[tilespmem:s18+$0x20] =	vst v3;
	v5 =	vmov v9  }
0x1a6: {  	s19 =	sadd.s32 $0x100, s19;
	v3 =	vld [tilespmem:s20+$0x20];
	[tilespmem:s18+$0x30] =	vst v7;
	v6 =	vmov v11;
	s18 =	smov.u32 s20  }
0x1a7: {  	v7 =	vld [tilespmem:s18+$0x30];
	_ =	sdelay $0x1  }
0x1a8: {  	v2 =	vadd.f32 v5, v2  }
0x1a9: {  	v4 =	vadd.f32 v6, v4  }
0x1aa: {  	[tilespmem:s18+$0x0] =	vst v2;
	v1 =	vadd.f32 v1, v3  }
0x1ab: {  	[tilespmem:s18+$0x10] =	vst v4;
	v0 =	vadd.f32 v0, v7  }
0x1ac: {  	[tilespmem:s18+$0x20] =	vst v1  }
0x1ad: {  	s19 =	rddreg [dreg:$0x1a];
	[tilespmem:s18+$0x30] =	vst v0;
	s18 =	simm.s32 $0x0  }
0x1ae: {  	[hbm4b:s19+s18] =	stream.linear.scatter [tilespmem:s18], [sflag:$0x1], $0x8000, $0x38;
	[tilespmem:$0x10000] =	vst v63  }
0x1af: {  	_ =	swait.ge [sflag:s16], $0x8000  }
0x1b0: {  	[sflag:s16] =	ssyncset.done $0x0  }
0x1b1: {  	s20 =	rddreg [dreg:$0x1b];
	[sflag:s16] =	ssyncadd.s32 $0xFFFF8000  }
0x1b2: {  	[tilespmem:s15], [sflag:$0x1] =	stream.linear.gather [hbm4b:s20+s18], $0x8000, $0x38;
	[tilespmem:$0x10000] =	vst v63  }
0x1b3: {  	_ =	swait.ge [sflag:s16], $0x8000  }
0x1b4: {  	[sflag:s16] =	ssyncset.done $0x0  }
0x1b5: {  	s20 =	rddreg [dreg:$0x1c];
	[sflag:s16] =	ssyncadd.s32 $0xFFFF8000  }
0x1b6: {  	[tilespmem:s18], [sflag:$0x1] =	stream.linear.gather [hbm4b:s20+s18], $0x8000, $0x38;
	[tilespmem:$0x10000] =	vst v63  }
0x1b7: {  	_ =	swait.ge [sflag:s16], $0x8000  }
0x1b8: {  	[sflag:s16] =	ssyncset.done $0x0  }
0x1b9: {  	s18 =	simm.s32 $0x0;
	[sflag:s16] =	ssyncadd.s32 $0xFFFF8000  }
0x1ba: {  	v5 =	vld [tilespmem:s18+$0x8000]  }
0x1bb: {  	v6 =	vld [tilespmem:s18+$0x8010]  }
0x1bc: {  	v1 =	vld [tilespmem:s18+$0x8020]  }
0x1bd: {  	v0 =	vld [tilespmem:s18+$0x8030]  }
0x1be: {  	v2 =	vld [tilespmem:s18+$0x0]  }
0x1bf: {  	v4 =	vld [tilespmem:s18+$0x10]  }
0x1c0: {  	s19 =	simm.s32 $0x100;
	v3 =	vld [tilespmem:s18+$0x20]  }
.LBB2_26:
0x1c1: {  	s20 =	sshra.s32 s19, $0x2;
	p0 =	sne.s32 s19, $0x1FF00;
	v7 =	vld [tilespmem:s18+$0x30];
	v8 =	vmov v1  }
0x1c2: {  	v9 =	vld [tilespmem:s20+$0x8000];
	v10 =	vmov v0  }
0x1c3: {  	v11 =	vld [tilespmem:s20+$0x8010];
	v2 =	vadd.f32 v5, v2  }
.Ltmp12:
0x1c4: {  	v1 =	vld [tilespmem:s20+$0x8020];
	v4 =	vadd.f32 v6, v4;
	(pc) =	sbr.rel @p0 .LBB2_26-.Ltmp12, $4  }
0x1c5: {  	v0 =	vld [tilespmem:s20+$0x8030];
	[tilespmem:s18+$0x0] =	vst v2;
	v3 =	vadd.f32 v8, v3  }
0x1c6: {  	v2 =	vld [tilespmem:s20+$0x0];
	[tilespmem:s18+$0x10] =	vst v4;
	v7 =	vadd.f32 v10, v7  }
0x1c7: {  	v4 =	vld [tilespmem:s20+$0x10];
	[tilespmem:s18+$0x20] =	vst v3;
	v5 =	vmov v9  }
0x1c8: {  	s19 =	sadd.s32 $0x100, s19;
	v3 =	vld [tilespmem:s20+$0x20];
	[tilespmem:s18+$0x30] =	vst v7;
	v6 =	vmov v11;
	s18 =	smov.u32 s20  }
0x1c9: {  	v7 =	vld [tilespmem:s18+$0x30];
	_ =	sdelay $0x1  }
0x1ca: {  	v2 =	vadd.f32 v5, v2  }
0x1cb: {  	v4 =	vadd.f32 v6, v4  }
0x1cc: {  	[tilespmem:s18+$0x0] =	vst v2;
	v1 =	vadd.f32 v1, v3  }
0x1cd: {  	[tilespmem:s18+$0x10] =	vst v4;
	v0 =	vadd.f32 v0, v7  }
0x1ce: {  	[tilespmem:s18+$0x20] =	vst v1  }
0x1cf: {  	s19 =	rddreg [dreg:$0x1d];
	[tilespmem:s18+$0x30] =	vst v0;
	s18 =	simm.s32 $0x0  }
0x1d0: {  	[hbm4b:s19+s18] =	stream.linear.scatter [tilespmem:s18], [sflag:$0x1], $0x8000, $0x38;
	[tilespmem:$0x10000] =	vst v63  }
0x1d1: {  	_ =	swait.ge [sflag:s16], $0x8000  }
0x1d2: {  	[sflag:s16] =	ssyncset.done $0x0  }
0x1d3: {  	s20 =	rddreg [dreg:$0x1e];
	[sflag:s16] =	ssyncadd.s32 $0xFFFF8000  }
0x1d4: {  	[tilespmem:s18], [sflag:$0x1] =	stream.linear.gather [hbm4b:s20+s18], $0x8000, $0x38;
	[tilespmem:$0x10000] =	vst v63  }
0x1d5: {  	_ =	swait.ge [sflag:s16], $0x8000  }
0x1d6: {  	[sflag:s16] =	ssyncset.done $0x0  }
0x1d7: {  	s18 =	simm.s32 $0x0;
	[sflag:s16] =	ssyncadd.s32 $0xFFFF8000  }
0x1d8: {  	v5 =	vld [tilespmem:s18+$0x8000]  }
0x1d9: {  	v6 =	vld [tilespmem:s18+$0x8010]  }
0x1da: {  	v1 =	vld [tilespmem:s18+$0x8020]  }
0x1db: {  	v0 =	vld [tilespmem:s18+$0x8030]  }
0x1dc: {  	v2 =	vld [tilespmem:s18+$0x0]  }
0x1dd: {  	v4 =	vld [tilespmem:s18+$0x10]  }
0x1de: {  	s19 =	simm.s32 $0x100;
	v3 =	vld [tilespmem:s18+$0x20]  }
.LBB2_28:
0x1df: {  	s20 =	sshra.s32 s19, $0x2;
	p0 =	sne.s32 s19, $0x1FF00;
	v7 =	vld [tilespmem:s18+$0x30];
	v8 =	vmov v1  }
0x1e0: {  	v9 =	vld [tilespmem:s20+$0x8000];
	v10 =	vmov v0  }
0x1e1: {  	v11 =	vld [tilespmem:s20+$0x8010];
	v2 =	vadd.f32 v5, v2  }
.Ltmp13:
0x1e2: {  	v1 =	vld [tilespmem:s20+$0x8020];
	v4 =	vadd.f32 v6, v4;
	(pc) =	sbr.rel @p0 .LBB2_28-.Ltmp13, $4  }
0x1e3: {  	v0 =	vld [tilespmem:s20+$0x8030];
	[tilespmem:s18+$0x0] =	vst v2;
	v3 =	vadd.f32 v8, v3  }
0x1e4: {  	v2 =	vld [tilespmem:s20+$0x0];
	[tilespmem:s18+$0x10] =	vst v4;
	v7 =	vadd.f32 v10, v7  }
0x1e5: {  	v4 =	vld [tilespmem:s20+$0x10];
	[tilespmem:s18+$0x20] =	vst v3;
	v5 =	vmov v9  }
0x1e6: {  	s19 =	sadd.s32 $0x100, s19;
	v3 =	vld [tilespmem:s20+$0x20];
	[tilespmem:s18+$0x30] =	vst v7;
	v6 =	vmov v11;
	s18 =	smov.u32 s20  }
0x1e7: {  	v7 =	vld [tilespmem:s18+$0x30];
	_ =	sdelay $0x1  }
0x1e8: {  	v2 =	vadd.f32 v5, v2  }
0x1e9: {  	v4 =	vadd.f32 v6, v4  }
0x1ea: {  	[tilespmem:s18+$0x0] =	vst v2;
	v1 =	vadd.f32 v1, v3  }
0x1eb: {  	[tilespmem:s18+$0x10] =	vst v4;
	v0 =	vadd.f32 v0, v7  }
0x1ec: {  	[tilespmem:s18+$0x20] =	vst v1  }
0x1ed: {  	s19 =	rddreg [dreg:$0x1f];
	[tilespmem:s18+$0x30] =	vst v0;
	s18 =	simm.s32 $0x0  }
0x1ee: {  	[hbm4b:s19+s18] =	stream.linear.scatter [tilespmem:s18], [sflag:$0x1], $0x8000, $0x38;
	[tilespmem:$0x10000] =	vst v63  }
0x1ef: {  	_ =	swait.ge [sflag:s16], $0x8000  }
0x1f0: {  	s20 =	sld [smem:$0x7EA]  }
0x1f1: {  	[sflag:s16] =	ssyncset.done $0x0  }
0x1f2: {  	[sflag:s16] =	ssyncadd.s32 $0xFFFF8000  }
0x1f3: {  	[tilespmem:s18], [sflag:$0x1] =	stream.linear.gather [hbm4b:s20+s18], $0x8000, $0x38;
	[tilespmem:$0x10000] =	vst v63  }
0x1f4: {  	_ =	swait.ge [sflag:s16], $0x8000  }
0x1f5: {  	[sflag:s16] =	ssyncset.done $0x0  }
0x1f6: {  	s18 =	simm.s32 $0x0;
	[sflag:s16] =	ssyncadd.s32 $0xFFFF8000  }
0x1f7: {  	v5 =	vld [tilespmem:s18+$0x8000]  }
0x1f8: {  	v6 =	vld [tilespmem:s18+$0x8010]  }
0x1f9: {  	v1 =	vld [tilespmem:s18+$0x8020]  }
0x1fa: {  	v0 =	vld [tilespmem:s18+$0x8030]  }
0x1fb: {  	v2 =	vld [tilespmem:s18+$0x0]  }
0x1fc: {  	v4 =	vld [tilespmem:s18+$0x10]  }
0x1fd: {  	s19 =	simm.s32 $0x100;
	v3 =	vld [tilespmem:s18+$0x20]  }
.LBB2_30:
0x1fe: {  	s20 =	sshra.s32 s19, $0x2;
	p0 =	sne.s32 s19, $0x1FF00;
	v7 =	vld [tilespmem:s18+$0x30];
	v8 =	vmov v1  }
0x1ff: {  	v9 =	vld [tilespmem:s20+$0x8000];
	v10 =	vmov v0  }
0x200: {  	v11 =	vld [tilespmem:s20+$0x8010];
	v2 =	vadd.f32 v5, v2  }
.Ltmp14:
0x201: {  	v1 =	vld [tilespmem:s20+$0x8020];
	v4 =	vadd.f32 v6, v4;
	(pc) =	sbr.rel @p0 .LBB2_30-.Ltmp14, $4  }
0x202: {  	v0 =	vld [tilespmem:s20+$0x8030];
	[tilespmem:s18+$0x0] =	vst v2;
	v3 =	vadd.f32 v8, v3  }
0x203: {  	v2 =	vld [tilespmem:s20+$0x0];
	[tilespmem:s18+$0x10] =	vst v4;
	v7 =	vadd.f32 v10, v7  }
0x204: {  	v4 =	vld [tilespmem:s20+$0x10];
	[tilespmem:s18+$0x20] =	vst v3;
	v5 =	vmov v9  }
0x205: {  	s19 =	sadd.s32 $0x100, s19;
	v3 =	vld [tilespmem:s20+$0x20];
	[tilespmem:s18+$0x30] =	vst v7;
	v6 =	vmov v11;
	s18 =	smov.u32 s20  }
0x206: {  	v7 =	vld [tilespmem:s18+$0x30];
	_ =	sdelay $0x1  }
0x207: {  	v2 =	vadd.f32 v5, v2  }
0x208: {  	v4 =	vadd.f32 v6, v4  }
0x209: {  	[tilespmem:s18+$0x0] =	vst v2;
	v1 =	vadd.f32 v1, v3  }
0x20a: {  	s19 =	sld [smem:$0x7EB];
	[tilespmem:s18+$0x10] =	vst v4;
	v0 =	vadd.f32 v0, v7  }
0x20b: {  	[tilespmem:s18+$0x20] =	vst v1  }
0x20c: {  	[tilespmem:s18+$0x30] =	vst v0;
	s18 =	simm.s32 $0x0  }
0x20d: {  	[hbm4b:s19+s18] =	stream.linear.scatter [tilespmem:s18], [sflag:$0x1], $0x8000, $0x38;
	[tilespmem:$0x10000] =	vst v63  }
0x20e: {  	_ =	swait.ge [sflag:s16], $0x8000  }
0x20f: {  	s20 =	sld [smem:$0x7EC]  }
0x210: {  	[sflag:s16] =	ssyncset.done $0x0  }
0x211: {  	[sflag:s16] =	ssyncadd.s32 $0xFFFF8000  }
0x212: {  	[tilespmem:s18], [sflag:$0x1] =	stream.linear.gather [hbm4b:s20+s18], $0x8000, $0x38;
	[tilespmem:$0x10000] =	vst v63  }
0x213: {  	_ =	swait.ge [sflag:s16], $0x8000  }
0x214: {  	[sflag:s16] =	ssyncset.done $0x0  }
0x215: {  	s18 =	simm.s32 $0x0;
	[sflag:s16] =	ssyncadd.s32 $0xFFFF8000  }
0x216: {  	v5 =	vld [tilespmem:s18+$0x8000]  }
0x217: {  	v6 =	vld [tilespmem:s18+$0x8010]  }
0x218: {  	v1 =	vld [tilespmem:s18+$0x8020]  }
0x219: {  	v0 =	vld [tilespmem:s18+$0x8030]  }
0x21a: {  	v2 =	vld [tilespmem:s18+$0x0]  }
0x21b: {  	v4 =	vld [tilespmem:s18+$0x10]  }
0x21c: {  	s19 =	simm.s32 $0x100;
	v3 =	vld [tilespmem:s18+$0x20]  }
.LBB2_32:
0x21d: {  	s20 =	sshra.s32 s19, $0x2;
	p0 =	sne.s32 s19, $0x1FF00;
	v7 =	vld [tilespmem:s18+$0x30];
	v8 =	vmov v1  }
0x21e: {  	v9 =	vld [tilespmem:s20+$0x8000];
	v10 =	vmov v0  }
0x21f: {  	v11 =	vld [tilespmem:s20+$0x8010];
	v2 =	vadd.f32 v5, v2  }
.Ltmp15:
0x220: {  	v1 =	vld [tilespmem:s20+$0x8020];
	v4 =	vadd.f32 v6, v4;
	(pc) =	sbr.rel @p0 .LBB2_32-.Ltmp15, $4  }
0x221: {  	v0 =	vld [tilespmem:s20+$0x8030];
	[tilespmem:s18+$0x0] =	vst v2;
	v3 =	vadd.f32 v8, v3  }
0x222: {  	v2 =	vld [tilespmem:s20+$0x0];
	[tilespmem:s18+$0x10] =	vst v4;
	v7 =	vadd.f32 v10, v7  }
0x223: {  	v4 =	vld [tilespmem:s20+$0x10];
	[tilespmem:s18+$0x20] =	vst v3;
	v5 =	vmov v9  }
0x224: {  	s19 =	sadd.s32 $0x100, s19;
	v3 =	vld [tilespmem:s20+$0x20];
	[tilespmem:s18+$0x30] =	vst v7;
	v6 =	vmov v11;
	s18 =	smov.u32 s20  }
0x225: {  	v7 =	vld [tilespmem:s18+$0x30];
	_ =	sdelay $0x1  }
0x226: {  	v2 =	vadd.f32 v5, v2  }
0x227: {  	v4 =	vadd.f32 v6, v4  }
0x228: {  	[tilespmem:s18+$0x0] =	vst v2;
	v1 =	vadd.f32 v1, v3  }
0x229: {  	s19 =	sld [smem:$0x7ED];
	[tilespmem:s18+$0x10] =	vst v4;
	v0 =	vadd.f32 v0, v7  }
0x22a: {  	[tilespmem:s18+$0x20] =	vst v1  }
0x22b: {  	[tilespmem:s18+$0x30] =	vst v0;
	s18 =	simm.s32 $0x0  }
0x22c: {  	[hbm4b:s19+s18] =	stream.linear.scatter [tilespmem:s18], [sflag:$0x1], $0x8000, $0x38;
	[tilespmem:$0x10000] =	vst v63  }
0x22d: {  	_ =	swait.ge [sflag:s16], $0x8000  }
0x22e: {  	s20 =	sld [smem:$0x7EE]  }
0x22f: {  	[sflag:s16] =	ssyncset.done $0x0  }
0x230: {  	[sflag:s16] =	ssyncadd.s32 $0xFFFF8000  }
0x231: {  	[tilespmem:s15], [sflag:$0x1] =	stream.linear.gather [hbm4b:s20+s18], $0x8000, $0x38;
	[tilespmem:$0x10000] =	vst v63  }
0x232: {  	_ =	swait.ge [sflag:s16], $0x8000  }
0x233: {  	s20 =	sld [smem:$0x7EF]  }
0x234: {  	[sflag:s16] =	ssyncset.done $0x0  }
0x235: {  	[sflag:s16] =	ssyncadd.s32 $0xFFFF8000  }
0x236: {  	[tilespmem:s18], [sflag:$0x1] =	stream.linear.gather [hbm4b:s20+s18], $0x8000, $0x38;
	[tilespmem:$0x10000] =	vst v63  }
0x237: {  	_ =	swait.ge [sflag:s16], $0x8000  }
0x238: {  	[sflag:s16] =	ssyncset.done $0x0  }
0x239: {  	s18 =	simm.s32 $0x0;
	[sflag:s16] =	ssyncadd.s32 $0xFFFF8000  }
0x23a: {  	v5 =	vld [tilespmem:s18+$0x8000]  }
0x23b: {  	v6 =	vld [tilespmem:s18+$0x8010]  }
0x23c: {  	v1 =	vld [tilespmem:s18+$0x8020]  }
0x23d: {  	v0 =	vld [tilespmem:s18+$0x8030]  }
0x23e: {  	v2 =	vld [tilespmem:s18+$0x0]  }
0x23f: {  	v4 =	vld [tilespmem:s18+$0x10]  }
0x240: {  	s19 =	simm.s32 $0x100;
	v3 =	vld [tilespmem:s18+$0x20]  }
.LBB2_34:
0x241: {  	s20 =	sshra.s32 s19, $0x2;
	p0 =	sne.s32 s19, $0x1FF00;
	v7 =	vld [tilespmem:s18+$0x30];
	v8 =	vmov v1  }
0x242: {  	v9 =	vld [tilespmem:s20+$0x8000];
	v10 =	vmov v0  }
0x243: {  	v11 =	vld [tilespmem:s20+$0x8010];
	v2 =	vadd.f32 v5, v2  }
.Ltmp16:
0x244: {  	v1 =	vld [tilespmem:s20+$0x8020];
	v4 =	vadd.f32 v6, v4;
	(pc) =	sbr.rel @p0 .LBB2_34-.Ltmp16, $4  }
0x245: {  	v0 =	vld [tilespmem:s20+$0x8030];
	[tilespmem:s18+$0x0] =	vst v2;
	v3 =	vadd.f32 v8, v3  }
0x246: {  	v2 =	vld [tilespmem:s20+$0x0];
	[tilespmem:s18+$0x10] =	vst v4;
	v7 =	vadd.f32 v10, v7  }
0x247: {  	v4 =	vld [tilespmem:s20+$0x10];
	[tilespmem:s18+$0x20] =	vst v3;
	v5 =	vmov v9  }
0x248: {  	s19 =	sadd.s32 $0x100, s19;
	v3 =	vld [tilespmem:s20+$0x20];
	[tilespmem:s18+$0x30] =	vst v7;
	v6 =	vmov v11;
	s18 =	smov.u32 s20  }
0x249: {  	v7 =	vld [tilespmem:s18+$0x30];
	_ =	sdelay $0x1  }
0x24a: {  	v2 =	vadd.f32 v5, v2  }
0x24b: {  	v4 =	vadd.f32 v6, v4  }
0x24c: {  	[tilespmem:s18+$0x0] =	vst v2;
	v1 =	vadd.f32 v1, v3  }
0x24d: {  	s19 =	sld [smem:$0x7F0];
	[tilespmem:s18+$0x10] =	vst v4;
	v0 =	vadd.f32 v0, v7  }
0x24e: {  	[tilespmem:s18+$0x20] =	vst v1  }
0x24f: {  	[tilespmem:s18+$0x30] =	vst v0;
	s18 =	simm.s32 $0x0  }
0x250: {  	[hbm4b:s19+s18] =	stream.linear.scatter [tilespmem:s18], [sflag:$0x1], $0x8000, $0x38;
	[tilespmem:$0x10000] =	vst v63  }
0x251: {  	_ =	swait.ge [sflag:s16], $0x8000  }
0x252: {  	s20 =	sld [smem:$0x7F1]  }
0x253: {  	[sflag:s16] =	ssyncset.done $0x0  }
0x254: {  	[sflag:s16] =	ssyncadd.s32 $0xFFFF8000  }
0x255: {  	[tilespmem:s18], [sflag:$0x1] =	stream.linear.gather [hbm4b:s20+s18], $0x8000, $0x38;
	[tilespmem:$0x10000] =	vst v63  }
0x256: {  	_ =	swait.ge [sflag:s16], $0x8000  }
0x257: {  	[sflag:s16] =	ssyncset.done $0x0  }
0x258: {  	s18 =	simm.s32 $0x0;
	[sflag:s16] =	ssyncadd.s32 $0xFFFF8000  }
0x259: {  	v5 =	vld [tilespmem:s18+$0x8000]  }
0x25a: {  	v6 =	vld [tilespmem:s18+$0x8010]  }
0x25b: {  	v1 =	vld [tilespmem:s18+$0x8020]  }
0x25c: {  	v0 =	vld [tilespmem:s18+$0x8030]  }
0x25d: {  	v2 =	vld [tilespmem:s18+$0x0]  }
0x25e: {  	v4 =	vld [tilespmem:s18+$0x10]  }
0x25f: {  	s19 =	simm.s32 $0x100;
	v3 =	vld [tilespmem:s18+$0x20]  }
.LBB2_36:
0x260: {  	s20 =	sshra.s32 s19, $0x2;
	p0 =	sne.s32 s19, $0x1FF00;
	v7 =	vld [tilespmem:s18+$0x30];
	v8 =	vmov v1  }
0x261: {  	v9 =	vld [tilespmem:s20+$0x8000];
	v10 =	vmov v0  }
0x262: {  	v11 =	vld [tilespmem:s20+$0x8010];
	v2 =	vadd.f32 v5, v2  }
.Ltmp17:
0x263: {  	v1 =	vld [tilespmem:s20+$0x8020];
	v4 =	vadd.f32 v6, v4;
	(pc) =	sbr.rel @p0 .LBB2_36-.Ltmp17, $4  }
0x264: {  	v0 =	vld [tilespmem:s20+$0x8030];
	[tilespmem:s18+$0x0] =	vst v2;
	v3 =	vadd.f32 v8, v3  }
0x265: {  	v2 =	vld [tilespmem:s20+$0x0];
	[tilespmem:s18+$0x10] =	vst v4;
	v7 =	vadd.f32 v10, v7  }
0x266: {  	v4 =	vld [tilespmem:s20+$0x10];
	[tilespmem:s18+$0x20] =	vst v3;
	v5 =	vmov v9  }
0x267: {  	s19 =	sadd.s32 $0x100, s19;
	v3 =	vld [tilespmem:s20+$0x20];
	[tilespmem:s18+$0x30] =	vst v7;
	v6 =	vmov v11;
	s18 =	smov.u32 s20  }
0x268: {  	v7 =	vld [tilespmem:s18+$0x30];
	_ =	sdelay $0x1  }
0x269: {  	v2 =	vadd.f32 v5, v2  }
0x26a: {  	v4 =	vadd.f32 v6, v4  }
0x26b: {  	[tilespmem:s18+$0x0] =	vst v2;
	v1 =	vadd.f32 v1, v3  }
0x26c: {  	s19 =	sld [smem:$0x7F2];
	[tilespmem:s18+$0x10] =	vst v4;
	v0 =	vadd.f32 v0, v7  }
0x26d: {  	[tilespmem:s18+$0x20] =	vst v1  }
0x26e: {  	[tilespmem:s18+$0x30] =	vst v0;
	s18 =	simm.s32 $0x0  }
0x26f: {  	[hbm4b:s19+s18] =	stream.linear.scatter [tilespmem:s18], [sflag:$0x1], $0x8000, $0x38;
	[tilespmem:$0x10000] =	vst v63  }
0x270: {  	_ =	swait.ge [sflag:s16], $0x8000  }
0x271: {  	s20 =	sld [smem:$0x7F3]  }
0x272: {  	[sflag:s16] =	ssyncset.done $0x0  }
0x273: {  	[sflag:s16] =	ssyncadd.s32 $0xFFFF8000  }
0x274: {  	[tilespmem:s18], [sflag:$0x1] =	stream.linear.gather [hbm4b:s20+s18], $0x8000, $0x38;
	[tilespmem:$0x10000] =	vst v63  }
0x275: {  	_ =	swait.ge [sflag:s16], $0x8000  }
0x276: {  	[sflag:s16] =	ssyncset.done $0x0  }
0x277: {  	s18 =	simm.s32 $0x0;
	[sflag:s16] =	ssyncadd.s32 $0xFFFF8000  }
0x278: {  	v5 =	vld [tilespmem:s18+$0x8000]  }
0x279: {  	v6 =	vld [tilespmem:s18+$0x8010]  }
0x27a: {  	v1 =	vld [tilespmem:s18+$0x8020]  }
0x27b: {  	v0 =	vld [tilespmem:s18+$0x8030]  }
0x27c: {  	v2 =	vld [tilespmem:s18+$0x0]  }
0x27d: {  	v4 =	vld [tilespmem:s18+$0x10]  }
0x27e: {  	s19 =	simm.s32 $0x100;
	v3 =	vld [tilespmem:s18+$0x20]  }
.LBB2_38:
0x27f: {  	s20 =	sshra.s32 s19, $0x2;
	p0 =	sne.s32 s19, $0x1FF00;
	v7 =	vld [tilespmem:s18+$0x30];
	v8 =	vmov v1  }
0x280: {  	v9 =	vld [tilespmem:s20+$0x8000];
	v10 =	vmov v0  }
0x281: {  	v11 =	vld [tilespmem:s20+$0x8010];
	v2 =	vadd.f32 v5, v2  }
.Ltmp18:
0x282: {  	v1 =	vld [tilespmem:s20+$0x8020];
	v4 =	vadd.f32 v6, v4;
	(pc) =	sbr.rel @p0 .LBB2_38-.Ltmp18, $4  }
0x283: {  	v0 =	vld [tilespmem:s20+$0x8030];
	[tilespmem:s18+$0x0] =	vst v2;
	v3 =	vadd.f32 v8, v3  }
0x284: {  	v2 =	vld [tilespmem:s20+$0x0];
	[tilespmem:s18+$0x10] =	vst v4;
	v7 =	vadd.f32 v10, v7  }
0x285: {  	v4 =	vld [tilespmem:s20+$0x10];
	[tilespmem:s18+$0x20] =	vst v3;
	v5 =	vmov v9  }
0x286: {  	s19 =	sadd.s32 $0x100, s19;
	v3 =	vld [tilespmem:s20+$0x20];
	[tilespmem:s18+$0x30] =	vst v7;
	v6 =	vmov v11;
	s18 =	smov.u32 s20  }
0x287: {  	v7 =	vld [tilespmem:s18+$0x30];
	_ =	sdelay $0x1  }
0x288: {  	v2 =	vadd.f32 v5, v2  }
0x289: {  	v4 =	vadd.f32 v6, v4  }
0x28a: {  	[tilespmem:s18+$0x0] =	vst v2;
	v1 =	vadd.f32 v1, v3  }
0x28b: {  	s19 =	sld [smem:$0x7F4];
	[tilespmem:s18+$0x10] =	vst v4;
	v0 =	vadd.f32 v0, v7  }
0x28c: {  	[tilespmem:s18+$0x20] =	vst v1  }
0x28d: {  	[tilespmem:s18+$0x30] =	vst v0;
	s18 =	simm.s32 $0x0  }
0x28e: {  	[hbm4b:s19+s18] =	stream.linear.scatter [tilespmem:s18], [sflag:$0x1], $0x8000, $0x38;
	[tilespmem:$0x10000] =	vst v63  }
0x28f: {  	_ =	swait.ge [sflag:s16], $0x8000  }
0x290: {  	s20 =	sld [smem:$0x7F5]  }
0x291: {  	[sflag:s16] =	ssyncset.done $0x0  }
0x292: {  	[sflag:s16] =	ssyncadd.s32 $0xFFFF8000  }
0x293: {  	[tilespmem:s18], [sflag:$0x1] =	stream.linear.gather [hbm4b:s20+s18], $0x8000, $0x38;
	[tilespmem:$0x10000] =	vst v63  }
0x294: {  	_ =	swait.ge [sflag:s16], $0x8000  }
0x295: {  	[sflag:s16] =	ssyncset.done $0x0  }
0x296: {  	s18 =	simm.s32 $0x0;
	[sflag:s16] =	ssyncadd.s32 $0xFFFF8000  }
0x297: {  	v5 =	vld [tilespmem:s18+$0x8000]  }
0x298: {  	v6 =	vld [tilespmem:s18+$0x8010]  }
0x299: {  	v1 =	vld [tilespmem:s18+$0x8020]  }
0x29a: {  	v0 =	vld [tilespmem:s18+$0x8030]  }
0x29b: {  	v2 =	vld [tilespmem:s18+$0x0]  }
0x29c: {  	v4 =	vld [tilespmem:s18+$0x10]  }
0x29d: {  	s19 =	simm.s32 $0x100;
	v3 =	vld [tilespmem:s18+$0x20]  }
.LBB2_40:
0x29e: {  	s20 =	sshra.s32 s19, $0x2;
	p0 =	sne.s32 s19, $0x1FF00;
	v7 =	vld [tilespmem:s18+$0x30];
	v8 =	vmov v1  }
0x29f: {  	v9 =	vld [tilespmem:s20+$0x8000];
	v10 =	vmov v0  }
0x2a0: {  	v11 =	vld [tilespmem:s20+$0x8010];
	v2 =	vadd.f32 v5, v2  }
.Ltmp19:
0x2a1: {  	v1 =	vld [tilespmem:s20+$0x8020];
	v4 =	vadd.f32 v6, v4;
	(pc) =	sbr.rel @p0 .LBB2_40-.Ltmp19, $4  }
0x2a2: {  	v0 =	vld [tilespmem:s20+$0x8030];
	[tilespmem:s18+$0x0] =	vst v2;
	v3 =	vadd.f32 v8, v3  }
0x2a3: {  	v2 =	vld [tilespmem:s20+$0x0];
	[tilespmem:s18+$0x10] =	vst v4;
	v7 =	vadd.f32 v10, v7  }
0x2a4: {  	v4 =	vld [tilespmem:s20+$0x10];
	[tilespmem:s18+$0x20] =	vst v3;
	v5 =	vmov v9  }
0x2a5: {  	s19 =	sadd.s32 $0x100, s19;
	v3 =	vld [tilespmem:s20+$0x20];
	[tilespmem:s18+$0x30] =	vst v7;
	v6 =	vmov v11;
	s18 =	smov.u32 s20  }
0x2a6: {  	v7 =	vld [tilespmem:s18+$0x30];
	_ =	sdelay $0x1  }
0x2a7: {  	v2 =	vadd.f32 v5, v2  }
0x2a8: {  	v4 =	vadd.f32 v6, v4  }
0x2a9: {  	[tilespmem:s18+$0x0] =	vst v2;
	v1 =	vadd.f32 v1, v3  }
0x2aa: {  	s19 =	sld [smem:$0x7F6];
	[tilespmem:s18+$0x10] =	vst v4;
	v0 =	vadd.f32 v0, v7  }
0x2ab: {  	[tilespmem:s18+$0x20] =	vst v1  }
0x2ac: {  	[tilespmem:s18+$0x30] =	vst v0;
	s18 =	simm.s32 $0x0  }
0x2ad: {  	[hbm4b:s19+s18] =	stream.linear.scatter [tilespmem:s18], [sflag:$0x1], $0x8000, $0x38;
	[tilespmem:$0x10000] =	vst v63  }
0x2ae: {  	_ =	swait.ge [sflag:s16], $0x8000  }
0x2af: {  	s20 =	sld [smem:$0x7F7]  }
0x2b0: {  	[sflag:s16] =	ssyncset.done $0x0  }
0x2b1: {  	[sflag:s16] =	ssyncadd.s32 $0xFFFF8000  }
0x2b2: {  	[tilespmem:s15], [sflag:$0x1] =	stream.linear.gather [hbm4b:s20+s18], $0x8000, $0x38;
	[tilespmem:$0x10000] =	vst v63  }
0x2b3: {  	_ =	swait.ge [sflag:s16], $0x8000  }
0x2b4: {  	s20 =	sld [smem:$0x7F8]  }
0x2b5: {  	[sflag:s16] =	ssyncset.done $0x0  }
0x2b6: {  	[sflag:s16] =	ssyncadd.s32 $0xFFFF8000  }
0x2b7: {  	[tilespmem:s18], [sflag:$0x1] =	stream.linear.gather [hbm4b:s20+s18], $0x8000, $0x38;
	[tilespmem:$0x10000] =	vst v63  }
0x2b8: {  	_ =	swait.ge [sflag:s16], $0x8000  }
0x2b9: {  	[sflag:s16] =	ssyncset.done $0x0  }
0x2ba: {  	s18 =	simm.s32 $0x0;
	[sflag:s16] =	ssyncadd.s32 $0xFFFF8000  }
0x2bb: {  	v5 =	vld [tilespmem:s18+$0x8000]  }
0x2bc: {  	v6 =	vld [tilespmem:s18+$0x8010]  }
0x2bd: {  	v1 =	vld [tilespmem:s18+$0x8020]  }
0x2be: {  	v0 =	vld [tilespmem:s18+$0x8030]  }
0x2bf: {  	v2 =	vld [tilespmem:s18+$0x0]  }
0x2c0: {  	v4 =	vld [tilespmem:s18+$0x10]  }
0x2c1: {  	s19 =	simm.s32 $0x100;
	v3 =	vld [tilespmem:s18+$0x20]  }
.LBB2_42:
0x2c2: {  	s20 =	sshra.s32 s19, $0x2;
	p0 =	sne.s32 s19, $0x1FF00;
	v7 =	vld [tilespmem:s18+$0x30];
	v8 =	vmov v1  }
0x2c3: {  	v9 =	vld [tilespmem:s20+$0x8000];
	v10 =	vmov v0  }
0x2c4: {  	v11 =	vld [tilespmem:s20+$0x8010];
	v2 =	vadd.f32 v5, v2  }
.Ltmp20:
0x2c5: {  	v1 =	vld [tilespmem:s20+$0x8020];
	v4 =	vadd.f32 v6, v4;
	(pc) =	sbr.rel @p0 .LBB2_42-.Ltmp20, $4  }
0x2c6: {  	v0 =	vld [tilespmem:s20+$0x8030];
	[tilespmem:s18+$0x0] =	vst v2;
	v3 =	vadd.f32 v8, v3  }
0x2c7: {  	v2 =	vld [tilespmem:s20+$0x0];
	[tilespmem:s18+$0x10] =	vst v4;
	v7 =	vadd.f32 v10, v7  }
0x2c8: {  	v4 =	vld [tilespmem:s20+$0x10];
	[tilespmem:s18+$0x20] =	vst v3;
	v5 =	vmov v9  }
0x2c9: {  	s19 =	sadd.s32 $0x100, s19;
	v3 =	vld [tilespmem:s20+$0x20];
	[tilespmem:s18+$0x30] =	vst v7;
	v6 =	vmov v11;
	s18 =	smov.u32 s20  }
0x2ca: {  	v7 =	vld [tilespmem:s18+$0x30];
	_ =	sdelay $0x1  }
0x2cb: {  	v2 =	vadd.f32 v5, v2  }
0x2cc: {  	v4 =	vadd.f32 v6, v4  }
0x2cd: {  	[tilespmem:s18+$0x0] =	vst v2;
	v1 =	vadd.f32 v1, v3  }
0x2ce: {  	s19 =	sld [smem:$0x7F9];
	[tilespmem:s18+$0x10] =	vst v4;
	v0 =	vadd.f32 v0, v7  }
0x2cf: {  	[tilespmem:s18+$0x20] =	vst v1  }
0x2d0: {  	[tilespmem:s18+$0x30] =	vst v0;
	s18 =	simm.s32 $0x0  }
0x2d1: {  	[hbm4b:s19+s18] =	stream.linear.scatter [tilespmem:s18], [sflag:$0x1], $0x8000, $0x38;
	[tilespmem:$0x10000] =	vst v63  }
0x2d2: {  	_ =	swait.ge [sflag:s16], $0x8000  }
0x2d3: {  	s20 =	sld [smem:$0x7FA]  }
0x2d4: {  	[sflag:s16] =	ssyncset.done $0x0  }
0x2d5: {  	[sflag:s16] =	ssyncadd.s32 $0xFFFF8000  }
0x2d6: {  	[tilespmem:s18], [sflag:$0x1] =	stream.linear.gather [hbm4b:s20+s18], $0x8000, $0x38;
	[tilespmem:$0x10000] =	vst v63  }
0x2d7: {  	_ =	swait.ge [sflag:s16], $0x8000  }
0x2d8: {  	[sflag:s16] =	ssyncset.done $0x0  }
0x2d9: {  	s18 =	simm.s32 $0x0;
	[sflag:s16] =	ssyncadd.s32 $0xFFFF8000  }
0x2da: {  	v5 =	vld [tilespmem:s18+$0x8000]  }
0x2db: {  	v6 =	vld [tilespmem:s18+$0x8010]  }
0x2dc: {  	v1 =	vld [tilespmem:s18+$0x8020]  }
0x2dd: {  	v0 =	vld [tilespmem:s18+$0x8030]  }
0x2de: {  	v2 =	vld [tilespmem:s18+$0x0]  }
0x2df: {  	v4 =	vld [tilespmem:s18+$0x10]  }
0x2e0: {  	s19 =	simm.s32 $0x100;
	v3 =	vld [tilespmem:s18+$0x20]  }
.LBB2_44:
0x2e1: {  	s20 =	sshra.s32 s19, $0x2;
	p0 =	sne.s32 s19, $0x1FF00;
	v7 =	vld [tilespmem:s18+$0x30];
	v8 =	vmov v1  }
0x2e2: {  	v9 =	vld [tilespmem:s20+$0x8000];
	v10 =	vmov v0  }
0x2e3: {  	v11 =	vld [tilespmem:s20+$0x8010];
	v2 =	vadd.f32 v5, v2  }
.Ltmp21:
0x2e4: {  	v1 =	vld [tilespmem:s20+$0x8020];
	v4 =	vadd.f32 v6, v4;
	(pc) =	sbr.rel @p0 .LBB2_44-.Ltmp21, $4  }
0x2e5: {  	v0 =	vld [tilespmem:s20+$0x8030];
	[tilespmem:s18+$0x0] =	vst v2;
	v3 =	vadd.f32 v8, v3  }
0x2e6: {  	v2 =	vld [tilespmem:s20+$0x0];
	[tilespmem:s18+$0x10] =	vst v4;
	v7 =	vadd.f32 v10, v7  }
0x2e7: {  	v4 =	vld [tilespmem:s20+$0x10];
	[tilespmem:s18+$0x20] =	vst v3;
	v5 =	vmov v9  }
0x2e8: {  	s19 =	sadd.s32 $0x100, s19;
	v3 =	vld [tilespmem:s20+$0x20];
	[tilespmem:s18+$0x30] =	vst v7;
	v6 =	vmov v11;
	s18 =	smov.u32 s20  }
0x2e9: {  	v7 =	vld [tilespmem:s18+$0x30];
	_ =	sdelay $0x1  }
0x2ea: {  	v2 =	vadd.f32 v5, v2  }
0x2eb: {  	v4 =	vadd.f32 v6, v4  }
0x2ec: {  	[tilespmem:s18+$0x0] =	vst v2;
	v1 =	vadd.f32 v1, v3  }
0x2ed: {  	s19 =	sld [smem:$0x7FB];
	[tilespmem:s18+$0x10] =	vst v4;
	v0 =	vadd.f32 v0, v7  }
0x2ee: {  	[tilespmem:s18+$0x20] =	vst v1  }
0x2ef: {  	[tilespmem:s18+$0x30] =	vst v0;
	s18 =	simm.s32 $0x0  }
0x2f0: {  	[hbm4b:s19+s18] =	stream.linear.scatter [tilespmem:s18], [sflag:$0x1], $0x8000, $0x38;
	[tilespmem:$0x10000] =	vst v63  }
0x2f1: {  	_ =	swait.ge [sflag:s16], $0x8000  }
0x2f2: {  	s20 =	sld [smem:$0x7FC]  }
0x2f3: {  	[sflag:s16] =	ssyncset.done $0x0  }
0x2f4: {  	[sflag:s16] =	ssyncadd.s32 $0xFFFF8000  }
0x2f5: {  	[tilespmem:s18], [sflag:$0x1] =	stream.linear.gather [hbm4b:s20+s18], $0x8000, $0x38;
	[tilespmem:$0x10000] =	vst v63  }
0x2f6: {  	_ =	swait.ge [sflag:s16], $0x8000  }
0x2f7: {  	[sflag:s16] =	ssyncset.done $0x0  }
0x2f8: {  	s18 =	simm.s32 $0x0;
	[sflag:s16] =	ssyncadd.s32 $0xFFFF8000  }
0x2f9: {  	v5 =	vld [tilespmem:s18+$0x8000]  }
0x2fa: {  	v6 =	vld [tilespmem:s18+$0x8010]  }
0x2fb: {  	v1 =	vld [tilespmem:s18+$0x8020]  }
0x2fc: {  	v0 =	vld [tilespmem:s18+$0x8030]  }
0x2fd: {  	v2 =	vld [tilespmem:s18+$0x0]  }
0x2fe: {  	v4 =	vld [tilespmem:s18+$0x10]  }
0x2ff: {  	s19 =	simm.s32 $0x100;
	v3 =	vld [tilespmem:s18+$0x20]  }
.LBB2_46:
0x300: {  	s20 =	sshra.s32 s19, $0x2;
	p0 =	sne.s32 s19, $0x1FF00;
	v7 =	vld [tilespmem:s18+$0x30];
	v8 =	vmov v1  }
0x301: {  	v9 =	vld [tilespmem:s20+$0x8000];
	v10 =	vmov v0  }
0x302: {  	v11 =	vld [tilespmem:s20+$0x8010];
	v2 =	vadd.f32 v5, v2  }
.Ltmp22:
0x303: {  	v1 =	vld [tilespmem:s20+$0x8020];
	v4 =	vadd.f32 v6, v4;
	(pc) =	sbr.rel @p0 .LBB2_46-.Ltmp22, $4  }
0x304: {  	v0 =	vld [tilespmem:s20+$0x8030];
	[tilespmem:s18+$0x0] =	vst v2;
	v3 =	vadd.f32 v8, v3  }
0x305: {  	v2 =	vld [tilespmem:s20+$0x0];
	[tilespmem:s18+$0x10] =	vst v4;
	v7 =	vadd.f32 v10, v7  }
0x306: {  	v4 =	vld [tilespmem:s20+$0x10];
	[tilespmem:s18+$0x20] =	vst v3;
	v5 =	vmov v9  }
0x307: {  	s19 =	sadd.s32 $0x100, s19;
	v3 =	vld [tilespmem:s20+$0x20];
	[tilespmem:s18+$0x30] =	vst v7;
	v6 =	vmov v11;
	s18 =	smov.u32 s20  }
0x308: {  	v7 =	vld [tilespmem:s18+$0x30];
	_ =	sdelay $0x1  }
0x309: {  	v2 =	vadd.f32 v5, v2  }
0x30a: {  	v4 =	vadd.f32 v6, v4  }
0x30b: {  	[tilespmem:s18+$0x0] =	vst v2;
	v1 =	vadd.f32 v1, v3  }
0x30c: {  	s19 =	sld [smem:$0x7FD];
	[tilespmem:s18+$0x10] =	vst v4;
	v0 =	vadd.f32 v0, v7  }
0x30d: {  	[tilespmem:s18+$0x20] =	vst v1  }
0x30e: {  	s20 =	simm.s32 $0x0;
	[tilespmem:s18+$0x30] =	vst v0  }
0x30f: {  	[hbm4b:s19+s20] =	stream.linear.scatter [tilespmem:s20], [sflag:$0x1], $0x8000, $0x38;
	[tilespmem:$0x10000] =	vst v63  }
0x310: {  	_ =	swait.ge [sflag:s16], $0x8000  }
0x311: {  	[sflag:s16] =	ssyncset.done $0x0  }
0x312: {  	[sflag:s16] =	ssyncadd.s32 $0xFFFF8000  }
0x313: {  	[tilespmem:s20], [sflag:$0x1] =	stream.linear.gather [hbm4b:s21+s20], $0x8000, $0x38;
	[tilespmem:$0x10000] =	vst v63  }
0x314: {  	_ =	swait.ge [sflag:s16], $0x8000  }
0x315: {  	[sflag:s16] =	ssyncset.done $0x0  }
0x316: {  	s18 =	simm.s32 $0x0;
	[sflag:s16] =	ssyncadd.s32 $0xFFFF8000  }
0x317: {  	v5 =	vld [tilespmem:s18+$0x8000]  }
0x318: {  	v6 =	vld [tilespmem:s18+$0x8010]  }
0x319: {  	v1 =	vld [tilespmem:s18+$0x8020]  }
0x31a: {  	v0 =	vld [tilespmem:s18+$0x8030]  }
0x31b: {  	v2 =	vld [tilespmem:s18+$0x0]  }
0x31c: {  	v4 =	vld [tilespmem:s18+$0x10]  }
0x31d: {  	s19 =	simm.s32 $0x100;
	v3 =	vld [tilespmem:s18+$0x20]  }
.LBB2_48:
0x31e: {  	s20 =	sshra.s32 s19, $0x2;
	p0 =	sne.s32 s19, $0x1FF00;
	v7 =	vld [tilespmem:s18+$0x30];
	v8 =	vmov v1  }
0x31f: {  	v9 =	vld [tilespmem:s20+$0x8000];
	v10 =	vmov v0  }
0x320: {  	v11 =	vld [tilespmem:s20+$0x8010];
	v2 =	vadd.f32 v5, v2  }
.Ltmp23:
0x321: {  	v1 =	vld [tilespmem:s20+$0x8020];
	v4 =	vadd.f32 v6, v4;
	(pc) =	sbr.rel @p0 .LBB2_48-.Ltmp23, $4  }
0x322: {  	v0 =	vld [tilespmem:s20+$0x8030];
	[tilespmem:s18+$0x0] =	vst v2;
	v3 =	vadd.f32 v8, v3  }
0x323: {  	v2 =	vld [tilespmem:s20+$0x0];
	[tilespmem:s18+$0x10] =	vst v4;
	v7 =	vadd.f32 v10, v7  }
0x324: {  	v4 =	vld [tilespmem:s20+$0x10];
	[tilespmem:s18+$0x20] =	vst v3;
	v5 =	vmov v9  }
0x325: {  	s19 =	sadd.s32 $0x100, s19;
	v3 =	vld [tilespmem:s20+$0x20];
	[tilespmem:s18+$0x30] =	vst v7;
	v6 =	vmov v11;
	s18 =	smov.u32 s20  }
0x326: {  	v7 =	vld [tilespmem:s18+$0x30];
	_ =	sdelay $0x1  }
0x327: {  	v2 =	vadd.f32 v5, v2  }
0x328: {  	v4 =	vadd.f32 v6, v4  }
0x329: {  	[tilespmem:s18+$0x0] =	vst v2;
	v1 =	vadd.f32 v1, v3  }
0x32a: {  	[tilespmem:s18+$0x10] =	vst v4;
	v0 =	vadd.f32 v0, v7  }
0x32b: {  	[tilespmem:s18+$0x20] =	vst v1  }
0x32c: {  	s20 =	simm.s32 $0x0;
	[tilespmem:s18+$0x30] =	vst v0  }
0x32d: {  	[hbm4b:s22+s20] =	stream.linear.scatter [tilespmem:s20], [sflag:$0x1], $0x8000, $0x38;
	[tilespmem:$0x10000] =	vst v63  }
0x32e: {  	_ =	swait.ge [sflag:s16], $0x8000  }
0x32f: {  	[sflag:s16] =	ssyncset.done $0x0  }
0x330: {  	[sflag:s16] =	ssyncadd.s32 $0xFFFF8000  }
0x331: {  	[tilespmem:s15], [sflag:$0x1] =	stream.linear.gather [hbm4b:s23+s20], $0x8000, $0x38;
	[tilespmem:$0x10000] =	vst v63  }
0x332: {  	_ =	swait.ge [sflag:s16], $0x8000  }
0x333: {  	[sflag:s16] =	ssyncset.done $0x0  }
0x334: {  	[sflag:s16] =	ssyncadd.s32 $0xFFFF8000  }
0x335: {  	[tilespmem:s20], [sflag:$0x1] =	stream.linear.gather [hbm4b:s24+s20], $0x8000, $0x38;
	[tilespmem:$0x10000] =	vst v63  }
0x336: {  	_ =	swait.ge [sflag:s16], $0x8000  }
0x337: {  	[sflag:s16] =	ssyncset.done $0x0  }
0x338: {  	s18 =	simm.s32 $0x0;
	[sflag:s16] =	ssyncadd.s32 $0xFFFF8000  }
0x339: {  	v5 =	vld [tilespmem:s18+$0x8000]  }
0x33a: {  	v6 =	vld [tilespmem:s18+$0x8010]  }
0x33b: {  	v1 =	vld [tilespmem:s18+$0x8020]  }
0x33c: {  	v0 =	vld [tilespmem:s18+$0x8030]  }
0x33d: {  	v2 =	vld [tilespmem:s18+$0x0]  }
0x33e: {  	v4 =	vld [tilespmem:s18+$0x10]  }
0x33f: {  	s19 =	simm.s32 $0x100;
	v3 =	vld [tilespmem:s18+$0x20]  }
.LBB2_50:
0x340: {  	s20 =	sshra.s32 s19, $0x2;
	p0 =	sne.s32 s19, $0x1FF00;
	v7 =	vld [tilespmem:s18+$0x30];
	v8 =	vmov v1  }
0x341: {  	v9 =	vld [tilespmem:s20+$0x8000];
	v10 =	vmov v0  }
0x342: {  	v11 =	vld [tilespmem:s20+$0x8010];
	v2 =	vadd.f32 v5, v2  }
.Ltmp24:
0x343: {  	v1 =	vld [tilespmem:s20+$0x8020];
	v4 =	vadd.f32 v6, v4;
	(pc) =	sbr.rel @p0 .LBB2_50-.Ltmp24, $4  }
0x344: {  	v0 =	vld [tilespmem:s20+$0x8030];
	[tilespmem:s18+$0x0] =	vst v2;
	v3 =	vadd.f32 v8, v3  }
0x345: {  	v2 =	vld [tilespmem:s20+$0x0];
	[tilespmem:s18+$0x10] =	vst v4;
	v7 =	vadd.f32 v10, v7  }
0x346: {  	v4 =	vld [tilespmem:s20+$0x10];
	[tilespmem:s18+$0x20] =	vst v3;
	v5 =	vmov v9  }
0x347: {  	s19 =	sadd.s32 $0x100, s19;
	v3 =	vld [tilespmem:s20+$0x20];
	[tilespmem:s18+$0x30] =	vst v7;
	v6 =	vmov v11;
	s18 =	smov.u32 s20  }
0x348: {  	v7 =	vld [tilespmem:s18+$0x30];
	_ =	sdelay $0x1  }
0x349: {  	v2 =	vadd.f32 v5, v2  }
0x34a: {  	v4 =	vadd.f32 v6, v4  }
0x34b: {  	[tilespmem:s18+$0x0] =	vst v2;
	v1 =	vadd.f32 v1, v3  }
0x34c: {  	[tilespmem:s18+$0x10] =	vst v4;
	v0 =	vadd.f32 v0, v7  }
0x34d: {  	[tilespmem:s18+$0x20] =	vst v1  }
0x34e: {  	s20 =	simm.s32 $0x0;
	[tilespmem:s18+$0x30] =	vst v0  }
0x34f: {  	[hbm4b:s25+s20] =	stream.linear.scatter [tilespmem:s20], [sflag:$0x1], $0x8000, $0x38;
	[tilespmem:$0x10000] =	vst v63  }
0x350: {  	_ =	swait.ge [sflag:s16], $0x8000  }
0x351: {  	[sflag:s16] =	ssyncset.done $0x0  }
0x352: {  	[sflag:s16] =	ssyncadd.s32 $0xFFFF8000  }
0x353: {  	[tilespmem:s20], [sflag:$0x1] =	stream.linear.gather [hbm4b:s26+s20], $0x8000, $0x38;
	[tilespmem:$0x10000] =	vst v63  }
0x354: {  	_ =	swait.ge [sflag:s16], $0x8000  }
0x355: {  	[sflag:s16] =	ssyncset.done $0x0  }
0x356: {  	s18 =	simm.s32 $0x0;
	[sflag:s16] =	ssyncadd.s32 $0xFFFF8000  }
0x357: {  	v5 =	vld [tilespmem:s18+$0x8000]  }
0x358: {  	v6 =	vld [tilespmem:s18+$0x8010]  }
0x359: {  	v1 =	vld [tilespmem:s18+$0x8020]  }
0x35a: {  	v0 =	vld [tilespmem:s18+$0x8030]  }
0x35b: {  	v2 =	vld [tilespmem:s18+$0x0]  }
0x35c: {  	v4 =	vld [tilespmem:s18+$0x10]  }
0x35d: {  	s19 =	simm.s32 $0x100;
	v3 =	vld [tilespmem:s18+$0x20]  }
.LBB2_52:
0x35e: {  	s20 =	sshra.s32 s19, $0x2;
	p0 =	sne.s32 s19, $0x1FF00;
	v7 =	vld [tilespmem:s18+$0x30];
	v8 =	vmov v1  }
0x35f: {  	v9 =	vld [tilespmem:s20+$0x8000];
	v10 =	vmov v0  }
0x360: {  	v11 =	vld [tilespmem:s20+$0x8010];
	v2 =	vadd.f32 v5, v2  }
.Ltmp25:
0x361: {  	v1 =	vld [tilespmem:s20+$0x8020];
	v4 =	vadd.f32 v6, v4;
	(pc) =	sbr.rel @p0 .LBB2_52-.Ltmp25, $4  }
0x362: {  	v0 =	vld [tilespmem:s20+$0x8030];
	[tilespmem:s18+$0x0] =	vst v2;
	v3 =	vadd.f32 v8, v3  }
0x363: {  	v2 =	vld [tilespmem:s20+$0x0];
	[tilespmem:s18+$0x10] =	vst v4;
	v7 =	vadd.f32 v10, v7  }
0x364: {  	v4 =	vld [tilespmem:s20+$0x10];
	[tilespmem:s18+$0x20] =	vst v3;
	v5 =	vmov v9  }
0x365: {  	s19 =	sadd.s32 $0x100, s19;
	v3 =	vld [tilespmem:s20+$0x20];
	[tilespmem:s18+$0x30] =	vst v7;
	v6 =	vmov v11;
	s18 =	smov.u32 s20  }
0x366: {  	v7 =	vld [tilespmem:s18+$0x30];
	_ =	sdelay $0x1  }
0x367: {  	v2 =	vadd.f32 v5, v2  }
0x368: {  	v4 =	vadd.f32 v6, v4  }
0x369: {  	[tilespmem:s18+$0x0] =	vst v2;
	v1 =	vadd.f32 v1, v3  }
0x36a: {  	[tilespmem:s18+$0x10] =	vst v4;
	v0 =	vadd.f32 v0, v7  }
0x36b: {  	[tilespmem:s18+$0x20] =	vst v1  }
0x36c: {  	s20 =	simm.s32 $0x0;
	[tilespmem:s18+$0x30] =	vst v0  }
0x36d: {  	[hbm4b:s28+s20] =	stream.linear.scatter [tilespmem:s20], [sflag:$0x1], $0x8000, $0x38;
	[tilespmem:$0x10000] =	vst v63  }
0x36e: {  	_ =	swait.ge [sflag:s16], $0x8000  }
0x36f: {  	[sflag:s16] =	ssyncset.done $0x0  }
0x370: {  	[sflag:s16] =	ssyncadd.s32 $0xFFFF8000  }
0x371: {  	[tilespmem:s20], [sflag:$0x1] =	stream.linear.gather [hbm4b:s29+s20], $0x8000, $0x38;
	[tilespmem:$0x10000] =	vst v63  }
0x372: {  	_ =	swait.ge [sflag:s16], $0x8000  }
0x373: {  	[sflag:s16] =	ssyncset.done $0x0  }
0x374: {  	s18 =	simm.s32 $0x0;
	[sflag:s16] =	ssyncadd.s32 $0xFFFF8000  }
0x375: {  	v5 =	vld [tilespmem:s18+$0x8000]  }
0x376: {  	v6 =	vld [tilespmem:s18+$0x8010]  }
0x377: {  	v1 =	vld [tilespmem:s18+$0x8020]  }
0x378: {  	v0 =	vld [tilespmem:s18+$0x8030]  }
0x379: {  	v2 =	vld [tilespmem:s18+$0x0]  }
0x37a: {  	v4 =	vld [tilespmem:s18+$0x10]  }
0x37b: {  	s19 =	simm.s32 $0x100;
	v3 =	vld [tilespmem:s18+$0x20]  }
.LBB2_54:
0x37c: {  	s20 =	sshra.s32 s19, $0x2;
	p0 =	sne.s32 s19, $0x1FF00;
	v7 =	vld [tilespmem:s18+$0x30];
	v8 =	vmov v1  }
0x37d: {  	v9 =	vld [tilespmem:s20+$0x8000];
	v10 =	vmov v0  }
0x37e: {  	v11 =	vld [tilespmem:s20+$0x8010];
	v2 =	vadd.f32 v5, v2  }
.Ltmp26:
0x37f: {  	v1 =	vld [tilespmem:s20+$0x8020];
	v4 =	vadd.f32 v6, v4;
	(pc) =	sbr.rel @p0 .LBB2_54-.Ltmp26, $4  }
0x380: {  	v0 =	vld [tilespmem:s20+$0x8030];
	[tilespmem:s18+$0x0] =	vst v2;
	v3 =	vadd.f32 v8, v3  }
0x381: {  	v2 =	vld [tilespmem:s20+$0x0];
	[tilespmem:s18+$0x10] =	vst v4;
	v7 =	vadd.f32 v10, v7  }
0x382: {  	v4 =	vld [tilespmem:s20+$0x10];
	[tilespmem:s18+$0x20] =	vst v3;
	v5 =	vmov v9  }
0x383: {  	s19 =	sadd.s32 $0x100, s19;
	v3 =	vld [tilespmem:s20+$0x20];
	[tilespmem:s18+$0x30] =	vst v7;
	v6 =	vmov v11;
	s18 =	smov.u32 s20  }
0x384: {  	v7 =	vld [tilespmem:s18+$0x30];
	_ =	sdelay $0x1  }
0x385: {  	v2 =	vadd.f32 v5, v2  }
0x386: {  	v4 =	vadd.f32 v6, v4  }
0x387: {  	[tilespmem:s18+$0x0] =	vst v2;
	v1 =	vadd.f32 v1, v3  }
0x388: {  	[tilespmem:s18+$0x10] =	vst v4;
	v0 =	vadd.f32 v0, v7  }
0x389: {  	[tilespmem:s18+$0x20] =	vst v1  }
0x38a: {  	s20 =	simm.s32 $0x0;
	[tilespmem:s18+$0x30] =	vst v0  }
0x38b: {  	[hbm4b:s30+s20] =	stream.linear.scatter [tilespmem:s20], [sflag:$0x1], $0x8000, $0x38;
	[tilespmem:$0x10000] =	vst v63  }
0x38c: {  	_ =	swait.ge [sflag:s16], $0x8000  }
0x38d: {  	[sflag:s16] =	ssyncset.done $0x0  }
0x38e: {  	[sflag:s16] =	ssyncadd.s32 $0xFFFF8000  }
0x38f: {  	[tilespmem:s20], [sflag:$0x1] =	stream.linear.gather [hbm4b:s31+s20], $0x8000, $0x38;
	[tilespmem:$0x10000] =	vst v63  }
0x390: {  	_ =	swait.ge [sflag:s16], $0x8000  }
0x391: {  	[sflag:s16] =	ssyncset.done $0x0  }
0x392: {  	s18 =	simm.s32 $0x0;
	[sflag:s16] =	ssyncadd.s32 $0xFFFF8000  }
0x393: {  	v5 =	vld [tilespmem:s18+$0x8000]  }
0x394: {  	v6 =	vld [tilespmem:s18+$0x8010]  }
0x395: {  	v1 =	vld [tilespmem:s18+$0x8020]  }
0x396: {  	v0 =	vld [tilespmem:s18+$0x8030]  }
0x397: {  	v2 =	vld [tilespmem:s18+$0x0]  }
0x398: {  	v4 =	vld [tilespmem:s18+$0x10]  }
0x399: {  	s19 =	simm.s32 $0x100;
	v3 =	vld [tilespmem:s18+$0x20]  }
.LBB2_56:
0x39a: {  	s20 =	sshra.s32 s19, $0x2;
	p0 =	sne.s32 s19, $0x1FF00;
	v7 =	vld [tilespmem:s18+$0x30];
	v8 =	vmov v1  }
0x39b: {  	v9 =	vld [tilespmem:s20+$0x8000];
	v10 =	vmov v0  }
0x39c: {  	v11 =	vld [tilespmem:s20+$0x8010];
	v2 =	vadd.f32 v5, v2  }
.Ltmp27:
0x39d: {  	v1 =	vld [tilespmem:s20+$0x8020];
	v4 =	vadd.f32 v6, v4;
	(pc) =	sbr.rel @p0 .LBB2_56-.Ltmp27, $4  }
0x39e: {  	v0 =	vld [tilespmem:s20+$0x8030];
	[tilespmem:s18+$0x0] =	vst v2;
	v3 =	vadd.f32 v8, v3  }
0x39f: {  	v2 =	vld [tilespmem:s20+$0x0];
	[tilespmem:s18+$0x10] =	vst v4;
	v7 =	vadd.f32 v10, v7  }
0x3a0: {  	v4 =	vld [tilespmem:s20+$0x10];
	[tilespmem:s18+$0x20] =	vst v3;
	v5 =	vmov v9  }
0x3a1: {  	s19 =	sadd.s32 $0x100, s19;
	v3 =	vld [tilespmem:s20+$0x20];
	[tilespmem:s18+$0x30] =	vst v7;
	v6 =	vmov v11;
	s18 =	smov.u32 s20  }
0x3a2: {  	v7 =	vld [tilespmem:s18+$0x30];
	_ =	sdelay $0x1  }
0x3a3: {  	v2 =	vadd.f32 v5, v2  }
0x3a4: {  	v4 =	vadd.f32 v6, v4  }
0x3a5: {  	[tilespmem:s18+$0x0] =	vst v2;
	v1 =	vadd.f32 v1, v3  }
0x3a6: {  	[tilespmem:s18+$0x10] =	vst v4;
	v0 =	vadd.f32 v0, v7  }
0x3a7: {  	[tilespmem:s18+$0x20] =	vst v1  }
0x3a8: {  	s20 =	simm.s32 $0x0;
	[tilespmem:s18+$0x30] =	vst v0  }
0x3a9: {  	[hbm4b:s0+s20] =	stream.linear.scatter [tilespmem:s20], [sflag:$0x1], $0x8000, $0x38;
	[tilespmem:$0x10000] =	vst v63  }
0x3aa: {  	_ =	swait.ge [sflag:s16], $0x8000  }
0x3ab: {  	[sflag:s16] =	ssyncset.done $0x0  }
0x3ac: {  	[sflag:s16] =	ssyncadd.s32 $0xFFFF8000  }
0x3ad: {  	[tilespmem:s15], [sflag:$0x1] =	stream.linear.gather [hbm4b:s3+s20], $0x8000, $0x38;
	[tilespmem:$0x10000] =	vst v63  }
0x3ae: {  	_ =	swait.ge [sflag:s16], $0x8000  }
0x3af: {  	[sflag:s16] =	ssyncset.done $0x0  }
0x3b0: {  	[sflag:s16] =	ssyncadd.s32 $0xFFFF8000  }
0x3b1: {  	[tilespmem:s20], [sflag:$0x1] =	stream.linear.gather [hbm4b:s4+s20], $0x8000, $0x38;
	[tilespmem:$0x10000] =	vst v63  }
0x3b2: {  	_ =	swait.ge [sflag:s16], $0x8000  }
0x3b3: {  	[sflag:s16] =	ssyncset.done $0x0  }
0x3b4: {  	s18 =	simm.s32 $0x0;
	[sflag:s16] =	ssyncadd.s32 $0xFFFF8000  }
0x3b5: {  	v5 =	vld [tilespmem:s18+$0x8000]  }
0x3b6: {  	v6 =	vld [tilespmem:s18+$0x8010]  }
0x3b7: {  	v1 =	vld [tilespmem:s18+$0x8020]  }
0x3b8: {  	v0 =	vld [tilespmem:s18+$0x8030]  }
0x3b9: {  	v2 =	vld [tilespmem:s18+$0x0]  }
0x3ba: {  	v4 =	vld [tilespmem:s18+$0x10]  }
0x3bb: {  	s19 =	simm.s32 $0x100;
	v3 =	vld [tilespmem:s18+$0x20]  }
.LBB2_58:
0x3bc: {  	s20 =	sshra.s32 s19, $0x2;
	p0 =	sne.s32 s19, $0x1FF00;
	v7 =	vld [tilespmem:s18+$0x30];
	v8 =	vmov v1  }
0x3bd: {  	v9 =	vld [tilespmem:s20+$0x8000];
	v10 =	vmov v0  }
0x3be: {  	v11 =	vld [tilespmem:s20+$0x8010];
	v2 =	vadd.f32 v5, v2  }
.Ltmp28:
0x3bf: {  	v1 =	vld [tilespmem:s20+$0x8020];
	v4 =	vadd.f32 v6, v4;
	(pc) =	sbr.rel @p0 .LBB2_58-.Ltmp28, $4  }
0x3c0: {  	v0 =	vld [tilespmem:s20+$0x8030];
	[tilespmem:s18+$0x0] =	vst v2;
	v3 =	vadd.f32 v8, v3  }
0x3c1: {  	v2 =	vld [tilespmem:s20+$0x0];
	[tilespmem:s18+$0x10] =	vst v4;
	v7 =	vadd.f32 v10, v7  }
0x3c2: {  	v4 =	vld [tilespmem:s20+$0x10];
	[tilespmem:s18+$0x20] =	vst v3;
	v5 =	vmov v9  }
0x3c3: {  	s19 =	sadd.s32 $0x100, s19;
	v3 =	vld [tilespmem:s20+$0x20];
	[tilespmem:s18+$0x30] =	vst v7;
	v6 =	vmov v11;
	s18 =	smov.u32 s20  }
0x3c4: {  	v7 =	vld [tilespmem:s18+$0x30];
	_ =	sdelay $0x1  }
0x3c5: {  	v2 =	vadd.f32 v5, v2  }
0x3c6: {  	v4 =	vadd.f32 v6, v4  }
0x3c7: {  	[tilespmem:s18+$0x0] =	vst v2;
	v1 =	vadd.f32 v1, v3  }
0x3c8: {  	[tilespmem:s18+$0x10] =	vst v4;
	v0 =	vadd.f32 v0, v7  }
0x3c9: {  	[tilespmem:s18+$0x20] =	vst v1  }
0x3ca: {  	s20 =	simm.s32 $0x0;
	[tilespmem:s18+$0x30] =	vst v0  }
0x3cb: {  	[hbm4b:s5+s20] =	stream.linear.scatter [tilespmem:s20], [sflag:$0x1], $0x8000, $0x38;
	[tilespmem:$0x10000] =	vst v63  }
0x3cc: {  	_ =	swait.ge [sflag:s16], $0x8000  }
0x3cd: {  	[sflag:s16] =	ssyncset.done $0x0  }
0x3ce: {  	[sflag:s16] =	ssyncadd.s32 $0xFFFF8000  }
0x3cf: {  	[tilespmem:s20], [sflag:$0x1] =	stream.linear.gather [hbm4b:s6+s20], $0x8000, $0x38;
	[tilespmem:$0x10000] =	vst v63  }
0x3d0: {  	_ =	swait.ge [sflag:s16], $0x8000  }
0x3d1: {  	[sflag:s16] =	ssyncset.done $0x0  }
0x3d2: {  	s18 =	simm.s32 $0x0;
	[sflag:s16] =	ssyncadd.s32 $0xFFFF8000  }
0x3d3: {  	v5 =	vld [tilespmem:s18+$0x8000]  }
0x3d4: {  	v6 =	vld [tilespmem:s18+$0x8010]  }
0x3d5: {  	v1 =	vld [tilespmem:s18+$0x8020]  }
0x3d6: {  	v0 =	vld [tilespmem:s18+$0x8030]  }
0x3d7: {  	v2 =	vld [tilespmem:s18+$0x0]  }
0x3d8: {  	v4 =	vld [tilespmem:s18+$0x10]  }
0x3d9: {  	s19 =	simm.s32 $0x100;
	v3 =	vld [tilespmem:s18+$0x20]  }
.LBB2_60:
0x3da: {  	s20 =	sshra.s32 s19, $0x2;
	p0 =	sne.s32 s19, $0x1FF00;
	v7 =	vld [tilespmem:s18+$0x30];
	v8 =	vmov v1  }
0x3db: {  	v9 =	vld [tilespmem:s20+$0x8000];
	v10 =	vmov v0  }
0x3dc: {  	v11 =	vld [tilespmem:s20+$0x8010];
	v2 =	vadd.f32 v5, v2  }
.Ltmp29:
0x3dd: {  	v1 =	vld [tilespmem:s20+$0x8020];
	v4 =	vadd.f32 v6, v4;
	(pc) =	sbr.rel @p0 .LBB2_60-.Ltmp29, $4  }
0x3de: {  	v0 =	vld [tilespmem:s20+$0x8030];
	[tilespmem:s18+$0x0] =	vst v2;
	v3 =	vadd.f32 v8, v3  }
0x3df: {  	v2 =	vld [tilespmem:s20+$0x0];
	[tilespmem:s18+$0x10] =	vst v4;
	v7 =	vadd.f32 v10, v7  }
0x3e0: {  	v4 =	vld [tilespmem:s20+$0x10];
	[tilespmem:s18+$0x20] =	vst v3;
	v5 =	vmov v9  }
0x3e1: {  	s19 =	sadd.s32 $0x100, s19;
	v3 =	vld [tilespmem:s20+$0x20];
	[tilespmem:s18+$0x30] =	vst v7;
	v6 =	vmov v11;
	s18 =	smov.u32 s20  }
0x3e2: {  	v7 =	vld [tilespmem:s18+$0x30];
	_ =	sdelay $0x1  }
0x3e3: {  	v2 =	vadd.f32 v5, v2  }
0x3e4: {  	v4 =	vadd.f32 v6, v4  }
0x3e5: {  	[tilespmem:s18+$0x0] =	vst v2;
	v1 =	vadd.f32 v1, v3  }
0x3e6: {  	[tilespmem:s18+$0x10] =	vst v4;
	v0 =	vadd.f32 v0, v7  }
0x3e7: {  	[tilespmem:s18+$0x20] =	vst v1  }
0x3e8: {  	s20 =	simm.s32 $0x0;
	[tilespmem:s18+$0x30] =	vst v0  }
0x3e9: {  	[hbm4b:s7+s20] =	stream.linear.scatter [tilespmem:s20], [sflag:$0x1], $0x8000, $0x38;
	[tilespmem:$0x10000] =	vst v63  }
0x3ea: {  	_ =	swait.ge [sflag:s16], $0x8000  }
0x3eb: {  	[sflag:s16] =	ssyncset.done $0x0  }
0x3ec: {  	[sflag:s16] =	ssyncadd.s32 $0xFFFF8000  }
0x3ed: {  	[tilespmem:s20], [sflag:$0x1] =	stream.linear.gather [hbm4b:s10+s20], $0x8000, $0x38;
	[tilespmem:$0x10000] =	vst v63  }
0x3ee: {  	_ =	swait.ge [sflag:s16], $0x8000  }
0x3ef: {  	[sflag:s16] =	ssyncset.done $0x0  }
0x3f0: {  	s18 =	simm.s32 $0x0;
	[sflag:s16] =	ssyncadd.s32 $0xFFFF8000  }
0x3f1: {  	v5 =	vld [tilespmem:s18+$0x8000]  }
0x3f2: {  	v6 =	vld [tilespmem:s18+$0x8010]  }
0x3f3: {  	v1 =	vld [tilespmem:s18+$0x8020]  }
0x3f4: {  	v0 =	vld [tilespmem:s18+$0x8030]  }
0x3f5: {  	v2 =	vld [tilespmem:s18+$0x0]  }
0x3f6: {  	v4 =	vld [tilespmem:s18+$0x10]  }
0x3f7: {  	s19 =	simm.s32 $0x100;
	v3 =	vld [tilespmem:s18+$0x20]  }
.LBB2_62:
0x3f8: {  	s20 =	sshra.s32 s19, $0x2;
	p0 =	sne.s32 s19, $0x1FF00;
	v7 =	vld [tilespmem:s18+$0x30];
	v8 =	vmov v1  }
0x3f9: {  	v9 =	vld [tilespmem:s20+$0x8000];
	v10 =	vmov v0  }
0x3fa: {  	v11 =	vld [tilespmem:s20+$0x8010];
	v2 =	vadd.f32 v5, v2  }
.Ltmp30:
0x3fb: {  	v1 =	vld [tilespmem:s20+$0x8020];
	v4 =	vadd.f32 v6, v4;
	(pc) =	sbr.rel @p0 .LBB2_62-.Ltmp30, $4  }
0x3fc: {  	v0 =	vld [tilespmem:s20+$0x8030];
	[tilespmem:s18+$0x0] =	vst v2;
	v3 =	vadd.f32 v8, v3  }
0x3fd: {  	v2 =	vld [tilespmem:s20+$0x0];
	[tilespmem:s18+$0x10] =	vst v4;
	v7 =	vadd.f32 v10, v7  }
0x3fe: {  	v4 =	vld [tilespmem:s20+$0x10];
	[tilespmem:s18+$0x20] =	vst v3;
	v5 =	vmov v9  }
0x3ff: {  	s19 =	sadd.s32 $0x100, s19;
	v3 =	vld [tilespmem:s20+$0x20];
	[tilespmem:s18+$0x30] =	vst v7;
	v6 =	vmov v11;
	s18 =	smov.u32 s20  }
0x400: {  	v7 =	vld [tilespmem:s18+$0x30];
	_ =	sdelay $0x1  }
0x401: {  	v2 =	vadd.f32 v5, v2  }
0x402: {  	v4 =	vadd.f32 v6, v4  }
0x403: {  	[tilespmem:s18+$0x0] =	vst v2;
	v1 =	vadd.f32 v1, v3  }
0x404: {  	[tilespmem:s18+$0x10] =	vst v4;
	v0 =	vadd.f32 v0, v7  }
0x405: {  	[tilespmem:s18+$0x20] =	vst v1  }
0x406: {  	s20 =	simm.s32 $0x0;
	[tilespmem:s18+$0x30] =	vst v0  }
0x407: {  	[hbm4b:s11+s20] =	stream.linear.scatter [tilespmem:s20], [sflag:$0x1], $0x8000, $0x38;
	[tilespmem:$0x10000] =	vst v63  }
0x408: {  	_ =	swait.ge [sflag:s16], $0x8000  }
0x409: {  	[sflag:s16] =	ssyncset.done $0x0  }
0x40a: {  	[sflag:s16] =	ssyncadd.s32 $0xFFFF8000  }
0x40b: {  	[tilespmem:s20], [sflag:$0x1] =	stream.linear.gather [hbm4b:s12+s20], $0x8000, $0x38;
	[tilespmem:$0x10000] =	vst v63  }
0x40c: {  	_ =	swait.ge [sflag:s16], $0x8000  }
0x40d: {  	[sflag:s16] =	ssyncset.done $0x0  }
0x40e: {  	s18 =	simm.s32 $0x0;
	[sflag:s16] =	ssyncadd.s32 $0xFFFF8000  }
0x40f: {  	v5 =	vld [tilespmem:s18+$0x8000]  }
0x410: {  	v6 =	vld [tilespmem:s18+$0x8010]  }
0x411: {  	v1 =	vld [tilespmem:s18+$0x8020]  }
0x412: {  	v0 =	vld [tilespmem:s18+$0x8030]  }
0x413: {  	v2 =	vld [tilespmem:s18+$0x0]  }
0x414: {  	v4 =	vld [tilespmem:s18+$0x10]  }
0x415: {  	s19 =	simm.s32 $0x100;
	v3 =	vld [tilespmem:s18+$0x20]  }
.LBB2_64:
0x416: {  	s20 =	sshra.s32 s19, $0x2;
	p0 =	sne.s32 s19, $0x1FF00;
	v7 =	vld [tilespmem:s18+$0x30];
	v8 =	vmov v1  }
0x417: {  	v9 =	vld [tilespmem:s20+$0x8000];
	v10 =	vmov v0  }
0x418: {  	v11 =	vld [tilespmem:s20+$0x8010];
	v2 =	vadd.f32 v5, v2  }
.Ltmp31:
0x419: {  	v1 =	vld [tilespmem:s20+$0x8020];
	v4 =	vadd.f32 v6, v4;
	(pc) =	sbr.rel @p0 .LBB2_64-.Ltmp31, $4  }
0x41a: {  	v0 =	vld [tilespmem:s20+$0x8030];
	[tilespmem:s18+$0x0] =	vst v2;
	v3 =	vadd.f32 v8, v3  }
0x41b: {  	v2 =	vld [tilespmem:s20+$0x0];
	[tilespmem:s18+$0x10] =	vst v4;
	v7 =	vadd.f32 v10, v7  }
0x41c: {  	v4 =	vld [tilespmem:s20+$0x10];
	[tilespmem:s18+$0x20] =	vst v3;
	v5 =	vmov v9  }
0x41d: {  	s19 =	sadd.s32 $0x100, s19;
	v3 =	vld [tilespmem:s20+$0x20];
	[tilespmem:s18+$0x30] =	vst v7;
	v6 =	vmov v11;
	s18 =	smov.u32 s20  }
0x41e: {  	v7 =	vld [tilespmem:s18+$0x30];
	_ =	sdelay $0x1  }
0x41f: {  	v2 =	vadd.f32 v5, v2  }
0x420: {  	v4 =	vadd.f32 v6, v4  }
0x421: {  	[tilespmem:s18+$0x0] =	vst v2;
	v1 =	vadd.f32 v1, v3  }
0x422: {  	s17 =	sadd.s32 $0x1, s17;
	[tilespmem:s18+$0x10] =	vst v4;
	v0 =	vadd.f32 v0, v7  }
0x423: {  	p0 =	sne.s32 s17, s14;
	[tilespmem:s18+$0x20] =	vst v1  }
.Ltmp32:
0x424: {  	[tilespmem:s18+$0x30] =	vst v0;
	(pc) =	sbr.rel @p0 .LBB2_1-.Ltmp32, $4  }
0x425: {  	[hbm4b:s13+s1] =	stream.linear.scatter [tilespmem:s1], [sflag:$0x1], $0x8000, $0x38;
	[tilespmem:$0x10000] =	vst v63  }
0x426: {  	_ =	swait.ge [sflag:s16], $0x8000  }
0x427: {  	[sflag:s16] =	ssyncset.done $0x0  }
0x428: {  	[sflag:s16] =	ssyncadd.s32 $0xFFFF8000  }
0x429: {  	_ =	sfence.sel $0x180000  }
0x42a: {  	[bflag:$0x0] =	sbarrier.arrive $0xFFFF  }
0x42b: {  	_ =	strace $0x9000004D  }
0x42c: {  	s0 =	stileid.u32;
	[bflag:$0x2] =	sbarrier.arrive $0xFFFF  }
0x42d: {  	p0 =	sne.s32 s0, $0x0;
	s0 =	rddreg [dreg:$0x2]  }
0x42e: {  	s0 =	sadd.s32 @!p0 $0x100000, s0  }
0x42f: {  	[sflag:s0] =	ssyncadd.tile.s32 @!p0 $0x1;
	_ =	shalt  }
.Lfunc_end2:
_tile_overlayer_lowered:
.L_overlay_start_2:
0x430: {  	(tag) =	ssettag $0x2  }
0x431: {  	s0 =	rddreg [dreg:$0x0];
	s2 =	stileid.u32  }
0x432: {  	s1 =	rddreg [dreg:$0x1];
	p0 =	sne.s32 s2, $0x0  }
0x433: {  	s3 =	rddreg [dreg:$0x2];
	[bflag:$0x3] =	sbarrier.arrive $0xFFFF;
	s2 =	simm.s32 @!p0 $0x1C01  }
0x434: {  	[timem:s3], [sflag:s2] =	dma.local @!p0 [hbm:s0], s1  }
0x435: {  	s0 =	simm.s32 @!p0 $0x1  }
0x436: {  	_ =	swait.ge @!p0 [sflag:s0], s1  }
0x437: {  	s1 =	ssub.s32 @!p0 $0x0, s1;
	[sflag:s0] =	ssyncset.done @!p0 $0x0  }
0x438: {  	[sflag:s0] =	ssyncadd.s32 @!p0 s1  }
0x439: {  	[bflag:$0x3] =	sbarrier.arrive $0xFFFF  }
0x43a: {  	_ =	shalt  }

// kernel: sparse-core-data-format-call.1.cloned.1.call-start
scs
called_computation.1_lowered:
.L_overlay_start_0:
0x0: {  	s2 =	sld [smem:$0x3FD9]  }
0x1: {  	s3 =	sld [smem:$0x3FFE];
	_ =	sdelay $0x1  }
0x2: {  	s1 =	srdreg.scid  }
0x3: {  	s0 =	sand.u32 $0x1, s1  }
0x4: {  	s19 =	sshll.u32 s0, $0xA;
	s2 =	sadd.s32 s3, s2  }
0x5: {  	s2 =	sadd.s32 s2, s19  }
0x6: {  	[smem:$0x3FC6] =	sst s2  }
0x7: {  	_ = 	snop  }
0x8: {  	s20 =	sld [smem:$0x3FC9]  }
0x9: {  	s4 =	sld [smem:$0x3FD0];
	(tm) =	ssettm $0x1  }
0xa: {  	s21 =	sld [smem:$0x3FFB];
	_ =	sdelay $0x3  }
0xb: {  	_ =	strace s21  }
0xc: {  	s2 =	sld [smem:$0x3FFC];
	_ =	sdelay $0x3  }
0xd: {  	_ =	strace s2  }
0xe: {  	s2 =	sld [smem:$0x3FFD];
	_ =	sdelay $0x3  }
0xf: {  	_ =	strace s2  }
0x10: {  	_ =	strace $0x8FFFFFFF  }
0x11: {  	s22 =	sld [smem:$0x3FDB];
	_ =	sdelay $0x1  }
0x12: {  	s5 =	simm.s32 $_scs_section_size  }
0x13: {  	s6 =	simm.s32 $_size__tile_overlayer_lowered;
	s7 =	simm.s32 $_tile_overlayer_lowered  }
0x14: {  	s8 =	simm.s32 $0x1BFF;
	s23 =	sshll.u32 s7, $0x1;
	s5 =	sadd.s32 s5, s22  }
0x15: {  	s24 =	simm.s32 $0x0;
	s6 =	sshll.u32 s6, $0x1;
	s7 =	sadd.s32 s23, s5  }
0x16: {  	[timem:s24], [sflag:s8] =	dma.local [hbm:s7], s6  }
0x17: {  	_ =	swait.ge [sflag:s8], s6  }
0x18: {  	s6 =	ssub.s32 $0x0, s6;
	[sflag:s8] =	ssyncset.done $0x0  }
0x19: {  	[sflag:s8] =	ssyncadd.s32 s6;
	_ =	sdelay $0x1  }
0x1a: {  	s25 =	simm.s32 $0x1B8B  }
0x1b: {  	_ =	swait.ge [sflag:s25], $0x1  }
0x1c: {  	[sflag:s25] =	ssyncset.done $0x0  }
0x1d: {  	[sflag:s25] =	ssyncadd.s32 $0xFFFFFFFF  }
0x1e: {  	s6 =	sld [smem:$0x0]  }
0x1f: {  	s7 =	sand.u32 $0xFFFFFFFE, s1  }
0x20: {  	p0 =	sne.s32 s1, s7  }
0x21: {  	s7 =	sshll.u32 @p0 s7, $0xE  }
0x22: {  	s7 =	sadd.s32 @p0 $0x11B8D, s7;
	s8 =	sshll.u32 @p0 s6, $0x11  }
0x23: {  	s7 =	sor.u32 @p0 s8, s7  }
0x24: {  	[sflag:s7] =	ssyncadd.remote.s32 @p0 $0x1;
	_ =	sdelay $0x1  }
0x25: {  	s7 =	simm.s32 @p0 $0x1B8D  }
0x26: {  	_ =	swait.eq @p0 [sflag:s7], $0x1  }
0x27: {  	[sflag:s7] =	ssyncadd.s32 @p0 $0xFFFFFFFF  }
0x28: {  	s8 =	sshll.u32 @!p0 s1, $0xE  }
0x29: {  	s8 =	sor.u32 @!p0 $0x4000, s8;
	s7 =	simm.s32 @!p0 $0x1B8D  }
0x2a: {  	s6 =	sshll.u32 @!p0 s6, $0x11;
	s8 =	sadd.s32 @!p0 $0x11B8D, s8;
	_ =	swait.eq @!p0 [sflag:s7], $0x1  }
0x2b: {  	s6 =	sor.u32 @!p0 s6, s8;
	[sflag:s7] =	ssyncadd.s32 @!p0 $0xFFFFFFFF  }
0x2c: {  	s26 =	simm.s32 $0x1B8E;
	[sflag:s6] =	ssyncadd.remote.s32 @!p0 $0x1  }
0x2d: {  	s27 =	simm.s32 $execute0_lowered;
	[smem:$0x3FD2] =	sst s26  }
0x2e: {  	s6 =	sshll.u32 s27, $0x1;
	_ =	strace $0x80000049;
	[dreg:$0x1] =	wrdreg $0xFFFFFFFF  }
0x2f: {  	s28 =	simm.s32 $_size_execute0_lowered;
	s5 =	sadd.s32 s5, s6;
	[dreg:$0x0] =	wrdreg $0x0  }
0x30: {  	s6 =	sshll.u32 s28, $0x1;
	[dreg:$0x2] =	wrdreg s5  }
0x31: {  	[dreg:$0x3] =	wrdreg s6  }
0x32: {  	[dreg:$0x4] =	wrdreg $0xC0  }
0x33: {  	_ =	task [dreg:s24], $0x5FFFF  }
0x34: {  	[dreg:$0x1] =	wrdreg $0xFFFFFFFF  }
0x35: {  	[dreg:$0x0] =	wrdreg $0x60  }
0x36: {  	[dreg:$0x2] =	wrdreg s20  }
0x37: {  	[dreg:$0x3] =	wrdreg s4  }
0x38: {  	[dreg:$0x4] =	wrdreg $0xA  }
0x39: {  	_ =	task.clear_ibuf [dreg:s24], $0x5FFFF;
	_ =	strace $0x90000049  }
0x3a: {  	s29 =	simm.s32 $0xA;
	_ =	strace $0x8000004B  }
0x3b: {  	_ =	swait.ge [sflag:s29], $0x1  }
0x3c: {  	[sflag:s29] =	ssyncadd.s32 $0xFFFFFFFF  }
0x3d: {  	_ =	strace $0x9000004B  }
0x3e: {  	_ =	sfence  }
0x3f: {  	s30 =	sld [smem:$0x0];
	_ =	sdelay $0x2  }
0x40: {  	s31 =	sshll.u32 s1, $0xD;
	s1 =	sshrl.u32 s1, $0x2  }
0x41: {  	s4 =	sand.u32 $0x4000, s31;
	s1 =	sadd.s32 s1, s30  }
0x42: {  	s0 =	sor.u32 s4, s0;
	s1 =	sshll.u32 s1, $0x11  }
0x43: {  	s0 =	sor.u32 s1, s0  }
0x44: {  	s0 =	sadd.s32 $0x8F2B, s0  }
0x45: {  	[sflag:s0] =	ssyncadd.remote.s32 $0x1  }
0x46: {  	_ =	sfence.sel $0xFFFF  }
0x47: {  	[dreg:$0x0] =	wrdreg $0xFFFFFFFF;
	(pc) =	sbr.abs _section_cstart, $3  }
0x48: {  	[dreg:$0x1] =	wrdreg $0xFFFFFFFF  }
0x49: {  	_ =	task.clear_ibuf [dreg:s24], $0x2FFFF;
	_ =	strace $0x9FFFFFFF  }
0x4a: {  	(tm) =	ssettm $0x7FFFFFFF  }
0x4b: {  	_ =	shalt  }
tec
execute0_lowered:
.L_overlay_start_1:
0x0: {  	(tag) =	ssettag $0x1  }
0x1: {  	s0 =	srdreg.scid  }
0x2: {  	s1 =	sshll.u32 s0, $0x4  }
0x3: {  	s2 =	rddreg [dreg:$0x0];
	s0 =	stileid.u32;
	s1 =	sand.u32 $0x10, s1  }
0x4: {  	s4 =	rddreg [dreg:$0x1];
	s1 =	sor.u32 s0, s1  }
0x5: {  	s7 =	simm.s32 $0x1;
	s8 =	simm.s32 $0x2;
	s3 =	sshll.u32 s1, $0x1  }
0x6: {  	s9 =	simm.s32 $0x0;
	s12 =	simm.s32 $0x0;
	s6 =	ssub.s32 $0x1000, s3  }
.Ltmp0:
0x7: {  	s11 =	simm.s32 $0x0;
	s5 =	sand.u32 $0x3E, s6;
	(pc) =	sbr.rel .LBB1_1-.Ltmp0, $4  }
0x8: {  	s1 =	rddreg [dreg:$0x2];
	_ =	strace $0x8000004A;
	p0 =	sne.s32 s5, $0x0  }
0x9: {  	s6 =	sshrl.u32 s6, $0x6;
	s5 =	simm.s32 $0x1;
	s7 =	simm.s32 @!p0 $0x0  }
0xa: {  	s10 =	smov.u32 s3;
	[sflag:s5] =	ssyncpa.u1 $0x0;
	s6 =	sadd.s32 s7, s6  }
0xb: {  	[sflag:s8] =	ssyncpa.u1 $0x0;
	s8 =	simm.s32 $0x0;
	s7 =	sadd.s32 $0x1, s6  }
.LBB1_9:
0xc: {  	s14 =	sadd.s32 $0x40, s10  }
0xd: {  	p1 =	sgt.s32 s14, $0xFFF  }
0xe: {  	s14 =	smov.u32 @p1 s3;
	p1 =	sne.s32 s11, s7  }
.Ltmp1:
0xf: {  	p0 =	slt.u32 s11, $0x2;
	(pc) =	sbr.rel @!p1 .LBB1_10-.Ltmp1, $4  }
0x10: {  	s13 =	simm.s32 @!p0 $0x2  }
0x11: {  	s15 =	sadd.s32 $0x1, s11;
	_ =	swait.ge @!p0 [sflag:s13], $0x4000  }
0x12: {  	s12 =	smov.u32 s10;
	s9 =	sadd.s32 $0x4000, s9;
	[sflag:s13] =	ssyncset.done @!p0 $0x0  }
0x13: {  	s11 =	smov.u32 s15;
	s10 =	smov.u32 s14;
	[sflag:s13] =	ssyncadd.s32 @!p0 $0xFFFFC000  }
.LBB1_1:
0x14: {  	p0 =	sge.u32 s11, s6  }
0x15: {  	s13 =	sxor.u32 @!p0 $0xFFFFFFFF, s11  }
0x16: {  	s31 =	sadd.s32 $0xFFFFFFFF, s11;
	s14 =	sshll.u32 @!p0 s10, $0xA;
	s13 =	sshll.u32 @!p0 s13, $0xE  }
0x17: {  	s15 =	simm.s32 @!p0 $0x0;
	s14 =	sadd.s32 @!p0 s2, s14;
	s13 =	sand.u32 @!p0 $0x4000, s13  }
0x18: {  	[tilespmem:s13], [sflag:$0x1] =	stream.linear.gather @!p0 [hbm4b:s14+s15], $0x4000, $0x38;
	[tilespmem:$0x10000] =	vst v63  }
0x19: {  	p0 =	sge.u32 s31, s6  }
.Ltmp2:
0x1a: {  	_ = 	snop;
	(pc) =	sbr.rel @p0 .LBB1_9-.Ltmp2, $1  }
0x1b: {  	_ =	sdelay $0x3  }
0x1c: {  	s13 =	sshll.u32 s9, $0x2  }
0x1d: {  	_ =	swait.ge [sflag:s5], $0x4000;
	s14 =	sshll.u32 s11, $0xE;
	s16 =	simm.s32 $0x0  }
0x1e: {  	p1 =	por $0x1, $0x1;
	s13 =	sand.u32 $0x10000, s13;
	[sflag:s5] =	ssyncset.done $0x0  }
0x1f: {  	s14 =	sand.u32 $0x4000, s14;
	s15 =	sshrl.u32 s13, $0x2;
	[sflag:s5] =	ssyncadd.s32 $0xFFFFC000  }
0x20: {  	s13 =	sor.u32 $0x8000, s14;
	s14 =	sadd.s32 $0x8040, s15;
	s15 =	sadd.s32 $0x40, s15  }
.LBB1_3:
0x21: {  	s16 =	sshll.u32 s16, $0x2  }
0x22: {  	p0 =	por p1, p1;
	s17 =	sshra.s32 s16, $0x2  }
0x23: {  	s18 =	simm.s32 $0x0;
	s16 =	sadd.s32 s17, s14;
	s17 =	sadd.s32 s17, s15  }
.LBB1_4:
0x24: {  	v0 =	vmov s17;
	_ =	sdelay $0x3  }
0x25: {  	s20 =	simm.s32 $0x0  }
0x26: {  	v6 =	vld.idx.msk [tilespmem:v0+s20+$0x30 ss:$0x1], $0xffff  }
0x27: {  	v7 =	vld.idx.msk [tilespmem:v0+s20+$0xFFFFFFC0 ss:$0x1], $0xffff  }
0x28: {  	v5 =	vld.idx.msk [tilespmem:v0+s20+$0xFFFFFFD0 ss:$0x1], $0xffff  }
0x29: {  	v4 =	vld.idx.msk [tilespmem:v0+s20+$0xFFFFFFE0 ss:$0x1], $0xffff  }
0x2a: {  	v3 =	vld.idx.msk [tilespmem:v0+s20+$0xFFFFFFF0 ss:$0x1], $0xffff  }
0x2b: {  	v1 =	vld.idx.msk [tilespmem:v0+s20+$0x0 ss:$0x1], $0xffff  }
0x2c: {  	v2 =	vld.idx.msk [tilespmem:v0+s20+$0x10 ss:$0x1], $0xffff;
	[tilespmem:s16+$0x30] =	vst v6  }
0x2d: {  	s19 =	simm.s32 $0x80;
	s21 =	simm.s32 $0x400;
	[tilespmem:s16+$0xFFFFFFC0] =	vst v7;
	v6 =	vld.idx.msk [tilespmem:v0+s20+$0x20 ss:$0x1], $0xffff;
	s20 =	smov.u32 s16  }
.LBB1_5:
0x2e: {  	p1 =	sne.s32 s21, $0xE00;
	v7 =	vld.idx.msk [tilespmem:v0+s19+$0x30 ss:$0x1], $0xffff;
	[tilespmem:s20+$0xFFFFFFD0] =	vst v5  }
0x2f: {  	v8 =	vld.idx.msk [tilespmem:v0+s19+$0xFFFFFFC0 ss:$0x1], $0xffff;
	[tilespmem:s20+$0xFFFFFFE0] =	vst v4  }
0x30: {  	v5 =	vld.idx.msk [tilespmem:v0+s19+$0xFFFFFFD0 ss:$0x1], $0xffff;
	[tilespmem:s20+$0xFFFFFFF0] =	vst v3  }
.Ltmp3:
0x31: {  	v4 =	vld.idx.msk [tilespmem:v0+s19+$0xFFFFFFE0 ss:$0x1], $0xffff;
	[tilespmem:s20+$0x0] =	vst v1;
	(pc) =	sbr.rel @p1 .LBB1_5-.Ltmp3, $4  }
0x32: {  	v3 =	vld.idx.msk [tilespmem:v0+s19+$0xFFFFFFF0 ss:$0x1], $0xffff;
	[tilespmem:s20+$0x10] =	vst v2  }
0x33: {  	v1 =	vld.idx.msk [tilespmem:v0+s19+$0x0 ss:$0x1], $0xffff;
	[tilespmem:s20+$0x20] =	vst v6;
	s20 =	sadd.s32 $0x400, s20  }
0x34: {  	v2 =	vld.idx.msk [tilespmem:v0+s19+$0x10 ss:$0x1], $0xffff;
	[tilespmem:s20+$0x30] =	vst v7  }
0x35: {  	[tilespmem:s20+$0xFFFFFFC0] =	vst v8;
	v6 =	vld.idx.msk [tilespmem:v0+s19+$0x20 ss:$0x1], $0xffff;
	s19 =	sshra.s32 s21, $0x2;
	s21 =	sadd.s32 $0x200, s21  }
0x36: {  	_ =	sdelay $0x2  }
0x37: {  	[tilespmem:s20+$0xFFFFFFD0] =	vst v5  }
0x38: {  	v56 =	vld.idx.msk [tilespmem:v0+s19+$0x30 ss:$0x1], $0xffff;
	[tilespmem:s20+$0xFFFFFFE0] =	vst v4  }
0x39: {  	v57 =	vld.idx.msk [tilespmem:v0+s19+$0xFFFFFFC0 ss:$0x1], $0xffff;
	[tilespmem:s20+$0xFFFFFFF0] =	vst v3  }
0x3a: {  	v58 =	vld.idx.msk [tilespmem:v0+s19+$0xFFFFFFD0 ss:$0x1], $0xffff;
	[tilespmem:s20+$0x0] =	vst v1  }
0x3b: {  	v59 =	vld.idx.msk [tilespmem:v0+s19+$0xFFFFFFE0 ss:$0x1], $0xffff;
	[tilespmem:s20+$0x10] =	vst v2  }
0x3c: {  	v60 =	vld.idx.msk [tilespmem:v0+s19+$0xFFFFFFF0 ss:$0x1], $0xffff;
	s31 =	sadd.s32 $0x400, s20;
	[tilespmem:s20+$0x20] =	vst v6  }
0x3d: {  	v61 =	vld.idx.msk [tilespmem:v0+s19+$0x0 ss:$0x1], $0xffff;
	[tilespmem:s31+$0x30] =	vst v56  }
0x3e: {  	v62 =	vld.idx.msk [tilespmem:v0+s19+$0x10 ss:$0x1], $0xffff;
	s18 =	sadd.s32 $0x1, s18;
	[tilespmem:s31+$0xFFFFFFC0] =	vst v57  }
0x3f: {  	v63 =	vld.idx.msk [tilespmem:v0+s19+$0x20 ss:$0x1], $0xffff;
	p1 =	sne.s32 s18, $0x8;
	[tilespmem:s31+$0xFFFFFFD0] =	vst v58  }
.Ltmp4:
0x40: {  	[tilespmem:s31+$0xFFFFFFE0] =	vst v59;
	(pc) =	sbr.rel @p1 .LBB1_4-.Ltmp4, $4  }
0x41: {  	[tilespmem:s31+$0xFFFFFFF0] =	vst v60  }
0x42: {  	[tilespmem:s31+$0x0] =	vst v61  }
0x43: {  	[tilespmem:s31+$0x10] =	vst v62  }
0x44: {  	s16 =	sadd.s32 $0x80, s16;
	s17 =	sadd.s32 $0x400, s17;
	[tilespmem:s31+$0x20] =	vst v63  }
.Ltmp5:
0x45: {  	(pc) =	sbr.rel @p0 .LBB1_3-.Ltmp5, $2  }
0x46: {  	_ =	sdelay $0x2  }
0x47: {  	s16 =	simm.s32 $0x2000;
	p1 =	por $0x0, $0x0  }
.Ltmp6:
0x48: {  	(pc) =	sbr.rel .LBB1_9-.Ltmp6, $4  }
0x49: {  	_ = 	snop  }
0x4a: {  	s12 =	sshll.u32 s12, $0xA  }
0x4b: {  	s12 =	sadd.s32 s4, s12  }
0x4c: {  	[hbm4b:s12+s8] =	stream.linear.scatter [tilespmem:s13], [sflag:$0x2], $0x4000, $0x38;
	[tilespmem:$0x10000] =	vst v63  }
.LBB1_10:
0x4d: {  	_ =	sfence.sel $0x180000  }
0x4e: {  	s2 =	simm.s32 $0x1;
	[bflag:$0x0] =	sbarrier.arrive $0xFFFF  }
0x4f: {  	s31 =	simm.s32 $0x2;
	[sflag:s2] =	ssyncpa.u1 $0x1  }
0x50: {  	[sflag:s31] =	ssyncpa.u1 $0x1  }
0x51: {  	p0 =	sne.s32 s0, $0x0;
	_ =	strace $0x9000004A  }
0x52: {  	s0 =	sadd.s32 @!p0 $0x100000, s1;
	[bflag:$0x2] =	sbarrier.arrive $0xFFFF  }
0x53: {  	[sflag:s0] =	ssyncadd.tile.s32 @!p0 $0x1;
	_ =	shalt  }
.Lfunc_end1:
_tile_overlayer_lowered:
.L_overlay_start_2:
0x54: {  	(tag) =	ssettag $0x2  }
0x55: {  	s0 =	rddreg [dreg:$0x0];
	s2 =	stileid.u32  }
0x56: {  	s1 =	rddreg [dreg:$0x1];
	p0 =	sne.s32 s2, $0x0  }
0x57: {  	s3 =	rddreg [dreg:$0x2];
	[bflag:$0x3] =	sbarrier.arrive $0xFFFF;
	s2 =	simm.s32 @!p0 $0x1C01  }
0x58: {  	[timem:s3], [sflag:s2] =	dma.local @!p0 [hbm:s0], s1  }
0x59: {  	s0 =	simm.s32 @!p0 $0x1  }
0x5a: {  	_ =	swait.ge @!p0 [sflag:s0], s1  }
0x5b: {  	s1 =	ssub.s32 @!p0 $0x0, s1;
	[sflag:s0] =	ssyncset.done @!p0 $0x0  }
0x5c: {  	[sflag:s0] =	ssyncadd.s32 @!p0 s1  }
0x5d: {  	[bflag:$0x3] =	sbarrier.arrive $0xFFFF  }
0x5e: {  	_ =	shalt  }

// kernel: sparse-core-data-format-call.cloned.1.call-start
scs
called_computation_lowered:
.L_overlay_start_0:
0x0: {  	s2 =	sld [smem:$0x3FD9]  }
0x1: {  	s3 =	sld [smem:$0x3FFE];
	_ =	sdelay $0x1  }
0x2: {  	s1 =	srdreg.scid  }
0x3: {  	s0 =	sand.u32 $0x1, s1  }
0x4: {  	s18 =	sshll.u32 s0, $0xA;
	s2 =	sadd.s32 s3, s2  }
0x5: {  	s2 =	sadd.s32 s2, s18  }
0x6: {  	[smem:$0x3FC6] =	sst s2  }
0x7: {  	_ = 	snop  }
0x8: {  	s2 =	sld [smem:$0x3FC8];
	(tm) =	ssettm $0x1  }
0x9: {  	s19 =	sld [smem:$0x3FFB];
	_ =	sdelay $0x3  }
0xa: {  	_ =	strace s19  }
0xb: {  	s3 =	sld [smem:$0x3FFC];
	_ =	sdelay $0x3  }
0xc: {  	_ =	strace s3  }
0xd: {  	s3 =	sld [smem:$0x3FFD];
	_ =	sdelay $0x3  }
0xe: {  	_ =	strace s3  }
0xf: {  	_ =	strace $0x8FFFFFFF  }
0x10: {  	s20 =	sld [smem:$0x3FDB];
	_ =	sdelay $0x1  }
0x11: {  	s4 =	simm.s32 $_scs_section_size  }
0x12: {  	s5 =	simm.s32 $_size__tile_overlayer_lowered;
	s6 =	simm.s32 $_tile_overlayer_lowered  }
0x13: {  	s23 =	simm.s32 $0x1BFF;
	s22 =	sshll.u32 s6, $0x1;
	s3 =	sadd.s32 s4, s20  }
0x14: {  	s7 =	simm.s32 $0x0;
	s21 =	sshll.u32 s5, $0x1;
	s5 =	sadd.s32 s22, s3  }
0x15: {  	[timem:s7], [sflag:s23] =	dma.local [hbm:s5], s21  }
0x16: {  	_ =	swait.ge [sflag:s23], s21  }
0x17: {  	s4 =	ssub.s32 $0x0, s21;
	[sflag:s23] =	ssyncset.done $0x0  }
0x18: {  	[sflag:s23] =	ssyncadd.s32 s4;
	_ =	sdelay $0x1  }
0x19: {  	s24 =	simm.s32 $0x1B8B  }
0x1a: {  	_ =	swait.ge [sflag:s24], $0x1  }
0x1b: {  	[sflag:s24] =	ssyncset.done $0x0  }
0x1c: {  	s26 =	simm.s32 $0x1B8E;
	s25 =	sld [smem:$0x3FFE];
	[sflag:s24] =	ssyncadd.s32 $0xFFFFFFFF  }
0x1d: {  	s27 =	simm.s32 $execute0_lowered;
	[smem:$0x3FD2] =	sst s26  }
0x1e: {  	s5 =	sshll.u32 s27, $0x1;
	_ =	strace $0x80000046;
	[dreg:$0x1] =	wrdreg $0xFFFFFFFF  }
0x1f: {  	s28 =	simm.s32 $_size_execute0_lowered;
	s3 =	sadd.s32 s3, s5;
	[dreg:$0x0] =	wrdreg $0x0  }
0x20: {  	s5 =	sshll.u32 s28, $0x1;
	[dreg:$0x2] =	wrdreg s3  }
0x21: {  	[dreg:$0x3] =	wrdreg s5  }
0x22: {  	[dreg:$0x4] =	wrdreg $0xC0  }
0x23: {  	_ =	task [dreg:s7], $0x5FFFF  }
0x24: {  	[dreg:$0x1] =	wrdreg $0xFFFFFFFF  }
0x25: {  	[dreg:$0x0] =	wrdreg $0x60  }
0x26: {  	[dreg:$0x2] =	wrdreg s2  }
0x27: {  	[dreg:$0x3] =	wrdreg s25  }
0x28: {  	[dreg:$0x4] =	wrdreg $0x9  }
0x29: {  	_ =	task.clear_ibuf [dreg:s7], $0x5FFFF;
	_ =	strace $0x90000046  }
0x2a: {  	s29 =	simm.s32 $0x9;
	_ =	strace $0x80000048  }
0x2b: {  	_ =	swait.ge [sflag:s29], $0x1  }
0x2c: {  	[sflag:s29] =	ssyncadd.s32 $0xFFFFFFFF  }
0x2d: {  	_ =	strace $0x90000048  }
0x2e: {  	_ =	sfence  }
0x2f: {  	s30 =	sld [smem:$0x0];
	_ =	sdelay $0x2  }
0x30: {  	s31 =	sshll.u32 s1, $0xD;
	s1 =	sshrl.u32 s1, $0x2  }
0x31: {  	s3 =	sand.u32 $0x4000, s31;
	s1 =	sadd.s32 s1, s30  }
0x32: {  	s0 =	sor.u32 s3, s0;
	s1 =	sshll.u32 s1, $0x11  }
0x33: {  	s0 =	sor.u32 s1, s0  }
0x34: {  	s0 =	sadd.s32 $0x8F2B, s0  }
0x35: {  	[sflag:s0] =	ssyncadd.remote.s32 $0x1  }
0x36: {  	_ =	sfence.sel $0xFFFF  }
0x37: {  	[dreg:$0x0] =	wrdreg $0xFFFFFFFF;
	(pc) =	sbr.abs _section_cstart, $3  }
0x38: {  	[dreg:$0x1] =	wrdreg $0xFFFFFFFF  }
0x39: {  	_ =	task.clear_ibuf [dreg:s7], $0x2FFFF;
	_ =	strace $0x9FFFFFFF  }
0x3a: {  	(tm) =	ssettm $0x7FFFFFFF  }
0x3b: {  	_ =	shalt  }
tec
execute0_lowered:
.L_overlay_start_1:
0x0: {  	(tag) =	ssettag $0x1  }
0x1: {  	s0 =	srdreg.scid  }
0x2: {  	s1 =	sshll.u32 s0, $0x4  }
0x3: {  	s2 =	rddreg [dreg:$0x0];
	s0 =	stileid.u32;
	s1 =	sand.u32 $0x10, s1  }
0x4: {  	s4 =	rddreg [dreg:$0x1];
	s7 =	simm.s32 $0x1;
	s1 =	sor.u32 s0, s1  }
0x5: {  	s8 =	simm.s32 $0x2;
	s9 =	simm.s32 $0x0;
	s3 =	sshll.u32 s1, $0x1  }
0x6: {  	s12 =	simm.s32 $0x0;
	s11 =	simm.s32 $0x0;
	s6 =	ssub.s32 $0x400, s3  }
.Ltmp0:
0x7: {  	s4 =	sadd.s32 $0xC00, s4;
	s5 =	sand.u32 $0x3E, s6;
	(pc) =	sbr.rel .LBB1_1-.Ltmp0, $4  }
0x8: {  	s1 =	rddreg [dreg:$0x2];
	_ =	strace $0x80000047;
	p0 =	sne.s32 s5, $0x0  }
0x9: {  	s6 =	sshrl.u32 s6, $0x6;
	s5 =	simm.s32 $0x1;
	s7 =	simm.s32 @!p0 $0x0  }
0xa: {  	s10 =	smov.u32 s3;
	[sflag:s5] =	ssyncpa.u1 $0x0;
	s6 =	sadd.s32 s7, s6  }
0xb: {  	[sflag:s8] =	ssyncpa.u1 $0x0;
	s8 =	simm.s32 $0x0;
	s7 =	sadd.s32 $0x1, s6  }
.LBB1_9:
0xc: {  	s14 =	sadd.s32 $0x40, s10  }
0xd: {  	p1 =	sgt.s32 s14, $0x3FF  }
0xe: {  	s14 =	smov.u32 @p1 s3;
	p1 =	sne.s32 s11, s7  }
.Ltmp1:
0xf: {  	p0 =	slt.u32 s11, $0x2;
	(pc) =	sbr.rel @!p1 .LBB1_10-.Ltmp1, $4  }
0x10: {  	s13 =	simm.s32 @!p0 $0x2  }
0x11: {  	s15 =	sadd.s32 $0x1, s11;
	_ =	swait.ge @!p0 [sflag:s13], $0x4000  }
0x12: {  	s12 =	smov.u32 s10;
	s9 =	sadd.s32 $0x4000, s9;
	[sflag:s13] =	ssyncset.done @!p0 $0x0  }
0x13: {  	s11 =	smov.u32 s15;
	s10 =	smov.u32 s14;
	[sflag:s13] =	ssyncadd.s32 @!p0 $0xFFFFC000  }
.LBB1_1:
0x14: {  	p0 =	sge.u32 s11, s6  }
0x15: {  	s13 =	sxor.u32 @!p0 $0xFFFFFFFF, s11  }
0x16: {  	s31 =	sadd.s32 $0xFFFFFFFF, s11;
	s14 =	sshll.u32 @!p0 s10, $0xA;
	s13 =	sshll.u32 @!p0 s13, $0xE  }
0x17: {  	s15 =	simm.s32 @!p0 $0x0;
	s14 =	sadd.s32 @!p0 s2, s14;
	s13 =	sand.u32 @!p0 $0x4000, s13  }
0x18: {  	[tilespmem:s13], [sflag:$0x1] =	stream.linear.gather @!p0 [hbm4b:s14+s15], $0x4000, $0x38;
	[tilespmem:$0x10000] =	vst v63  }
0x19: {  	p0 =	sge.u32 s31, s6  }
.Ltmp2:
0x1a: {  	_ = 	snop;
	(pc) =	sbr.rel @p0 .LBB1_9-.Ltmp2, $1  }
0x1b: {  	_ =	sdelay $0x3  }
0x1c: {  	s13 =	sshll.u32 s9, $0x2  }
0x1d: {  	_ =	swait.ge [sflag:s5], $0x4000;
	s14 =	sshll.u32 s11, $0xE;
	s16 =	simm.s32 $0x0  }
0x1e: {  	p1 =	por $0x1, $0x1;
	s13 =	sand.u32 $0x10000, s13;
	[sflag:s5] =	ssyncset.done $0x0  }
0x1f: {  	s14 =	sand.u32 $0x4000, s14;
	s15 =	sshrl.u32 s13, $0x2;
	[sflag:s5] =	ssyncadd.s32 $0xFFFFC000  }
0x20: {  	s13 =	sor.u32 $0x8000, s14;
	s14 =	sadd.s32 $0x8040, s15;
	s15 =	sadd.s32 $0x40, s15  }
.LBB1_3:
0x21: {  	s16 =	sshll.u32 s16, $0x2  }
0x22: {  	p0 =	por p1, p1;
	s17 =	sshra.s32 s16, $0x2  }
0x23: {  	s18 =	simm.s32 $0x0;
	s16 =	sadd.s32 s17, s14;
	s17 =	sadd.s32 s17, s15  }
.LBB1_4:
0x24: {  	v0 =	vmov s17;
	_ =	sdelay $0x3  }
0x25: {  	s20 =	simm.s32 $0x0  }
0x26: {  	v6 =	vld.idx.msk [tilespmem:v0+s20+$0x30 ss:$0x1], $0xffff  }
0x27: {  	v7 =	vld.idx.msk [tilespmem:v0+s20+$0xFFFFFFC0 ss:$0x1], $0xffff  }
0x28: {  	v5 =	vld.idx.msk [tilespmem:v0+s20+$0xFFFFFFD0 ss:$0x1], $0xffff  }
0x29: {  	v4 =	vld.idx.msk [tilespmem:v0+s20+$0xFFFFFFE0 ss:$0x1], $0xffff  }
0x2a: {  	v3 =	vld.idx.msk [tilespmem:v0+s20+$0xFFFFFFF0 ss:$0x1], $0xffff  }
0x2b: {  	v1 =	vld.idx.msk [tilespmem:v0+s20+$0x0 ss:$0x1], $0xffff  }
0x2c: {  	v2 =	vld.idx.msk [tilespmem:v0+s20+$0x10 ss:$0x1], $0xffff;
	[tilespmem:s16+$0x30] =	vst v6  }
0x2d: {  	s19 =	simm.s32 $0x80;
	s21 =	simm.s32 $0x400;
	[tilespmem:s16+$0xFFFFFFC0] =	vst v7;
	v6 =	vld.idx.msk [tilespmem:v0+s20+$0x20 ss:$0x1], $0xffff;
	s20 =	smov.u32 s16  }
.LBB1_5:
0x2e: {  	p1 =	sne.s32 s21, $0xE00;
	v7 =	vld.idx.msk [tilespmem:v0+s19+$0x30 ss:$0x1], $0xffff;
	[tilespmem:s20+$0xFFFFFFD0] =	vst v5  }
0x2f: {  	v8 =	vld.idx.msk [tilespmem:v0+s19+$0xFFFFFFC0 ss:$0x1], $0xffff;
	[tilespmem:s20+$0xFFFFFFE0] =	vst v4  }
0x30: {  	v5 =	vld.idx.msk [tilespmem:v0+s19+$0xFFFFFFD0 ss:$0x1], $0xffff;
	[tilespmem:s20+$0xFFFFFFF0] =	vst v3  }
.Ltmp3:
0x31: {  	v4 =	vld.idx.msk [tilespmem:v0+s19+$0xFFFFFFE0 ss:$0x1], $0xffff;
	[tilespmem:s20+$0x0] =	vst v1;
	(pc) =	sbr.rel @p1 .LBB1_5-.Ltmp3, $4  }
0x32: {  	v3 =	vld.idx.msk [tilespmem:v0+s19+$0xFFFFFFF0 ss:$0x1], $0xffff;
	[tilespmem:s20+$0x10] =	vst v2  }
0x33: {  	v1 =	vld.idx.msk [tilespmem:v0+s19+$0x0 ss:$0x1], $0xffff;
	[tilespmem:s20+$0x20] =	vst v6;
	s20 =	sadd.s32 $0x400, s20  }
0x34: {  	v2 =	vld.idx.msk [tilespmem:v0+s19+$0x10 ss:$0x1], $0xffff;
	[tilespmem:s20+$0x30] =	vst v7  }
0x35: {  	[tilespmem:s20+$0xFFFFFFC0] =	vst v8;
	v6 =	vld.idx.msk [tilespmem:v0+s19+$0x20 ss:$0x1], $0xffff;
	s19 =	sshra.s32 s21, $0x2;
	s21 =	sadd.s32 $0x200, s21  }
0x36: {  	_ =	sdelay $0x2  }
0x37: {  	[tilespmem:s20+$0xFFFFFFD0] =	vst v5  }
0x38: {  	v56 =	vld.idx.msk [tilespmem:v0+s19+$0x30 ss:$0x1], $0xffff;
	[tilespmem:s20+$0xFFFFFFE0] =	vst v4  }
0x39: {  	v57 =	vld.idx.msk [tilespmem:v0+s19+$0xFFFFFFC0 ss:$0x1], $0xffff;
	[tilespmem:s20+$0xFFFFFFF0] =	vst v3  }
0x3a: {  	v58 =	vld.idx.msk [tilespmem:v0+s19+$0xFFFFFFD0 ss:$0x1], $0xffff;
	[tilespmem:s20+$0x0] =	vst v1  }
0x3b: {  	v59 =	vld.idx.msk [tilespmem:v0+s19+$0xFFFFFFE0 ss:$0x1], $0xffff;
	[tilespmem:s20+$0x10] =	vst v2  }
0x3c: {  	v60 =	vld.idx.msk [tilespmem:v0+s19+$0xFFFFFFF0 ss:$0x1], $0xffff;
	s31 =	sadd.s32 $0x400, s20;
	[tilespmem:s20+$0x20] =	vst v6  }
0x3d: {  	v61 =	vld.idx.msk [tilespmem:v0+s19+$0x0 ss:$0x1], $0xffff;
	[tilespmem:s31+$0x30] =	vst v56  }
0x3e: {  	v62 =	vld.idx.msk [tilespmem:v0+s19+$0x10 ss:$0x1], $0xffff;
	s18 =	sadd.s32 $0x1, s18;
	[tilespmem:s31+$0xFFFFFFC0] =	vst v57  }
0x3f: {  	v63 =	vld.idx.msk [tilespmem:v0+s19+$0x20 ss:$0x1], $0xffff;
	p1 =	sne.s32 s18, $0x8;
	[tilespmem:s31+$0xFFFFFFD0] =	vst v58  }
.Ltmp4:
0x40: {  	[tilespmem:s31+$0xFFFFFFE0] =	vst v59;
	(pc) =	sbr.rel @p1 .LBB1_4-.Ltmp4, $4  }
0x41: {  	[tilespmem:s31+$0xFFFFFFF0] =	vst v60  }
0x42: {  	[tilespmem:s31+$0x0] =	vst v61  }
0x43: {  	[tilespmem:s31+$0x10] =	vst v62  }
0x44: {  	s16 =	sadd.s32 $0x80, s16;
	s17 =	sadd.s32 $0x400, s17;
	[tilespmem:s31+$0x20] =	vst v63  }
.Ltmp5:
0x45: {  	(pc) =	sbr.rel @p0 .LBB1_3-.Ltmp5, $2  }
0x46: {  	_ =	sdelay $0x2  }
0x47: {  	s16 =	simm.s32 $0x2000;
	p1 =	por $0x0, $0x0  }
.Ltmp6:
0x48: {  	(pc) =	sbr.rel .LBB1_9-.Ltmp6, $4  }
0x49: {  	_ = 	snop  }
0x4a: {  	s12 =	sshll.u32 s12, $0xA  }
0x4b: {  	s12 =	sadd.s32 s4, s12  }
0x4c: {  	[hbm4b:s12+s8] =	stream.linear.scatter [tilespmem:s13], [sflag:$0x2], $0x4000, $0x38;
	[tilespmem:$0x10000] =	vst v63  }
.LBB1_10:
0x4d: {  	_ =	sfence.sel $0x180000  }
0x4e: {  	s2 =	simm.s32 $0x1;
	[bflag:$0x0] =	sbarrier.arrive $0xFFFF  }
0x4f: {  	s31 =	simm.s32 $0x2;
	[sflag:s2] =	ssyncpa.u1 $0x1  }
0x50: {  	[sflag:s31] =	ssyncpa.u1 $0x1  }
0x51: {  	p0 =	sne.s32 s0, $0x0;
	_ =	strace $0x90000047  }
0x52: {  	s0 =	sadd.s32 @!p0 $0x100000, s1;
	[bflag:$0x2] =	sbarrier.arrive $0xFFFF  }
0x53: {  	[sflag:s0] =	ssyncadd.tile.s32 @!p0 $0x1;
	_ =	shalt  }
.Lfunc_end1:
_tile_overlayer_lowered:
.L_overlay_start_2:
0x54: {  	(tag) =	ssettag $0x2  }
0x55: {  	s0 =	rddreg [dreg:$0x0];
	s2 =	stileid.u32  }
0x56: {  	s1 =	rddreg [dreg:$0x1];
	p0 =	sne.s32 s2, $0x0  }
0x57: {  	s3 =	rddreg [dreg:$0x2];
	[bflag:$0x3] =	sbarrier.arrive $0xFFFF;
	s2 =	simm.s32 @!p0 $0x1C01  }
0x58: {  	[timem:s3], [sflag:s2] =	dma.local @!p0 [hbm:s0], s1  }
0x59: {  	s0 =	simm.s32 @!p0 $0x1  }
0x5a: {  	_ =	swait.ge @!p0 [sflag:s0], s1  }
0x5b: {  	s1 =	ssub.s32 @!p0 $0x0, s1;
	[sflag:s0] =	ssyncset.done @!p0 $0x0  }
0x5c: {  	[sflag:s0] =	ssyncadd.s32 @!p0 s1  }
0x5d: {  	[bflag:$0x3] =	sbarrier.arrive $0xFFFF  }
0x5e: {  	_ =	shalt  }

</sc_bundles>
